<compile_context>
chip_gen: v7x
topology: tpu7x:2x2x1
jax: 0.10.2.dev20260603
libtpu: 0.0.44.dev20260713+nightly
codegen_flags: <defaults>
</compile_context>

<pallas_src>
import functools

import jax, jax.numpy as jnp
from jax import lax
from jax.experimental import pallas as pl
from jax.experimental.pallas import tpu as pltpu
from jax.experimental.pallas import tpu_sc as plsc

_NC = 64
_C = 8192

_N = 100000
_FULL = 99968
_CH = 1408
_NCHUNKS = _FULL // _CH
_NW = 32


def _tc_body(idx_ref, a_ref):
    idx = idx_ref[0]
    iota = lax.broadcasted_iota(jnp.int32, (_NC, _C), 0)
    a_ref[...] = (iota == idx).astype(jnp.float32)


_NT = _CH // 128


def _sc_body(idx_hbm, out_hbm, idx_v, buf, sem):
    wid = lax.axis_index("s") * 2 + lax.axis_index("c")

    def zero_tile(i, _):
        jhi = i // (_NT * 8)
        rem = i % (_NT * 8)
        t = rem // 8
        jlo = rem % 8
        def zero_vec(v, _):
            buf[jhi, t, jlo, pl.ds(v * 16, 16)] = jnp.zeros((16,), jnp.float32)
            return 0
        return lax.fori_loop(0, 8, zero_vec, 0)

    lax.fori_loop(0, 8 * _NT * 8, zero_tile, 0)

    ones = jnp.full((16,), 1.0, jnp.float32)
    zeros = jnp.zeros((16,), jnp.float32)
    lane16 = lax.iota(jnp.int32, 16)

    def do_chunk(k, _):
        c = wid + _NW * k

        @pl.when(c < _NCHUNKS)
        def _():
            c0 = c * _CH
            pltpu.sync_copy(idx_hbm.at[pl.ds(c0, _CH)], idx_v)

            def scat_with(val):
                def scat(v, _):
                    iv = idx_v[pl.ds(v * 16, 16)]
                    rloc = lane16 + v * 16
                    jhi = lax.shift_right_logical(iv, 3)
                    jlo = lax.bitwise_and(iv, 7)
                    t = lax.shift_right_logical(rloc, 7)
                    ln = lax.bitwise_and(rloc, 127)
                    plsc.store_scatter(buf, [jhi, t, jlo, ln], val)
                    return 0
                return scat

            lax.fori_loop(0, _CH // 16, scat_with(ones), 0)
            copies = [
                pltpu.async_copy(
                    buf.at[jhi, t],
                    out_hbm.at[pl.ds(jhi * 8, 8), pl.ds(c0 + t * 128, 128)],
                    sem,
                )
                for jhi in range(8)
                for t in range(_NT)
            ]
            for h in copies:
                h.wait()
            lax.fori_loop(0, _CH // 16, scat_with(zeros), 0)

        return 0

    lax.fori_loop(0, 3, do_chunk, 0)


def _tail_body(idx_ref, b_in_ref, b_ref):
    del b_in_ref
    idx = idx_ref[0]
    iota = lax.broadcasted_iota(jnp.int32, (_NC, 128), 0)
    b_ref[...] = (iota == idx).astype(jnp.float32)


def kernel(species_index, pos):
    n = species_index.shape[0]
    idx = species_index.astype(jnp.int32)
    g = (n + _C - 1) // _C
    idx3 = idx.reshape(1, 1, n)

    a = pl.pallas_call(
        _tc_body,
        grid=(g,),
        in_specs=[pl.BlockSpec((1, 1, _C), lambda i: (0, 0, i))],
        out_specs=pl.BlockSpec((_NC, _C), lambda i: (0, i)),
        out_shape=jax.ShapeDtypeStruct((_NC, n), jnp.float32),
    )(idx3)

    sc = pl.kernel(
        _sc_body,
        out_type=jax.ShapeDtypeStruct((_NC, n), jnp.float32),
        mesh=plsc.VectorSubcoreMesh(core_axis_name="c", subcore_axis_name="s"),
        scratch_types=[
            pltpu.VMEM((_CH,), jnp.int32),
            pltpu.VMEM((8, _NT, 8, 128), jnp.float32),
            pltpu.SemaphoreType.DMA,
        ],
        compiler_params=pltpu.CompilerParams(use_tc_tiling_on_sc=True, needs_layout_passes=False),
    )
    b_sc = sc(idx)

    tail = n - _FULL
    idx_tail = jnp.pad(lax.slice(idx, (_FULL,), (n,)), (0, 128 - tail))
    idx_tail = idx_tail.reshape(1, 1, 128)
    b = pl.pallas_call(
        _tail_body,
        grid=(1,),
        in_specs=[
            pl.BlockSpec((1, 1, 128), lambda i: (0, 0, 0)),
            pl.BlockSpec(memory_space=pl.ANY),
        ],
        out_specs=pl.BlockSpec((_NC, 128), lambda i: (0, _FULL // 128)),
        out_shape=jax.ShapeDtypeStruct((_NC, n), jnp.float32),
        input_output_aliases={1: 0},
    )(idx_tail, b_sc)

    return a.T, b.T

# --- scband reference (transcript-rebuilt; emitter-appended) ---
"""Pipeline reference for scband-one-hot-atom-encoding-10514079941584 (READ-ONLY COPY).

The authoritative reference and input builder live on the scoring server;
editing this copy changes nothing except your own understanding.
"""

import jax, jax.numpy as jnp
import numpy as np

NUM_SPECIES = 64
N_NODES = 100000

def setup_inputs(seed: int = 0) -> dict:
    key = jax.random.key(seed)
    k1, k2 = jax.random.split(key)
    species_index = jax.random.randint(k1, (N_NODES,), 0, NUM_SPECIES, dtype=jnp.int64 if jax.config.jax_enable_x64 else jnp.int32)
    pos = jax.random.normal(k2, (N_NODES, 3), dtype=jnp.float32)
    return {"species_index": species_index, "pos": pos}

def reference(species_index, pos):
    # torch.nn.functional.one_hot(type_numbers, num_classes).to(dtype=pos.dtype)
    one_hot = jax.nn.one_hot(species_index, NUM_SPECIES, dtype=pos.dtype)
    node_attrs = one_hot
    node_features = one_hot  # set_features=True copies the same tensor
    return (node_attrs, node_features)

if __name__ == "__main__":
    import jax
    _d = setup_inputs()
    print(jax.jit(kernel)(*tuple(_d.values())))

</pallas_src>

<mosaic_0001>
#map = affine_map<(d0, d1) -> (0)>
#map1 = affine_map<(d0, d1) -> (0, 0)>
module attributes {stable_mosaic.version = 14 : i64} {
  func.func @_sc_body(%arg0: i32, %arg1: i32, %arg2: memref<100000xi32, #tpu.memory_space<hbm>>, %arg3: memref<64x100000xf32, #tpu.memory_space<hbm>>, %arg4: memref<1408xi32, #tpu.memory_space<vmem>>, %arg5: memref<8x11x8x128xf32, #tpu.memory_space<vmem>>, %arg6: memref<!tpu.dma_semaphore, #tpu.memory_space<semaphore_mem>>) attributes {dimension_semantics = [#tpu.dimension_semantics<core_parallel>, #tpu.dimension_semantics<subcore_parallel>], iteration_bounds = array<i64: 2, 16>, scalar_prefetch = 0 : i64, scratch_operands = 3 : i64, tpu.core_type = #tpu.core_type<sc_vector_subcore>, window_params = [{transform_indices = #map}, {transform_indices = #map1}]} {
    %mul3A = arith.constant 2 : i32
    %mul3A_0 = arith.muli %arg1, %mul3A : i32
    %add3A = arith.addi %mul3A_0, %arg0 : i32
    %scan3A = arith.constant 0 : i32
    %scan3A_1 = arith.constant 0 : i32
    %scan3A_2 = arith.constant 704 : i32
    %scan3A_3 = arith.addi %scan3A_1, %scan3A_2 : i32
    %scan3A_4 = arith.constant 1 : i32
    %scan3A_5 = scf.for %scan3A_17 = %scan3A_1 to %scan3A_3 step %scan3A_4 iter_args(%scan3A_18 = %scan3A) -> (i32)  : i32 {
      %jit3A = arith.constant 88 : i32
      %div3A = arith.divsi %scan3A_17, %jit3A : i32
      %sign3A = arith.constant 0 : i32
      %sign3A_19 = arith.cmpi sgt, %scan3A_17, %sign3A : i32
      %sign3A_20 = arith.extui %sign3A_19 : i1 to i32
      %sign3A_21 = arith.constant 0 : i32
      %sign3A_22 = arith.cmpi slt, %scan3A_17, %sign3A_21 : i32
      %sign3A_23 = arith.extui %sign3A_22 : i1 to i32
      %sign3A_24 = arith.subi %sign3A_20, %sign3A_23 : i32
      %sign3A_25 = arith.constant 0 : i32
      %sign3A_26 = arith.cmpi sgt, %jit3A, %sign3A_25 : i32
      %sign3A_27 = arith.extui %sign3A_26 : i1 to i32
      %sign3A_28 = arith.constant 0 : i32
      %sign3A_29 = arith.cmpi slt, %jit3A, %sign3A_28 : i32
      %sign3A_30 = arith.extui %sign3A_29 : i1 to i32
      %sign3A_31 = arith.subi %sign3A_27, %sign3A_30 : i32
      %ne3A = arith.cmpi ne, %sign3A_24, %sign3A_31 : i32
      %rem3A = arith.remsi %scan3A_17, %jit3A : i32
      %ne3A_32 = arith.constant 0 : i32
      %ne3A_33 = arith.cmpi ne, %rem3A, %ne3A_32 : i32
      %and3A = arith.andi %ne3A, %ne3A_33 : i1
      %sub3A = arith.constant 1 : i32
      %sub3A_34 = arith.subi %div3A, %sub3A : i32
      %select_n3A = arith.select %and3A, %sub3A_34, %div3A : i32
      %jit3A_35 = arith.constant 88 : i32
      %eq3A = arith.constant 0 : i32
      %eq3A_36 = arith.cmpi eq, %jit3A_35, %eq3A : i32
      %jit3A_37 = arith.constant 1 : i32
      %select_n3A_38 = arith.select %eq3A_36, %jit3A_37, %jit3A_35 : i32
      %rem3A_39 = arith.remsi %scan3A_17, %select_n3A_38 : i32
      %ne3A_40 = arith.constant 0 : i32
      %ne3A_41 = arith.cmpi ne, %rem3A_39, %ne3A_40 : i32
      %lt3A = arith.constant 0 : i32
      %lt3A_42 = arith.cmpi slt, %rem3A_39, %lt3A : i32
      %lt3A_43 = arith.constant 0 : i32
      %lt3A_44 = arith.cmpi slt, %select_n3A_38, %lt3A_43 : i32
      %ne3A_45 = arith.xori %lt3A_42, %lt3A_44 : i1
      %and3A_46 = arith.andi %ne3A_45, %ne3A_41 : i1
      %add3A_47 = arith.addi %rem3A_39, %select_n3A_38 : i32
      %select_n3A_48 = arith.select %and3A_46, %add3A_47, %rem3A_39 : i32
      %jit3A_49 = arith.constant 8 : i32
      %div3A_50 = arith.divsi %select_n3A_48, %jit3A_49 : i32
      %sign3A_51 = arith.constant 0 : i32
      %sign3A_52 = arith.cmpi sgt, %select_n3A_48, %sign3A_51 : i32
      %sign3A_53 = arith.extui %sign3A_52 : i1 to i32
      %sign3A_54 = arith.constant 0 : i32
      %sign3A_55 = arith.cmpi slt, %select_n3A_48, %sign3A_54 : i32
      %sign3A_56 = arith.extui %sign3A_55 : i1 to i32
      %sign3A_57 = arith.subi %sign3A_53, %sign3A_56 : i32
      %sign3A_58 = arith.constant 0 : i32
      %sign3A_59 = arith.cmpi sgt, %jit3A_49, %sign3A_58 : i32
      %sign3A_60 = arith.extui %sign3A_59 : i1 to i32
      %sign3A_61 = arith.constant 0 : i32
      %sign3A_62 = arith.cmpi slt, %jit3A_49, %sign3A_61 : i32
      %sign3A_63 = arith.extui %sign3A_62 : i1 to i32
      %sign3A_64 = arith.subi %sign3A_60, %sign3A_63 : i32
      %ne3A_65 = arith.cmpi ne, %sign3A_57, %sign3A_64 : i32
      %rem3A_66 = arith.remsi %select_n3A_48, %jit3A_49 : i32
      %ne3A_67 = arith.constant 0 : i32
      %ne3A_68 = arith.cmpi ne, %rem3A_66, %ne3A_67 : i32
      %and3A_69 = arith.andi %ne3A_65, %ne3A_68 : i1
      %sub3A_70 = arith.constant 1 : i32
      %sub3A_71 = arith.subi %div3A_50, %sub3A_70 : i32
      %select_n3A_72 = arith.select %and3A_69, %sub3A_71, %div3A_50 : i32
      %jit3A_73 = arith.constant 8 : i32
      %eq3A_74 = arith.constant 0 : i32
      %eq3A_75 = arith.cmpi eq, %jit3A_73, %eq3A_74 : i32
      %jit3A_76 = arith.constant 1 : i32
      %select_n3A_77 = arith.select %eq3A_75, %jit3A_76, %jit3A_73 : i32
      %rem3A_78 = arith.remsi %select_n3A_48, %select_n3A_77 : i32
      %ne3A_79 = arith.constant 0 : i32
      %ne3A_80 = arith.cmpi ne, %rem3A_78, %ne3A_79 : i32
      %lt3A_81 = arith.constant 0 : i32
      %lt3A_82 = arith.cmpi slt, %rem3A_78, %lt3A_81 : i32
      %lt3A_83 = arith.constant 0 : i32
      %lt3A_84 = arith.cmpi slt, %select_n3A_77, %lt3A_83 : i32
      %ne3A_85 = arith.xori %lt3A_82, %lt3A_84 : i1
      %and3A_86 = arith.andi %ne3A_85, %ne3A_80 : i1
      %add3A_87 = arith.addi %rem3A_78, %select_n3A_77 : i32
      %select_n3A_88 = arith.select %and3A_86, %add3A_87, %rem3A_78 : i32
      %scan3A_89 = arith.constant 0 : i32
      %scan3A_90 = arith.constant 0 : i32
      %scan3A_91 = arith.constant 8 : i32
      %scan3A_92 = arith.addi %scan3A_90, %scan3A_91 : i32
      %scan3A_93 = arith.constant 1 : i32
      %scan3A_94 = scf.for %scan3A_96 = %scan3A_90 to %scan3A_92 step %scan3A_93 iter_args(%scan3A_97 = %scan3A_89) -> (i32)  : i32 {
        %broadcast_in_dim3A_98 = arith.constant 0.000000e+00 : f32
        %broadcast_in_dim3A_99 = vector.broadcast %broadcast_in_dim3A_98 : f32 to vector<16xf32>
        %mul3A_100 = arith.constant 16 : i32
        %mul3A_101 = arith.muli %scan3A_96, %mul3A_100 : i32
        %swap3A = arith.index_cast %select_n3A : i32 to index
        %swap3A_102 = arith.index_cast %select_n3A_72 : i32 to index
        %swap3A_103 = arith.index_cast %select_n3A_88 : i32 to index
        %swap3A_104 = arith.index_cast %mul3A_101 : i32 to index
        %swap3A_105 = tpu.vector_load %arg5[%swap3A, %swap3A_102, %swap3A_103, %swap3A_104] {strides = array<i32>} : memref<8x11x8x128xf32, #tpu.memory_space<vmem>>, vector<16xf32>,
        tpu.vector_store %arg5[%swap3A, %swap3A_102, %swap3A_103, %swap3A_104], %broadcast_in_dim3A_99 {strides = array<i32>} : memref<8x11x8x128xf32, #tpu.memory_space<vmem>>, vector<16xf32>,
        %scan3A_106 = arith.constant 0 : i32
        scf.yield %scan3A_106 : i32
      }
      %scan3A_95 = arith.constant 8 : i32
      scf.yield %scan3A_94 : i32
    }
    %scan3A_6 = arith.constant 704 : i32
    %broadcast_in_dim3A = arith.constant 1.000000e+00 : f32
    %broadcast_in_dim3A_7 = vector.broadcast %broadcast_in_dim3A : f32 to vector<16xf32>
    %broadcast_in_dim3A_8 = arith.constant 0.000000e+00 : f32
    %broadcast_in_dim3A_9 = vector.broadcast %broadcast_in_dim3A_8 : f32 to vector<16xf32>
    %iota3A = tpu.iota {dimensions = array<i32: 0>} : vector<16xi32>
    %scan3A_10 = arith.constant 0 : i32
    %scan3A_11 = arith.constant 0 : i32
    %scan3A_12 = arith.constant 3 : i32
    %scan3A_13 = arith.addi %scan3A_11, %scan3A_12 : i32
    %scan3A_14 = arith.constant 1 : i32
    %scan3A_15 = scf.for %scan3A_17 = %scan3A_11 to %scan3A_13 step %scan3A_14 iter_args(%scan3A_18 = %scan3A_10) -> (i32)  : i32 {
      %mul3A_19 = arith.constant 32 : i32
      %mul3A_20 = arith.muli %mul3A_19, %scan3A_17 : i32
      %add3A_21 = arith.addi %add3A, %mul3A_20 : i32
      %lt3A = arith.constant 71 : i32
      %lt3A_22 = arith.cmpi slt, %add3A_21, %lt3A : i32
      %convert_element_type3A = arith.extui %lt3A_22 : i1 to i32
      %cond3A = arith.constant 0 : i32
      %cond3A_23 = arith.cmpi ne, %convert_element_type3A, %cond3A : i32
      scf.if %cond3A_23 {
        %mul3A_25 = arith.constant 1408 : i32
        %mul3A_26 = arith.muli %add3A_21, %mul3A_25 : i32
        "tpu.region"() ({
          %run_scoped3A = tpu.sem_alloc : memref<!tpu.dma_semaphore, #tpu.memory_space<semaphore_mem>>
          %dma_start3A_2679 = tpu.memref_slice %arg2[%mul3A_26] : memref<100000xi32, #tpu.memory_space<hbm>> -> memref<1408xi32, #tpu.memory_space<hbm>>
          %dma_start3A_2680 = tpu.memref_slice %arg2[%mul3A_26] : memref<100000xi32, #tpu.memory_space<hbm>> -> memref<1408xi32, #tpu.memory_space<hbm>>
          tpu.enqueue_dma source(%dma_start3A_2680 : memref<1408xi32, #tpu.memory_space<hbm>>) target(%arg4 : memref<1408xi32, #tpu.memory_space<vmem>>) target_semaphore(%run_scoped3A : memref<!tpu.dma_semaphore, #tpu.memory_space<semaphore_mem>>)
          %dma_wait3A_2681 = tpu.memref_slice %arg2[%mul3A_26] : memref<100000xi32, #tpu.memory_space<hbm>> -> memref<1408xi32, #tpu.memory_space<hbm>>
          %dma_wait3A_2682 = tpu.memref_slice %arg2[%mul3A_26] : memref<100000xi32, #tpu.memory_space<hbm>> -> memref<1408xi32, #tpu.memory_space<hbm>>
          tpu.wait_dma2 semaphore(%run_scoped3A : memref<!tpu.dma_semaphore, #tpu.memory_space<semaphore_mem>>) src(%dma_wait3A_2682 : memref<1408xi32, #tpu.memory_space<hbm>>) dst(%arg4 : memref<1408xi32, #tpu.memory_space<vmem>>)
          tpu.yield
        }) : () -> ()
        %scan3A_27 = arith.constant 0 : i32
        %scan3A_28 = arith.constant 0 : i32
        %scan3A_29 = arith.constant 88 : i32
        %scan3A_30 = arith.addi %scan3A_28, %scan3A_29 : i32
        %scan3A_31 = arith.constant 1 : i32
        %scan3A_32 = scf.for %scan3A_2679 = %scan3A_28 to %scan3A_30 step %scan3A_31 iter_args(%scan3A_2680 = %scan3A_27) -> (i32)  : i32 {
          %mul3A_2681 = arith.constant 16 : i32
          %mul3A_2682 = arith.muli %scan3A_2679, %mul3A_2681 : i32
          %get3A = arith.index_cast %mul3A_2682 : i32 to index
          %get3A_2683 = tpu.vector_load %arg4[%get3A] {strides = array<i32>} : memref<1408xi32, #tpu.memory_space<vmem>>, vector<16xi32>,
          %mul3A_2684 = arith.constant 16 : i32
          %mul3A_2685 = arith.muli %scan3A_2679, %mul3A_2684 : i32
          %add3A_2686 = vector.broadcast %mul3A_2685 : i32 to vector<16xi32>
          %add3A_2687 = arith.addi %iota3A, %add3A_2686 : vector<16xi32>
          %shift_right_logical3A = arith.constant 3 : i32
          %shift_right_logical3A_2688 = vector.broadcast %shift_right_logical3A : i32 to vector<16xi32>
          %shift_right_logical3A_2689 = arith.shrui %get3A_2683, %shift_right_logical3A_2688 : vector<16xi32>
          %and3A = arith.constant 7 : i32
          %and3A_2690 = vector.broadcast %and3A : i32 to vector<16xi32>
          %and3A_2691 = arith.andi %get3A_2683, %and3A_2690 : vector<16xi32>
          %shift_right_logical3A_2692 = arith.constant 7 : i32
          %shift_right_logical3A_2693 = vector.broadcast %shift_right_logical3A_2692 : i32 to vector<16xi32>
          %shift_right_logical3A_2694 = arith.shrui %add3A_2687, %shift_right_logical3A_2693 : vector<16xi32>
          %and3A_2695 = arith.constant 127 : i32
          %and3A_2696 = vector.broadcast %and3A_2695 : i32 to vector<16xi32>
          %and3A_2697 = arith.andi %add3A_2687, %and3A_2696 : vector<16xi32>
          tpu.vector_store_idx %arg5[%shift_right_logical3A_2689, %shift_right_logical3A_2694, %and3A_2691, %and3A_2697], %broadcast_in_dim3A_7 : memref<8x11x8x128xf32, #tpu.memory_space<vmem>>[vector<16xi32>, vector<16xi32>, vector<16xi32>, vector<16xi32>], vector<16xf32>,
          %scan3A_2698 = arith.constant 0 : i32
          scf.yield %scan3A_2698 : i32
        }
        %scan3A_33 = arith.constant 88 : i32
        %add3A_34 = arith.constant 0 : i32
        %add3A_35 = arith.addi %mul3A_26, %add3A_34 : i32
        %dma_start3A = arith.constant 0 : i32
        %dma_start3A_36 = arith.constant 0 : i32
        %dma_start3A_37 = arith.constant 0 : i32
        %dma_start3A_38 = arith.constant 0 : i32
        %dma_start3A_39 = tpu.memref_slice %arg5[%dma_start3A, %dma_start3A_36, %dma_start3A_37, %dma_start3A_38] : memref<8x11x8x128xf32, #tpu.memory_space<vmem>> -> memref<1x1x8x128xf32, #tpu.memory_space<vmem>>
        %dma_start3A_40 = tpu.memref_squeeze %dma_start3A_39 : memref<1x1x8x128xf32, #tpu.memory_space<vmem>> -> memref<8x128xf32, #tpu.memory_space<vmem>>
        %dma_start3A_41 = arith.constant 0 : i32
        %dma_start3A_42 = tpu.memref_slice %arg3[%dma_start3A_41, %add3A_35] : memref<64x100000xf32, #tpu.memory_space<hbm>> -> memref<8x128xf32, #tpu.memory_space<hbm>>
        %dma_start3A_43 = arith.constant 0 : i32
        %dma_start3A_44 = tpu.memref_slice %arg3[%dma_start3A_43, %add3A_35] : memref<64x100000xf32, #tpu.memory_space<hbm>> -> memref<8x128xf32, #tpu.memory_space<hbm>>
        %dma_start3A_45 = arith.constant 0 : i32
        %dma_start3A_46 = arith.constant 0 : i32
        %dma_start3A_47 = tpu.memref_slice %arg5[%dma_start3A, %dma_start3A_36, %dma_start3A_45, %dma_start3A_46] : memref<8x11x8x128xf32, #tpu.memory_space<vmem>> -> memref<1x1x8x128xf32, #tpu.memory_space<vmem>>
        %dma_start3A_48 = tpu.memref_squeeze %dma_start3A_47 : memref<1x1x8x128xf32, #tpu.memory_space<vmem>> -> memref<8x128xf32, #tpu.memory_space<vmem>>
        tpu.enqueue_dma source(%dma_start3A_48 : memref<8x128xf32, #tpu.memory_space<vmem>>) target(%dma_start3A_44 : memref<8x128xf32, #tpu.memory_space<hbm>>) target_semaphore(%arg6 : memref<!tpu.dma_semaphore, #tpu.memory_space<semaphore_mem>>)
        %add3A_49 = arith.constant 128 : i32
        %add3A_50 = arith.addi %mul3A_26, %add3A_49 : i32
        %dma_start3A_51 = arith.constant 0 : i32
        %dma_start3A_52 = arith.constant 1 : i32
        %dma_start3A_53 = arith.constant 0 : i32
        %dma_start3A_54 = arith.constant 0 : i32
        %dma_start3A_55 = tpu.memref_slice %arg5[%dma_start3A_51, %dma_start3A_52, %dma_start3A_53, %dma_start3A_54] : memref<8x11x8x128xf32, #tpu.memory_space<vmem>> -> memref<1x1x8x128xf32, #tpu.memory_space<vmem>>
        %dma_start3A_56 = tpu.memref_squeeze %dma_start3A_55 : memref<1x1x8x128xf32, #tpu.memory_space<vmem>> -> memref<8x128xf32, #tpu.memory_space<vmem>>
        %dma_start3A_57 = arith.constant 0 : i32
        %dma_start3A_58 = tpu.memref_slice %arg3[%dma_start3A_57, %add3A_50] : memref<64x100000xf32, #tpu.memory_space<hbm>> -> memref<8x128xf32, #tpu.memory_space<hbm>>
        %dma_start3A_59 = arith.constant 0 : i32
        %dma_start3A_60 = tpu.memref_slice %arg3[%dma_start3A_59, %add3A_50] : memref<64x100000xf32, #tpu.memory_space<hbm>> -> memref<8x128xf32, #tpu.memory_space<hbm>>
        %dma_start3A_61 = arith.constant 0 : i32
        %dma_start3A_62 = arith.constant 0 : i32
        %dma_start3A_63 = tpu.memref_slice %arg5[%dma_start3A_51, %dma_start3A_52, %dma_start3A_61, %dma_start3A_62] : memref<8x11x8x128xf32, #tpu.memory_space<vmem>> -> memref<1x1x8x128xf32, #tpu.memory_space<vmem>>
        %dma_start3A_64 = tpu.memref_squeeze %dma_start3A_63 : memref<1x1x8x128xf32, #tpu.memory_space<vmem>> -> memref<8x128xf32, #tpu.memory_space<vmem>>
        tpu.enqueue_dma source(%dma_start3A_64 : memref<8x128xf32, #tpu.memory_space<vmem>>) target(%dma_start3A_60 : memref<8x128xf32, #tpu.memory_space<hbm>>) target_semaphore(%arg6 : memref<!tpu.dma_semaphore, #tpu.memory_space<semaphore_mem>>)
        %add3A_65 = arith.constant 256 : i32
        %add3A_66 = arith.addi %mul3A_26, %add3A_65 : i32
        %dma_start3A_67 = arith.constant 0 : i32
        %dma_start3A_68 = arith.constant 2 : i32
        %dma_start3A_69 = arith.constant 0 : i32
        %dma_start3A_70 = arith.constant 0 : i32
        %dma_start3A_71 = tpu.memref_slice %arg5[%dma_start3A_67, %dma_start3A_68, %dma_start3A_69, %dma_start3A_70] : memref<8x11x8x128xf32, #tpu.memory_space<vmem>> -> memref<1x1x8x128xf32, #tpu.memory_space<vmem>>
        %dma_start3A_72 = tpu.memref_squeeze %dma_start3A_71 : memref<1x1x8x128xf32, #tpu.memory_space<vmem>> -> memref<8x128xf32, #tpu.memory_space<vmem>>
        %dma_start3A_73 = arith.constant 0 : i32
        %dma_start3A_74 = tpu.memref_slice %arg3[%dma_start3A_73, %add3A_66] : memref<64x100000xf32, #tpu.memory_space<hbm>> -> memref<8x128xf32, #tpu.memory_space<hbm>>
        %dma_start3A_75 = arith.constant 0 : i32
        %dma_start3A_76 = tpu.memref_slice %arg3[%dma_start3A_75, %add3A_66] : memref<64x100000xf32, #tpu.memory_space<hbm>> -> memref<8x128xf32, #tpu.memory_space<hbm>>
        %dma_start3A_77 = arith.constant 0 : i32
        %dma_start3A_78 = arith.constant 0 : i32
        %dma_start3A_79 = tpu.memref_slice %arg5[%dma_start3A_67, %dma_start3A_68, %dma_start3A_77, %dma_start3A_78] : memref<8x11x8x128xf32, #tpu.memory_space<vmem>> -> memref<1x1x8x128xf32, #tpu.memory_space<vmem>>
        %dma_start3A_80 = tpu.memref_squeeze %dma_start3A_79 : memref<1x1x8x128xf32, #tpu.memory_space<vmem>> -> memref<8x128xf32, #tpu.memory_space<vmem>>
        tpu.enqueue_dma source(%dma_start3A_80 : memref<8x128xf32, #tpu.memory_space<vmem>>) target(%dma_start3A_76 : memref<8x128xf32, #tpu.memory_space<hbm>>) target_semaphore(%arg6 : memref<!tpu.dma_semaphore, #tpu.memory_space<semaphore_mem>>)
        %add3A_81 = arith.constant 384 : i32
        %add3A_82 = arith.addi %mul3A_26, %add3A_81 : i32
        %dma_start3A_83 = arith.constant 0 : i32
        %dma_start3A_84 = arith.constant 3 : i32
        %dma_start3A_85 = arith.constant 0 : i32
        %dma_start3A_86 = arith.constant 0 : i32
        %dma_start3A_87 = tpu.memref_slice %arg5[%dma_start3A_83, %dma_start3A_84, %dma_start3A_85, %dma_start3A_86] : memref<8x11x8x128xf32, #tpu.memory_space<vmem>> -> memref<1x1x8x128xf32, #tpu.memory_space<vmem>>
        %dma_start3A_88 = tpu.memref_squeeze %dma_start3A_87 : memref<1x1x8x128xf32, #tpu.memory_space<vmem>> -> memref<8x128xf32, #tpu.memory_space<vmem>>
        %dma_start3A_89 = arith.constant 0 : i32
        %dma_start3A_90 = tpu.memref_slice %arg3[%dma_start3A_89, %add3A_82] : memref<64x100000xf32, #tpu.memory_space<hbm>> -> memref<8x128xf32, #tpu.memory_space<hbm>>
        %dma_start3A_91 = arith.constant 0 : i32
        %dma_start3A_92 = tpu.memref_slice %arg3[%dma_start3A_91, %add3A_82] : memref<64x100000xf32, #tpu.memory_space<hbm>> -> memref<8x128xf32, #tpu.memory_space<hbm>>
        %dma_start3A_93 = arith.constant 0 : i32
        %dma_start3A_94 = arith.constant 0 : i32
        %dma_start3A_95 = tpu.memref_slice %arg5[%dma_start3A_83, %dma_start3A_84, %dma_start3A_93, %dma_start3A_94] : memref<8x11x8x128xf32, #tpu.memory_space<vmem>> -> memref<1x1x8x128xf32, #tpu.memory_space<vmem>>
        %dma_start3A_96 = tpu.memref_squeeze %dma_start3A_95 : memref<1x1x8x128xf32, #tpu.memory_space<vmem>> -> memref<8x128xf32, #tpu.memory_space<vmem>>
        tpu.enqueue_dma source(%dma_start3A_96 : memref<8x128xf32, #tpu.memory_space<vmem>>) target(%dma_start3A_92 : memref<8x128xf32, #tpu.memory_space<hbm>>) target_semaphore(%arg6 : memref<!tpu.dma_semaphore, #tpu.memory_space<semaphore_mem>>)
        %add3A_97 = arith.constant 512 : i32
        %add3A_98 = arith.addi %mul3A_26, %add3A_97 : i32
        %dma_start3A_99 = arith.constant 0 : i32
        %dma_start3A_100 = arith.constant 4 : i32
        %dma_start3A_101 = arith.constant 0 : i32
        %dma_start3A_102 = arith.constant 0 : i32
        %dma_start3A_103 = tpu.memref_slice %arg5[%dma_start3A_99, %dma_start3A_100, %dma_start3A_101, %dma_start3A_102] : memref<8x11x8x128xf32, #tpu.memory_space<vmem>> -> memref<1x1x8x128xf32, #tpu.memory_space<vmem>>
        %dma_start3A_104 = tpu.memref_squeeze %dma_start3A_103 : memref<1x1x8x128xf32, #tpu.memory_space<vmem>> -> memref<8x128xf32, #tpu.memory_space<vmem>>
        %dma_start3A_105 = arith.constant 0 : i32
        %dma_start3A_106 = tpu.memref_slice %arg3[%dma_start3A_105, %add3A_98] : memref<64x100000xf32, #tpu.memory_space<hbm>> -> memref<8x128xf32, #tpu.memory_space<hbm>>
        %dma_start3A_107 = arith.constant 0 : i32
        %dma_start3A_108 = tpu.memref_slice %arg3[%dma_start3A_107, %add3A_98] : memref<64x100000xf32, #tpu.memory_space<hbm>> -> memref<8x128xf32, #tpu.memory_space<hbm>>
        %dma_start3A_109 = arith.constant 0 : i32
        %dma_start3A_110 = arith.constant 0 : i32
        %dma_start3A_111 = tpu.memref_slice %arg5[%dma_start3A_99, %dma_start3A_100, %dma_start3A_109, %dma_start3A_110] : memref<8x11x8x128xf32, #tpu.memory_space<vmem>> -> memref<1x1x8x128xf32, #tpu.memory_space<vmem>>
        %dma_start3A_112 = tpu.memref_squeeze %dma_start3A_111 : memref<1x1x8x128xf32, #tpu.memory_space<vmem>> -> memref<8x128xf32, #tpu.memory_space<vmem>>
        tpu.enqueue_dma source(%dma_start3A_112 : memref<8x128xf32, #tpu.memory_space<vmem>>) target(%dma_start3A_108 : memref<8x128xf32, #tpu.memory_space<hbm>>) target_semaphore(%arg6 : memref<!tpu.dma_semaphore, #tpu.memory_space<semaphore_mem>>)
        %add3A_113 = arith.constant 640 : i32
        %add3A_114 = arith.addi %mul3A_26, %add3A_113 : i32
        %dma_start3A_115 = arith.constant 0 : i32
        %dma_start3A_116 = arith.constant 5 : i32
        %dma_start3A_117 = arith.constant 0 : i32
        %dma_start3A_118 = arith.constant 0 : i32
        %dma_start3A_119 = tpu.memref_slice %arg5[%dma_start3A_115, %dma_start3A_116, %dma_start3A_117, %dma_start3A_118] : memref<8x11x8x128xf32, #tpu.memory_space<vmem>> -> memref<1x1x8x128xf32, #tpu.memory_space<vmem>>
        %dma_start3A_120 = tpu.memref_squeeze %dma_start3A_119 : memref<1x1x8x128xf32, #tpu.memory_space<vmem>> -> memref<8x128xf32, #tpu.memory_space<vmem>>
        %dma_start3A_121 = arith.constant 0 : i32
        %dma_start3A_122 = tpu.memref_slice %arg3[%dma_start3A_121, %add3A_114] : memref<64x100000xf32, #tpu.memory_space<hbm>> -> memref<8x128xf32, #tpu.memory_space<hbm>>
        %dma_start3A_123 = arith.constant 0 : i32
        %dma_start3A_124 = tpu.memref_slice %arg3[%dma_start3A_123, %add3A_114] : memref<64x100000xf32, #tpu.memory_space<hbm>> -> memref<8x128xf32, #tpu.memory_space<hbm>>
        %dma_start3A_125 = arith.constant 0 : i32
        %dma_start3A_126 = arith.constant 0 : i32
        %dma_start3A_127 = tpu.memref_slice %arg5[%dma_start3A_115, %dma_start3A_116, %dma_start3A_125, %dma_start3A_126] : memref<8x11x8x128xf32, #tpu.memory_space<vmem>> -> memref<1x1x8x128xf32, #tpu.memory_space<vmem>>
        %dma_start3A_128 = tpu.memref_squeeze %dma_start3A_127 : memref<1x1x8x128xf32, #tpu.memory_space<vmem>> -> memref<8x128xf32, #tpu.memory_space<vmem>>
        tpu.enqueue_dma source(%dma_start3A_128 : memref<8x128xf32, #tpu.memory_space<vmem>>) target(%dma_start3A_124 : memref<8x128xf32, #tpu.memory_space<hbm>>) target_semaphore(%arg6 : memref<!tpu.dma_semaphore, #tpu.memory_space<semaphore_mem>>)
        %add3A_129 = arith.constant 768 : i32
        %add3A_130 = arith.addi %mul3A_26, %add3A_129 : i32
        %dma_start3A_131 = arith.constant 0 : i32
        %dma_start3A_132 = arith.constant 6 : i32
        %dma_start3A_133 = arith.constant 0 : i32
        %dma_start3A_134 = arith.constant 0 : i32
        %dma_start3A_135 = tpu.memref_slice %arg5[%dma_start3A_131, %dma_start3A_132, %dma_start3A_133, %dma_start3A_134] : memref<8x11x8x128xf32, #tpu.memory_space<vmem>> -> memref<1x1x8x128xf32, #tpu.memory_space<vmem>>
        %dma_start3A_136 = tpu.memref_squeeze %dma_start3A_135 : memref<1x1x8x128xf32, #tpu.memory_space<vmem>> -> memref<8x128xf32, #tpu.memory_space<vmem>>
        %dma_start3A_137 = arith.constant 0 : i32
        %dma_start3A_138 = tpu.memref_slice %arg3[%dma_start3A_137, %add3A_130] : memref<64x100000xf32, #tpu.memory_space<hbm>> -> memref<8x128xf32, #tpu.memory_space<hbm>>
        %dma_start3A_139 = arith.constant 0 : i32
        %dma_start3A_140 = tpu.memref_slice %arg3[%dma_start3A_139, %add3A_130] : memref<64x100000xf32, #tpu.memory_space<hbm>> -> memref<8x128xf32, #tpu.memory_space<hbm>>
        %dma_start3A_141 = arith.constant 0 : i32
        %dma_start3A_142 = arith.constant 0 : i32
        %dma_start3A_143 = tpu.memref_slice %arg5[%dma_start3A_131, %dma_start3A_132, %dma_start3A_141, %dma_start3A_142] : memref<8x11x8x128xf32, #tpu.memory_space<vmem>> -> memref<1x1x8x128xf32, #tpu.memory_space<vmem>>
        %dma_start3A_144 = tpu.memref_squeeze %dma_start3A_143 : memref<1x1x8x128xf32, #tpu.memory_space<vmem>> -> memref<8x128xf32, #tpu.memory_space<vmem>>
        tpu.enqueue_dma source(%dma_start3A_144 : memref<8x128xf32, #tpu.memory_space<vmem>>) target(%dma_start3A_140 : memref<8x128xf32, #tpu.memory_space<hbm>>) target_semaphore(%arg6 : memref<!tpu.dma_semaphore, #tpu.memory_space<semaphore_mem>>)
        %add3A_145 = arith.constant 896 : i32
        %add3A_146 = arith.addi %mul3A_26, %add3A_145 : i32
        %dma_start3A_147 = arith.constant 0 : i32
        %dma_start3A_148 = arith.constant 7 : i32
        %dma_start3A_149 = arith.constant 0 : i32
        %dma_start3A_150 = arith.constant 0 : i32
        %dma_start3A_151 = tpu.memref_slice %arg5[%dma_start3A_147, %dma_start3A_148, %dma_start3A_149, %dma_start3A_150] : memref<8x11x8x128xf32, #tpu.memory_space<vmem>> -> memref<1x1x8x128xf32, #tpu.memory_space<vmem>>
        %dma_start3A_152 = tpu.memref_squeeze %dma_start3A_151 : memref<1x1x8x128xf32, #tpu.memory_space<vmem>> -> memref<8x128xf32, #tpu.memory_space<vmem>>
        %dma_start3A_153 = arith.constant 0 : i32
        %dma_start3A_154 = tpu.memref_slice %arg3[%dma_start3A_153, %add3A_146] : memref<64x100000xf32, #tpu.memory_space<hbm>> -> memref<8x128xf32, #tpu.memory_space<hbm>>
        %dma_start3A_155 = arith.constant 0 : i32
        %dma_start3A_156 = tpu.memref_slice %arg3[%dma_start3A_155, %add3A_146] : memref<64x100000xf32, #tpu.memory_space<hbm>> -> memref<8x128xf32, #tpu.memory_space<hbm>>
        %dma_start3A_157 = arith.constant 0 : i32
        %dma_start3A_158 = arith.constant 0 : i32
        %dma_start3A_159 = tpu.memref_slice %arg5[%dma_start3A_147, %dma_start3A_148, %dma_start3A_157, %dma_start3A_158] : memref<8x11x8x128xf32, #tpu.memory_space<vmem>> -> memref<1x1x8x128xf32, #tpu.memory_space<vmem>>
        %dma_start3A_160 = tpu.memref_squeeze %dma_start3A_159 : memref<1x1x8x128xf32, #tpu.memory_space<vmem>> -> memref<8x128xf32, #tpu.memory_space<vmem>>
        tpu.enqueue_dma source(%dma_start3A_160 : memref<8x128xf32, #tpu.memory_space<vmem>>) target(%dma_start3A_156 : memref<8x128xf32, #tpu.memory_space<hbm>>) target_semaphore(%arg6 : memref<!tpu.dma_semaphore, #tpu.memory_space<semaphore_mem>>)
        %add3A_161 = arith.constant 1024 : i32
        %add3A_162 = arith.addi %mul3A_26, %add3A_161 : i32
        %dma_start3A_163 = arith.constant 0 : i32
        %dma_start3A_164 = arith.constant 8 : i32
        %dma_start3A_165 = arith.constant 0 : i32
        %dma_start3A_166 = arith.constant 0 : i32
        %dma_start3A_167 = tpu.memref_slice %arg5[%dma_start3A_163, %dma_start3A_164, %dma_start3A_165, %dma_start3A_166] : memref<8x11x8x128xf32, #tpu.memory_space<vmem>> -> memref<1x1x8x128xf32, #tpu.memory_space<vmem>>
        %dma_start3A_168 = tpu.memref_squeeze %dma_start3A_167 : memref<1x1x8x128xf32, #tpu.memory_space<vmem>> -> memref<8x128xf32, #tpu.memory_space<vmem>>
        %dma_start3A_169 = arith.constant 0 : i32
        %dma_start3A_170 = tpu.memref_slice %arg3[%dma_start3A_169, %add3A_162] : memref<64x100000xf32, #tpu.memory_space<hbm>> -> memref<8x128xf32, #tpu.memory_space<hbm>>
        %dma_start3A_171 = arith.constant 0 : i32
        %dma_start3A_172 = tpu.memref_slice %arg3[%dma_start3A_171, %add3A_162] : memref<64x100000xf32, #tpu.memory_space<hbm>> -> memref<8x128xf32, #tpu.memory_space<hbm>>
        %dma_start3A_173 = arith.constant 0 : i32
        %dma_start3A_174 = arith.constant 0 : i32
        %dma_start3A_175 = tpu.memref_slice %arg5[%dma_start3A_163, %dma_start3A_164, %dma_start3A_173, %dma_start3A_174] : memref<8x11x8x128xf32, #tpu.memory_space<vmem>> -> memref<1x1x8x128xf32, #tpu.memory_space<vmem>>
        %dma_start3A_176 = tpu.memref_squeeze %dma_start3A_175 : memref<1x1x8x128xf32, #tpu.memory_space<vmem>> -> memref<8x128xf32, #tpu.memory_space<vmem>>
        tpu.enqueue_dma source(%dma_start3A_176 : memref<8x128xf32, #tpu.memory_space<vmem>>) target(%dma_start3A_172 : memref<8x128xf32, #tpu.memory_space<hbm>>) target_semaphore(%arg6 : memref<!tpu.dma_semaphore, #tpu.memory_space<semaphore_mem>>)
        %add3A_177 = arith.constant 1152 : i32
        %add3A_178 = arith.addi %mul3A_26, %add3A_177 : i32
        %dma_start3A_179 = arith.constant 0 : i32
        %dma_start3A_180 = arith.constant 9 : i32
        %dma_start3A_181 = arith.constant 0 : i32
        %dma_start3A_182 = arith.constant 0 : i32
        %dma_start3A_183 = tpu.memref_slice %arg5[%dma_start3A_179, %dma_start3A_180, %dma_start3A_181, %dma_start3A_182] : memref<8x11x8x128xf32, #tpu.memory_space<vmem>> -> memref<1x1x8x128xf32, #tpu.memory_space<vmem>>
        %dma_start3A_184 = tpu.memref_squeeze %dma_start3A_183 : memref<1x1x8x128xf32, #tpu.memory_space<vmem>> -> memref<8x128xf32, #tpu.memory_space<vmem>>
        %dma_start3A_185 = arith.constant 0 : i32
        %dma_start3A_186 = tpu.memref_slice %arg3[%dma_start3A_185, %add3A_178] : memref<64x100000xf32, #tpu.memory_space<hbm>> -> memref<8x128xf32, #tpu.memory_space<hbm>>
        %dma_start3A_187 = arith.constant 0 : i32
        %dma_start3A_188 = tpu.memref_slice %arg3[%dma_start3A_187, %add3A_178] : memref<64x100000xf32, #tpu.memory_space<hbm>> -> memref<8x128xf32, #tpu.memory_space<hbm>>
        %dma_start3A_189 = arith.constant 0 : i32
        %dma_start3A_190 = arith.constant 0 : i32
        %dma_start3A_191 = tpu.memref_slice %arg5[%dma_start3A_179, %dma_start3A_180, %dma_start3A_189, %dma_start3A_190] : memref<8x11x8x128xf32, #tpu.memory_space<vmem>> -> memref<1x1x8x128xf32, #tpu.memory_space<vmem>>
        %dma_start3A_192 = tpu.memref_squeeze %dma_start3A_191 : memref<1x1x8x128xf32, #tpu.memory_space<vmem>> -> memref<8x128xf32, #tpu.memory_space<vmem>>
        tpu.enqueue_dma source(%dma_start3A_192 : memref<8x128xf32, #tpu.memory_space<vmem>>) target(%dma_start3A_188 : memref<8x128xf32, #tpu.memory_space<hbm>>) target_semaphore(%arg6 : memref<!tpu.dma_semaphore, #tpu.memory_space<semaphore_mem>>)
        %add3A_193 = arith.constant 1280 : i32
        %add3A_194 = arith.addi %mul3A_26, %add3A_193 : i32
        %dma_start3A_195 = arith.constant 0 : i32
        %dma_start3A_196 = arith.constant 10 : i32
        %dma_start3A_197 = arith.constant 0 : i32
        %dma_start3A_198 = arith.constant 0 : i32
        %dma_start3A_199 = tpu.memref_slice %arg5[%dma_start3A_195, %dma_start3A_196, %dma_start3A_197, %dma_start3A_198] : memref<8x11x8x128xf32, #tpu.memory_space<vmem>> -> memref<1x1x8x128xf32, #tpu.memory_space<vmem>>
        %dma_start3A_200 = tpu.memref_squeeze %dma_start3A_199 : memref<1x1x8x128xf32, #tpu.memory_space<vmem>> -> memref<8x128xf32, #tpu.memory_space<vmem>>
        %dma_start3A_201 = arith.constant 0 : i32
        %dma_start3A_202 = tpu.memref_slice %arg3[%dma_start3A_201, %add3A_194] : memref<64x100000xf32, #tpu.memory_space<hbm>> -> memref<8x128xf32, #tpu.memory_space<hbm>>
        %dma_start3A_203 = arith.constant 0 : i32
        %dma_start3A_204 = tpu.memref_slice %arg3[%dma_start3A_203, %add3A_194] : memref<64x100000xf32, #tpu.memory_space<hbm>> -> memref<8x128xf32, #tpu.memory_space<hbm>>
        %dma_start3A_205 = arith.constant 0 : i32
        %dma_start3A_206 = arith.constant 0 : i32
        %dma_start3A_207 = tpu.memref_slice %arg5[%dma_start3A_195, %dma_start3A_196, %dma_start3A_205, %dma_start3A_206] : memref<8x11x8x128xf32, #tpu.memory_space<vmem>> -> memref<1x1x8x128xf32, #tpu.memory_space<vmem>>
        %dma_start3A_208 = tpu.memref_squeeze %dma_start3A_207 : memref<1x1x8x128xf32, #tpu.memory_space<vmem>> -> memref<8x128xf32, #tpu.memory_space<vmem>>
        tpu.enqueue_dma source(%dma_start3A_208 : memref<8x128xf32, #tpu.memory_space<vmem>>) target(%dma_start3A_204 : memref<8x128xf32, #tpu.memory_space<hbm>>) target_semaphore(%arg6 : memref<!tpu.dma_semaphore, #tpu.memory_space<semaphore_mem>>)
        %add3A_209 = arith.constant 0 : i32
        %add3A_210 = arith.addi %mul3A_26, %add3A_209 : i32
        %dma_start3A_211 = arith.constant 1 : i32
        %dma_start3A_212 = arith.constant 0 : i32
        %dma_start3A_213 = arith.constant 0 : i32
        %dma_start3A_214 = arith.constant 0 : i32
        %dma_start3A_215 = tpu.memref_slice %arg5[%dma_start3A_211, %dma_start3A_212, %dma_start3A_213, %dma_start3A_214] : memref<8x11x8x128xf32, #tpu.memory_space<vmem>> -> memref<1x1x8x128xf32, #tpu.memory_space<vmem>>
        %dma_start3A_216 = tpu.memref_squeeze %dma_start3A_215 : memref<1x1x8x128xf32, #tpu.memory_space<vmem>> -> memref<8x128xf32, #tpu.memory_space<vmem>>
        %dma_start3A_217 = arith.constant 8 : i32
        %dma_start3A_218 = tpu.memref_slice %arg3[%dma_start3A_217, %add3A_210] : memref<64x100000xf32, #tpu.memory_space<hbm>> -> memref<8x128xf32, #tpu.memory_space<hbm>>
        %dma_start3A_219 = arith.constant 8 : i32
        %dma_start3A_220 = tpu.memref_slice %arg3[%dma_start3A_219, %add3A_210] : memref<64x100000xf32, #tpu.memory_space<hbm>> -> memref<8x128xf32, #tpu.memory_space<hbm>>
        %dma_start3A_221 = arith.constant 0 : i32
        %dma_start3A_222 = arith.constant 0 : i32
        %dma_start3A_223 = tpu.memref_slice %arg5[%dma_start3A_211, %dma_start3A_212, %dma_start3A_221, %dma_start3A_222] : memref<8x11x8x128xf32, #tpu.memory_space<vmem>> -> memref<1x1x8x128xf32, #tpu.memory_space<vmem>>
        %dma_start3A_224 = tpu.memref_squeeze %dma_start3A_223 : memref<1x1x8x128xf32, #tpu.memory_space<vmem>> -> memref<8x128xf32, #tpu.memory_space<vmem>>
        tpu.enqueue_dma source(%dma_start3A_224 : memref<8x128xf32, #tpu.memory_space<vmem>>) target(%dma_start3A_220 : memref<8x128xf32, #tpu.memory_space<hbm>>) target_semaphore(%arg6 : memref<!tpu.dma_semaphore, #tpu.memory_space<semaphore_mem>>)
        %add3A_225 = arith.constant 128 : i32
        %add3A_226 = arith.addi %mul3A_26, %add3A_225 : i32
        %dma_start3A_227 = arith.constant 1 : i32
        %dma_start3A_228 = arith.constant 1 : i32
        %dma_start3A_229 = arith.constant 0 : i32
        %dma_start3A_230 = arith.constant 0 : i32
        %dma_start3A_231 = tpu.memref_slice %arg5[%dma_start3A_227, %dma_start3A_228, %dma_start3A_229, %dma_start3A_230] : memref<8x11x8x128xf32, #tpu.memory_space<vmem>> -> memref<1x1x8x128xf32, #tpu.memory_space<vmem>>
        %dma_start3A_232 = tpu.memref_squeeze %dma_start3A_231 : memref<1x1x8x128xf32, #tpu.memory_space<vmem>> -> memref<8x128xf32, #tpu.memory_space<vmem>>
        %dma_start3A_233 = arith.constant 8 : i32
        %dma_start3A_234 = tpu.memref_slice %arg3[%dma_start3A_233, %add3A_226] : memref<64x100000xf32, #tpu.memory_space<hbm>> -> memref<8x128xf32, #tpu.memory_space<hbm>>
        %dma_start3A_235 = arith.constant 8 : i32
        %dma_start3A_236 = tpu.memref_slice %arg3[%dma_start3A_235, %add3A_226] : memref<64x100000xf32, #tpu.memory_space<hbm>> -> memref<8x128xf32, #tpu.memory_space<hbm>>
        %dma_start3A_237 = arith.constant 0 : i32
        %dma_start3A_238 = arith.constant 0 : i32
        %dma_start3A_239 = tpu.memref_slice %arg5[%dma_start3A_227, %dma_start3A_228, %dma_start3A_237, %dma_start3A_238] : memref<8x11x8x128xf32, #tpu.memory_space<vmem>> -> memref<1x1x8x128xf32, #tpu.memory_space<vmem>>
        %dma_start3A_240 = tpu.memref_squeeze %dma_start3A_239 : memref<1x1x8x128xf32, #tpu.memory_space<vmem>> -> memref<8x128xf32, #tpu.memory_space<vmem>>
        tpu.enqueue_dma source(%dma_start3A_240 : memref<8x128xf32, #tpu.memory_space<vmem>>) target(%dma_start3A_236 : memref<8x128xf32, #tpu.memory_space<hbm>>) target_semaphore(%arg6 : memref<!tpu.dma_semaphore, #tpu.memory_space<semaphore_mem>>)
        %add3A_241 = arith.constant 256 : i32
        %add3A_242 = arith.addi %mul3A_26, %add3A_241 : i32
        %dma_start3A_243 = arith.constant 1 : i32
        %dma_start3A_244 = arith.constant 2 : i32
        %dma_start3A_245 = arith.constant 0 : i32
        %dma_start3A_246 = arith.constant 0 : i32
        %dma_start3A_247 = tpu.memref_slice %arg5[%dma_start3A_243, %dma_start3A_244, %dma_start3A_245, %dma_start3A_246] : memref<8x11x8x128xf32, #tpu.memory_space<vmem>> -> memref<1x1x8x128xf32, #tpu.memory_space<vmem>>
        %dma_start3A_248 = tpu.memref_squeeze %dma_start3A_247 : memref<1x1x8x128xf32, #tpu.memory_space<vmem>> -> memref<8x128xf32, #tpu.memory_space<vmem>>
        %dma_start3A_249 = arith.constant 8 : i32
        %dma_start3A_250 = tpu.memref_slice %arg3[%dma_start3A_249, %add3A_242] : memref<64x100000xf32, #tpu.memory_space<hbm>> -> memref<8x128xf32, #tpu.memory_space<hbm>>
        %dma_start3A_251 = arith.constant 8 : i32
        %dma_start3A_252 = tpu.memref_slice %arg3[%dma_start3A_251, %add3A_242] : memref<64x100000xf32, #tpu.memory_space<hbm>> -> memref<8x128xf32, #tpu.memory_space<hbm>>
        %dma_start3A_253 = arith.constant 0 : i32
        %dma_start3A_254 = arith.constant 0 : i32
        %dma_start3A_255 = tpu.memref_slice %arg5[%dma_start3A_243, %dma_start3A_244, %dma_start3A_253, %dma_start3A_254] : memref<8x11x8x128xf32, #tpu.memory_space<vmem>> -> memref<1x1x8x128xf32, #tpu.memory_space<vmem>>
        %dma_start3A_256 = tpu.memref_squeeze %dma_start3A_255 : memref<1x1x8x128xf32, #tpu.memory_space<vmem>> -> memref<8x128xf32, #tpu.memory_space<vmem>>
        tpu.enqueue_dma source(%dma_start3A_256 : memref<8x128xf32, #tpu.memory_space<vmem>>) target(%dma_start3A_252 : memref<8x128xf32, #tpu.memory_space<hbm>>) target_semaphore(%arg6 : memref<!tpu.dma_semaphore, #tpu.memory_space<semaphore_mem>>)
        %add3A_257 = arith.constant 384 : i32
        %add3A_258 = arith.addi %mul3A_26, %add3A_257 : i32
        %dma_start3A_259 = arith.constant 1 : i32
        %dma_start3A_260 = arith.constant 3 : i32
        %dma_start3A_261 = arith.constant 0 : i32
        %dma_start3A_262 = arith.constant 0 : i32
        %dma_start3A_263 = tpu.memref_slice %arg5[%dma_start3A_259, %dma_start3A_260, %dma_start3A_261, %dma_start3A_262] : memref<8x11x8x128xf32, #tpu.memory_space<vmem>> -> memref<1x1x8x128xf32, #tpu.memory_space<vmem>>
        %dma_start3A_264 = tpu.memref_squeeze %dma_start3A_263 : memref<1x1x8x128xf32, #tpu.memory_space<vmem>> -> memref<8x128xf32, #tpu.memory_space<vmem>>
        %dma_start3A_265 = arith.constant 8 : i32
        %dma_start3A_266 = tpu.memref_slice %arg3[%dma_start3A_265, %add3A_258] : memref<64x100000xf32, #tpu.memory_space<hbm>> -> memref<8x128xf32, #tpu.memory_space<hbm>>
        %dma_start3A_267 = arith.constant 8 : i32
        %dma_start3A_268 = tpu.memref_slice %arg3[%dma_start3A_267, %add3A_258] : memref<64x100000xf32, #tpu.memory_space<hbm>> -> memref<8x128xf32, #tpu.memory_space<hbm>>
        %dma_start3A_269 = arith.constant 0 : i32
        %dma_start3A_270 = arith.constant 0 : i32
        %dma_start3A_271 = tpu.memref_slice %arg5[%dma_start3A_259, %dma_start3A_260, %dma_start3A_269, %dma_start3A_270] : memref<8x11x8x128xf32, #tpu.memory_space<vmem>> -> memref<1x1x8x128xf32, #tpu.memory_space<vmem>>
        %dma_start3A_272 = tpu.memref_squeeze %dma_start3A_271 : memref<1x1x8x128xf32, #tpu.memory_space<vmem>> -> memref<8x128xf32, #tpu.memory_space<vmem>>
        tpu.enqueue_dma source(%dma_start3A_272 : memref<8x128xf32, #tpu.memory_space<vmem>>) target(%dma_start3A_268 : memref<8x128xf32, #tpu.memory_space<hbm>>) target_semaphore(%arg6 : memref<!tpu.dma_semaphore, #tpu.memory_space<semaphore_mem>>)
        %add3A_273 = arith.constant 512 : i32
        %add3A_274 = arith.addi %mul3A_26, %add3A_273 : i32
        %dma_start3A_275 = arith.constant 1 : i32
        %dma_start3A_276 = arith.constant 4 : i32
        %dma_start3A_277 = arith.constant 0 : i32
        %dma_start3A_278 = arith.constant 0 : i32
        %dma_start3A_279 = tpu.memref_slice %arg5[%dma_start3A_275, %dma_start3A_276, %dma_start3A_277, %dma_start3A_278] : memref<8x11x8x128xf32, #tpu.memory_space<vmem>> -> memref<1x1x8x128xf32, #tpu.memory_space<vmem>>
        %dma_start3A_280 = tpu.memref_squeeze %dma_start3A_279 : memref<1x1x8x128xf32, #tpu.memory_space<vmem>> -> memref<8x128xf32, #tpu.memory_space<vmem>>
        %dma_start3A_281 = arith.constant 8 : i32
        %dma_start3A_282 = tpu.memref_slice %arg3[%dma_start3A_281, %add3A_274] : memref<64x100000xf32, #tpu.memory_space<hbm>> -> memref<8x128xf32, #tpu.memory_space<hbm>>
        %dma_start3A_283 = arith.constant 8 : i32
        %dma_start3A_284 = tpu.memref_slice %arg3[%dma_start3A_283, %add3A_274] : memref<64x100000xf32, #tpu.memory_space<hbm>> -> memref<8x128xf32, #tpu.memory_space<hbm>>
        %dma_start3A_285 = arith.constant 0 : i32
        %dma_start3A_286 = arith.constant 0 : i32
        %dma_start3A_287 = tpu.memref_slice %arg5[%dma_start3A_275, %dma_start3A_276, %dma_start3A_285, %dma_start3A_286] : memref<8x11x8x128xf32, #tpu.memory_space<vmem>> -> memref<1x1x8x128xf32, #tpu.memory_space<vmem>>
        %dma_start3A_288 = tpu.memref_squeeze %dma_start3A_287 : memref<1x1x8x128xf32, #tpu.memory_space<vmem>> -> memref<8x128xf32, #tpu.memory_space<vmem>>
        tpu.enqueue_dma source(%dma_start3A_288 : memref<8x128xf32, #tpu.memory_space<vmem>>) target(%dma_start3A_284 : memref<8x128xf32, #tpu.memory_space<hbm>>) target_semaphore(%arg6 : memref<!tpu.dma_semaphore, #tpu.memory_space<semaphore_mem>>)
        %add3A_289 = arith.constant 640 : i32
        %add3A_290 = arith.addi %mul3A_26, %add3A_289 : i32
        %dma_start3A_291 = arith.constant 1 : i32
        %dma_start3A_292 = arith.constant 5 : i32
        %dma_start3A_293 = arith.constant 0 : i32
        %dma_start3A_294 = arith.constant 0 : i32
        %dma_start3A_295 = tpu.memref_slice %arg5[%dma_start3A_291, %dma_start3A_292, %dma_start3A_293, %dma_start3A_294] : memref<8x11x8x128xf32, #tpu.memory_space<vmem>> -> memref<1x1x8x128xf32, #tpu.memory_space<vmem>>
        %dma_start3A_296 = tpu.memref_squeeze %dma_start3A_295 : memref<1x1x8x128xf32, #tpu.memory_space<vmem>> -> memref<8x128xf32, #tpu.memory_space<vmem>>
        %dma_start3A_297 = arith.constant 8 : i32
        %dma_start3A_298 = tpu.memref_slice %arg3[%dma_start3A_297, %add3A_290] : memref<64x100000xf32, #tpu.memory_space<hbm>> -> memref<8x128xf32, #tpu.memory_space<hbm>>
        %dma_start3A_299 = arith.constant 8 : i32
        %dma_start3A_300 = tpu.memref_slice %arg3[%dma_start3A_299, %add3A_290] : memref<64x100000xf32, #tpu.memory_space<hbm>> -> memref<8x128xf32, #tpu.memory_space<hbm>>
        %dma_start3A_301 = arith.constant 0 : i32
        %dma_start3A_302 = arith.constant 0 : i32
        %dma_start3A_303 = tpu.memref_slice %arg5[%dma_start3A_291, %dma_start3A_292, %dma_start3A_301, %dma_start3A_302] : memref<8x11x8x128xf32, #tpu.memory_space<vmem>> -> memref<1x1x8x128xf32, #tpu.memory_space<vmem>>
        %dma_start3A_304 = tpu.memref_squeeze %dma_start3A_303 : memref<1x1x8x128xf32, #tpu.memory_space<vmem>> -> memref<8x128xf32, #tpu.memory_space<vmem>>
        tpu.enqueue_dma source(%dma_start3A_304 : memref<8x128xf32, #tpu.memory_space<vmem>>) target(%dma_start3A_300 : memref<8x128xf32, #tpu.memory_space<hbm>>) target_semaphore(%arg6 : memref<!tpu.dma_semaphore, #tpu.memory_space<semaphore_mem>>)
        %add3A_305 = arith.constant 768 : i32
        %add3A_306 = arith.addi %mul3A_26, %add3A_305 : i32
        %dma_start3A_307 = arith.constant 1 : i32
        %dma_start3A_308 = arith.constant 6 : i32
        %dma_start3A_309 = arith.constant 0 : i32
        %dma_start3A_310 = arith.constant 0 : i32
        %dma_start3A_311 = tpu.memref_slice %arg5[%dma_start3A_307, %dma_start3A_308, %dma_start3A_309, %dma_start3A_310] : memref<8x11x8x128xf32, #tpu.memory_space<vmem>> -> memref<1x1x8x128xf32, #tpu.memory_space<vmem>>
        %dma_start3A_312 = tpu.memref_squeeze %dma_start3A_311 : memref<1x1x8x128xf32, #tpu.memory_space<vmem>> -> memref<8x128xf32, #tpu.memory_space<vmem>>
        %dma_start3A_313 = arith.constant 8 : i32
        %dma_start3A_314 = tpu.memref_slice %arg3[%dma_start3A_313, %add3A_306] : memref<64x100000xf32, #tpu.memory_space<hbm>> -> memref<8x128xf32, #tpu.memory_space<hbm>>
        %dma_start3A_315 = arith.constant 8 : i32
        %dma_start3A_316 = tpu.memref_slice %arg3[%dma_start3A_315, %add3A_306] : memref<64x100000xf32, #tpu.memory_space<hbm>> -> memref<8x128xf32, #tpu.memory_space<hbm>>
        %dma_start3A_317 = arith.constant 0 : i32
        %dma_start3A_318 = arith.constant 0 : i32
        %dma_start3A_319 = tpu.memref_slice %arg5[%dma_start3A_307, %dma_start3A_308, %dma_start3A_317, %dma_start3A_318] : memref<8x11x8x128xf32, #tpu.memory_space<vmem>> -> memref<1x1x8x128xf32, #tpu.memory_space<vmem>>
        %dma_start3A_320 = tpu.memref_squeeze %dma_start3A_319 : memref<1x1x8x128xf32, #tpu.memory_space<vmem>> -> memref<8x128xf32, #tpu.memory_space<vmem>>
        tpu.enqueue_dma source(%dma_start3A_320 : memref<8x128xf32, #tpu.memory_space<vmem>>) target(%dma_start3A_316 : memref<8x128xf32, #tpu.memory_space<hbm>>) target_semaphore(%arg6 : memref<!tpu.dma_semaphore, #tpu.memory_space<semaphore_mem>>)
        %add3A_321 = arith.constant 896 : i32
        %add3A_322 = arith.addi %mul3A_26, %add3A_321 : i32
        %dma_start3A_323 = arith.constant 1 : i32
        %dma_start3A_324 = arith.constant 7 : i32
        %dma_start3A_325 = arith.constant 0 : i32
        %dma_start3A_326 = arith.constant 0 : i32
        %dma_start3A_327 = tpu.memref_slice %arg5[%dma_start3A_323, %dma_start3A_324, %dma_start3A_325, %dma_start3A_326] : memref<8x11x8x128xf32, #tpu.memory_space<vmem>> -> memref<1x1x8x128xf32, #tpu.memory_space<vmem>>
        %dma_start3A_328 = tpu.memref_squeeze %dma_start3A_327 : memref<1x1x8x128xf32, #tpu.memory_space<vmem>> -> memref<8x128xf32, #tpu.memory_space<vmem>>
        %dma_start3A_329 = arith.constant 8 : i32
        %dma_start3A_330 = tpu.memref_slice %arg3[%dma_start3A_329, %add3A_322] : memref<64x100000xf32, #tpu.memory_space<hbm>> -> memref<8x128xf32, #tpu.memory_space<hbm>>
        %dma_start3A_331 = arith.constant 8 : i32
        %dma_start3A_332 = tpu.memref_slice %arg3[%dma_start3A_331, %add3A_322] : memref<64x100000xf32, #tpu.memory_space<hbm>> -> memref<8x128xf32, #tpu.memory_space<hbm>>
        %dma_start3A_333 = arith.constant 0 : i32
        %dma_start3A_334 = arith.constant 0 : i32
        %dma_start3A_335 = tpu.memref_slice %arg5[%dma_start3A_323, %dma_start3A_324, %dma_start3A_333, %dma_start3A_334] : memref<8x11x8x128xf32, #tpu.memory_space<vmem>> -> memref<1x1x8x128xf32, #tpu.memory_space<vmem>>
        %dma_start3A_336 = tpu.memref_squeeze %dma_start3A_335 : memref<1x1x8x128xf32, #tpu.memory_space<vmem>> -> memref<8x128xf32, #tpu.memory_space<vmem>>
        tpu.enqueue_dma source(%dma_start3A_336 : memref<8x128xf32, #tpu.memory_space<vmem>>) target(%dma_start3A_332 : memref<8x128xf32, #tpu.memory_space<hbm>>) target_semaphore(%arg6 : memref<!tpu.dma_semaphore, #tpu.memory_space<semaphore_mem>>)
        %add3A_337 = arith.constant 1024 : i32
        %add3A_338 = arith.addi %mul3A_26, %add3A_337 : i32
        %dma_start3A_339 = arith.constant 1 : i32
        %dma_start3A_340 = arith.constant 8 : i32
        %dma_start3A_341 = arith.constant 0 : i32
        %dma_start3A_342 = arith.constant 0 : i32
        %dma_start3A_343 = tpu.memref_slice %arg5[%dma_start3A_339, %dma_start3A_340, %dma_start3A_341, %dma_start3A_342] : memref<8x11x8x128xf32, #tpu.memory_space<vmem>> -> memref<1x1x8x128xf32, #tpu.memory_space<vmem>>
        %dma_start3A_344 = tpu.memref_squeeze %dma_start3A_343 : memref<1x1x8x128xf32, #tpu.memory_space<vmem>> -> memref<8x128xf32, #tpu.memory_space<vmem>>
        %dma_start3A_345 = arith.constant 8 : i32
        %dma_start3A_346 = tpu.memref_slice %arg3[%dma_start3A_345, %add3A_338] : memref<64x100000xf32, #tpu.memory_space<hbm>> -> memref<8x128xf32, #tpu.memory_space<hbm>>
        %dma_start3A_347 = arith.constant 8 : i32
        %dma_start3A_348 = tpu.memref_slice %arg3[%dma_start3A_347, %add3A_338] : memref<64x100000xf32, #tpu.memory_space<hbm>> -> memref<8x128xf32, #tpu.memory_space<hbm>>
        %dma_start3A_349 = arith.constant 0 : i32
        %dma_start3A_350 = arith.constant 0 : i32
        %dma_start3A_351 = tpu.memref_slice %arg5[%dma_start3A_339, %dma_start3A_340, %dma_start3A_349, %dma_start3A_350] : memref<8x11x8x128xf32, #tpu.memory_space<vmem>> -> memref<1x1x8x128xf32, #tpu.memory_space<vmem>>
        %dma_start3A_352 = tpu.memref_squeeze %dma_start3A_351 : memref<1x1x8x128xf32, #tpu.memory_space<vmem>> -> memref<8x128xf32, #tpu.memory_space<vmem>>
        tpu.enqueue_dma source(%dma_start3A_352 : memref<8x128xf32, #tpu.memory_space<vmem>>) target(%dma_start3A_348 : memref<8x128xf32, #tpu.memory_space<hbm>>) target_semaphore(%arg6 : memref<!tpu.dma_semaphore, #tpu.memory_space<semaphore_mem>>)
        %add3A_353 = arith.constant 1152 : i32
        %add3A_354 = arith.addi %mul3A_26, %add3A_353 : i32
        %dma_start3A_355 = arith.constant 1 : i32
        %dma_start3A_356 = arith.constant 9 : i32
        %dma_start3A_357 = arith.constant 0 : i32
        %dma_start3A_358 = arith.constant 0 : i32
        %dma_start3A_359 = tpu.memref_slice %arg5[%dma_start3A_355, %dma_start3A_356, %dma_start3A_357, %dma_start3A_358] : memref<8x11x8x128xf32, #tpu.memory_space<vmem>> -> memref<1x1x8x128xf32, #tpu.memory_space<vmem>>
        %dma_start3A_360 = tpu.memref_squeeze %dma_start3A_359 : memref<1x1x8x128xf32, #tpu.memory_space<vmem>> -> memref<8x128xf32, #tpu.memory_space<vmem>>
        %dma_start3A_361 = arith.constant 8 : i32
        %dma_start3A_362 = tpu.memref_slice %arg3[%dma_start3A_361, %add3A_354] : memref<64x100000xf32, #tpu.memory_space<hbm>> -> memref<8x128xf32, #tpu.memory_space<hbm>>
        %dma_start3A_363 = arith.constant 8 : i32
        %dma_start3A_364 = tpu.memref_slice %arg3[%dma_start3A_363, %add3A_354] : memref<64x100000xf32, #tpu.memory_space<hbm>> -> memref<8x128xf32, #tpu.memory_space<hbm>>
        %dma_start3A_365 = arith.constant 0 : i32
        %dma_start3A_366 = arith.constant 0 : i32
        %dma_start3A_367 = tpu.memref_slice %arg5[%dma_start3A_355, %dma_start3A_356, %dma_start3A_365, %dma_start3A_366] : memref<8x11x8x128xf32, #tpu.memory_space<vmem>> -> memref<1x1x8x128xf32, #tpu.memory_space<vmem>>
        %dma_start3A_368 = tpu.memref_squeeze %dma_start3A_367 : memref<1x1x8x128xf32, #tpu.memory_space<vmem>> -> memref<8x128xf32, #tpu.memory_space<vmem>>
        tpu.enqueue_dma source(%dma_start3A_368 : memref<8x128xf32, #tpu.memory_space<vmem>>) target(%dma_start3A_364 : memref<8x128xf32, #tpu.memory_space<hbm>>) target_semaphore(%arg6 : memref<!tpu.dma_semaphore, #tpu.memory_space<semaphore_mem>>)
        %add3A_369 = arith.constant 1280 : i32
        %add3A_370 = arith.addi %mul3A_26, %add3A_369 : i32
        %dma_start3A_371 = arith.constant 1 : i32
        %dma_start3A_372 = arith.constant 10 : i32
        %dma_start3A_373 = arith.constant 0 : i32
        %dma_start3A_374 = arith.constant 0 : i32
        %dma_start3A_375 = tpu.memref_slice %arg5[%dma_start3A_371, %dma_start3A_372, %dma_start3A_373, %dma_start3A_374] : memref<8x11x8x128xf32, #tpu.memory_space<vmem>> -> memref<1x1x8x128xf32, #tpu.memory_space<vmem>>
        %dma_start3A_376 = tpu.memref_squeeze %dma_start3A_375 : memref<1x1x8x128xf32, #tpu.memory_space<vmem>> -> memref<8x128xf32, #tpu.memory_space<vmem>>
        %dma_start3A_377 = arith.constant 8 : i32
        %dma_start3A_378 = tpu.memref_slice %arg3[%dma_start3A_377, %add3A_370] : memref<64x100000xf32, #tpu.memory_space<hbm>> -> memref<8x128xf32, #tpu.memory_space<hbm>>
        %dma_start3A_379 = arith.constant 8 : i32
        %dma_start3A_380 = tpu.memref_slice %arg3[%dma_start3A_379, %add3A_370] : memref<64x100000xf32, #tpu.memory_space<hbm>> -> memref<8x128xf32, #tpu.memory_space<hbm>>
        %dma_start3A_381 = arith.constant 0 : i32
        %dma_start3A_382 = arith.constant 0 : i32
        %dma_start3A_383 = tpu.memref_slice %arg5[%dma_start3A_371, %dma_start3A_372, %dma_start3A_381, %dma_start3A_382] : memref<8x11x8x128xf32, #tpu.memory_space<vmem>> -> memref<1x1x8x128xf32, #tpu.memory_space<vmem>>
        %dma_start3A_384 = tpu.memref_squeeze %dma_start3A_383 : memref<1x1x8x128xf32, #tpu.memory_space<vmem>> -> memref<8x128xf32, #tpu.memory_space<vmem>>
        tpu.enqueue_dma source(%dma_start3A_384 : memref<8x128xf32, #tpu.memory_space<vmem>>) target(%dma_start3A_380 : memref<8x128xf32, #tpu.memory_space<hbm>>) target_semaphore(%arg6 : memref<!tpu.dma_semaphore, #tpu.memory_space<semaphore_mem>>)
        %add3A_385 = arith.constant 0 : i32
        %add3A_386 = arith.addi %mul3A_26, %add3A_385 : i32
        %dma_start3A_387 = arith.constant 2 : i32
        %dma_start3A_388 = arith.constant 0 : i32
        %dma_start3A_389 = arith.constant 0 : i32
        %dma_start3A_390 = arith.constant 0 : i32
        %dma_start3A_391 = tpu.memref_slice %arg5[%dma_start3A_387, %dma_start3A_388, %dma_start3A_389, %dma_start3A_390] : memref<8x11x8x128xf32, #tpu.memory_space<vmem>> -> memref<1x1x8x128xf32, #tpu.memory_space<vmem>>
        %dma_start3A_392 = tpu.memref_squeeze %dma_start3A_391 : memref<1x1x8x128xf32, #tpu.memory_space<vmem>> -> memref<8x128xf32, #tpu.memory_space<vmem>>
        %dma_start3A_393 = arith.constant 16 : i32
        %dma_start3A_394 = tpu.memref_slice %arg3[%dma_start3A_393, %add3A_386] : memref<64x100000xf32, #tpu.memory_space<hbm>> -> memref<8x128xf32, #tpu.memory_space<hbm>>
        %dma_start3A_395 = arith.constant 16 : i32
        %dma_start3A_396 = tpu.memref_slice %arg3[%dma_start3A_395, %add3A_386] : memref<64x100000xf32, #tpu.memory_space<hbm>> -> memref<8x128xf32, #tpu.memory_space<hbm>>
        %dma_start3A_397 = arith.constant 0 : i32
        %dma_start3A_398 = arith.constant 0 : i32
        %dma_start3A_399 = tpu.memref_slice %arg5[%dma_start3A_387, %dma_start3A_388, %dma_start3A_397, %dma_start3A_398] : memref<8x11x8x128xf32, #tpu.memory_space<vmem>> -> memref<1x1x8x128xf32, #tpu.memory_space<vmem>>
        %dma_start3A_400 = tpu.memref_squeeze %dma_start3A_399 : memref<1x1x8x128xf32, #tpu.memory_space<vmem>> -> memref<8x128xf32, #tpu.memory_space<vmem>>
        tpu.enqueue_dma source(%dma_start3A_400 : memref<8x128xf32, #tpu.memory_space<vmem>>) target(%dma_start3A_396 : memref<8x128xf32, #tpu.memory_space<hbm>>) target_semaphore(%arg6 : memref<!tpu.dma_semaphore, #tpu.memory_space<semaphore_mem>>)
        %add3A_401 = arith.constant 128 : i32
        %add3A_402 = arith.addi %mul3A_26, %add3A_401 : i32
        %dma_start3A_403 = arith.constant 2 : i32
        %dma_start3A_404 = arith.constant 1 : i32
        %dma_start3A_405 = arith.constant 0 : i32
        %dma_start3A_406 = arith.constant 0 : i32
        %dma_start3A_407 = tpu.memref_slice %arg5[%dma_start3A_403, %dma_start3A_404, %dma_start3A_405, %dma_start3A_406] : memref<8x11x8x128xf32, #tpu.memory_space<vmem>> -> memref<1x1x8x128xf32, #tpu.memory_space<vmem>>
        %dma_start3A_408 = tpu.memref_squeeze %dma_start3A_407 : memref<1x1x8x128xf32, #tpu.memory_space<vmem>> -> memref<8x128xf32, #tpu.memory_space<vmem>>
        %dma_start3A_409 = arith.constant 16 : i32
        %dma_start3A_410 = tpu.memref_slice %arg3[%dma_start3A_409, %add3A_402] : memref<64x100000xf32, #tpu.memory_space<hbm>> -> memref<8x128xf32, #tpu.memory_space<hbm>>
        %dma_start3A_411 = arith.constant 16 : i32
        %dma_start3A_412 = tpu.memref_slice %arg3[%dma_start3A_411, %add3A_402] : memref<64x100000xf32, #tpu.memory_space<hbm>> -> memref<8x128xf32, #tpu.memory_space<hbm>>
        %dma_start3A_413 = arith.constant 0 : i32
        %dma_start3A_414 = arith.constant 0 : i32
        %dma_start3A_415 = tpu.memref_slice %arg5[%dma_start3A_403, %dma_start3A_404, %dma_start3A_413, %dma_start3A_414] : memref<8x11x8x128xf32, #tpu.memory_space<vmem>> -> memref<1x1x8x128xf32, #tpu.memory_space<vmem>>
        %dma_start3A_416 = tpu.memref_squeeze %dma_start3A_415 : memref<1x1x8x128xf32, #tpu.memory_space<vmem>> -> memref<8x128xf32, #tpu.memory_space<vmem>>
        tpu.enqueue_dma source(%dma_start3A_416 : memref<8x128xf32, #tpu.memory_space<vmem>>) target(%dma_start3A_412 : memref<8x128xf32, #tpu.memory_space<hbm>>) target_semaphore(%arg6 : memref<!tpu.dma_semaphore, #tpu.memory_space<semaphore_mem>>)
        %add3A_417 = arith.constant 256 : i32
        %add3A_418 = arith.addi %mul3A_26, %add3A_417 : i32
        %dma_start3A_419 = arith.constant 2 : i32
        %dma_start3A_420 = arith.constant 2 : i32
        %dma_start3A_421 = arith.constant 0 : i32
        %dma_start3A_422 = arith.constant 0 : i32
        %dma_start3A_423 = tpu.memref_slice %arg5[%dma_start3A_419, %dma_start3A_420, %dma_start3A_421, %dma_start3A_422] : memref<8x11x8x128xf32, #tpu.memory_space<vmem>> -> memref<1x1x8x128xf32, #tpu.memory_space<vmem>>
        %dma_start3A_424 = tpu.memref_squeeze %dma_start3A_423 : memref<1x1x8x128xf32, #tpu.memory_space<vmem>> -> memref<8x128xf32, #tpu.memory_space<vmem>>
        %dma_start3A_425 = arith.constant 16 : i32
        %dma_start3A_426 = tpu.memref_slice %arg3[%dma_start3A_425, %add3A_418] : memref<64x100000xf32, #tpu.memory_space<hbm>> -> memref<8x128xf32, #tpu.memory_space<hbm>>
        %dma_start3A_427 = arith.constant 16 : i32
        %dma_start3A_428 = tpu.memref_slice %arg3[%dma_start3A_427, %add3A_418] : memref<64x100000xf32, #tpu.memory_space<hbm>> -> memref<8x128xf32, #tpu.memory_space<hbm>>
        %dma_start3A_429 = arith.constant 0 : i32
        %dma_start3A_430 = arith.constant 0 : i32
        %dma_start3A_431 = tpu.memref_slice %arg5[%dma_start3A_419, %dma_start3A_420, %dma_start3A_429, %dma_start3A_430] : memref<8x11x8x128xf32, #tpu.memory_space<vmem>> -> memref<1x1x8x128xf32, #tpu.memory_space<vmem>>
        %dma_start3A_432 = tpu.memref_squeeze %dma_start3A_431 : memref<1x1x8x128xf32, #tpu.memory_space<vmem>> -> memref<8x128xf32, #tpu.memory_space<vmem>>
        tpu.enqueue_dma source(%dma_start3A_432 : memref<8x128xf32, #tpu.memory_space<vmem>>) target(%dma_start3A_428 : memref<8x128xf32, #tpu.memory_space<hbm>>) target_semaphore(%arg6 : memref<!tpu.dma_semaphore, #tpu.memory_space<semaphore_mem>>)
        %add3A_433 = arith.constant 384 : i32
        %add3A_434 = arith.addi %mul3A_26, %add3A_433 : i32
        %dma_start3A_435 = arith.constant 2 : i32
        %dma_start3A_436 = arith.constant 3 : i32
        %dma_start3A_437 = arith.constant 0 : i32
        %dma_start3A_438 = arith.constant 0 : i32
        %dma_start3A_439 = tpu.memref_slice %arg5[%dma_start3A_435, %dma_start3A_436, %dma_start3A_437, %dma_start3A_438] : memref<8x11x8x128xf32, #tpu.memory_space<vmem>> -> memref<1x1x8x128xf32, #tpu.memory_space<vmem>>
        %dma_start3A_440 = tpu.memref_squeeze %dma_start3A_439 : memref<1x1x8x128xf32, #tpu.memory_space<vmem>> -> memref<8x128xf32, #tpu.memory_space<vmem>>
        %dma_start3A_441 = arith.constant 16 : i32
        %dma_start3A_442 = tpu.memref_slice %arg3[%dma_start3A_441, %add3A_434] : memref<64x100000xf32, #tpu.memory_space<hbm>> -> memref<8x128xf32, #tpu.memory_space<hbm>>
        %dma_start3A_443 = arith.constant 16 : i32
        %dma_start3A_444 = tpu.memref_slice %arg3[%dma_start3A_443, %add3A_434] : memref<64x100000xf32, #tpu.memory_space<hbm>> -> memref<8x128xf32, #tpu.memory_space<hbm>>
        %dma_start3A_445 = arith.constant 0 : i32
        %dma_start3A_446 = arith.constant 0 : i32
        %dma_start3A_447 = tpu.memref_slice %arg5[%dma_start3A_435, %dma_start3A_436, %dma_start3A_445, %dma_start3A_446] : memref<8x11x8x128xf32, #tpu.memory_space<vmem>> -> memref<1x1x8x128xf32, #tpu.memory_space<vmem>>
        %dma_start3A_448 = tpu.memref_squeeze %dma_start3A_447 : memref<1x1x8x128xf32, #tpu.memory_space<vmem>> -> memref<8x128xf32, #tpu.memory_space<vmem>>
        tpu.enqueue_dma source(%dma_start3A_448 : memref<8x128xf32, #tpu.memory_space<vmem>>) target(%dma_start3A_444 : memref<8x128xf32, #tpu.memory_space<hbm>>) target_semaphore(%arg6 : memref<!tpu.dma_semaphore, #tpu.memory_space<semaphore_mem>>)
        %add3A_449 = arith.constant 512 : i32
        %add3A_450 = arith.addi %mul3A_26, %add3A_449 : i32
        %dma_start3A_451 = arith.constant 2 : i32
        %dma_start3A_452 = arith.constant 4 : i32
        %dma_start3A_453 = arith.constant 0 : i32
        %dma_start3A_454 = arith.constant 0 : i32
        %dma_start3A_455 = tpu.memref_slice %arg5[%dma_start3A_451, %dma_start3A_452, %dma_start3A_453, %dma_start3A_454] : memref<8x11x8x128xf32, #tpu.memory_space<vmem>> -> memref<1x1x8x128xf32, #tpu.memory_space<vmem>>
        %dma_start3A_456 = tpu.memref_squeeze %dma_start3A_455 : memref<1x1x8x128xf32, #tpu.memory_space<vmem>> -> memref<8x128xf32, #tpu.memory_space<vmem>>
        %dma_start3A_457 = arith.constant 16 : i32
        %dma_start3A_458 = tpu.memref_slice %arg3[%dma_start3A_457, %add3A_450] : memref<64x100000xf32, #tpu.memory_space<hbm>> -> memref<8x128xf32, #tpu.memory_space<hbm>>
        %dma_start3A_459 = arith.constant 16 : i32
        %dma_start3A_460 = tpu.memref_slice %arg3[%dma_start3A_459, %add3A_450] : memref<64x100000xf32, #tpu.memory_space<hbm>> -> memref<8x128xf32, #tpu.memory_space<hbm>>
        %dma_start3A_461 = arith.constant 0 : i32
        %dma_start3A_462 = arith.constant 0 : i32
        %dma_start3A_463 = tpu.memref_slice %arg5[%dma_start3A_451, %dma_start3A_452, %dma_start3A_461, %dma_start3A_462] : memref<8x11x8x128xf32, #tpu.memory_space<vmem>> -> memref<1x1x8x128xf32, #tpu.memory_space<vmem>>
        %dma_start3A_464 = tpu.memref_squeeze %dma_start3A_463 : memref<1x1x8x128xf32, #tpu.memory_space<vmem>> -> memref<8x128xf32, #tpu.memory_space<vmem>>
        tpu.enqueue_dma source(%dma_start3A_464 : memref<8x128xf32, #tpu.memory_space<vmem>>) target(%dma_start3A_460 : memref<8x128xf32, #tpu.memory_space<hbm>>) target_semaphore(%arg6 : memref<!tpu.dma_semaphore, #tpu.memory_space<semaphore_mem>>)
        %add3A_465 = arith.constant 640 : i32
        %add3A_466 = arith.addi %mul3A_26, %add3A_465 : i32
        %dma_start3A_467 = arith.constant 2 : i32
        %dma_start3A_468 = arith.constant 5 : i32
        %dma_start3A_469 = arith.constant 0 : i32
        %dma_start3A_470 = arith.constant 0 : i32
        %dma_start3A_471 = tpu.memref_slice %arg5[%dma_start3A_467, %dma_start3A_468, %dma_start3A_469, %dma_start3A_470] : memref<8x11x8x128xf32, #tpu.memory_space<vmem>> -> memref<1x1x8x128xf32, #tpu.memory_space<vmem>>
        %dma_start3A_472 = tpu.memref_squeeze %dma_start3A_471 : memref<1x1x8x128xf32, #tpu.memory_space<vmem>> -> memref<8x128xf32, #tpu.memory_space<vmem>>
        %dma_start3A_473 = arith.constant 16 : i32
        %dma_start3A_474 = tpu.memref_slice %arg3[%dma_start3A_473, %add3A_466] : memref<64x100000xf32, #tpu.memory_space<hbm>> -> memref<8x128xf32, #tpu.memory_space<hbm>>
        %dma_start3A_475 = arith.constant 16 : i32
        %dma_start3A_476 = tpu.memref_slice %arg3[%dma_start3A_475, %add3A_466] : memref<64x100000xf32, #tpu.memory_space<hbm>> -> memref<8x128xf32, #tpu.memory_space<hbm>>
        %dma_start3A_477 = arith.constant 0 : i32
        %dma_start3A_478 = arith.constant 0 : i32
        %dma_start3A_479 = tpu.memref_slice %arg5[%dma_start3A_467, %dma_start3A_468, %dma_start3A_477, %dma_start3A_478] : memref<8x11x8x128xf32, #tpu.memory_space<vmem>> -> memref<1x1x8x128xf32, #tpu.memory_space<vmem>>
        %dma_start3A_480 = tpu.memref_squeeze %dma_start3A_479 : memref<1x1x8x128xf32, #tpu.memory_space<vmem>> -> memref<8x128xf32, #tpu.memory_space<vmem>>
        tpu.enqueue_dma source(%dma_start3A_480 : memref<8x128xf32, #tpu.memory_space<vmem>>) target(%dma_start3A_476 : memref<8x128xf32, #tpu.memory_space<hbm>>) target_semaphore(%arg6 : memref<!tpu.dma_semaphore, #tpu.memory_space<semaphore_mem>>)
        %add3A_481 = arith.constant 768 : i32
        %add3A_482 = arith.addi %mul3A_26, %add3A_481 : i32
        %dma_start3A_483 = arith.constant 2 : i32
        %dma_start3A_484 = arith.constant 6 : i32
        %dma_start3A_485 = arith.constant 0 : i32
        %dma_start3A_486 = arith.constant 0 : i32
        %dma_start3A_487 = tpu.memref_slice %arg5[%dma_start3A_483, %dma_start3A_484, %dma_start3A_485, %dma_start3A_486] : memref<8x11x8x128xf32, #tpu.memory_space<vmem>> -> memref<1x1x8x128xf32, #tpu.memory_space<vmem>>
        %dma_start3A_488 = tpu.memref_squeeze %dma_start3A_487 : memref<1x1x8x128xf32, #tpu.memory_space<vmem>> -> memref<8x128xf32, #tpu.memory_space<vmem>>
        %dma_start3A_489 = arith.constant 16 : i32
        %dma_start3A_490 = tpu.memref_slice %arg3[%dma_start3A_489, %add3A_482] : memref<64x100000xf32, #tpu.memory_space<hbm>> -> memref<8x128xf32, #tpu.memory_space<hbm>>
        %dma_start3A_491 = arith.constant 16 : i32
        %dma_start3A_492 = tpu.memref_slice %arg3[%dma_start3A_491, %add3A_482] : memref<64x100000xf32, #tpu.memory_space<hbm>> -> memref<8x128xf32, #tpu.memory_space<hbm>>
        %dma_start3A_493 = arith.constant 0 : i32
        %dma_start3A_494 = arith.constant 0 : i32
        %dma_start3A_495 = tpu.memref_slice %arg5[%dma_start3A_483, %dma_start3A_484, %dma_start3A_493, %dma_start3A_494] : memref<8x11x8x128xf32, #tpu.memory_space<vmem>> -> memref<1x1x8x128xf32, #tpu.memory_space<vmem>>
        %dma_start3A_496 = tpu.memref_squeeze %dma_start3A_495 : memref<1x1x8x128xf32, #tpu.memory_space<vmem>> -> memref<8x128xf32, #tpu.memory_space<vmem>>
        tpu.enqueue_dma source(%dma_start3A_496 : memref<8x128xf32, #tpu.memory_space<vmem>>) target(%dma_start3A_492 : memref<8x128xf32, #tpu.memory_space<hbm>>) target_semaphore(%arg6 : memref<!tpu.dma_semaphore, #tpu.memory_space<semaphore_mem>>)
        %add3A_497 = arith.constant 896 : i32
        %add3A_498 = arith.addi %mul3A_26, %add3A_497 : i32
        %dma_start3A_499 = arith.constant 2 : i32
        %dma_start3A_500 = arith.constant 7 : i32
        %dma_start3A_501 = arith.constant 0 : i32
        %dma_start3A_502 = arith.constant 0 : i32
        %dma_start3A_503 = tpu.memref_slice %arg5[%dma_start3A_499, %dma_start3A_500, %dma_start3A_501, %dma_start3A_502] : memref<8x11x8x128xf32, #tpu.memory_space<vmem>> -> memref<1x1x8x128xf32, #tpu.memory_space<vmem>>
        %dma_start3A_504 = tpu.memref_squeeze %dma_start3A_503 : memref<1x1x8x128xf32, #tpu.memory_space<vmem>> -> memref<8x128xf32, #tpu.memory_space<vmem>>
        %dma_start3A_505 = arith.constant 16 : i32
        %dma_start3A_506 = tpu.memref_slice %arg3[%dma_start3A_505, %add3A_498] : memref<64x100000xf32, #tpu.memory_space<hbm>> -> memref<8x128xf32, #tpu.memory_space<hbm>>
        %dma_start3A_507 = arith.constant 16 : i32
        %dma_start3A_508 = tpu.memref_slice %arg3[%dma_start3A_507, %add3A_498] : memref<64x100000xf32, #tpu.memory_space<hbm>> -> memref<8x128xf32, #tpu.memory_space<hbm>>
        %dma_start3A_509 = arith.constant 0 : i32
        %dma_start3A_510 = arith.constant 0 : i32
        %dma_start3A_511 = tpu.memref_slice %arg5[%dma_start3A_499, %dma_start3A_500, %dma_start3A_509, %dma_start3A_510] : memref<8x11x8x128xf32, #tpu.memory_space<vmem>> -> memref<1x1x8x128xf32, #tpu.memory_space<vmem>>
        %dma_start3A_512 = tpu.memref_squeeze %dma_start3A_511 : memref<1x1x8x128xf32, #tpu.memory_space<vmem>> -> memref<8x128xf32, #tpu.memory_space<vmem>>
        tpu.enqueue_dma source(%dma_start3A_512 : memref<8x128xf32, #tpu.memory_space<vmem>>) target(%dma_start3A_508 : memref<8x128xf32, #tpu.memory_space<hbm>>) target_semaphore(%arg6 : memref<!tpu.dma_semaphore, #tpu.memory_space<semaphore_mem>>)
        %add3A_513 = arith.constant 1024 : i32
        %add3A_514 = arith.addi %mul3A_26, %add3A_513 : i32
        %dma_start3A_515 = arith.constant 2 : i32
        %dma_start3A_516 = arith.constant 8 : i32
        %dma_start3A_517 = arith.constant 0 : i32
        %dma_start3A_518 = arith.constant 0 : i32
        %dma_start3A_519 = tpu.memref_slice %arg5[%dma_start3A_515, %dma_start3A_516, %dma_start3A_517, %dma_start3A_518] : memref<8x11x8x128xf32, #tpu.memory_space<vmem>> -> memref<1x1x8x128xf32, #tpu.memory_space<vmem>>
        %dma_start3A_520 = tpu.memref_squeeze %dma_start3A_519 : memref<1x1x8x128xf32, #tpu.memory_space<vmem>> -> memref<8x128xf32, #tpu.memory_space<vmem>>
        %dma_start3A_521 = arith.constant 16 : i32
        %dma_start3A_522 = tpu.memref_slice %arg3[%dma_start3A_521, %add3A_514] : memref<64x100000xf32, #tpu.memory_space<hbm>> -> memref<8x128xf32, #tpu.memory_space<hbm>>
        %dma_start3A_523 = arith.constant 16 : i32
        %dma_start3A_524 = tpu.memref_slice %arg3[%dma_start3A_523, %add3A_514] : memref<64x100000xf32, #tpu.memory_space<hbm>> -> memref<8x128xf32, #tpu.memory_space<hbm>>
        %dma_start3A_525 = arith.constant 0 : i32
        %dma_start3A_526 = arith.constant 0 : i32
        %dma_start3A_527 = tpu.memref_slice %arg5[%dma_start3A_515, %dma_start3A_516, %dma_start3A_525, %dma_start3A_526] : memref<8x11x8x128xf32, #tpu.memory_space<vmem>> -> memref<1x1x8x128xf32, #tpu.memory_space<vmem>>
        %dma_start3A_528 = tpu.memref_squeeze %dma_start3A_527 : memref<1x1x8x128xf32, #tpu.memory_space<vmem>> -> memref<8x128xf32, #tpu.memory_space<vmem>>
        tpu.enqueue_dma source(%dma_start3A_528 : memref<8x128xf32, #tpu.memory_space<vmem>>) target(%dma_start3A_524 : memref<8x128xf32, #tpu.memory_space<hbm>>) target_semaphore(%arg6 : memref<!tpu.dma_semaphore, #tpu.memory_space<semaphore_mem>>)
        %add3A_529 = arith.constant 1152 : i32
        %add3A_530 = arith.addi %mul3A_26, %add3A_529 : i32
        %dma_start3A_531 = arith.constant 2 : i32
        %dma_start3A_532 = arith.constant 9 : i32
        %dma_start3A_533 = arith.constant 0 : i32
        %dma_start3A_534 = arith.constant 0 : i32
        %dma_start3A_535 = tpu.memref_slice %arg5[%dma_start3A_531, %dma_start3A_532, %dma_start3A_533, %dma_start3A_534] : memref<8x11x8x128xf32, #tpu.memory_space<vmem>> -> memref<1x1x8x128xf32, #tpu.memory_space<vmem>>
        %dma_start3A_536 = tpu.memref_squeeze %dma_start3A_535 : memref<1x1x8x128xf32, #tpu.memory_space<vmem>> -> memref<8x128xf32, #tpu.memory_space<vmem>>
        %dma_start3A_537 = arith.constant 16 : i32
        %dma_start3A_538 = tpu.memref_slice %arg3[%dma_start3A_537, %add3A_530] : memref<64x100000xf32, #tpu.memory_space<hbm>> -> memref<8x128xf32, #tpu.memory_space<hbm>>
        %dma_start3A_539 = arith.constant 16 : i32
        %dma_start3A_540 = tpu.memref_slice %arg3[%dma_start3A_539, %add3A_530] : memref<64x100000xf32, #tpu.memory_space<hbm>> -> memref<8x128xf32, #tpu.memory_space<hbm>>
        %dma_start3A_541 = arith.constant 0 : i32
        %dma_start3A_542 = arith.constant 0 : i32
        %dma_start3A_543 = tpu.memref_slice %arg5[%dma_start3A_531, %dma_start3A_532, %dma_start3A_541, %dma_start3A_542] : memref<8x11x8x128xf32, #tpu.memory_space<vmem>> -> memref<1x1x8x128xf32, #tpu.memory_space<vmem>>
        %dma_start3A_544 = tpu.memref_squeeze %dma_start3A_543 : memref<1x1x8x128xf32, #tpu.memory_space<vmem>> -> memref<8x128xf32, #tpu.memory_space<vmem>>
        tpu.enqueue_dma source(%dma_start3A_544 : memref<8x128xf32, #tpu.memory_space<vmem>>) target(%dma_start3A_540 : memref<8x128xf32, #tpu.memory_space<hbm>>) target_semaphore(%arg6 : memref<!tpu.dma_semaphore, #tpu.memory_space<semaphore_mem>>)
        %add3A_545 = arith.constant 1280 : i32
        %add3A_546 = arith.addi %mul3A_26, %add3A_545 : i32
        %dma_start3A_547 = arith.constant 2 : i32
        %dma_start3A_548 = arith.constant 10 : i32
        %dma_start3A_549 = arith.constant 0 : i32
        %dma_start3A_550 = arith.constant 0 : i32
        %dma_start3A_551 = tpu.memref_slice %arg5[%dma_start3A_547, %dma_start3A_548, %dma_start3A_549, %dma_start3A_550] : memref<8x11x8x128xf32, #tpu.memory_space<vmem>> -> memref<1x1x8x128xf32, #tpu.memory_space<vmem>>
        %dma_start3A_552 = tpu.memref_squeeze %dma_start3A_551 : memref<1x1x8x128xf32, #tpu.memory_space<vmem>> -> memref<8x128xf32, #tpu.memory_space<vmem>>
        %dma_start3A_553 = arith.constant 16 : i32
        %dma_start3A_554 = tpu.memref_slice %arg3[%dma_start3A_553, %add3A_546] : memref<64x100000xf32, #tpu.memory_space<hbm>> -> memref<8x128xf32, #tpu.memory_space<hbm>>
        %dma_start3A_555 = arith.constant 16 : i32
        %dma_start3A_556 = tpu.memref_slice %arg3[%dma_start3A_555, %add3A_546] : memref<64x100000xf32, #tpu.memory_space<hbm>> -> memref<8x128xf32, #tpu.memory_space<hbm>>
        %dma_start3A_557 = arith.constant 0 : i32
        %dma_start3A_558 = arith.constant 0 : i32
        %dma_start3A_559 = tpu.memref_slice %arg5[%dma_start3A_547, %dma_start3A_548, %dma_start3A_557, %dma_start3A_558] : memref<8x11x8x128xf32, #tpu.memory_space<vmem>> -> memref<1x1x8x128xf32, #tpu.memory_space<vmem>>
        %dma_start3A_560 = tpu.memref_squeeze %dma_start3A_559 : memref<1x1x8x128xf32, #tpu.memory_space<vmem>> -> memref<8x128xf32, #tpu.memory_space<vmem>>
        tpu.enqueue_dma source(%dma_start3A_560 : memref<8x128xf32, #tpu.memory_space<vmem>>) target(%dma_start3A_556 : memref<8x128xf32, #tpu.memory_space<hbm>>) target_semaphore(%arg6 : memref<!tpu.dma_semaphore, #tpu.memory_space<semaphore_mem>>)
        %add3A_561 = arith.constant 0 : i32
        %add3A_562 = arith.addi %mul3A_26, %add3A_561 : i32
        %dma_start3A_563 = arith.constant 3 : i32
        %dma_start3A_564 = arith.constant 0 : i32
        %dma_start3A_565 = arith.constant 0 : i32
        %dma_start3A_566 = arith.constant 0 : i32
        %dma_start3A_567 = tpu.memref_slice %arg5[%dma_start3A_563, %dma_start3A_564, %dma_start3A_565, %dma_start3A_566] : memref<8x11x8x128xf32, #tpu.memory_space<vmem>> -> memref<1x1x8x128xf32, #tpu.memory_space<vmem>>
        %dma_start3A_568 = tpu.memref_squeeze %dma_start3A_567 : memref<1x1x8x128xf32, #tpu.memory_space<vmem>> -> memref<8x128xf32, #tpu.memory_space<vmem>>
        %dma_start3A_569 = arith.constant 24 : i32
        %dma_start3A_570 = tpu.memref_slice %arg3[%dma_start3A_569, %add3A_562] : memref<64x100000xf32, #tpu.memory_space<hbm>> -> memref<8x128xf32, #tpu.memory_space<hbm>>
        %dma_start3A_571 = arith.constant 24 : i32
        %dma_start3A_572 = tpu.memref_slice %arg3[%dma_start3A_571, %add3A_562] : memref<64x100000xf32, #tpu.memory_space<hbm>> -> memref<8x128xf32, #tpu.memory_space<hbm>>
        %dma_start3A_573 = arith.constant 0 : i32
        %dma_start3A_574 = arith.constant 0 : i32
        %dma_start3A_575 = tpu.memref_slice %arg5[%dma_start3A_563, %dma_start3A_564, %dma_start3A_573, %dma_start3A_574] : memref<8x11x8x128xf32, #tpu.memory_space<vmem>> -> memref<1x1x8x128xf32, #tpu.memory_space<vmem>>
        %dma_start3A_576 = tpu.memref_squeeze %dma_start3A_575 : memref<1x1x8x128xf32, #tpu.memory_space<vmem>> -> memref<8x128xf32, #tpu.memory_space<vmem>>
        tpu.enqueue_dma source(%dma_start3A_576 : memref<8x128xf32, #tpu.memory_space<vmem>>) target(%dma_start3A_572 : memref<8x128xf32, #tpu.memory_space<hbm>>) target_semaphore(%arg6 : memref<!tpu.dma_semaphore, #tpu.memory_space<semaphore_mem>>)
        %add3A_577 = arith.constant 128 : i32
        %add3A_578 = arith.addi %mul3A_26, %add3A_577 : i32
        %dma_start3A_579 = arith.constant 3 : i32
        %dma_start3A_580 = arith.constant 1 : i32
        %dma_start3A_581 = arith.constant 0 : i32
        %dma_start3A_582 = arith.constant 0 : i32
        %dma_start3A_583 = tpu.memref_slice %arg5[%dma_start3A_579, %dma_start3A_580, %dma_start3A_581, %dma_start3A_582] : memref<8x11x8x128xf32, #tpu.memory_space<vmem>> -> memref<1x1x8x128xf32, #tpu.memory_space<vmem>>
        %dma_start3A_584 = tpu.memref_squeeze %dma_start3A_583 : memref<1x1x8x128xf32, #tpu.memory_space<vmem>> -> memref<8x128xf32, #tpu.memory_space<vmem>>
        %dma_start3A_585 = arith.constant 24 : i32
        %dma_start3A_586 = tpu.memref_slice %arg3[%dma_start3A_585, %add3A_578] : memref<64x100000xf32, #tpu.memory_space<hbm>> -> memref<8x128xf32, #tpu.memory_space<hbm>>
        %dma_start3A_587 = arith.constant 24 : i32
        %dma_start3A_588 = tpu.memref_slice %arg3[%dma_start3A_587, %add3A_578] : memref<64x100000xf32, #tpu.memory_space<hbm>> -> memref<8x128xf32, #tpu.memory_space<hbm>>
        %dma_start3A_589 = arith.constant 0 : i32
        %dma_start3A_590 = arith.constant 0 : i32
        %dma_start3A_591 = tpu.memref_slice %arg5[%dma_start3A_579, %dma_start3A_580, %dma_start3A_589, %dma_start3A_590] : memref<8x11x8x128xf32, #tpu.memory_space<vmem>> -> memref<1x1x8x128xf32, #tpu.memory_space<vmem>>
        %dma_start3A_592 = tpu.memref_squeeze %dma_start3A_591 : memref<1x1x8x128xf32, #tpu.memory_space<vmem>> -> memref<8x128xf32, #tpu.memory_space<vmem>>
        tpu.enqueue_dma source(%dma_start3A_592 : memref<8x128xf32, #tpu.memory_space<vmem>>) target(%dma_start3A_588 : memref<8x128xf32, #tpu.memory_space<hbm>>) target_semaphore(%arg6 : memref<!tpu.dma_semaphore, #tpu.memory_space<semaphore_mem>>)
        %add3A_593 = arith.constant 256 : i32
        %add3A_594 = arith.addi %mul3A_26, %add3A_593 : i32
        %dma_start3A_595 = arith.constant 3 : i32
        %dma_start3A_596 = arith.constant 2 : i32
        %dma_start3A_597 = arith.constant 0 : i32
        %dma_start3A_598 = arith.constant 0 : i32
        %dma_start3A_599 = tpu.memref_slice %arg5[%dma_start3A_595, %dma_start3A_596, %dma_start3A_597, %dma_start3A_598] : memref<8x11x8x128xf32, #tpu.memory_space<vmem>> -> memref<1x1x8x128xf32, #tpu.memory_space<vmem>>
        %dma_start3A_600 = tpu.memref_squeeze %dma_start3A_599 : memref<1x1x8x128xf32, #tpu.memory_space<vmem>> -> memref<8x128xf32, #tpu.memory_space<vmem>>
        %dma_start3A_601 = arith.constant 24 : i32
        %dma_start3A_602 = tpu.memref_slice %arg3[%dma_start3A_601, %add3A_594] : memref<64x100000xf32, #tpu.memory_space<hbm>> -> memref<8x128xf32, #tpu.memory_space<hbm>>
        %dma_start3A_603 = arith.constant 24 : i32
        %dma_start3A_604 = tpu.memref_slice %arg3[%dma_start3A_603, %add3A_594] : memref<64x100000xf32, #tpu.memory_space<hbm>> -> memref<8x128xf32, #tpu.memory_space<hbm>>
        %dma_start3A_605 = arith.constant 0 : i32
        %dma_start3A_606 = arith.constant 0 : i32
        %dma_start3A_607 = tpu.memref_slice %arg5[%dma_start3A_595, %dma_start3A_596, %dma_start3A_605, %dma_start3A_606] : memref<8x11x8x128xf32, #tpu.memory_space<vmem>> -> memref<1x1x8x128xf32, #tpu.memory_space<vmem>>
        %dma_start3A_608 = tpu.memref_squeeze %dma_start3A_607 : memref<1x1x8x128xf32, #tpu.memory_space<vmem>> -> memref<8x128xf32, #tpu.memory_space<vmem>>
        tpu.enqueue_dma source(%dma_start3A_608 : memref<8x128xf32, #tpu.memory_space<vmem>>) target(%dma_start3A_604 : memref<8x128xf32, #tpu.memory_space<hbm>>) target_semaphore(%arg6 : memref<!tpu.dma_semaphore, #tpu.memory_space<semaphore_mem>>)
        %add3A_609 = arith.constant 384 : i32
        %add3A_610 = arith.addi %mul3A_26, %add3A_609 : i32
        %dma_start3A_611 = arith.constant 3 : i32
        %dma_start3A_612 = arith.constant 3 : i32
        %dma_start3A_613 = arith.constant 0 : i32
        %dma_start3A_614 = arith.constant 0 : i32
        %dma_start3A_615 = tpu.memref_slice %arg5[%dma_start3A_611, %dma_start3A_612, %dma_start3A_613, %dma_start3A_614] : memref<8x11x8x128xf32, #tpu.memory_space<vmem>> -> memref<1x1x8x128xf32, #tpu.memory_space<vmem>>
        %dma_start3A_616 = tpu.memref_squeeze %dma_start3A_615 : memref<1x1x8x128xf32, #tpu.memory_space<vmem>> -> memref<8x128xf32, #tpu.memory_space<vmem>>
        %dma_start3A_617 = arith.constant 24 : i32
        %dma_start3A_618 = tpu.memref_slice %arg3[%dma_start3A_617, %add3A_610] : memref<64x100000xf32, #tpu.memory_space<hbm>> -> memref<8x128xf32, #tpu.memory_space<hbm>>
        %dma_start3A_619 = arith.constant 24 : i32
        %dma_start3A_620 = tpu.memref_slice %arg3[%dma_start3A_619, %add3A_610] : memref<64x100000xf32, #tpu.memory_space<hbm>> -> memref<8x128xf32, #tpu.memory_space<hbm>>
        %dma_start3A_621 = arith.constant 0 : i32
        %dma_start3A_622 = arith.constant 0 : i32
        %dma_start3A_623 = tpu.memref_slice %arg5[%dma_start3A_611, %dma_start3A_612, %dma_start3A_621, %dma_start3A_622] : memref<8x11x8x128xf32, #tpu.memory_space<vmem>> -> memref<1x1x8x128xf32, #tpu.memory_space<vmem>>
        %dma_start3A_624 = tpu.memref_squeeze %dma_start3A_623 : memref<1x1x8x128xf32, #tpu.memory_space<vmem>> -> memref<8x128xf32, #tpu.memory_space<vmem>>
        tpu.enqueue_dma source(%dma_start3A_624 : memref<8x128xf32, #tpu.memory_space<vmem>>) target(%dma_start3A_620 : memref<8x128xf32, #tpu.memory_space<hbm>>) target_semaphore(%arg6 : memref<!tpu.dma_semaphore, #tpu.memory_space<semaphore_mem>>)
        %add3A_625 = arith.constant 512 : i32
        %add3A_626 = arith.addi %mul3A_26, %add3A_625 : i32
        %dma_start3A_627 = arith.constant 3 : i32
        %dma_start3A_628 = arith.constant 4 : i32
        %dma_start3A_629 = arith.constant 0 : i32
        %dma_start3A_630 = arith.constant 0 : i32
        %dma_start3A_631 = tpu.memref_slice %arg5[%dma_start3A_627, %dma_start3A_628, %dma_start3A_629, %dma_start3A_630] : memref<8x11x8x128xf32, #tpu.memory_space<vmem>> -> memref<1x1x8x128xf32, #tpu.memory_space<vmem>>
        %dma_start3A_632 = tpu.memref_squeeze %dma_start3A_631 : memref<1x1x8x128xf32, #tpu.memory_space<vmem>> -> memref<8x128xf32, #tpu.memory_space<vmem>>
        %dma_start3A_633 = arith.constant 24 : i32
        %dma_start3A_634 = tpu.memref_slice %arg3[%dma_start3A_633, %add3A_626] : memref<64x100000xf32, #tpu.memory_space<hbm>> -> memref<8x128xf32, #tpu.memory_space<hbm>>
        %dma_start3A_635 = arith.constant 24 : i32
        %dma_start3A_636 = tpu.memref_slice %arg3[%dma_start3A_635, %add3A_626] : memref<64x100000xf32, #tpu.memory_space<hbm>> -> memref<8x128xf32, #tpu.memory_space<hbm>>
        %dma_start3A_637 = arith.constant 0 : i32
        %dma_start3A_638 = arith.constant 0 : i32
        %dma_start3A_639 = tpu.memref_slice %arg5[%dma_start3A_627, %dma_start3A_628, %dma_start3A_637, %dma_start3A_638] : memref<8x11x8x128xf32, #tpu.memory_space<vmem>> -> memref<1x1x8x128xf32, #tpu.memory_space<vmem>>
        %dma_start3A_640 = tpu.memref_squeeze %dma_start3A_639 : memref<1x1x8x128xf32, #tpu.memory_space<vmem>> -> memref<8x128xf32, #tpu.memory_space<vmem>>
        tpu.enqueue_dma source(%dma_start3A_640 : memref<8x128xf32, #tpu.memory_space<vmem>>) target(%dma_start3A_636 : memref<8x128xf32, #tpu.memory_space<hbm>>) target_semaphore(%arg6 : memref<!tpu.dma_semaphore, #tpu.memory_space<semaphore_mem>>)
        %add3A_641 = arith.constant 640 : i32
        %add3A_642 = arith.addi %mul3A_26, %add3A_641 : i32
        %dma_start3A_643 = arith.constant 3 : i32
        %dma_start3A_644 = arith.constant 5 : i32
        %dma_start3A_645 = arith.constant 0 : i32
        %dma_start3A_646 = arith.constant 0 : i32
        %dma_start3A_647 = tpu.memref_slice %arg5[%dma_start3A_643, %dma_start3A_644, %dma_start3A_645, %dma_start3A_646] : memref<8x11x8x128xf32, #tpu.memory_space<vmem>> -> memref<1x1x8x128xf32, #tpu.memory_space<vmem>>
        %dma_start3A_648 = tpu.memref_squeeze %dma_start3A_647 : memref<1x1x8x128xf32, #tpu.memory_space<vmem>> -> memref<8x128xf32, #tpu.memory_space<vmem>>
        %dma_start3A_649 = arith.constant 24 : i32
        %dma_start3A_650 = tpu.memref_slice %arg3[%dma_start3A_649, %add3A_642] : memref<64x100000xf32, #tpu.memory_space<hbm>> -> memref<8x128xf32, #tpu.memory_space<hbm>>
        %dma_start3A_651 = arith.constant 24 : i32
        %dma_start3A_652 = tpu.memref_slice %arg3[%dma_start3A_651, %add3A_642] : memref<64x100000xf32, #tpu.memory_space<hbm>> -> memref<8x128xf32, #tpu.memory_space<hbm>>
        %dma_start3A_653 = arith.constant 0 : i32
        %dma_start3A_654 = arith.constant 0 : i32
        %dma_start3A_655 = tpu.memref_slice %arg5[%dma_start3A_643, %dma_start3A_644, %dma_start3A_653, %dma_start3A_654] : memref<8x11x8x128xf32, #tpu.memory_space<vmem>> -> memref<1x1x8x128xf32, #tpu.memory_space<vmem>>
        %dma_start3A_656 = tpu.memref_squeeze %dma_start3A_655 : memref<1x1x8x128xf32, #tpu.memory_space<vmem>> -> memref<8x128xf32, #tpu.memory_space<vmem>>
        tpu.enqueue_dma source(%dma_start3A_656 : memref<8x128xf32, #tpu.memory_space<vmem>>) target(%dma_start3A_652 : memref<8x128xf32, #tpu.memory_space<hbm>>) target_semaphore(%arg6 : memref<!tpu.dma_semaphore, #tpu.memory_space<semaphore_mem>>)
        %add3A_657 = arith.constant 768 : i32
        %add3A_658 = arith.addi %mul3A_26, %add3A_657 : i32
        %dma_start3A_659 = arith.constant 3 : i32
        %dma_start3A_660 = arith.constant 6 : i32
        %dma_start3A_661 = arith.constant 0 : i32
        %dma_start3A_662 = arith.constant 0 : i32
        %dma_start3A_663 = tpu.memref_slice %arg5[%dma_start3A_659, %dma_start3A_660, %dma_start3A_661, %dma_start3A_662] : memref<8x11x8x128xf32, #tpu.memory_space<vmem>> -> memref<1x1x8x128xf32, #tpu.memory_space<vmem>>
        %dma_start3A_664 = tpu.memref_squeeze %dma_start3A_663 : memref<1x1x8x128xf32, #tpu.memory_space<vmem>> -> memref<8x128xf32, #tpu.memory_space<vmem>>
        %dma_start3A_665 = arith.constant 24 : i32
        %dma_start3A_666 = tpu.memref_slice %arg3[%dma_start3A_665, %add3A_658] : memref<64x100000xf32, #tpu.memory_space<hbm>> -> memref<8x128xf32, #tpu.memory_space<hbm>>
        %dma_start3A_667 = arith.constant 24 : i32
        %dma_start3A_668 = tpu.memref_slice %arg3[%dma_start3A_667, %add3A_658] : memref<64x100000xf32, #tpu.memory_space<hbm>> -> memref<8x128xf32, #tpu.memory_space<hbm>>
        %dma_start3A_669 = arith.constant 0 : i32
        %dma_start3A_670 = arith.constant 0 : i32
        %dma_start3A_671 = tpu.memref_slice %arg5[%dma_start3A_659, %dma_start3A_660, %dma_start3A_669, %dma_start3A_670] : memref<8x11x8x128xf32, #tpu.memory_space<vmem>> -> memref<1x1x8x128xf32, #tpu.memory_space<vmem>>
        %dma_start3A_672 = tpu.memref_squeeze %dma_start3A_671 : memref<1x1x8x128xf32, #tpu.memory_space<vmem>> -> memref<8x128xf32, #tpu.memory_space<vmem>>
        tpu.enqueue_dma source(%dma_start3A_672 : memref<8x128xf32, #tpu.memory_space<vmem>>) target(%dma_start3A_668 : memref<8x128xf32, #tpu.memory_space<hbm>>) target_semaphore(%arg6 : memref<!tpu.dma_semaphore, #tpu.memory_space<semaphore_mem>>)
        %add3A_673 = arith.constant 896 : i32
        %add3A_674 = arith.addi %mul3A_26, %add3A_673 : i32
        %dma_start3A_675 = arith.constant 3 : i32
        %dma_start3A_676 = arith.constant 7 : i32
        %dma_start3A_677 = arith.constant 0 : i32
        %dma_start3A_678 = arith.constant 0 : i32
        %dma_start3A_679 = tpu.memref_slice %arg5[%dma_start3A_675, %dma_start3A_676, %dma_start3A_677, %dma_start3A_678] : memref<8x11x8x128xf32, #tpu.memory_space<vmem>> -> memref<1x1x8x128xf32, #tpu.memory_space<vmem>>
        %dma_start3A_680 = tpu.memref_squeeze %dma_start3A_679 : memref<1x1x8x128xf32, #tpu.memory_space<vmem>> -> memref<8x128xf32, #tpu.memory_space<vmem>>
        %dma_start3A_681 = arith.constant 24 : i32
        %dma_start3A_682 = tpu.memref_slice %arg3[%dma_start3A_681, %add3A_674] : memref<64x100000xf32, #tpu.memory_space<hbm>> -> memref<8x128xf32, #tpu.memory_space<hbm>>
        %dma_start3A_683 = arith.constant 24 : i32
        %dma_start3A_684 = tpu.memref_slice %arg3[%dma_start3A_683, %add3A_674] : memref<64x100000xf32, #tpu.memory_space<hbm>> -> memref<8x128xf32, #tpu.memory_space<hbm>>
        %dma_start3A_685 = arith.constant 0 : i32
        %dma_start3A_686 = arith.constant 0 : i32
        %dma_start3A_687 = tpu.memref_slice %arg5[%dma_start3A_675, %dma_start3A_676, %dma_start3A_685, %dma_start3A_686] : memref<8x11x8x128xf32, #tpu.memory_space<vmem>> -> memref<1x1x8x128xf32, #tpu.memory_space<vmem>>
        %dma_start3A_688 = tpu.memref_squeeze %dma_start3A_687 : memref<1x1x8x128xf32, #tpu.memory_space<vmem>> -> memref<8x128xf32, #tpu.memory_space<vmem>>
        tpu.enqueue_dma source(%dma_start3A_688 : memref<8x128xf32, #tpu.memory_space<vmem>>) target(%dma_start3A_684 : memref<8x128xf32, #tpu.memory_space<hbm>>) target_semaphore(%arg6 : memref<!tpu.dma_semaphore, #tpu.memory_space<semaphore_mem>>)
        %add3A_689 = arith.constant 1024 : i32
        %add3A_690 = arith.addi %mul3A_26, %add3A_689 : i32
        %dma_start3A_691 = arith.constant 3 : i32
        %dma_start3A_692 = arith.constant 8 : i32
        %dma_start3A_693 = arith.constant 0 : i32
        %dma_start3A_694 = arith.constant 0 : i32
        %dma_start3A_695 = tpu.memref_slice %arg5[%dma_start3A_691, %dma_start3A_692, %dma_start3A_693, %dma_start3A_694] : memref<8x11x8x128xf32, #tpu.memory_space<vmem>> -> memref<1x1x8x128xf32, #tpu.memory_space<vmem>>
        %dma_start3A_696 = tpu.memref_squeeze %dma_start3A_695 : memref<1x1x8x128xf32, #tpu.memory_space<vmem>> -> memref<8x128xf32, #tpu.memory_space<vmem>>
        %dma_start3A_697 = arith.constant 24 : i32
        %dma_start3A_698 = tpu.memref_slice %arg3[%dma_start3A_697, %add3A_690] : memref<64x100000xf32, #tpu.memory_space<hbm>> -> memref<8x128xf32, #tpu.memory_space<hbm>>
        %dma_start3A_699 = arith.constant 24 : i32
        %dma_start3A_700 = tpu.memref_slice %arg3[%dma_start3A_699, %add3A_690] : memref<64x100000xf32, #tpu.memory_space<hbm>> -> memref<8x128xf32, #tpu.memory_space<hbm>>
        %dma_start3A_701 = arith.constant 0 : i32
        %dma_start3A_702 = arith.constant 0 : i32
        %dma_start3A_703 = tpu.memref_slice %arg5[%dma_start3A_691, %dma_start3A_692, %dma_start3A_701, %dma_start3A_702] : memref<8x11x8x128xf32, #tpu.memory_space<vmem>> -> memref<1x1x8x128xf32, #tpu.memory_space<vmem>>
        %dma_start3A_704 = tpu.memref_squeeze %dma_start3A_703 : memref<1x1x8x128xf32, #tpu.memory_space<vmem>> -> memref<8x128xf32, #tpu.memory_space<vmem>>
        tpu.enqueue_dma source(%dma_start3A_704 : memref<8x128xf32, #tpu.memory_space<vmem>>) target(%dma_start3A_700 : memref<8x128xf32, #tpu.memory_space<hbm>>) target_semaphore(%arg6 : memref<!tpu.dma_semaphore, #tpu.memory_space<semaphore_mem>>)
        %add3A_705 = arith.constant 1152 : i32
        %add3A_706 = arith.addi %mul3A_26, %add3A_705 : i32
        %dma_start3A_707 = arith.constant 3 : i32
        %dma_start3A_708 = arith.constant 9 : i32
        %dma_start3A_709 = arith.constant 0 : i32
        %dma_start3A_710 = arith.constant 0 : i32
        %dma_start3A_711 = tpu.memref_slice %arg5[%dma_start3A_707, %dma_start3A_708, %dma_start3A_709, %dma_start3A_710] : memref<8x11x8x128xf32, #tpu.memory_space<vmem>> -> memref<1x1x8x128xf32, #tpu.memory_space<vmem>>
        %dma_start3A_712 = tpu.memref_squeeze %dma_start3A_711 : memref<1x1x8x128xf32, #tpu.memory_space<vmem>> -> memref<8x128xf32, #tpu.memory_space<vmem>>
        %dma_start3A_713 = arith.constant 24 : i32
        %dma_start3A_714 = tpu.memref_slice %arg3[%dma_start3A_713, %add3A_706] : memref<64x100000xf32, #tpu.memory_space<hbm>> -> memref<8x128xf32, #tpu.memory_space<hbm>>
        %dma_start3A_715 = arith.constant 24 : i32
        %dma_start3A_716 = tpu.memref_slice %arg3[%dma_start3A_715, %add3A_706] : memref<64x100000xf32, #tpu.memory_space<hbm>> -> memref<8x128xf32, #tpu.memory_space<hbm>>
        %dma_start3A_717 = arith.constant 0 : i32
        %dma_start3A_718 = arith.constant 0 : i32
        %dma_start3A_719 = tpu.memref_slice %arg5[%dma_start3A_707, %dma_start3A_708, %dma_start3A_717, %dma_start3A_718] : memref<8x11x8x128xf32, #tpu.memory_space<vmem>> -> memref<1x1x8x128xf32, #tpu.memory_space<vmem>>
        %dma_start3A_720 = tpu.memref_squeeze %dma_start3A_719 : memref<1x1x8x128xf32, #tpu.memory_space<vmem>> -> memref<8x128xf32, #tpu.memory_space<vmem>>
        tpu.enqueue_dma source(%dma_start3A_720 : memref<8x128xf32, #tpu.memory_space<vmem>>) target(%dma_start3A_716 : memref<8x128xf32, #tpu.memory_space<hbm>>) target_semaphore(%arg6 : memref<!tpu.dma_semaphore, #tpu.memory_space<semaphore_mem>>)
        %add3A_721 = arith.constant 1280 : i32
        %add3A_722 = arith.addi %mul3A_26, %add3A_721 : i32
        %dma_start3A_723 = arith.constant 3 : i32
        %dma_start3A_724 = arith.constant 10 : i32
        %dma_start3A_725 = arith.constant 0 : i32
        %dma_start3A_726 = arith.constant 0 : i32
        %dma_start3A_727 = tpu.memref_slice %arg5[%dma_start3A_723, %dma_start3A_724, %dma_start3A_725, %dma_start3A_726] : memref<8x11x8x128xf32, #tpu.memory_space<vmem>> -> memref<1x1x8x128xf32, #tpu.memory_space<vmem>>
        %dma_start3A_728 = tpu.memref_squeeze %dma_start3A_727 : memref<1x1x8x128xf32, #tpu.memory_space<vmem>> -> memref<8x128xf32, #tpu.memory_space<vmem>>
        %dma_start3A_729 = arith.constant 24 : i32
        %dma_start3A_730 = tpu.memref_slice %arg3[%dma_start3A_729, %add3A_722] : memref<64x100000xf32, #tpu.memory_space<hbm>> -> memref<8x128xf32, #tpu.memory_space<hbm>>
        %dma_start3A_731 = arith.constant 24 : i32
        %dma_start3A_732 = tpu.memref_slice %arg3[%dma_start3A_731, %add3A_722] : memref<64x100000xf32, #tpu.memory_space<hbm>> -> memref<8x128xf32, #tpu.memory_space<hbm>>
        %dma_start3A_733 = arith.constant 0 : i32
        %dma_start3A_734 = arith.constant 0 : i32
        %dma_start3A_735 = tpu.memref_slice %arg5[%dma_start3A_723, %dma_start3A_724, %dma_start3A_733, %dma_start3A_734] : memref<8x11x8x128xf32, #tpu.memory_space<vmem>> -> memref<1x1x8x128xf32, #tpu.memory_space<vmem>>
        %dma_start3A_736 = tpu.memref_squeeze %dma_start3A_735 : memref<1x1x8x128xf32, #tpu.memory_space<vmem>> -> memref<8x128xf32, #tpu.memory_space<vmem>>
        tpu.enqueue_dma source(%dma_start3A_736 : memref<8x128xf32, #tpu.memory_space<vmem>>) target(%dma_start3A_732 : memref<8x128xf32, #tpu.memory_space<hbm>>) target_semaphore(%arg6 : memref<!tpu.dma_semaphore, #tpu.memory_space<semaphore_mem>>)
        %add3A_737 = arith.constant 0 : i32
        %add3A_738 = arith.addi %mul3A_26, %add3A_737 : i32
        %dma_start3A_739 = arith.constant 4 : i32
        %dma_start3A_740 = arith.constant 0 : i32
        %dma_start3A_741 = arith.constant 0 : i32
        %dma_start3A_742 = arith.constant 0 : i32
        %dma_start3A_743 = tpu.memref_slice %arg5[%dma_start3A_739, %dma_start3A_740, %dma_start3A_741, %dma_start3A_742] : memref<8x11x8x128xf32, #tpu.memory_space<vmem>> -> memref<1x1x8x128xf32, #tpu.memory_space<vmem>>
        %dma_start3A_744 = tpu.memref_squeeze %dma_start3A_743 : memref<1x1x8x128xf32, #tpu.memory_space<vmem>> -> memref<8x128xf32, #tpu.memory_space<vmem>>
        %dma_start3A_745 = arith.constant 32 : i32
        %dma_start3A_746 = tpu.memref_slice %arg3[%dma_start3A_745, %add3A_738] : memref<64x100000xf32, #tpu.memory_space<hbm>> -> memref<8x128xf32, #tpu.memory_space<hbm>>
        %dma_start3A_747 = arith.constant 32 : i32
        %dma_start3A_748 = tpu.memref_slice %arg3[%dma_start3A_747, %add3A_738] : memref<64x100000xf32, #tpu.memory_space<hbm>> -> memref<8x128xf32, #tpu.memory_space<hbm>>
        %dma_start3A_749 = arith.constant 0 : i32
        %dma_start3A_750 = arith.constant 0 : i32
        %dma_start3A_751 = tpu.memref_slice %arg5[%dma_start3A_739, %dma_start3A_740, %dma_start3A_749, %dma_start3A_750] : memref<8x11x8x128xf32, #tpu.memory_space<vmem>> -> memref<1x1x8x128xf32, #tpu.memory_space<vmem>>
        %dma_start3A_752 = tpu.memref_squeeze %dma_start3A_751 : memref<1x1x8x128xf32, #tpu.memory_space<vmem>> -> memref<8x128xf32, #tpu.memory_space<vmem>>
        tpu.enqueue_dma source(%dma_start3A_752 : memref<8x128xf32, #tpu.memory_space<vmem>>) target(%dma_start3A_748 : memref<8x128xf32, #tpu.memory_space<hbm>>) target_semaphore(%arg6 : memref<!tpu.dma_semaphore, #tpu.memory_space<semaphore_mem>>)
        %add3A_753 = arith.constant 128 : i32
        %add3A_754 = arith.addi %mul3A_26, %add3A_753 : i32
        %dma_start3A_755 = arith.constant 4 : i32
        %dma_start3A_756 = arith.constant 1 : i32
        %dma_start3A_757 = arith.constant 0 : i32
        %dma_start3A_758 = arith.constant 0 : i32
        %dma_start3A_759 = tpu.memref_slice %arg5[%dma_start3A_755, %dma_start3A_756, %dma_start3A_757, %dma_start3A_758] : memref<8x11x8x128xf32, #tpu.memory_space<vmem>> -> memref<1x1x8x128xf32, #tpu.memory_space<vmem>>
        %dma_start3A_760 = tpu.memref_squeeze %dma_start3A_759 : memref<1x1x8x128xf32, #tpu.memory_space<vmem>> -> memref<8x128xf32, #tpu.memory_space<vmem>>
        %dma_start3A_761 = arith.constant 32 : i32
        %dma_start3A_762 = tpu.memref_slice %arg3[%dma_start3A_761, %add3A_754] : memref<64x100000xf32, #tpu.memory_space<hbm>> -> memref<8x128xf32, #tpu.memory_space<hbm>>
        %dma_start3A_763 = arith.constant 32 : i32
        %dma_start3A_764 = tpu.memref_slice %arg3[%dma_start3A_763, %add3A_754] : memref<64x100000xf32, #tpu.memory_space<hbm>> -> memref<8x128xf32, #tpu.memory_space<hbm>>
        %dma_start3A_765 = arith.constant 0 : i32
        %dma_start3A_766 = arith.constant 0 : i32
        %dma_start3A_767 = tpu.memref_slice %arg5[%dma_start3A_755, %dma_start3A_756, %dma_start3A_765, %dma_start3A_766] : memref<8x11x8x128xf32, #tpu.memory_space<vmem>> -> memref<1x1x8x128xf32, #tpu.memory_space<vmem>>
        %dma_start3A_768 = tpu.memref_squeeze %dma_start3A_767 : memref<1x1x8x128xf32, #tpu.memory_space<vmem>> -> memref<8x128xf32, #tpu.memory_space<vmem>>
        tpu.enqueue_dma source(%dma_start3A_768 : memref<8x128xf32, #tpu.memory_space<vmem>>) target(%dma_start3A_764 : memref<8x128xf32, #tpu.memory_space<hbm>>) target_semaphore(%arg6 : memref<!tpu.dma_semaphore, #tpu.memory_space<semaphore_mem>>)
        %add3A_769 = arith.constant 256 : i32
        %add3A_770 = arith.addi %mul3A_26, %add3A_769 : i32
        %dma_start3A_771 = arith.constant 4 : i32
        %dma_start3A_772 = arith.constant 2 : i32
        %dma_start3A_773 = arith.constant 0 : i32
        %dma_start3A_774 = arith.constant 0 : i32
        %dma_start3A_775 = tpu.memref_slice %arg5[%dma_start3A_771, %dma_start3A_772, %dma_start3A_773, %dma_start3A_774] : memref<8x11x8x128xf32, #tpu.memory_space<vmem>> -> memref<1x1x8x128xf32, #tpu.memory_space<vmem>>
        %dma_start3A_776 = tpu.memref_squeeze %dma_start3A_775 : memref<1x1x8x128xf32, #tpu.memory_space<vmem>> -> memref<8x128xf32, #tpu.memory_space<vmem>>
        %dma_start3A_777 = arith.constant 32 : i32
        %dma_start3A_778 = tpu.memref_slice %arg3[%dma_start3A_777, %add3A_770] : memref<64x100000xf32, #tpu.memory_space<hbm>> -> memref<8x128xf32, #tpu.memory_space<hbm>>
        %dma_start3A_779 = arith.constant 32 : i32
        %dma_start3A_780 = tpu.memref_slice %arg3[%dma_start3A_779, %add3A_770] : memref<64x100000xf32, #tpu.memory_space<hbm>> -> memref<8x128xf32, #tpu.memory_space<hbm>>
        %dma_start3A_781 = arith.constant 0 : i32
        %dma_start3A_782 = arith.constant 0 : i32
        %dma_start3A_783 = tpu.memref_slice %arg5[%dma_start3A_771, %dma_start3A_772, %dma_start3A_781, %dma_start3A_782] : memref<8x11x8x128xf32, #tpu.memory_space<vmem>> -> memref<1x1x8x128xf32, #tpu.memory_space<vmem>>
        %dma_start3A_784 = tpu.memref_squeeze %dma_start3A_783 : memref<1x1x8x128xf32, #tpu.memory_space<vmem>> -> memref<8x128xf32, #tpu.memory_space<vmem>>
        tpu.enqueue_dma source(%dma_start3A_784 : memref<8x128xf32, #tpu.memory_space<vmem>>) target(%dma_start3A_780 : memref<8x128xf32, #tpu.memory_space<hbm>>) target_semaphore(%arg6 : memref<!tpu.dma_semaphore, #tpu.memory_space<semaphore_mem>>)
        %add3A_785 = arith.constant 384 : i32
        %add3A_786 = arith.addi %mul3A_26, %add3A_785 : i32
        %dma_start3A_787 = arith.constant 4 : i32
        %dma_start3A_788 = arith.constant 3 : i32
        %dma_start3A_789 = arith.constant 0 : i32
        %dma_start3A_790 = arith.constant 0 : i32
        %dma_start3A_791 = tpu.memref_slice %arg5[%dma_start3A_787, %dma_start3A_788, %dma_start3A_789, %dma_start3A_790] : memref<8x11x8x128xf32, #tpu.memory_space<vmem>> -> memref<1x1x8x128xf32, #tpu.memory_space<vmem>>
        %dma_start3A_792 = tpu.memref_squeeze %dma_start3A_791 : memref<1x1x8x128xf32, #tpu.memory_space<vmem>> -> memref<8x128xf32, #tpu.memory_space<vmem>>
        %dma_start3A_793 = arith.constant 32 : i32
        %dma_start3A_794 = tpu.memref_slice %arg3[%dma_start3A_793, %add3A_786] : memref<64x100000xf32, #tpu.memory_space<hbm>> -> memref<8x128xf32, #tpu.memory_space<hbm>>
        %dma_start3A_795 = arith.constant 32 : i32
        %dma_start3A_796 = tpu.memref_slice %arg3[%dma_start3A_795, %add3A_786] : memref<64x100000xf32, #tpu.memory_space<hbm>> -> memref<8x128xf32, #tpu.memory_space<hbm>>
        %dma_start3A_797 = arith.constant 0 : i32
        %dma_start3A_798 = arith.constant 0 : i32
        %dma_start3A_799 = tpu.memref_slice %arg5[%dma_start3A_787, %dma_start3A_788, %dma_start3A_797, %dma_start3A_798] : memref<8x11x8x128xf32, #tpu.memory_space<vmem>> -> memref<1x1x8x128xf32, #tpu.memory_space<vmem>>
        %dma_start3A_800 = tpu.memref_squeeze %dma_start3A_799 : memref<1x1x8x128xf32, #tpu.memory_space<vmem>> -> memref<8x128xf32, #tpu.memory_space<vmem>>
        tpu.enqueue_dma source(%dma_start3A_800 : memref<8x128xf32, #tpu.memory_space<vmem>>) target(%dma_start3A_796 : memref<8x128xf32, #tpu.memory_space<hbm>>) target_semaphore(%arg6 : memref<!tpu.dma_semaphore, #tpu.memory_space<semaphore_mem>>)
        %add3A_801 = arith.constant 512 : i32
        %add3A_802 = arith.addi %mul3A_26, %add3A_801 : i32
        %dma_start3A_803 = arith.constant 4 : i32
        %dma_start3A_804 = arith.constant 4 : i32
        %dma_start3A_805 = arith.constant 0 : i32
        %dma_start3A_806 = arith.constant 0 : i32
        %dma_start3A_807 = tpu.memref_slice %arg5[%dma_start3A_803, %dma_start3A_804, %dma_start3A_805, %dma_start3A_806] : memref<8x11x8x128xf32, #tpu.memory_space<vmem>> -> memref<1x1x8x128xf32, #tpu.memory_space<vmem>>
        %dma_start3A_808 = tpu.memref_squeeze %dma_start3A_807 : memref<1x1x8x128xf32, #tpu.memory_space<vmem>> -> memref<8x128xf32, #tpu.memory_space<vmem>>
        %dma_start3A_809 = arith.constant 32 : i32
        %dma_start3A_810 = tpu.memref_slice %arg3[%dma_start3A_809, %add3A_802] : memref<64x100000xf32, #tpu.memory_space<hbm>> -> memref<8x128xf32, #tpu.memory_space<hbm>>
        %dma_start3A_811 = arith.constant 32 : i32
        %dma_start3A_812 = tpu.memref_slice %arg3[%dma_start3A_811, %add3A_802] : memref<64x100000xf32, #tpu.memory_space<hbm>> -> memref<8x128xf32, #tpu.memory_space<hbm>>
        %dma_start3A_813 = arith.constant 0 : i32
        %dma_start3A_814 = arith.constant 0 : i32
        %dma_start3A_815 = tpu.memref_slice %arg5[%dma_start3A_803, %dma_start3A_804, %dma_start3A_813, %dma_start3A_814] : memref<8x11x8x128xf32, #tpu.memory_space<vmem>> -> memref<1x1x8x128xf32, #tpu.memory_space<vmem>>
        %dma_start3A_816 = tpu.memref_squeeze %dma_start3A_815 : memref<1x1x8x128xf32, #tpu.memory_space<vmem>> -> memref<8x128xf32, #tpu.memory_space<vmem>>
        tpu.enqueue_dma source(%dma_start3A_816 : memref<8x128xf32, #tpu.memory_space<vmem>>) target(%dma_start3A_812 : memref<8x128xf32, #tpu.memory_space<hbm>>) target_semaphore(%arg6 : memref<!tpu.dma_semaphore, #tpu.memory_space<semaphore_mem>>)
        %add3A_817 = arith.constant 640 : i32
        %add3A_818 = arith.addi %mul3A_26, %add3A_817 : i32
        %dma_start3A_819 = arith.constant 4 : i32
        %dma_start3A_820 = arith.constant 5 : i32
        %dma_start3A_821 = arith.constant 0 : i32
        %dma_start3A_822 = arith.constant 0 : i32
        %dma_start3A_823 = tpu.memref_slice %arg5[%dma_start3A_819, %dma_start3A_820, %dma_start3A_821, %dma_start3A_822] : memref<8x11x8x128xf32, #tpu.memory_space<vmem>> -> memref<1x1x8x128xf32, #tpu.memory_space<vmem>>
        %dma_start3A_824 = tpu.memref_squeeze %dma_start3A_823 : memref<1x1x8x128xf32, #tpu.memory_space<vmem>> -> memref<8x128xf32, #tpu.memory_space<vmem>>
        %dma_start3A_825 = arith.constant 32 : i32
        %dma_start3A_826 = tpu.memref_slice %arg3[%dma_start3A_825, %add3A_818] : memref<64x100000xf32, #tpu.memory_space<hbm>> -> memref<8x128xf32, #tpu.memory_space<hbm>>
        %dma_start3A_827 = arith.constant 32 : i32
        %dma_start3A_828 = tpu.memref_slice %arg3[%dma_start3A_827, %add3A_818] : memref<64x100000xf32, #tpu.memory_space<hbm>> -> memref<8x128xf32, #tpu.memory_space<hbm>>
        %dma_start3A_829 = arith.constant 0 : i32
        %dma_start3A_830 = arith.constant 0 : i32
        %dma_start3A_831 = tpu.memref_slice %arg5[%dma_start3A_819, %dma_start3A_820, %dma_start3A_829, %dma_start3A_830] : memref<8x11x8x128xf32, #tpu.memory_space<vmem>> -> memref<1x1x8x128xf32, #tpu.memory_space<vmem>>
        %dma_start3A_832 = tpu.memref_squeeze %dma_start3A_831 : memref<1x1x8x128xf32, #tpu.memory_space<vmem>> -> memref<8x128xf32, #tpu.memory_space<vmem>>
        tpu.enqueue_dma source(%dma_start3A_832 : memref<8x128xf32, #tpu.memory_space<vmem>>) target(%dma_start3A_828 : memref<8x128xf32, #tpu.memory_space<hbm>>) target_semaphore(%arg6 : memref<!tpu.dma_semaphore, #tpu.memory_space<semaphore_mem>>)
        %add3A_833 = arith.constant 768 : i32
        %add3A_834 = arith.addi %mul3A_26, %add3A_833 : i32
        %dma_start3A_835 = arith.constant 4 : i32
        %dma_start3A_836 = arith.constant 6 : i32
        %dma_start3A_837 = arith.constant 0 : i32
        %dma_start3A_838 = arith.constant 0 : i32
        %dma_start3A_839 = tpu.memref_slice %arg5[%dma_start3A_835, %dma_start3A_836, %dma_start3A_837, %dma_start3A_838] : memref<8x11x8x128xf32, #tpu.memory_space<vmem>> -> memref<1x1x8x128xf32, #tpu.memory_space<vmem>>
        %dma_start3A_840 = tpu.memref_squeeze %dma_start3A_839 : memref<1x1x8x128xf32, #tpu.memory_space<vmem>> -> memref<8x128xf32, #tpu.memory_space<vmem>>
        %dma_start3A_841 = arith.constant 32 : i32
        %dma_start3A_842 = tpu.memref_slice %arg3[%dma_start3A_841, %add3A_834] : memref<64x100000xf32, #tpu.memory_space<hbm>> -> memref<8x128xf32, #tpu.memory_space<hbm>>
        %dma_start3A_843 = arith.constant 32 : i32
        %dma_start3A_844 = tpu.memref_slice %arg3[%dma_start3A_843, %add3A_834] : memref<64x100000xf32, #tpu.memory_space<hbm>> -> memref<8x128xf32, #tpu.memory_space<hbm>>
        %dma_start3A_845 = arith.constant 0 : i32
        %dma_start3A_846 = arith.constant 0 : i32
        %dma_start3A_847 = tpu.memref_slice %arg5[%dma_start3A_835, %dma_start3A_836, %dma_start3A_845, %dma_start3A_846] : memref<8x11x8x128xf32, #tpu.memory_space<vmem>> -> memref<1x1x8x128xf32, #tpu.memory_space<vmem>>
        %dma_start3A_848 = tpu.memref_squeeze %dma_start3A_847 : memref<1x1x8x128xf32, #tpu.memory_space<vmem>> -> memref<8x128xf32, #tpu.memory_space<vmem>>
        tpu.enqueue_dma source(%dma_start3A_848 : memref<8x128xf32, #tpu.memory_space<vmem>>) target(%dma_start3A_844 : memref<8x128xf32, #tpu.memory_space<hbm>>) target_semaphore(%arg6 : memref<!tpu.dma_semaphore, #tpu.memory_space<semaphore_mem>>)
        %add3A_849 = arith.constant 896 : i32
        %add3A_850 = arith.addi %mul3A_26, %add3A_849 : i32
        %dma_start3A_851 = arith.constant 4 : i32
        %dma_start3A_852 = arith.constant 7 : i32
        %dma_start3A_853 = arith.constant 0 : i32
        %dma_start3A_854 = arith.constant 0 : i32
        %dma_start3A_855 = tpu.memref_slice %arg5[%dma_start3A_851, %dma_start3A_852, %dma_start3A_853, %dma_start3A_854] : memref<8x11x8x128xf32, #tpu.memory_space<vmem>> -> memref<1x1x8x128xf32, #tpu.memory_space<vmem>>
        %dma_start3A_856 = tpu.memref_squeeze %dma_start3A_855 : memref<1x1x8x128xf32, #tpu.memory_space<vmem>> -> memref<8x128xf32, #tpu.memory_space<vmem>>
        %dma_start3A_857 = arith.constant 32 : i32
        %dma_start3A_858 = tpu.memref_slice %arg3[%dma_start3A_857, %add3A_850] : memref<64x100000xf32, #tpu.memory_space<hbm>> -> memref<8x128xf32, #tpu.memory_space<hbm>>
        %dma_start3A_859 = arith.constant 32 : i32
        %dma_start3A_860 = tpu.memref_slice %arg3[%dma_start3A_859, %add3A_850] : memref<64x100000xf32, #tpu.memory_space<hbm>> -> memref<8x128xf32, #tpu.memory_space<hbm>>
        %dma_start3A_861 = arith.constant 0 : i32
        %dma_start3A_862 = arith.constant 0 : i32
        %dma_start3A_863 = tpu.memref_slice %arg5[%dma_start3A_851, %dma_start3A_852, %dma_start3A_861, %dma_start3A_862] : memref<8x11x8x128xf32, #tpu.memory_space<vmem>> -> memref<1x1x8x128xf32, #tpu.memory_space<vmem>>
        %dma_start3A_864 = tpu.memref_squeeze %dma_start3A_863 : memref<1x1x8x128xf32, #tpu.memory_space<vmem>> -> memref<8x128xf32, #tpu.memory_space<vmem>>
        tpu.enqueue_dma source(%dma_start3A_864 : memref<8x128xf32, #tpu.memory_space<vmem>>) target(%dma_start3A_860 : memref<8x128xf32, #tpu.memory_space<hbm>>) target_semaphore(%arg6 : memref<!tpu.dma_semaphore, #tpu.memory_space<semaphore_mem>>)
        %add3A_865 = arith.constant 1024 : i32
        %add3A_866 = arith.addi %mul3A_26, %add3A_865 : i32
        %dma_start3A_867 = arith.constant 4 : i32
        %dma_start3A_868 = arith.constant 8 : i32
        %dma_start3A_869 = arith.constant 0 : i32
        %dma_start3A_870 = arith.constant 0 : i32
        %dma_start3A_871 = tpu.memref_slice %arg5[%dma_start3A_867, %dma_start3A_868, %dma_start3A_869, %dma_start3A_870] : memref<8x11x8x128xf32, #tpu.memory_space<vmem>> -> memref<1x1x8x128xf32, #tpu.memory_space<vmem>>
        %dma_start3A_872 = tpu.memref_squeeze %dma_start3A_871 : memref<1x1x8x128xf32, #tpu.memory_space<vmem>> -> memref<8x128xf32, #tpu.memory_space<vmem>>
        %dma_start3A_873 = arith.constant 32 : i32
        %dma_start3A_874 = tpu.memref_slice %arg3[%dma_start3A_873, %add3A_866] : memref<64x100000xf32, #tpu.memory_space<hbm>> -> memref<8x128xf32, #tpu.memory_space<hbm>>
        %dma_start3A_875 = arith.constant 32 : i32
        %dma_start3A_876 = tpu.memref_slice %arg3[%dma_start3A_875, %add3A_866] : memref<64x100000xf32, #tpu.memory_space<hbm>> -> memref<8x128xf32, #tpu.memory_space<hbm>>
        %dma_start3A_877 = arith.constant 0 : i32
        %dma_start3A_878 = arith.constant 0 : i32
        %dma_start3A_879 = tpu.memref_slice %arg5[%dma_start3A_867, %dma_start3A_868, %dma_start3A_877, %dma_start3A_878] : memref<8x11x8x128xf32, #tpu.memory_space<vmem>> -> memref<1x1x8x128xf32, #tpu.memory_space<vmem>>
        %dma_start3A_880 = tpu.memref_squeeze %dma_start3A_879 : memref<1x1x8x128xf32, #tpu.memory_space<vmem>> -> memref<8x128xf32, #tpu.memory_space<vmem>>
        tpu.enqueue_dma source(%dma_start3A_880 : memref<8x128xf32, #tpu.memory_space<vmem>>) target(%dma_start3A_876 : memref<8x128xf32, #tpu.memory_space<hbm>>) target_semaphore(%arg6 : memref<!tpu.dma_semaphore, #tpu.memory_space<semaphore_mem>>)
        %add3A_881 = arith.constant 1152 : i32
        %add3A_882 = arith.addi %mul3A_26, %add3A_881 : i32
        %dma_start3A_883 = arith.constant 4 : i32
        %dma_start3A_884 = arith.constant 9 : i32
        %dma_start3A_885 = arith.constant 0 : i32
        %dma_start3A_886 = arith.constant 0 : i32
        %dma_start3A_887 = tpu.memref_slice %arg5[%dma_start3A_883, %dma_start3A_884, %dma_start3A_885, %dma_start3A_886] : memref<8x11x8x128xf32, #tpu.memory_space<vmem>> -> memref<1x1x8x128xf32, #tpu.memory_space<vmem>>
        %dma_start3A_888 = tpu.memref_squeeze %dma_start3A_887 : memref<1x1x8x128xf32, #tpu.memory_space<vmem>> -> memref<8x128xf32, #tpu.memory_space<vmem>>
        %dma_start3A_889 = arith.constant 32 : i32
        %dma_start3A_890 = tpu.memref_slice %arg3[%dma_start3A_889, %add3A_882] : memref<64x100000xf32, #tpu.memory_space<hbm>> -> memref<8x128xf32, #tpu.memory_space<hbm>>
        %dma_start3A_891 = arith.constant 32 : i32
        %dma_start3A_892 = tpu.memref_slice %arg3[%dma_start3A_891, %add3A_882] : memref<64x100000xf32, #tpu.memory_space<hbm>> -> memref<8x128xf32, #tpu.memory_space<hbm>>
        %dma_start3A_893 = arith.constant 0 : i32
        %dma_start3A_894 = arith.constant 0 : i32
        %dma_start3A_895 = tpu.memref_slice %arg5[%dma_start3A_883, %dma_start3A_884, %dma_start3A_893, %dma_start3A_894] : memref<8x11x8x128xf32, #tpu.memory_space<vmem>> -> memref<1x1x8x128xf32, #tpu.memory_space<vmem>>
        %dma_start3A_896 = tpu.memref_squeeze %dma_start3A_895 : memref<1x1x8x128xf32, #tpu.memory_space<vmem>> -> memref<8x128xf32, #tpu.memory_space<vmem>>
        tpu.enqueue_dma source(%dma_start3A_896 : memref<8x128xf32, #tpu.memory_space<vmem>>) target(%dma_start3A_892 : memref<8x128xf32, #tpu.memory_space<hbm>>) target_semaphore(%arg6 : memref<!tpu.dma_semaphore, #tpu.memory_space<semaphore_mem>>)
        %add3A_897 = arith.constant 1280 : i32
        %add3A_898 = arith.addi %mul3A_26, %add3A_897 : i32
        %dma_start3A_899 = arith.constant 4 : i32
        %dma_start3A_900 = arith.constant 10 : i32
        %dma_start3A_901 = arith.constant 0 : i32
        %dma_start3A_902 = arith.constant 0 : i32
        %dma_start3A_903 = tpu.memref_slice %arg5[%dma_start3A_899, %dma_start3A_900, %dma_start3A_901, %dma_start3A_902] : memref<8x11x8x128xf32, #tpu.memory_space<vmem>> -> memref<1x1x8x128xf32, #tpu.memory_space<vmem>>
        %dma_start3A_904 = tpu.memref_squeeze %dma_start3A_903 : memref<1x1x8x128xf32, #tpu.memory_space<vmem>> -> memref<8x128xf32, #tpu.memory_space<vmem>>
        %dma_start3A_905 = arith.constant 32 : i32
        %dma_start3A_906 = tpu.memref_slice %arg3[%dma_start3A_905, %add3A_898] : memref<64x100000xf32, #tpu.memory_space<hbm>> -> memref<8x128xf32, #tpu.memory_space<hbm>>
        %dma_start3A_907 = arith.constant 32 : i32
        %dma_start3A_908 = tpu.memref_slice %arg3[%dma_start3A_907, %add3A_898] : memref<64x100000xf32, #tpu.memory_space<hbm>> -> memref<8x128xf32, #tpu.memory_space<hbm>>
        %dma_start3A_909 = arith.constant 0 : i32
        %dma_start3A_910 = arith.constant 0 : i32
        %dma_start3A_911 = tpu.memref_slice %arg5[%dma_start3A_899, %dma_start3A_900, %dma_start3A_909, %dma_start3A_910] : memref<8x11x8x128xf32, #tpu.memory_space<vmem>> -> memref<1x1x8x128xf32, #tpu.memory_space<vmem>>
        %dma_start3A_912 = tpu.memref_squeeze %dma_start3A_911 : memref<1x1x8x128xf32, #tpu.memory_space<vmem>> -> memref<8x128xf32, #tpu.memory_space<vmem>>
        tpu.enqueue_dma source(%dma_start3A_912 : memref<8x128xf32, #tpu.memory_space<vmem>>) target(%dma_start3A_908 : memref<8x128xf32, #tpu.memory_space<hbm>>) target_semaphore(%arg6 : memref<!tpu.dma_semaphore, #tpu.memory_space<semaphore_mem>>)
        %add3A_913 = arith.constant 0 : i32
        %add3A_914 = arith.addi %mul3A_26, %add3A_913 : i32
        %dma_start3A_915 = arith.constant 5 : i32
        %dma_start3A_916 = arith.constant 0 : i32
        %dma_start3A_917 = arith.constant 0 : i32
        %dma_start3A_918 = arith.constant 0 : i32
        %dma_start3A_919 = tpu.memref_slice %arg5[%dma_start3A_915, %dma_start3A_916, %dma_start3A_917, %dma_start3A_918] : memref<8x11x8x128xf32, #tpu.memory_space<vmem>> -> memref<1x1x8x128xf32, #tpu.memory_space<vmem>>
        %dma_start3A_920 = tpu.memref_squeeze %dma_start3A_919 : memref<1x1x8x128xf32, #tpu.memory_space<vmem>> -> memref<8x128xf32, #tpu.memory_space<vmem>>
        %dma_start3A_921 = arith.constant 40 : i32
        %dma_start3A_922 = tpu.memref_slice %arg3[%dma_start3A_921, %add3A_914] : memref<64x100000xf32, #tpu.memory_space<hbm>> -> memref<8x128xf32, #tpu.memory_space<hbm>>
        %dma_start3A_923 = arith.constant 40 : i32
        %dma_start3A_924 = tpu.memref_slice %arg3[%dma_start3A_923, %add3A_914] : memref<64x100000xf32, #tpu.memory_space<hbm>> -> memref<8x128xf32, #tpu.memory_space<hbm>>
        %dma_start3A_925 = arith.constant 0 : i32
        %dma_start3A_926 = arith.constant 0 : i32
        %dma_start3A_927 = tpu.memref_slice %arg5[%dma_start3A_915, %dma_start3A_916, %dma_start3A_925, %dma_start3A_926] : memref<8x11x8x128xf32, #tpu.memory_space<vmem>> -> memref<1x1x8x128xf32, #tpu.memory_space<vmem>>
        %dma_start3A_928 = tpu.memref_squeeze %dma_start3A_927 : memref<1x1x8x128xf32, #tpu.memory_space<vmem>> -> memref<8x128xf32, #tpu.memory_space<vmem>>
        tpu.enqueue_dma source(%dma_start3A_928 : memref<8x128xf32, #tpu.memory_space<vmem>>) target(%dma_start3A_924 : memref<8x128xf32, #tpu.memory_space<hbm>>) target_semaphore(%arg6 : memref<!tpu.dma_semaphore, #tpu.memory_space<semaphore_mem>>)
        %add3A_929 = arith.constant 128 : i32
        %add3A_930 = arith.addi %mul3A_26, %add3A_929 : i32
        %dma_start3A_931 = arith.constant 5 : i32
        %dma_start3A_932 = arith.constant 1 : i32
        %dma_start3A_933 = arith.constant 0 : i32
        %dma_start3A_934 = arith.constant 0 : i32
        %dma_start3A_935 = tpu.memref_slice %arg5[%dma_start3A_931, %dma_start3A_932, %dma_start3A_933, %dma_start3A_934] : memref<8x11x8x128xf32, #tpu.memory_space<vmem>> -> memref<1x1x8x128xf32, #tpu.memory_space<vmem>>
        %dma_start3A_936 = tpu.memref_squeeze %dma_start3A_935 : memref<1x1x8x128xf32, #tpu.memory_space<vmem>> -> memref<8x128xf32, #tpu.memory_space<vmem>>
        %dma_start3A_937 = arith.constant 40 : i32
        %dma_start3A_938 = tpu.memref_slice %arg3[%dma_start3A_937, %add3A_930] : memref<64x100000xf32, #tpu.memory_space<hbm>> -> memref<8x128xf32, #tpu.memory_space<hbm>>
        %dma_start3A_939 = arith.constant 40 : i32
        %dma_start3A_940 = tpu.memref_slice %arg3[%dma_start3A_939, %add3A_930] : memref<64x100000xf32, #tpu.memory_space<hbm>> -> memref<8x128xf32, #tpu.memory_space<hbm>>
        %dma_start3A_941 = arith.constant 0 : i32
        %dma_start3A_942 = arith.constant 0 : i32
        %dma_start3A_943 = tpu.memref_slice %arg5[%dma_start3A_931, %dma_start3A_932, %dma_start3A_941, %dma_start3A_942] : memref<8x11x8x128xf32, #tpu.memory_space<vmem>> -> memref<1x1x8x128xf32, #tpu.memory_space<vmem>>
        %dma_start3A_944 = tpu.memref_squeeze %dma_start3A_943 : memref<1x1x8x128xf32, #tpu.memory_space<vmem>> -> memref<8x128xf32, #tpu.memory_space<vmem>>
        tpu.enqueue_dma source(%dma_start3A_944 : memref<8x128xf32, #tpu.memory_space<vmem>>) target(%dma_start3A_940 : memref<8x128xf32, #tpu.memory_space<hbm>>) target_semaphore(%arg6 : memref<!tpu.dma_semaphore, #tpu.memory_space<semaphore_mem>>)
        %add3A_945 = arith.constant 256 : i32
        %add3A_946 = arith.addi %mul3A_26, %add3A_945 : i32
        %dma_start3A_947 = arith.constant 5 : i32
        %dma_start3A_948 = arith.constant 2 : i32
        %dma_start3A_949 = arith.constant 0 : i32
        %dma_start3A_950 = arith.constant 0 : i32
        %dma_start3A_951 = tpu.memref_slice %arg5[%dma_start3A_947, %dma_start3A_948, %dma_start3A_949, %dma_start3A_950] : memref<8x11x8x128xf32, #tpu.memory_space<vmem>> -> memref<1x1x8x128xf32, #tpu.memory_space<vmem>>
        %dma_start3A_952 = tpu.memref_squeeze %dma_start3A_951 : memref<1x1x8x128xf32, #tpu.memory_space<vmem>> -> memref<8x128xf32, #tpu.memory_space<vmem>>
        %dma_start3A_953 = arith.constant 40 : i32
        %dma_start3A_954 = tpu.memref_slice %arg3[%dma_start3A_953, %add3A_946] : memref<64x100000xf32, #tpu.memory_space<hbm>> -> memref<8x128xf32, #tpu.memory_space<hbm>>
        %dma_start3A_955 = arith.constant 40 : i32
        %dma_start3A_956 = tpu.memref_slice %arg3[%dma_start3A_955, %add3A_946] : memref<64x100000xf32, #tpu.memory_space<hbm>> -> memref<8x128xf32, #tpu.memory_space<hbm>>
        %dma_start3A_957 = arith.constant 0 : i32
        %dma_start3A_958 = arith.constant 0 : i32
        %dma_start3A_959 = tpu.memref_slice %arg5[%dma_start3A_947, %dma_start3A_948, %dma_start3A_957, %dma_start3A_958] : memref<8x11x8x128xf32, #tpu.memory_space<vmem>> -> memref<1x1x8x128xf32, #tpu.memory_space<vmem>>
        %dma_start3A_960 = tpu.memref_squeeze %dma_start3A_959 : memref<1x1x8x128xf32, #tpu.memory_space<vmem>> -> memref<8x128xf32, #tpu.memory_space<vmem>>
        tpu.enqueue_dma source(%dma_start3A_960 : memref<8x128xf32, #tpu.memory_space<vmem>>) target(%dma_start3A_956 : memref<8x128xf32, #tpu.memory_space<hbm>>) target_semaphore(%arg6 : memref<!tpu.dma_semaphore, #tpu.memory_space<semaphore_mem>>)
        %add3A_961 = arith.constant 384 : i32
        %add3A_962 = arith.addi %mul3A_26, %add3A_961 : i32
        %dma_start3A_963 = arith.constant 5 : i32
        %dma_start3A_964 = arith.constant 3 : i32
        %dma_start3A_965 = arith.constant 0 : i32
        %dma_start3A_966 = arith.constant 0 : i32
        %dma_start3A_967 = tpu.memref_slice %arg5[%dma_start3A_963, %dma_start3A_964, %dma_start3A_965, %dma_start3A_966] : memref<8x11x8x128xf32, #tpu.memory_space<vmem>> -> memref<1x1x8x128xf32, #tpu.memory_space<vmem>>
        %dma_start3A_968 = tpu.memref_squeeze %dma_start3A_967 : memref<1x1x8x128xf32, #tpu.memory_space<vmem>> -> memref<8x128xf32, #tpu.memory_space<vmem>>
        %dma_start3A_969 = arith.constant 40 : i32
        %dma_start3A_970 = tpu.memref_slice %arg3[%dma_start3A_969, %add3A_962] : memref<64x100000xf32, #tpu.memory_space<hbm>> -> memref<8x128xf32, #tpu.memory_space<hbm>>
        %dma_start3A_971 = arith.constant 40 : i32
        %dma_start3A_972 = tpu.memref_slice %arg3[%dma_start3A_971, %add3A_962] : memref<64x100000xf32, #tpu.memory_space<hbm>> -> memref<8x128xf32, #tpu.memory_space<hbm>>
        %dma_start3A_973 = arith.constant 0 : i32
        %dma_start3A_974 = arith.constant 0 : i32
        %dma_start3A_975 = tpu.memref_slice %arg5[%dma_start3A_963, %dma_start3A_964, %dma_start3A_973, %dma_start3A_974] : memref<8x11x8x128xf32, #tpu.memory_space<vmem>> -> memref<1x1x8x128xf32, #tpu.memory_space<vmem>>
        %dma_start3A_976 = tpu.memref_squeeze %dma_start3A_975 : memref<1x1x8x128xf32, #tpu.memory_space<vmem>> -> memref<8x128xf32, #tpu.memory_space<vmem>>
        tpu.enqueue_dma source(%dma_start3A_976 : memref<8x128xf32, #tpu.memory_space<vmem>>) target(%dma_start3A_972 : memref<8x128xf32, #tpu.memory_space<hbm>>) target_semaphore(%arg6 : memref<!tpu.dma_semaphore, #tpu.memory_space<semaphore_mem>>)
        %add3A_977 = arith.constant 512 : i32
        %add3A_978 = arith.addi %mul3A_26, %add3A_977 : i32
        %dma_start3A_979 = arith.constant 5 : i32
        %dma_start3A_980 = arith.constant 4 : i32
        %dma_start3A_981 = arith.constant 0 : i32
        %dma_start3A_982 = arith.constant 0 : i32
        %dma_start3A_983 = tpu.memref_slice %arg5[%dma_start3A_979, %dma_start3A_980, %dma_start3A_981, %dma_start3A_982] : memref<8x11x8x128xf32, #tpu.memory_space<vmem>> -> memref<1x1x8x128xf32, #tpu.memory_space<vmem>>
        %dma_start3A_984 = tpu.memref_squeeze %dma_start3A_983 : memref<1x1x8x128xf32, #tpu.memory_space<vmem>> -> memref<8x128xf32, #tpu.memory_space<vmem>>
        %dma_start3A_985 = arith.constant 40 : i32
        %dma_start3A_986 = tpu.memref_slice %arg3[%dma_start3A_985, %add3A_978] : memref<64x100000xf32, #tpu.memory_space<hbm>> -> memref<8x128xf32, #tpu.memory_space<hbm>>
        %dma_start3A_987 = arith.constant 40 : i32
        %dma_start3A_988 = tpu.memref_slice %arg3[%dma_start3A_987, %add3A_978] : memref<64x100000xf32, #tpu.memory_space<hbm>> -> memref<8x128xf32, #tpu.memory_space<hbm>>
        %dma_start3A_989 = arith.constant 0 : i32
        %dma_start3A_990 = arith.constant 0 : i32
        %dma_start3A_991 = tpu.memref_slice %arg5[%dma_start3A_979, %dma_start3A_980, %dma_start3A_989, %dma_start3A_990] : memref<8x11x8x128xf32, #tpu.memory_space<vmem>> -> memref<1x1x8x128xf32, #tpu.memory_space<vmem>>
        %dma_start3A_992 = tpu.memref_squeeze %dma_start3A_991 : memref<1x1x8x128xf32, #tpu.memory_space<vmem>> -> memref<8x128xf32, #tpu.memory_space<vmem>>
        tpu.enqueue_dma source(%dma_start3A_992 : memref<8x128xf32, #tpu.memory_space<vmem>>) target(%dma_start3A_988 : memref<8x128xf32, #tpu.memory_space<hbm>>) target_semaphore(%arg6 : memref<!tpu.dma_semaphore, #tpu.memory_space<semaphore_mem>>)
        %add3A_993 = arith.constant 640 : i32
        %add3A_994 = arith.addi %mul3A_26, %add3A_993 : i32
        %dma_start3A_995 = arith.constant 5 : i32
        %dma_start3A_996 = arith.constant 5 : i32
        %dma_start3A_997 = arith.constant 0 : i32
        %dma_start3A_998 = arith.constant 0 : i32
        %dma_start3A_999 = tpu.memref_slice %arg5[%dma_start3A_995, %dma_start3A_996, %dma_start3A_997, %dma_start3A_998] : memref<8x11x8x128xf32, #tpu.memory_space<vmem>> -> memref<1x1x8x128xf32, #tpu.memory_space<vmem>>
        %dma_start3A_1000 = tpu.memref_squeeze %dma_start3A_999 : memref<1x1x8x128xf32, #tpu.memory_space<vmem>> -> memref<8x128xf32, #tpu.memory_space<vmem>>
        %dma_start3A_1001 = arith.constant 40 : i32
        %dma_start3A_1002 = tpu.memref_slice %arg3[%dma_start3A_1001, %add3A_994] : memref<64x100000xf32, #tpu.memory_space<hbm>> -> memref<8x128xf32, #tpu.memory_space<hbm>>
        %dma_start3A_1003 = arith.constant 40 : i32
        %dma_start3A_1004 = tpu.memref_slice %arg3[%dma_start3A_1003, %add3A_994] : memref<64x100000xf32, #tpu.memory_space<hbm>> -> memref<8x128xf32, #tpu.memory_space<hbm>>
        %dma_start3A_1005 = arith.constant 0 : i32
        %dma_start3A_1006 = arith.constant 0 : i32
        %dma_start3A_1007 = tpu.memref_slice %arg5[%dma_start3A_995, %dma_start3A_996, %dma_start3A_1005, %dma_start3A_1006] : memref<8x11x8x128xf32, #tpu.memory_space<vmem>> -> memref<1x1x8x128xf32, #tpu.memory_space<vmem>>
        %dma_start3A_1008 = tpu.memref_squeeze %dma_start3A_1007 : memref<1x1x8x128xf32, #tpu.memory_space<vmem>> -> memref<8x128xf32, #tpu.memory_space<vmem>>
        tpu.enqueue_dma source(%dma_start3A_1008 : memref<8x128xf32, #tpu.memory_space<vmem>>) target(%dma_start3A_1004 : memref<8x128xf32, #tpu.memory_space<hbm>>) target_semaphore(%arg6 : memref<!tpu.dma_semaphore, #tpu.memory_space<semaphore_mem>>)
        %add3A_1009 = arith.constant 768 : i32
        %add3A_1010 = arith.addi %mul3A_26, %add3A_1009 : i32
        %dma_start3A_1011 = arith.constant 5 : i32
        %dma_start3A_1012 = arith.constant 6 : i32
        %dma_start3A_1013 = arith.constant 0 : i32
        %dma_start3A_1014 = arith.constant 0 : i32
        %dma_start3A_1015 = tpu.memref_slice %arg5[%dma_start3A_1011, %dma_start3A_1012, %dma_start3A_1013, %dma_start3A_1014] : memref<8x11x8x128xf32, #tpu.memory_space<vmem>> -> memref<1x1x8x128xf32, #tpu.memory_space<vmem>>
        %dma_start3A_1016 = tpu.memref_squeeze %dma_start3A_1015 : memref<1x1x8x128xf32, #tpu.memory_space<vmem>> -> memref<8x128xf32, #tpu.memory_space<vmem>>
        %dma_start3A_1017 = arith.constant 40 : i32
        %dma_start3A_1018 = tpu.memref_slice %arg3[%dma_start3A_1017, %add3A_1010] : memref<64x100000xf32, #tpu.memory_space<hbm>> -> memref<8x128xf32, #tpu.memory_space<hbm>>
        %dma_start3A_1019 = arith.constant 40 : i32
        %dma_start3A_1020 = tpu.memref_slice %arg3[%dma_start3A_1019, %add3A_1010] : memref<64x100000xf32, #tpu.memory_space<hbm>> -> memref<8x128xf32, #tpu.memory_space<hbm>>
        %dma_start3A_1021 = arith.constant 0 : i32
        %dma_start3A_1022 = arith.constant 0 : i32
        %dma_start3A_1023 = tpu.memref_slice %arg5[%dma_start3A_1011, %dma_start3A_1012, %dma_start3A_1021, %dma_start3A_1022] : memref<8x11x8x128xf32, #tpu.memory_space<vmem>> -> memref<1x1x8x128xf32, #tpu.memory_space<vmem>>
        %dma_start3A_1024 = tpu.memref_squeeze %dma_start3A_1023 : memref<1x1x8x128xf32, #tpu.memory_space<vmem>> -> memref<8x128xf32, #tpu.memory_space<vmem>>
        tpu.enqueue_dma source(%dma_start3A_1024 : memref<8x128xf32, #tpu.memory_space<vmem>>) target(%dma_start3A_1020 : memref<8x128xf32, #tpu.memory_space<hbm>>) target_semaphore(%arg6 : memref<!tpu.dma_semaphore, #tpu.memory_space<semaphore_mem>>)
        %add3A_1025 = arith.constant 896 : i32
        %add3A_1026 = arith.addi %mul3A_26, %add3A_1025 : i32
        %dma_start3A_1027 = arith.constant 5 : i32
        %dma_start3A_1028 = arith.constant 7 : i32
        %dma_start3A_1029 = arith.constant 0 : i32
        %dma_start3A_1030 = arith.constant 0 : i32
        %dma_start3A_1031 = tpu.memref_slice %arg5[%dma_start3A_1027, %dma_start3A_1028, %dma_start3A_1029, %dma_start3A_1030] : memref<8x11x8x128xf32, #tpu.memory_space<vmem>> -> memref<1x1x8x128xf32, #tpu.memory_space<vmem>>
        %dma_start3A_1032 = tpu.memref_squeeze %dma_start3A_1031 : memref<1x1x8x128xf32, #tpu.memory_space<vmem>> -> memref<8x128xf32, #tpu.memory_space<vmem>>
        %dma_start3A_1033 = arith.constant 40 : i32
        %dma_start3A_1034 = tpu.memref_slice %arg3[%dma_start3A_1033, %add3A_1026] : memref<64x100000xf32, #tpu.memory_space<hbm>> -> memref<8x128xf32, #tpu.memory_space<hbm>>
        %dma_start3A_1035 = arith.constant 40 : i32
        %dma_start3A_1036 = tpu.memref_slice %arg3[%dma_start3A_1035, %add3A_1026] : memref<64x100000xf32, #tpu.memory_space<hbm>> -> memref<8x128xf32, #tpu.memory_space<hbm>>
        %dma_start3A_1037 = arith.constant 0 : i32
        %dma_start3A_1038 = arith.constant 0 : i32
        %dma_start3A_1039 = tpu.memref_slice %arg5[%dma_start3A_1027, %dma_start3A_1028, %dma_start3A_1037, %dma_start3A_1038] : memref<8x11x8x128xf32, #tpu.memory_space<vmem>> -> memref<1x1x8x128xf32, #tpu.memory_space<vmem>>
        %dma_start3A_1040 = tpu.memref_squeeze %dma_start3A_1039 : memref<1x1x8x128xf32, #tpu.memory_space<vmem>> -> memref<8x128xf32, #tpu.memory_space<vmem>>
        tpu.enqueue_dma source(%dma_start3A_1040 : memref<8x128xf32, #tpu.memory_space<vmem>>) target(%dma_start3A_1036 : memref<8x128xf32, #tpu.memory_space<hbm>>) target_semaphore(%arg6 : memref<!tpu.dma_semaphore, #tpu.memory_space<semaphore_mem>>)
        %add3A_1041 = arith.constant 1024 : i32
        %add3A_1042 = arith.addi %mul3A_26, %add3A_1041 : i32
        %dma_start3A_1043 = arith.constant 5 : i32
        %dma_start3A_1044 = arith.constant 8 : i32
        %dma_start3A_1045 = arith.constant 0 : i32
        %dma_start3A_1046 = arith.constant 0 : i32
        %dma_start3A_1047 = tpu.memref_slice %arg5[%dma_start3A_1043, %dma_start3A_1044, %dma_start3A_1045, %dma_start3A_1046] : memref<8x11x8x128xf32, #tpu.memory_space<vmem>> -> memref<1x1x8x128xf32, #tpu.memory_space<vmem>>
        %dma_start3A_1048 = tpu.memref_squeeze %dma_start3A_1047 : memref<1x1x8x128xf32, #tpu.memory_space<vmem>> -> memref<8x128xf32, #tpu.memory_space<vmem>>
        %dma_start3A_1049 = arith.constant 40 : i32
        %dma_start3A_1050 = tpu.memref_slice %arg3[%dma_start3A_1049, %add3A_1042] : memref<64x100000xf32, #tpu.memory_space<hbm>> -> memref<8x128xf32, #tpu.memory_space<hbm>>
        %dma_start3A_1051 = arith.constant 40 : i32
        %dma_start3A_1052 = tpu.memref_slice %arg3[%dma_start3A_1051, %add3A_1042] : memref<64x100000xf32, #tpu.memory_space<hbm>> -> memref<8x128xf32, #tpu.memory_space<hbm>>
        %dma_start3A_1053 = arith.constant 0 : i32
        %dma_start3A_1054 = arith.constant 0 : i32
        %dma_start3A_1055 = tpu.memref_slice %arg5[%dma_start3A_1043, %dma_start3A_1044, %dma_start3A_1053, %dma_start3A_1054] : memref<8x11x8x128xf32, #tpu.memory_space<vmem>> -> memref<1x1x8x128xf32, #tpu.memory_space<vmem>>
        %dma_start3A_1056 = tpu.memref_squeeze %dma_start3A_1055 : memref<1x1x8x128xf32, #tpu.memory_space<vmem>> -> memref<8x128xf32, #tpu.memory_space<vmem>>
        tpu.enqueue_dma source(%dma_start3A_1056 : memref<8x128xf32, #tpu.memory_space<vmem>>) target(%dma_start3A_1052 : memref<8x128xf32, #tpu.memory_space<hbm>>) target_semaphore(%arg6 : memref<!tpu.dma_semaphore, #tpu.memory_space<semaphore_mem>>)
        %add3A_1057 = arith.constant 1152 : i32
        %add3A_1058 = arith.addi %mul3A_26, %add3A_1057 : i32
        %dma_start3A_1059 = arith.constant 5 : i32
        %dma_start3A_1060 = arith.constant 9 : i32
        %dma_start3A_1061 = arith.constant 0 : i32
        %dma_start3A_1062 = arith.constant 0 : i32
        %dma_start3A_1063 = tpu.memref_slice %arg5[%dma_start3A_1059, %dma_start3A_1060, %dma_start3A_1061, %dma_start3A_1062] : memref<8x11x8x128xf32, #tpu.memory_space<vmem>> -> memref<1x1x8x128xf32, #tpu.memory_space<vmem>>
        %dma_start3A_1064 = tpu.memref_squeeze %dma_start3A_1063 : memref<1x1x8x128xf32, #tpu.memory_space<vmem>> -> memref<8x128xf32, #tpu.memory_space<vmem>>
        %dma_start3A_1065 = arith.constant 40 : i32
        %dma_start3A_1066 = tpu.memref_slice %arg3[%dma_start3A_1065, %add3A_1058] : memref<64x100000xf32, #tpu.memory_space<hbm>> -> memref<8x128xf32, #tpu.memory_space<hbm>>
        %dma_start3A_1067 = arith.constant 40 : i32
        %dma_start3A_1068 = tpu.memref_slice %arg3[%dma_start3A_1067, %add3A_1058] : memref<64x100000xf32, #tpu.memory_space<hbm>> -> memref<8x128xf32, #tpu.memory_space<hbm>>
        %dma_start3A_1069 = arith.constant 0 : i32
        %dma_start3A_1070 = arith.constant 0 : i32
        %dma_start3A_1071 = tpu.memref_slice %arg5[%dma_start3A_1059, %dma_start3A_1060, %dma_start3A_1069, %dma_start3A_1070] : memref<8x11x8x128xf32, #tpu.memory_space<vmem>> -> memref<1x1x8x128xf32, #tpu.memory_space<vmem>>
        %dma_start3A_1072 = tpu.memref_squeeze %dma_start3A_1071 : memref<1x1x8x128xf32, #tpu.memory_space<vmem>> -> memref<8x128xf32, #tpu.memory_space<vmem>>
        tpu.enqueue_dma source(%dma_start3A_1072 : memref<8x128xf32, #tpu.memory_space<vmem>>) target(%dma_start3A_1068 : memref<8x128xf32, #tpu.memory_space<hbm>>) target_semaphore(%arg6 : memref<!tpu.dma_semaphore, #tpu.memory_space<semaphore_mem>>)
        %add3A_1073 = arith.constant 1280 : i32
        %add3A_1074 = arith.addi %mul3A_26, %add3A_1073 : i32
        %dma_start3A_1075 = arith.constant 5 : i32
        %dma_start3A_1076 = arith.constant 10 : i32
        %dma_start3A_1077 = arith.constant 0 : i32
        %dma_start3A_1078 = arith.constant 0 : i32
        %dma_start3A_1079 = tpu.memref_slice %arg5[%dma_start3A_1075, %dma_start3A_1076, %dma_start3A_1077, %dma_start3A_1078] : memref<8x11x8x128xf32, #tpu.memory_space<vmem>> -> memref<1x1x8x128xf32, #tpu.memory_space<vmem>>
        %dma_start3A_1080 = tpu.memref_squeeze %dma_start3A_1079 : memref<1x1x8x128xf32, #tpu.memory_space<vmem>> -> memref<8x128xf32, #tpu.memory_space<vmem>>
        %dma_start3A_1081 = arith.constant 40 : i32
        %dma_start3A_1082 = tpu.memref_slice %arg3[%dma_start3A_1081, %add3A_1074] : memref<64x100000xf32, #tpu.memory_space<hbm>> -> memref<8x128xf32, #tpu.memory_space<hbm>>
        %dma_start3A_1083 = arith.constant 40 : i32
        %dma_start3A_1084 = tpu.memref_slice %arg3[%dma_start3A_1083, %add3A_1074] : memref<64x100000xf32, #tpu.memory_space<hbm>> -> memref<8x128xf32, #tpu.memory_space<hbm>>
        %dma_start3A_1085 = arith.constant 0 : i32
        %dma_start3A_1086 = arith.constant 0 : i32
        %dma_start3A_1087 = tpu.memref_slice %arg5[%dma_start3A_1075, %dma_start3A_1076, %dma_start3A_1085, %dma_start3A_1086] : memref<8x11x8x128xf32, #tpu.memory_space<vmem>> -> memref<1x1x8x128xf32, #tpu.memory_space<vmem>>
        %dma_start3A_1088 = tpu.memref_squeeze %dma_start3A_1087 : memref<1x1x8x128xf32, #tpu.memory_space<vmem>> -> memref<8x128xf32, #tpu.memory_space<vmem>>
        tpu.enqueue_dma source(%dma_start3A_1088 : memref<8x128xf32, #tpu.memory_space<vmem>>) target(%dma_start3A_1084 : memref<8x128xf32, #tpu.memory_space<hbm>>) target_semaphore(%arg6 : memref<!tpu.dma_semaphore, #tpu.memory_space<semaphore_mem>>)
        %add3A_1089 = arith.constant 0 : i32
        %add3A_1090 = arith.addi %mul3A_26, %add3A_1089 : i32
        %dma_start3A_1091 = arith.constant 6 : i32
        %dma_start3A_1092 = arith.constant 0 : i32
        %dma_start3A_1093 = arith.constant 0 : i32
        %dma_start3A_1094 = arith.constant 0 : i32
        %dma_start3A_1095 = tpu.memref_slice %arg5[%dma_start3A_1091, %dma_start3A_1092, %dma_start3A_1093, %dma_start3A_1094] : memref<8x11x8x128xf32, #tpu.memory_space<vmem>> -> memref<1x1x8x128xf32, #tpu.memory_space<vmem>>
        %dma_start3A_1096 = tpu.memref_squeeze %dma_start3A_1095 : memref<1x1x8x128xf32, #tpu.memory_space<vmem>> -> memref<8x128xf32, #tpu.memory_space<vmem>>
        %dma_start3A_1097 = arith.constant 48 : i32
        %dma_start3A_1098 = tpu.memref_slice %arg3[%dma_start3A_1097, %add3A_1090] : memref<64x100000xf32, #tpu.memory_space<hbm>> -> memref<8x128xf32, #tpu.memory_space<hbm>>
        %dma_start3A_1099 = arith.constant 48 : i32
        %dma_start3A_1100 = tpu.memref_slice %arg3[%dma_start3A_1099, %add3A_1090] : memref<64x100000xf32, #tpu.memory_space<hbm>> -> memref<8x128xf32, #tpu.memory_space<hbm>>
        %dma_start3A_1101 = arith.constant 0 : i32
        %dma_start3A_1102 = arith.constant 0 : i32
        %dma_start3A_1103 = tpu.memref_slice %arg5[%dma_start3A_1091, %dma_start3A_1092, %dma_start3A_1101, %dma_start3A_1102] : memref<8x11x8x128xf32, #tpu.memory_space<vmem>> -> memref<1x1x8x128xf32, #tpu.memory_space<vmem>>
        %dma_start3A_1104 = tpu.memref_squeeze %dma_start3A_1103 : memref<1x1x8x128xf32, #tpu.memory_space<vmem>> -> memref<8x128xf32, #tpu.memory_space<vmem>>
        tpu.enqueue_dma source(%dma_start3A_1104 : memref<8x128xf32, #tpu.memory_space<vmem>>) target(%dma_start3A_1100 : memref<8x128xf32, #tpu.memory_space<hbm>>) target_semaphore(%arg6 : memref<!tpu.dma_semaphore, #tpu.memory_space<semaphore_mem>>)
        %add3A_1105 = arith.constant 128 : i32
        %add3A_1106 = arith.addi %mul3A_26, %add3A_1105 : i32
        %dma_start3A_1107 = arith.constant 6 : i32
        %dma_start3A_1108 = arith.constant 1 : i32
        %dma_start3A_1109 = arith.constant 0 : i32
        %dma_start3A_1110 = arith.constant 0 : i32
        %dma_start3A_1111 = tpu.memref_slice %arg5[%dma_start3A_1107, %dma_start3A_1108, %dma_start3A_1109, %dma_start3A_1110] : memref<8x11x8x128xf32, #tpu.memory_space<vmem>> -> memref<1x1x8x128xf32, #tpu.memory_space<vmem>>
        %dma_start3A_1112 = tpu.memref_squeeze %dma_start3A_1111 : memref<1x1x8x128xf32, #tpu.memory_space<vmem>> -> memref<8x128xf32, #tpu.memory_space<vmem>>
        %dma_start3A_1113 = arith.constant 48 : i32
        %dma_start3A_1114 = tpu.memref_slice %arg3[%dma_start3A_1113, %add3A_1106] : memref<64x100000xf32, #tpu.memory_space<hbm>> -> memref<8x128xf32, #tpu.memory_space<hbm>>
        %dma_start3A_1115 = arith.constant 48 : i32
        %dma_start3A_1116 = tpu.memref_slice %arg3[%dma_start3A_1115, %add3A_1106] : memref<64x100000xf32, #tpu.memory_space<hbm>> -> memref<8x128xf32, #tpu.memory_space<hbm>>
        %dma_start3A_1117 = arith.constant 0 : i32
        %dma_start3A_1118 = arith.constant 0 : i32
        %dma_start3A_1119 = tpu.memref_slice %arg5[%dma_start3A_1107, %dma_start3A_1108, %dma_start3A_1117, %dma_start3A_1118] : memref<8x11x8x128xf32, #tpu.memory_space<vmem>> -> memref<1x1x8x128xf32, #tpu.memory_space<vmem>>
        %dma_start3A_1120 = tpu.memref_squeeze %dma_start3A_1119 : memref<1x1x8x128xf32, #tpu.memory_space<vmem>> -> memref<8x128xf32, #tpu.memory_space<vmem>>
        tpu.enqueue_dma source(%dma_start3A_1120 : memref<8x128xf32, #tpu.memory_space<vmem>>) target(%dma_start3A_1116 : memref<8x128xf32, #tpu.memory_space<hbm>>) target_semaphore(%arg6 : memref<!tpu.dma_semaphore, #tpu.memory_space<semaphore_mem>>)
        %add3A_1121 = arith.constant 256 : i32
        %add3A_1122 = arith.addi %mul3A_26, %add3A_1121 : i32
        %dma_start3A_1123 = arith.constant 6 : i32
        %dma_start3A_1124 = arith.constant 2 : i32
        %dma_start3A_1125 = arith.constant 0 : i32
        %dma_start3A_1126 = arith.constant 0 : i32
        %dma_start3A_1127 = tpu.memref_slice %arg5[%dma_start3A_1123, %dma_start3A_1124, %dma_start3A_1125, %dma_start3A_1126] : memref<8x11x8x128xf32, #tpu.memory_space<vmem>> -> memref<1x1x8x128xf32, #tpu.memory_space<vmem>>
        %dma_start3A_1128 = tpu.memref_squeeze %dma_start3A_1127 : memref<1x1x8x128xf32, #tpu.memory_space<vmem>> -> memref<8x128xf32, #tpu.memory_space<vmem>>
        %dma_start3A_1129 = arith.constant 48 : i32
        %dma_start3A_1130 = tpu.memref_slice %arg3[%dma_start3A_1129, %add3A_1122] : memref<64x100000xf32, #tpu.memory_space<hbm>> -> memref<8x128xf32, #tpu.memory_space<hbm>>
        %dma_start3A_1131 = arith.constant 48 : i32
        %dma_start3A_1132 = tpu.memref_slice %arg3[%dma_start3A_1131, %add3A_1122] : memref<64x100000xf32, #tpu.memory_space<hbm>> -> memref<8x128xf32, #tpu.memory_space<hbm>>
        %dma_start3A_1133 = arith.constant 0 : i32
        %dma_start3A_1134 = arith.constant 0 : i32
        %dma_start3A_1135 = tpu.memref_slice %arg5[%dma_start3A_1123, %dma_start3A_1124, %dma_start3A_1133, %dma_start3A_1134] : memref<8x11x8x128xf32, #tpu.memory_space<vmem>> -> memref<1x1x8x128xf32, #tpu.memory_space<vmem>>
        %dma_start3A_1136 = tpu.memref_squeeze %dma_start3A_1135 : memref<1x1x8x128xf32, #tpu.memory_space<vmem>> -> memref<8x128xf32, #tpu.memory_space<vmem>>
        tpu.enqueue_dma source(%dma_start3A_1136 : memref<8x128xf32, #tpu.memory_space<vmem>>) target(%dma_start3A_1132 : memref<8x128xf32, #tpu.memory_space<hbm>>) target_semaphore(%arg6 : memref<!tpu.dma_semaphore, #tpu.memory_space<semaphore_mem>>)
        %add3A_1137 = arith.constant 384 : i32
        %add3A_1138 = arith.addi %mul3A_26, %add3A_1137 : i32
        %dma_start3A_1139 = arith.constant 6 : i32
        %dma_start3A_1140 = arith.constant 3 : i32
        %dma_start3A_1141 = arith.constant 0 : i32
        %dma_start3A_1142 = arith.constant 0 : i32
        %dma_start3A_1143 = tpu.memref_slice %arg5[%dma_start3A_1139, %dma_start3A_1140, %dma_start3A_1141, %dma_start3A_1142] : memref<8x11x8x128xf32, #tpu.memory_space<vmem>> -> memref<1x1x8x128xf32, #tpu.memory_space<vmem>>
        %dma_start3A_1144 = tpu.memref_squeeze %dma_start3A_1143 : memref<1x1x8x128xf32, #tpu.memory_space<vmem>> -> memref<8x128xf32, #tpu.memory_space<vmem>>
        %dma_start3A_1145 = arith.constant 48 : i32
        %dma_start3A_1146 = tpu.memref_slice %arg3[%dma_start3A_1145, %add3A_1138] : memref<64x100000xf32, #tpu.memory_space<hbm>> -> memref<8x128xf32, #tpu.memory_space<hbm>>
        %dma_start3A_1147 = arith.constant 48 : i32
        %dma_start3A_1148 = tpu.memref_slice %arg3[%dma_start3A_1147, %add3A_1138] : memref<64x100000xf32, #tpu.memory_space<hbm>> -> memref<8x128xf32, #tpu.memory_space<hbm>>
        %dma_start3A_1149 = arith.constant 0 : i32
        %dma_start3A_1150 = arith.constant 0 : i32
        %dma_start3A_1151 = tpu.memref_slice %arg5[%dma_start3A_1139, %dma_start3A_1140, %dma_start3A_1149, %dma_start3A_1150] : memref<8x11x8x128xf32, #tpu.memory_space<vmem>> -> memref<1x1x8x128xf32, #tpu.memory_space<vmem>>
        %dma_start3A_1152 = tpu.memref_squeeze %dma_start3A_1151 : memref<1x1x8x128xf32, #tpu.memory_space<vmem>> -> memref<8x128xf32, #tpu.memory_space<vmem>>
        tpu.enqueue_dma source(%dma_start3A_1152 : memref<8x128xf32, #tpu.memory_space<vmem>>) target(%dma_start3A_1148 : memref<8x128xf32, #tpu.memory_space<hbm>>) target_semaphore(%arg6 : memref<!tpu.dma_semaphore, #tpu.memory_space<semaphore_mem>>)
        %add3A_1153 = arith.constant 512 : i32
        %add3A_1154 = arith.addi %mul3A_26, %add3A_1153 : i32
        %dma_start3A_1155 = arith.constant 6 : i32
        %dma_start3A_1156 = arith.constant 4 : i32
        %dma_start3A_1157 = arith.constant 0 : i32
        %dma_start3A_1158 = arith.constant 0 : i32
        %dma_start3A_1159 = tpu.memref_slice %arg5[%dma_start3A_1155, %dma_start3A_1156, %dma_start3A_1157, %dma_start3A_1158] : memref<8x11x8x128xf32, #tpu.memory_space<vmem>> -> memref<1x1x8x128xf32, #tpu.memory_space<vmem>>
        %dma_start3A_1160 = tpu.memref_squeeze %dma_start3A_1159 : memref<1x1x8x128xf32, #tpu.memory_space<vmem>> -> memref<8x128xf32, #tpu.memory_space<vmem>>
        %dma_start3A_1161 = arith.constant 48 : i32
        %dma_start3A_1162 = tpu.memref_slice %arg3[%dma_start3A_1161, %add3A_1154] : memref<64x100000xf32, #tpu.memory_space<hbm>> -> memref<8x128xf32, #tpu.memory_space<hbm>>
        %dma_start3A_1163 = arith.constant 48 : i32
        %dma_start3A_1164 = tpu.memref_slice %arg3[%dma_start3A_1163, %add3A_1154] : memref<64x100000xf32, #tpu.memory_space<hbm>> -> memref<8x128xf32, #tpu.memory_space<hbm>>
        %dma_start3A_1165 = arith.constant 0 : i32
        %dma_start3A_1166 = arith.constant 0 : i32
        %dma_start3A_1167 = tpu.memref_slice %arg5[%dma_start3A_1155, %dma_start3A_1156, %dma_start3A_1165, %dma_start3A_1166] : memref<8x11x8x128xf32, #tpu.memory_space<vmem>> -> memref<1x1x8x128xf32, #tpu.memory_space<vmem>>
        %dma_start3A_1168 = tpu.memref_squeeze %dma_start3A_1167 : memref<1x1x8x128xf32, #tpu.memory_space<vmem>> -> memref<8x128xf32, #tpu.memory_space<vmem>>
        tpu.enqueue_dma source(%dma_start3A_1168 : memref<8x128xf32, #tpu.memory_space<vmem>>) target(%dma_start3A_1164 : memref<8x128xf32, #tpu.memory_space<hbm>>) target_semaphore(%arg6 : memref<!tpu.dma_semaphore, #tpu.memory_space<semaphore_mem>>)
        %add3A_1169 = arith.constant 640 : i32
        %add3A_1170 = arith.addi %mul3A_26, %add3A_1169 : i32
        %dma_start3A_1171 = arith.constant 6 : i32
        %dma_start3A_1172 = arith.constant 5 : i32
        %dma_start3A_1173 = arith.constant 0 : i32
        %dma_start3A_1174 = arith.constant 0 : i32
        %dma_start3A_1175 = tpu.memref_slice %arg5[%dma_start3A_1171, %dma_start3A_1172, %dma_start3A_1173, %dma_start3A_1174] : memref<8x11x8x128xf32, #tpu.memory_space<vmem>> -> memref<1x1x8x128xf32, #tpu.memory_space<vmem>>
        %dma_start3A_1176 = tpu.memref_squeeze %dma_start3A_1175 : memref<1x1x8x128xf32, #tpu.memory_space<vmem>> -> memref<8x128xf32, #tpu.memory_space<vmem>>
        %dma_start3A_1177 = arith.constant 48 : i32
        %dma_start3A_1178 = tpu.memref_slice %arg3[%dma_start3A_1177, %add3A_1170] : memref<64x100000xf32, #tpu.memory_space<hbm>> -> memref<8x128xf32, #tpu.memory_space<hbm>>
        %dma_start3A_1179 = arith.constant 48 : i32
        %dma_start3A_1180 = tpu.memref_slice %arg3[%dma_start3A_1179, %add3A_1170] : memref<64x100000xf32, #tpu.memory_space<hbm>> -> memref<8x128xf32, #tpu.memory_space<hbm>>
        %dma_start3A_1181 = arith.constant 0 : i32
        %dma_start3A_1182 = arith.constant 0 : i32
        %dma_start3A_1183 = tpu.memref_slice %arg5[%dma_start3A_1171, %dma_start3A_1172, %dma_start3A_1181, %dma_start3A_1182] : memref<8x11x8x128xf32, #tpu.memory_space<vmem>> -> memref<1x1x8x128xf32, #tpu.memory_space<vmem>>
        %dma_start3A_1184 = tpu.memref_squeeze %dma_start3A_1183 : memref<1x1x8x128xf32, #tpu.memory_space<vmem>> -> memref<8x128xf32, #tpu.memory_space<vmem>>
        tpu.enqueue_dma source(%dma_start3A_1184 : memref<8x128xf32, #tpu.memory_space<vmem>>) target(%dma_start3A_1180 : memref<8x128xf32, #tpu.memory_space<hbm>>) target_semaphore(%arg6 : memref<!tpu.dma_semaphore, #tpu.memory_space<semaphore_mem>>)
        %add3A_1185 = arith.constant 768 : i32
        %add3A_1186 = arith.addi %mul3A_26, %add3A_1185 : i32
        %dma_start3A_1187 = arith.constant 6 : i32
        %dma_start3A_1188 = arith.constant 6 : i32
        %dma_start3A_1189 = arith.constant 0 : i32
        %dma_start3A_1190 = arith.constant 0 : i32
        %dma_start3A_1191 = tpu.memref_slice %arg5[%dma_start3A_1187, %dma_start3A_1188, %dma_start3A_1189, %dma_start3A_1190] : memref<8x11x8x128xf32, #tpu.memory_space<vmem>> -> memref<1x1x8x128xf32, #tpu.memory_space<vmem>>
        %dma_start3A_1192 = tpu.memref_squeeze %dma_start3A_1191 : memref<1x1x8x128xf32, #tpu.memory_space<vmem>> -> memref<8x128xf32, #tpu.memory_space<vmem>>
        %dma_start3A_1193 = arith.constant 48 : i32
        %dma_start3A_1194 = tpu.memref_slice %arg3[%dma_start3A_1193, %add3A_1186] : memref<64x100000xf32, #tpu.memory_space<hbm>> -> memref<8x128xf32, #tpu.memory_space<hbm>>
        %dma_start3A_1195 = arith.constant 48 : i32
        %dma_start3A_1196 = tpu.memref_slice %arg3[%dma_start3A_1195, %add3A_1186] : memref<64x100000xf32, #tpu.memory_space<hbm>> -> memref<8x128xf32, #tpu.memory_space<hbm>>
        %dma_start3A_1197 = arith.constant 0 : i32
        %dma_start3A_1198 = arith.constant 0 : i32
        %dma_start3A_1199 = tpu.memref_slice %arg5[%dma_start3A_1187, %dma_start3A_1188, %dma_start3A_1197, %dma_start3A_1198] : memref<8x11x8x128xf32, #tpu.memory_space<vmem>> -> memref<1x1x8x128xf32, #tpu.memory_space<vmem>>
        %dma_start3A_1200 = tpu.memref_squeeze %dma_start3A_1199 : memref<1x1x8x128xf32, #tpu.memory_space<vmem>> -> memref<8x128xf32, #tpu.memory_space<vmem>>
        tpu.enqueue_dma source(%dma_start3A_1200 : memref<8x128xf32, #tpu.memory_space<vmem>>) target(%dma_start3A_1196 : memref<8x128xf32, #tpu.memory_space<hbm>>) target_semaphore(%arg6 : memref<!tpu.dma_semaphore, #tpu.memory_space<semaphore_mem>>)
        %add3A_1201 = arith.constant 896 : i32
        %add3A_1202 = arith.addi %mul3A_26, %add3A_1201 : i32
        %dma_start3A_1203 = arith.constant 6 : i32
        %dma_start3A_1204 = arith.constant 7 : i32
        %dma_start3A_1205 = arith.constant 0 : i32
        %dma_start3A_1206 = arith.constant 0 : i32
        %dma_start3A_1207 = tpu.memref_slice %arg5[%dma_start3A_1203, %dma_start3A_1204, %dma_start3A_1205, %dma_start3A_1206] : memref<8x11x8x128xf32, #tpu.memory_space<vmem>> -> memref<1x1x8x128xf32, #tpu.memory_space<vmem>>
        %dma_start3A_1208 = tpu.memref_squeeze %dma_start3A_1207 : memref<1x1x8x128xf32, #tpu.memory_space<vmem>> -> memref<8x128xf32, #tpu.memory_space<vmem>>
        %dma_start3A_1209 = arith.constant 48 : i32
        %dma_start3A_1210 = tpu.memref_slice %arg3[%dma_start3A_1209, %add3A_1202] : memref<64x100000xf32, #tpu.memory_space<hbm>> -> memref<8x128xf32, #tpu.memory_space<hbm>>
        %dma_start3A_1211 = arith.constant 48 : i32
        %dma_start3A_1212 = tpu.memref_slice %arg3[%dma_start3A_1211, %add3A_1202] : memref<64x100000xf32, #tpu.memory_space<hbm>> -> memref<8x128xf32, #tpu.memory_space<hbm>>
        %dma_start3A_1213 = arith.constant 0 : i32
        %dma_start3A_1214 = arith.constant 0 : i32
        %dma_start3A_1215 = tpu.memref_slice %arg5[%dma_start3A_1203, %dma_start3A_1204, %dma_start3A_1213, %dma_start3A_1214] : memref<8x11x8x128xf32, #tpu.memory_space<vmem>> -> memref<1x1x8x128xf32, #tpu.memory_space<vmem>>
        %dma_start3A_1216 = tpu.memref_squeeze %dma_start3A_1215 : memref<1x1x8x128xf32, #tpu.memory_space<vmem>> -> memref<8x128xf32, #tpu.memory_space<vmem>>
        tpu.enqueue_dma source(%dma_start3A_1216 : memref<8x128xf32, #tpu.memory_space<vmem>>) target(%dma_start3A_1212 : memref<8x128xf32, #tpu.memory_space<hbm>>) target_semaphore(%arg6 : memref<!tpu.dma_semaphore, #tpu.memory_space<semaphore_mem>>)
        %add3A_1217 = arith.constant 1024 : i32
        %add3A_1218 = arith.addi %mul3A_26, %add3A_1217 : i32
        %dma_start3A_1219 = arith.constant 6 : i32
        %dma_start3A_1220 = arith.constant 8 : i32
        %dma_start3A_1221 = arith.constant 0 : i32
        %dma_start3A_1222 = arith.constant 0 : i32
        %dma_start3A_1223 = tpu.memref_slice %arg5[%dma_start3A_1219, %dma_start3A_1220, %dma_start3A_1221, %dma_start3A_1222] : memref<8x11x8x128xf32, #tpu.memory_space<vmem>> -> memref<1x1x8x128xf32, #tpu.memory_space<vmem>>
        %dma_start3A_1224 = tpu.memref_squeeze %dma_start3A_1223 : memref<1x1x8x128xf32, #tpu.memory_space<vmem>> -> memref<8x128xf32, #tpu.memory_space<vmem>>
        %dma_start3A_1225 = arith.constant 48 : i32
        %dma_start3A_1226 = tpu.memref_slice %arg3[%dma_start3A_1225, %add3A_1218] : memref<64x100000xf32, #tpu.memory_space<hbm>> -> memref<8x128xf32, #tpu.memory_space<hbm>>
        %dma_start3A_1227 = arith.constant 48 : i32
        %dma_start3A_1228 = tpu.memref_slice %arg3[%dma_start3A_1227, %add3A_1218] : memref<64x100000xf32, #tpu.memory_space<hbm>> -> memref<8x128xf32, #tpu.memory_space<hbm>>
        %dma_start3A_1229 = arith.constant 0 : i32
        %dma_start3A_1230 = arith.constant 0 : i32
        %dma_start3A_1231 = tpu.memref_slice %arg5[%dma_start3A_1219, %dma_start3A_1220, %dma_start3A_1229, %dma_start3A_1230] : memref<8x11x8x128xf32, #tpu.memory_space<vmem>> -> memref<1x1x8x128xf32, #tpu.memory_space<vmem>>
        %dma_start3A_1232 = tpu.memref_squeeze %dma_start3A_1231 : memref<1x1x8x128xf32, #tpu.memory_space<vmem>> -> memref<8x128xf32, #tpu.memory_space<vmem>>
        tpu.enqueue_dma source(%dma_start3A_1232 : memref<8x128xf32, #tpu.memory_space<vmem>>) target(%dma_start3A_1228 : memref<8x128xf32, #tpu.memory_space<hbm>>) target_semaphore(%arg6 : memref<!tpu.dma_semaphore, #tpu.memory_space<semaphore_mem>>)
        %add3A_1233 = arith.constant 1152 : i32
        %add3A_1234 = arith.addi %mul3A_26, %add3A_1233 : i32
        %dma_start3A_1235 = arith.constant 6 : i32
        %dma_start3A_1236 = arith.constant 9 : i32
        %dma_start3A_1237 = arith.constant 0 : i32
        %dma_start3A_1238 = arith.constant 0 : i32
        %dma_start3A_1239 = tpu.memref_slice %arg5[%dma_start3A_1235, %dma_start3A_1236, %dma_start3A_1237, %dma_start3A_1238] : memref<8x11x8x128xf32, #tpu.memory_space<vmem>> -> memref<1x1x8x128xf32, #tpu.memory_space<vmem>>
        %dma_start3A_1240 = tpu.memref_squeeze %dma_start3A_1239 : memref<1x1x8x128xf32, #tpu.memory_space<vmem>> -> memref<8x128xf32, #tpu.memory_space<vmem>>
        %dma_start3A_1241 = arith.constant 48 : i32
        %dma_start3A_1242 = tpu.memref_slice %arg3[%dma_start3A_1241, %add3A_1234] : memref<64x100000xf32, #tpu.memory_space<hbm>> -> memref<8x128xf32, #tpu.memory_space<hbm>>
        %dma_start3A_1243 = arith.constant 48 : i32
        %dma_start3A_1244 = tpu.memref_slice %arg3[%dma_start3A_1243, %add3A_1234] : memref<64x100000xf32, #tpu.memory_space<hbm>> -> memref<8x128xf32, #tpu.memory_space<hbm>>
        %dma_start3A_1245 = arith.constant 0 : i32
        %dma_start3A_1246 = arith.constant 0 : i32
        %dma_start3A_1247 = tpu.memref_slice %arg5[%dma_start3A_1235, %dma_start3A_1236, %dma_start3A_1245, %dma_start3A_1246] : memref<8x11x8x128xf32, #tpu.memory_space<vmem>> -> memref<1x1x8x128xf32, #tpu.memory_space<vmem>>
        %dma_start3A_1248 = tpu.memref_squeeze %dma_start3A_1247 : memref<1x1x8x128xf32, #tpu.memory_space<vmem>> -> memref<8x128xf32, #tpu.memory_space<vmem>>
        tpu.enqueue_dma source(%dma_start3A_1248 : memref<8x128xf32, #tpu.memory_space<vmem>>) target(%dma_start3A_1244 : memref<8x128xf32, #tpu.memory_space<hbm>>) target_semaphore(%arg6 : memref<!tpu.dma_semaphore, #tpu.memory_space<semaphore_mem>>)
        %add3A_1249 = arith.constant 1280 : i32
        %add3A_1250 = arith.addi %mul3A_26, %add3A_1249 : i32
        %dma_start3A_1251 = arith.constant 6 : i32
        %dma_start3A_1252 = arith.constant 10 : i32
        %dma_start3A_1253 = arith.constant 0 : i32
        %dma_start3A_1254 = arith.constant 0 : i32
        %dma_start3A_1255 = tpu.memref_slice %arg5[%dma_start3A_1251, %dma_start3A_1252, %dma_start3A_1253, %dma_start3A_1254] : memref<8x11x8x128xf32, #tpu.memory_space<vmem>> -> memref<1x1x8x128xf32, #tpu.memory_space<vmem>>
        %dma_start3A_1256 = tpu.memref_squeeze %dma_start3A_1255 : memref<1x1x8x128xf32, #tpu.memory_space<vmem>> -> memref<8x128xf32, #tpu.memory_space<vmem>>
        %dma_start3A_1257 = arith.constant 48 : i32
        %dma_start3A_1258 = tpu.memref_slice %arg3[%dma_start3A_1257, %add3A_1250] : memref<64x100000xf32, #tpu.memory_space<hbm>> -> memref<8x128xf32, #tpu.memory_space<hbm>>
        %dma_start3A_1259 = arith.constant 48 : i32
        %dma_start3A_1260 = tpu.memref_slice %arg3[%dma_start3A_1259, %add3A_1250] : memref<64x100000xf32, #tpu.memory_space<hbm>> -> memref<8x128xf32, #tpu.memory_space<hbm>>
        %dma_start3A_1261 = arith.constant 0 : i32
        %dma_start3A_1262 = arith.constant 0 : i32
        %dma_start3A_1263 = tpu.memref_slice %arg5[%dma_start3A_1251, %dma_start3A_1252, %dma_start3A_1261, %dma_start3A_1262] : memref<8x11x8x128xf32, #tpu.memory_space<vmem>> -> memref<1x1x8x128xf32, #tpu.memory_space<vmem>>
        %dma_start3A_1264 = tpu.memref_squeeze %dma_start3A_1263 : memref<1x1x8x128xf32, #tpu.memory_space<vmem>> -> memref<8x128xf32, #tpu.memory_space<vmem>>
        tpu.enqueue_dma source(%dma_start3A_1264 : memref<8x128xf32, #tpu.memory_space<vmem>>) target(%dma_start3A_1260 : memref<8x128xf32, #tpu.memory_space<hbm>>) target_semaphore(%arg6 : memref<!tpu.dma_semaphore, #tpu.memory_space<semaphore_mem>>)
        %add3A_1265 = arith.constant 0 : i32
        %add3A_1266 = arith.addi %mul3A_26, %add3A_1265 : i32
        %dma_start3A_1267 = arith.constant 7 : i32
        %dma_start3A_1268 = arith.constant 0 : i32
        %dma_start3A_1269 = arith.constant 0 : i32
        %dma_start3A_1270 = arith.constant 0 : i32
        %dma_start3A_1271 = tpu.memref_slice %arg5[%dma_start3A_1267, %dma_start3A_1268, %dma_start3A_1269, %dma_start3A_1270] : memref<8x11x8x128xf32, #tpu.memory_space<vmem>> -> memref<1x1x8x128xf32, #tpu.memory_space<vmem>>
        %dma_start3A_1272 = tpu.memref_squeeze %dma_start3A_1271 : memref<1x1x8x128xf32, #tpu.memory_space<vmem>> -> memref<8x128xf32, #tpu.memory_space<vmem>>
        %dma_start3A_1273 = arith.constant 56 : i32
        %dma_start3A_1274 = tpu.memref_slice %arg3[%dma_start3A_1273, %add3A_1266] : memref<64x100000xf32, #tpu.memory_space<hbm>> -> memref<8x128xf32, #tpu.memory_space<hbm>>
        %dma_start3A_1275 = arith.constant 56 : i32
        %dma_start3A_1276 = tpu.memref_slice %arg3[%dma_start3A_1275, %add3A_1266] : memref<64x100000xf32, #tpu.memory_space<hbm>> -> memref<8x128xf32, #tpu.memory_space<hbm>>
        %dma_start3A_1277 = arith.constant 0 : i32
        %dma_start3A_1278 = arith.constant 0 : i32
        %dma_start3A_1279 = tpu.memref_slice %arg5[%dma_start3A_1267, %dma_start3A_1268, %dma_start3A_1277, %dma_start3A_1278] : memref<8x11x8x128xf32, #tpu.memory_space<vmem>> -> memref<1x1x8x128xf32, #tpu.memory_space<vmem>>
        %dma_start3A_1280 = tpu.memref_squeeze %dma_start3A_1279 : memref<1x1x8x128xf32, #tpu.memory_space<vmem>> -> memref<8x128xf32, #tpu.memory_space<vmem>>
        tpu.enqueue_dma source(%dma_start3A_1280 : memref<8x128xf32, #tpu.memory_space<vmem>>) target(%dma_start3A_1276 : memref<8x128xf32, #tpu.memory_space<hbm>>) target_semaphore(%arg6 : memref<!tpu.dma_semaphore, #tpu.memory_space<semaphore_mem>>)
        %add3A_1281 = arith.constant 128 : i32
        %add3A_1282 = arith.addi %mul3A_26, %add3A_1281 : i32
        %dma_start3A_1283 = arith.constant 7 : i32
        %dma_start3A_1284 = arith.constant 1 : i32
        %dma_start3A_1285 = arith.constant 0 : i32
        %dma_start3A_1286 = arith.constant 0 : i32
        %dma_start3A_1287 = tpu.memref_slice %arg5[%dma_start3A_1283, %dma_start3A_1284, %dma_start3A_1285, %dma_start3A_1286] : memref<8x11x8x128xf32, #tpu.memory_space<vmem>> -> memref<1x1x8x128xf32, #tpu.memory_space<vmem>>
        %dma_start3A_1288 = tpu.memref_squeeze %dma_start3A_1287 : memref<1x1x8x128xf32, #tpu.memory_space<vmem>> -> memref<8x128xf32, #tpu.memory_space<vmem>>
        %dma_start3A_1289 = arith.constant 56 : i32
        %dma_start3A_1290 = tpu.memref_slice %arg3[%dma_start3A_1289, %add3A_1282] : memref<64x100000xf32, #tpu.memory_space<hbm>> -> memref<8x128xf32, #tpu.memory_space<hbm>>
        %dma_start3A_1291 = arith.constant 56 : i32
        %dma_start3A_1292 = tpu.memref_slice %arg3[%dma_start3A_1291, %add3A_1282] : memref<64x100000xf32, #tpu.memory_space<hbm>> -> memref<8x128xf32, #tpu.memory_space<hbm>>
        %dma_start3A_1293 = arith.constant 0 : i32
        %dma_start3A_1294 = arith.constant 0 : i32
        %dma_start3A_1295 = tpu.memref_slice %arg5[%dma_start3A_1283, %dma_start3A_1284, %dma_start3A_1293, %dma_start3A_1294] : memref<8x11x8x128xf32, #tpu.memory_space<vmem>> -> memref<1x1x8x128xf32, #tpu.memory_space<vmem>>
        %dma_start3A_1296 = tpu.memref_squeeze %dma_start3A_1295 : memref<1x1x8x128xf32, #tpu.memory_space<vmem>> -> memref<8x128xf32, #tpu.memory_space<vmem>>
        tpu.enqueue_dma source(%dma_start3A_1296 : memref<8x128xf32, #tpu.memory_space<vmem>>) target(%dma_start3A_1292 : memref<8x128xf32, #tpu.memory_space<hbm>>) target_semaphore(%arg6 : memref<!tpu.dma_semaphore, #tpu.memory_space<semaphore_mem>>)
        %add3A_1297 = arith.constant 256 : i32
        %add3A_1298 = arith.addi %mul3A_26, %add3A_1297 : i32
        %dma_start3A_1299 = arith.constant 7 : i32
        %dma_start3A_1300 = arith.constant 2 : i32
        %dma_start3A_1301 = arith.constant 0 : i32
        %dma_start3A_1302 = arith.constant 0 : i32
        %dma_start3A_1303 = tpu.memref_slice %arg5[%dma_start3A_1299, %dma_start3A_1300, %dma_start3A_1301, %dma_start3A_1302] : memref<8x11x8x128xf32, #tpu.memory_space<vmem>> -> memref<1x1x8x128xf32, #tpu.memory_space<vmem>>
        %dma_start3A_1304 = tpu.memref_squeeze %dma_start3A_1303 : memref<1x1x8x128xf32, #tpu.memory_space<vmem>> -> memref<8x128xf32, #tpu.memory_space<vmem>>
        %dma_start3A_1305 = arith.constant 56 : i32
        %dma_start3A_1306 = tpu.memref_slice %arg3[%dma_start3A_1305, %add3A_1298] : memref<64x100000xf32, #tpu.memory_space<hbm>> -> memref<8x128xf32, #tpu.memory_space<hbm>>
        %dma_start3A_1307 = arith.constant 56 : i32
        %dma_start3A_1308 = tpu.memref_slice %arg3[%dma_start3A_1307, %add3A_1298] : memref<64x100000xf32, #tpu.memory_space<hbm>> -> memref<8x128xf32, #tpu.memory_space<hbm>>
        %dma_start3A_1309 = arith.constant 0 : i32
        %dma_start3A_1310 = arith.constant 0 : i32
        %dma_start3A_1311 = tpu.memref_slice %arg5[%dma_start3A_1299, %dma_start3A_1300, %dma_start3A_1309, %dma_start3A_1310] : memref<8x11x8x128xf32, #tpu.memory_space<vmem>> -> memref<1x1x8x128xf32, #tpu.memory_space<vmem>>
        %dma_start3A_1312 = tpu.memref_squeeze %dma_start3A_1311 : memref<1x1x8x128xf32, #tpu.memory_space<vmem>> -> memref<8x128xf32, #tpu.memory_space<vmem>>
        tpu.enqueue_dma source(%dma_start3A_1312 : memref<8x128xf32, #tpu.memory_space<vmem>>) target(%dma_start3A_1308 : memref<8x128xf32, #tpu.memory_space<hbm>>) target_semaphore(%arg6 : memref<!tpu.dma_semaphore, #tpu.memory_space<semaphore_mem>>)
        %add3A_1313 = arith.constant 384 : i32
        %add3A_1314 = arith.addi %mul3A_26, %add3A_1313 : i32
        %dma_start3A_1315 = arith.constant 7 : i32
        %dma_start3A_1316 = arith.constant 3 : i32
        %dma_start3A_1317 = arith.constant 0 : i32
        %dma_start3A_1318 = arith.constant 0 : i32
        %dma_start3A_1319 = tpu.memref_slice %arg5[%dma_start3A_1315, %dma_start3A_1316, %dma_start3A_1317, %dma_start3A_1318] : memref<8x11x8x128xf32, #tpu.memory_space<vmem>> -> memref<1x1x8x128xf32, #tpu.memory_space<vmem>>
        %dma_start3A_1320 = tpu.memref_squeeze %dma_start3A_1319 : memref<1x1x8x128xf32, #tpu.memory_space<vmem>> -> memref<8x128xf32, #tpu.memory_space<vmem>>
        %dma_start3A_1321 = arith.constant 56 : i32
        %dma_start3A_1322 = tpu.memref_slice %arg3[%dma_start3A_1321, %add3A_1314] : memref<64x100000xf32, #tpu.memory_space<hbm>> -> memref<8x128xf32, #tpu.memory_space<hbm>>
        %dma_start3A_1323 = arith.constant 56 : i32
        %dma_start3A_1324 = tpu.memref_slice %arg3[%dma_start3A_1323, %add3A_1314] : memref<64x100000xf32, #tpu.memory_space<hbm>> -> memref<8x128xf32, #tpu.memory_space<hbm>>
        %dma_start3A_1325 = arith.constant 0 : i32
        %dma_start3A_1326 = arith.constant 0 : i32
        %dma_start3A_1327 = tpu.memref_slice %arg5[%dma_start3A_1315, %dma_start3A_1316, %dma_start3A_1325, %dma_start3A_1326] : memref<8x11x8x128xf32, #tpu.memory_space<vmem>> -> memref<1x1x8x128xf32, #tpu.memory_space<vmem>>
        %dma_start3A_1328 = tpu.memref_squeeze %dma_start3A_1327 : memref<1x1x8x128xf32, #tpu.memory_space<vmem>> -> memref<8x128xf32, #tpu.memory_space<vmem>>
        tpu.enqueue_dma source(%dma_start3A_1328 : memref<8x128xf32, #tpu.memory_space<vmem>>) target(%dma_start3A_1324 : memref<8x128xf32, #tpu.memory_space<hbm>>) target_semaphore(%arg6 : memref<!tpu.dma_semaphore, #tpu.memory_space<semaphore_mem>>)
        %add3A_1329 = arith.constant 512 : i32
        %add3A_1330 = arith.addi %mul3A_26, %add3A_1329 : i32
        %dma_start3A_1331 = arith.constant 7 : i32
        %dma_start3A_1332 = arith.constant 4 : i32
        %dma_start3A_1333 = arith.constant 0 : i32
        %dma_start3A_1334 = arith.constant 0 : i32
        %dma_start3A_1335 = tpu.memref_slice %arg5[%dma_start3A_1331, %dma_start3A_1332, %dma_start3A_1333, %dma_start3A_1334] : memref<8x11x8x128xf32, #tpu.memory_space<vmem>> -> memref<1x1x8x128xf32, #tpu.memory_space<vmem>>
        %dma_start3A_1336 = tpu.memref_squeeze %dma_start3A_1335 : memref<1x1x8x128xf32, #tpu.memory_space<vmem>> -> memref<8x128xf32, #tpu.memory_space<vmem>>
        %dma_start3A_1337 = arith.constant 56 : i32
        %dma_start3A_1338 = tpu.memref_slice %arg3[%dma_start3A_1337, %add3A_1330] : memref<64x100000xf32, #tpu.memory_space<hbm>> -> memref<8x128xf32, #tpu.memory_space<hbm>>
        %dma_start3A_1339 = arith.constant 56 : i32
        %dma_start3A_1340 = tpu.memref_slice %arg3[%dma_start3A_1339, %add3A_1330] : memref<64x100000xf32, #tpu.memory_space<hbm>> -> memref<8x128xf32, #tpu.memory_space<hbm>>
        %dma_start3A_1341 = arith.constant 0 : i32
        %dma_start3A_1342 = arith.constant 0 : i32
        %dma_start3A_1343 = tpu.memref_slice %arg5[%dma_start3A_1331, %dma_start3A_1332, %dma_start3A_1341, %dma_start3A_1342] : memref<8x11x8x128xf32, #tpu.memory_space<vmem>> -> memref<1x1x8x128xf32, #tpu.memory_space<vmem>>
        %dma_start3A_1344 = tpu.memref_squeeze %dma_start3A_1343 : memref<1x1x8x128xf32, #tpu.memory_space<vmem>> -> memref<8x128xf32, #tpu.memory_space<vmem>>
        tpu.enqueue_dma source(%dma_start3A_1344 : memref<8x128xf32, #tpu.memory_space<vmem>>) target(%dma_start3A_1340 : memref<8x128xf32, #tpu.memory_space<hbm>>) target_semaphore(%arg6 : memref<!tpu.dma_semaphore, #tpu.memory_space<semaphore_mem>>)
        %add3A_1345 = arith.constant 640 : i32
        %add3A_1346 = arith.addi %mul3A_26, %add3A_1345 : i32
        %dma_start3A_1347 = arith.constant 7 : i32
        %dma_start3A_1348 = arith.constant 5 : i32
        %dma_start3A_1349 = arith.constant 0 : i32
        %dma_start3A_1350 = arith.constant 0 : i32
        %dma_start3A_1351 = tpu.memref_slice %arg5[%dma_start3A_1347, %dma_start3A_1348, %dma_start3A_1349, %dma_start3A_1350] : memref<8x11x8x128xf32, #tpu.memory_space<vmem>> -> memref<1x1x8x128xf32, #tpu.memory_space<vmem>>
        %dma_start3A_1352 = tpu.memref_squeeze %dma_start3A_1351 : memref<1x1x8x128xf32, #tpu.memory_space<vmem>> -> memref<8x128xf32, #tpu.memory_space<vmem>>
        %dma_start3A_1353 = arith.constant 56 : i32
        %dma_start3A_1354 = tpu.memref_slice %arg3[%dma_start3A_1353, %add3A_1346] : memref<64x100000xf32, #tpu.memory_space<hbm>> -> memref<8x128xf32, #tpu.memory_space<hbm>>
        %dma_start3A_1355 = arith.constant 56 : i32
        %dma_start3A_1356 = tpu.memref_slice %arg3[%dma_start3A_1355, %add3A_1346] : memref<64x100000xf32, #tpu.memory_space<hbm>> -> memref<8x128xf32, #tpu.memory_space<hbm>>
        %dma_start3A_1357 = arith.constant 0 : i32
        %dma_start3A_1358 = arith.constant 0 : i32
        %dma_start3A_1359 = tpu.memref_slice %arg5[%dma_start3A_1347, %dma_start3A_1348, %dma_start3A_1357, %dma_start3A_1358] : memref<8x11x8x128xf32, #tpu.memory_space<vmem>> -> memref<1x1x8x128xf32, #tpu.memory_space<vmem>>
        %dma_start3A_1360 = tpu.memref_squeeze %dma_start3A_1359 : memref<1x1x8x128xf32, #tpu.memory_space<vmem>> -> memref<8x128xf32, #tpu.memory_space<vmem>>
        tpu.enqueue_dma source(%dma_start3A_1360 : memref<8x128xf32, #tpu.memory_space<vmem>>) target(%dma_start3A_1356 : memref<8x128xf32, #tpu.memory_space<hbm>>) target_semaphore(%arg6 : memref<!tpu.dma_semaphore, #tpu.memory_space<semaphore_mem>>)
        %add3A_1361 = arith.constant 768 : i32
        %add3A_1362 = arith.addi %mul3A_26, %add3A_1361 : i32
        %dma_start3A_1363 = arith.constant 7 : i32
        %dma_start3A_1364 = arith.constant 6 : i32
        %dma_start3A_1365 = arith.constant 0 : i32
        %dma_start3A_1366 = arith.constant 0 : i32
        %dma_start3A_1367 = tpu.memref_slice %arg5[%dma_start3A_1363, %dma_start3A_1364, %dma_start3A_1365, %dma_start3A_1366] : memref<8x11x8x128xf32, #tpu.memory_space<vmem>> -> memref<1x1x8x128xf32, #tpu.memory_space<vmem>>
        %dma_start3A_1368 = tpu.memref_squeeze %dma_start3A_1367 : memref<1x1x8x128xf32, #tpu.memory_space<vmem>> -> memref<8x128xf32, #tpu.memory_space<vmem>>
        %dma_start3A_1369 = arith.constant 56 : i32
        %dma_start3A_1370 = tpu.memref_slice %arg3[%dma_start3A_1369, %add3A_1362] : memref<64x100000xf32, #tpu.memory_space<hbm>> -> memref<8x128xf32, #tpu.memory_space<hbm>>
        %dma_start3A_1371 = arith.constant 56 : i32
        %dma_start3A_1372 = tpu.memref_slice %arg3[%dma_start3A_1371, %add3A_1362] : memref<64x100000xf32, #tpu.memory_space<hbm>> -> memref<8x128xf32, #tpu.memory_space<hbm>>
        %dma_start3A_1373 = arith.constant 0 : i32
        %dma_start3A_1374 = arith.constant 0 : i32
        %dma_start3A_1375 = tpu.memref_slice %arg5[%dma_start3A_1363, %dma_start3A_1364, %dma_start3A_1373, %dma_start3A_1374] : memref<8x11x8x128xf32, #tpu.memory_space<vmem>> -> memref<1x1x8x128xf32, #tpu.memory_space<vmem>>
        %dma_start3A_1376 = tpu.memref_squeeze %dma_start3A_1375 : memref<1x1x8x128xf32, #tpu.memory_space<vmem>> -> memref<8x128xf32, #tpu.memory_space<vmem>>
        tpu.enqueue_dma source(%dma_start3A_1376 : memref<8x128xf32, #tpu.memory_space<vmem>>) target(%dma_start3A_1372 : memref<8x128xf32, #tpu.memory_space<hbm>>) target_semaphore(%arg6 : memref<!tpu.dma_semaphore, #tpu.memory_space<semaphore_mem>>)
        %add3A_1377 = arith.constant 896 : i32
        %add3A_1378 = arith.addi %mul3A_26, %add3A_1377 : i32
        %dma_start3A_1379 = arith.constant 7 : i32
        %dma_start3A_1380 = arith.constant 7 : i32
        %dma_start3A_1381 = arith.constant 0 : i32
        %dma_start3A_1382 = arith.constant 0 : i32
        %dma_start3A_1383 = tpu.memref_slice %arg5[%dma_start3A_1379, %dma_start3A_1380, %dma_start3A_1381, %dma_start3A_1382] : memref<8x11x8x128xf32, #tpu.memory_space<vmem>> -> memref<1x1x8x128xf32, #tpu.memory_space<vmem>>
        %dma_start3A_1384 = tpu.memref_squeeze %dma_start3A_1383 : memref<1x1x8x128xf32, #tpu.memory_space<vmem>> -> memref<8x128xf32, #tpu.memory_space<vmem>>
        %dma_start3A_1385 = arith.constant 56 : i32
        %dma_start3A_1386 = tpu.memref_slice %arg3[%dma_start3A_1385, %add3A_1378] : memref<64x100000xf32, #tpu.memory_space<hbm>> -> memref<8x128xf32, #tpu.memory_space<hbm>>
        %dma_start3A_1387 = arith.constant 56 : i32
        %dma_start3A_1388 = tpu.memref_slice %arg3[%dma_start3A_1387, %add3A_1378] : memref<64x100000xf32, #tpu.memory_space<hbm>> -> memref<8x128xf32, #tpu.memory_space<hbm>>
        %dma_start3A_1389 = arith.constant 0 : i32
        %dma_start3A_1390 = arith.constant 0 : i32
        %dma_start3A_1391 = tpu.memref_slice %arg5[%dma_start3A_1379, %dma_start3A_1380, %dma_start3A_1389, %dma_start3A_1390] : memref<8x11x8x128xf32, #tpu.memory_space<vmem>> -> memref<1x1x8x128xf32, #tpu.memory_space<vmem>>
        %dma_start3A_1392 = tpu.memref_squeeze %dma_start3A_1391 : memref<1x1x8x128xf32, #tpu.memory_space<vmem>> -> memref<8x128xf32, #tpu.memory_space<vmem>>
        tpu.enqueue_dma source(%dma_start3A_1392 : memref<8x128xf32, #tpu.memory_space<vmem>>) target(%dma_start3A_1388 : memref<8x128xf32, #tpu.memory_space<hbm>>) target_semaphore(%arg6 : memref<!tpu.dma_semaphore, #tpu.memory_space<semaphore_mem>>)
        %add3A_1393 = arith.constant 1024 : i32
        %add3A_1394 = arith.addi %mul3A_26, %add3A_1393 : i32
        %dma_start3A_1395 = arith.constant 7 : i32
        %dma_start3A_1396 = arith.constant 8 : i32
        %dma_start3A_1397 = arith.constant 0 : i32
        %dma_start3A_1398 = arith.constant 0 : i32
        %dma_start3A_1399 = tpu.memref_slice %arg5[%dma_start3A_1395, %dma_start3A_1396, %dma_start3A_1397, %dma_start3A_1398] : memref<8x11x8x128xf32, #tpu.memory_space<vmem>> -> memref<1x1x8x128xf32, #tpu.memory_space<vmem>>
        %dma_start3A_1400 = tpu.memref_squeeze %dma_start3A_1399 : memref<1x1x8x128xf32, #tpu.memory_space<vmem>> -> memref<8x128xf32, #tpu.memory_space<vmem>>
        %dma_start3A_1401 = arith.constant 56 : i32
        %dma_start3A_1402 = tpu.memref_slice %arg3[%dma_start3A_1401, %add3A_1394] : memref<64x100000xf32, #tpu.memory_space<hbm>> -> memref<8x128xf32, #tpu.memory_space<hbm>>
        %dma_start3A_1403 = arith.constant 56 : i32
        %dma_start3A_1404 = tpu.memref_slice %arg3[%dma_start3A_1403, %add3A_1394] : memref<64x100000xf32, #tpu.memory_space<hbm>> -> memref<8x128xf32, #tpu.memory_space<hbm>>
        %dma_start3A_1405 = arith.constant 0 : i32
        %dma_start3A_1406 = arith.constant 0 : i32
        %dma_start3A_1407 = tpu.memref_slice %arg5[%dma_start3A_1395, %dma_start3A_1396, %dma_start3A_1405, %dma_start3A_1406] : memref<8x11x8x128xf32, #tpu.memory_space<vmem>> -> memref<1x1x8x128xf32, #tpu.memory_space<vmem>>
        %dma_start3A_1408 = tpu.memref_squeeze %dma_start3A_1407 : memref<1x1x8x128xf32, #tpu.memory_space<vmem>> -> memref<8x128xf32, #tpu.memory_space<vmem>>
        tpu.enqueue_dma source(%dma_start3A_1408 : memref<8x128xf32, #tpu.memory_space<vmem>>) target(%dma_start3A_1404 : memref<8x128xf32, #tpu.memory_space<hbm>>) target_semaphore(%arg6 : memref<!tpu.dma_semaphore, #tpu.memory_space<semaphore_mem>>)
        %add3A_1409 = arith.constant 1152 : i32
        %add3A_1410 = arith.addi %mul3A_26, %add3A_1409 : i32
        %dma_start3A_1411 = arith.constant 7 : i32
        %dma_start3A_1412 = arith.constant 9 : i32
        %dma_start3A_1413 = arith.constant 0 : i32
        %dma_start3A_1414 = arith.constant 0 : i32
        %dma_start3A_1415 = tpu.memref_slice %arg5[%dma_start3A_1411, %dma_start3A_1412, %dma_start3A_1413, %dma_start3A_1414] : memref<8x11x8x128xf32, #tpu.memory_space<vmem>> -> memref<1x1x8x128xf32, #tpu.memory_space<vmem>>
        %dma_start3A_1416 = tpu.memref_squeeze %dma_start3A_1415 : memref<1x1x8x128xf32, #tpu.memory_space<vmem>> -> memref<8x128xf32, #tpu.memory_space<vmem>>
        %dma_start3A_1417 = arith.constant 56 : i32
        %dma_start3A_1418 = tpu.memref_slice %arg3[%dma_start3A_1417, %add3A_1410] : memref<64x100000xf32, #tpu.memory_space<hbm>> -> memref<8x128xf32, #tpu.memory_space<hbm>>
        %dma_start3A_1419 = arith.constant 56 : i32
        %dma_start3A_1420 = tpu.memref_slice %arg3[%dma_start3A_1419, %add3A_1410] : memref<64x100000xf32, #tpu.memory_space<hbm>> -> memref<8x128xf32, #tpu.memory_space<hbm>>
        %dma_start3A_1421 = arith.constant 0 : i32
        %dma_start3A_1422 = arith.constant 0 : i32
        %dma_start3A_1423 = tpu.memref_slice %arg5[%dma_start3A_1411, %dma_start3A_1412, %dma_start3A_1421, %dma_start3A_1422] : memref<8x11x8x128xf32, #tpu.memory_space<vmem>> -> memref<1x1x8x128xf32, #tpu.memory_space<vmem>>
        %dma_start3A_1424 = tpu.memref_squeeze %dma_start3A_1423 : memref<1x1x8x128xf32, #tpu.memory_space<vmem>> -> memref<8x128xf32, #tpu.memory_space<vmem>>
        tpu.enqueue_dma source(%dma_start3A_1424 : memref<8x128xf32, #tpu.memory_space<vmem>>) target(%dma_start3A_1420 : memref<8x128xf32, #tpu.memory_space<hbm>>) target_semaphore(%arg6 : memref<!tpu.dma_semaphore, #tpu.memory_space<semaphore_mem>>)
        %add3A_1425 = arith.constant 1280 : i32
        %add3A_1426 = arith.addi %mul3A_26, %add3A_1425 : i32
        %dma_start3A_1427 = arith.constant 7 : i32
        %dma_start3A_1428 = arith.constant 10 : i32
        %dma_start3A_1429 = arith.constant 0 : i32
        %dma_start3A_1430 = arith.constant 0 : i32
        %dma_start3A_1431 = tpu.memref_slice %arg5[%dma_start3A_1427, %dma_start3A_1428, %dma_start3A_1429, %dma_start3A_1430] : memref<8x11x8x128xf32, #tpu.memory_space<vmem>> -> memref<1x1x8x128xf32, #tpu.memory_space<vmem>>
        %dma_start3A_1432 = tpu.memref_squeeze %dma_start3A_1431 : memref<1x1x8x128xf32, #tpu.memory_space<vmem>> -> memref<8x128xf32, #tpu.memory_space<vmem>>
        %dma_start3A_1433 = arith.constant 56 : i32
        %dma_start3A_1434 = tpu.memref_slice %arg3[%dma_start3A_1433, %add3A_1426] : memref<64x100000xf32, #tpu.memory_space<hbm>> -> memref<8x128xf32, #tpu.memory_space<hbm>>
        %dma_start3A_1435 = arith.constant 56 : i32
        %dma_start3A_1436 = tpu.memref_slice %arg3[%dma_start3A_1435, %add3A_1426] : memref<64x100000xf32, #tpu.memory_space<hbm>> -> memref<8x128xf32, #tpu.memory_space<hbm>>
        %dma_start3A_1437 = arith.constant 0 : i32
        %dma_start3A_1438 = arith.constant 0 : i32
        %dma_start3A_1439 = tpu.memref_slice %arg5[%dma_start3A_1427, %dma_start3A_1428, %dma_start3A_1437, %dma_start3A_1438] : memref<8x11x8x128xf32, #tpu.memory_space<vmem>> -> memref<1x1x8x128xf32, #tpu.memory_space<vmem>>
        %dma_start3A_1440 = tpu.memref_squeeze %dma_start3A_1439 : memref<1x1x8x128xf32, #tpu.memory_space<vmem>> -> memref<8x128xf32, #tpu.memory_space<vmem>>
        tpu.enqueue_dma source(%dma_start3A_1440 : memref<8x128xf32, #tpu.memory_space<vmem>>) target(%dma_start3A_1436 : memref<8x128xf32, #tpu.memory_space<hbm>>) target_semaphore(%arg6 : memref<!tpu.dma_semaphore, #tpu.memory_space<semaphore_mem>>)
        %dma_wait3A = arith.constant 0 : i32
        %dma_wait3A_1441 = arith.constant 0 : i32
        %dma_wait3A_1442 = arith.constant 0 : i32
        %dma_wait3A_1443 = arith.constant 0 : i32
        %dma_wait3A_1444 = tpu.memref_slice %arg5[%dma_wait3A, %dma_wait3A_1441, %dma_wait3A_1442, %dma_wait3A_1443] : memref<8x11x8x128xf32, #tpu.memory_space<vmem>> -> memref<1x1x8x128xf32, #tpu.memory_space<vmem>>
        %dma_wait3A_1445 = tpu.memref_squeeze %dma_wait3A_1444 : memref<1x1x8x128xf32, #tpu.memory_space<vmem>> -> memref<8x128xf32, #tpu.memory_space<vmem>>
        %dma_wait3A_1446 = arith.constant 0 : i32
        %dma_wait3A_1447 = tpu.memref_slice %arg3[%dma_wait3A_1446, %add3A_35] : memref<64x100000xf32, #tpu.memory_space<hbm>> -> memref<8x128xf32, #tpu.memory_space<hbm>>
        %dma_wait3A_1448 = arith.constant 0 : i32
        %dma_wait3A_1449 = tpu.memref_slice %arg3[%dma_wait3A_1448, %add3A_35] : memref<64x100000xf32, #tpu.memory_space<hbm>> -> memref<8x128xf32, #tpu.memory_space<hbm>>
        %dma_wait3A_1450 = arith.constant 0 : i32
        %dma_wait3A_1451 = arith.constant 0 : i32
        %dma_wait3A_1452 = tpu.memref_slice %arg5[%dma_wait3A, %dma_wait3A_1441, %dma_wait3A_1450, %dma_wait3A_1451] : memref<8x11x8x128xf32, #tpu.memory_space<vmem>> -> memref<1x1x8x128xf32, #tpu.memory_space<vmem>>
        %dma_wait3A_1453 = tpu.memref_squeeze %dma_wait3A_1452 : memref<1x1x8x128xf32, #tpu.memory_space<vmem>> -> memref<8x128xf32, #tpu.memory_space<vmem>>
        tpu.wait_dma2 semaphore(%arg6 : memref<!tpu.dma_semaphore, #tpu.memory_space<semaphore_mem>>) src(%dma_wait3A_1453 : memref<8x128xf32, #tpu.memory_space<vmem>>) dst(%dma_wait3A_1449 : memref<8x128xf32, #tpu.memory_space<hbm>>)
        %dma_wait3A_1454 = arith.constant 0 : i32
        %dma_wait3A_1455 = arith.constant 1 : i32
        %dma_wait3A_1456 = arith.constant 0 : i32
        %dma_wait3A_1457 = arith.constant 0 : i32
        %dma_wait3A_1458 = tpu.memref_slice %arg5[%dma_wait3A_1454, %dma_wait3A_1455, %dma_wait3A_1456, %dma_wait3A_1457] : memref<8x11x8x128xf32, #tpu.memory_space<vmem>> -> memref<1x1x8x128xf32, #tpu.memory_space<vmem>>
        %dma_wait3A_1459 = tpu.memref_squeeze %dma_wait3A_1458 : memref<1x1x8x128xf32, #tpu.memory_space<vmem>> -> memref<8x128xf32, #tpu.memory_space<vmem>>
        %dma_wait3A_1460 = arith.constant 0 : i32
        %dma_wait3A_1461 = tpu.memref_slice %arg3[%dma_wait3A_1460, %add3A_50] : memref<64x100000xf32, #tpu.memory_space<hbm>> -> memref<8x128xf32, #tpu.memory_space<hbm>>
        %dma_wait3A_1462 = arith.constant 0 : i32
        %dma_wait3A_1463 = tpu.memref_slice %arg3[%dma_wait3A_1462, %add3A_50] : memref<64x100000xf32, #tpu.memory_space<hbm>> -> memref<8x128xf32, #tpu.memory_space<hbm>>
        %dma_wait3A_1464 = arith.constant 0 : i32
        %dma_wait3A_1465 = arith.constant 0 : i32
        %dma_wait3A_1466 = tpu.memref_slice %arg5[%dma_wait3A_1454, %dma_wait3A_1455, %dma_wait3A_1464, %dma_wait3A_1465] : memref<8x11x8x128xf32, #tpu.memory_space<vmem>> -> memref<1x1x8x128xf32, #tpu.memory_space<vmem>>
        %dma_wait3A_1467 = tpu.memref_squeeze %dma_wait3A_1466 : memref<1x1x8x128xf32, #tpu.memory_space<vmem>> -> memref<8x128xf32, #tpu.memory_space<vmem>>
        tpu.wait_dma2 semaphore(%arg6 : memref<!tpu.dma_semaphore, #tpu.memory_space<semaphore_mem>>) src(%dma_wait3A_1467 : memref<8x128xf32, #tpu.memory_space<vmem>>) dst(%dma_wait3A_1463 : memref<8x128xf32, #tpu.memory_space<hbm>>)
        %dma_wait3A_1468 = arith.constant 0 : i32
        %dma_wait3A_1469 = arith.constant 2 : i32
        %dma_wait3A_1470 = arith.constant 0 : i32
        %dma_wait3A_1471 = arith.constant 0 : i32
        %dma_wait3A_1472 = tpu.memref_slice %arg5[%dma_wait3A_1468, %dma_wait3A_1469, %dma_wait3A_1470, %dma_wait3A_1471] : memref<8x11x8x128xf32, #tpu.memory_space<vmem>> -> memref<1x1x8x128xf32, #tpu.memory_space<vmem>>
        %dma_wait3A_1473 = tpu.memref_squeeze %dma_wait3A_1472 : memref<1x1x8x128xf32, #tpu.memory_space<vmem>> -> memref<8x128xf32, #tpu.memory_space<vmem>>
        %dma_wait3A_1474 = arith.constant 0 : i32
        %dma_wait3A_1475 = tpu.memref_slice %arg3[%dma_wait3A_1474, %add3A_66] : memref<64x100000xf32, #tpu.memory_space<hbm>> -> memref<8x128xf32, #tpu.memory_space<hbm>>
        %dma_wait3A_1476 = arith.constant 0 : i32
        %dma_wait3A_1477 = tpu.memref_slice %arg3[%dma_wait3A_1476, %add3A_66] : memref<64x100000xf32, #tpu.memory_space<hbm>> -> memref<8x128xf32, #tpu.memory_space<hbm>>
        %dma_wait3A_1478 = arith.constant 0 : i32
        %dma_wait3A_1479 = arith.constant 0 : i32
        %dma_wait3A_1480 = tpu.memref_slice %arg5[%dma_wait3A_1468, %dma_wait3A_1469, %dma_wait3A_1478, %dma_wait3A_1479] : memref<8x11x8x128xf32, #tpu.memory_space<vmem>> -> memref<1x1x8x128xf32, #tpu.memory_space<vmem>>
        %dma_wait3A_1481 = tpu.memref_squeeze %dma_wait3A_1480 : memref<1x1x8x128xf32, #tpu.memory_space<vmem>> -> memref<8x128xf32, #tpu.memory_space<vmem>>
        tpu.wait_dma2 semaphore(%arg6 : memref<!tpu.dma_semaphore, #tpu.memory_space<semaphore_mem>>) src(%dma_wait3A_1481 : memref<8x128xf32, #tpu.memory_space<vmem>>) dst(%dma_wait3A_1477 : memref<8x128xf32, #tpu.memory_space<hbm>>)
        %dma_wait3A_1482 = arith.constant 0 : i32
        %dma_wait3A_1483 = arith.constant 3 : i32
        %dma_wait3A_1484 = arith.constant 0 : i32
        %dma_wait3A_1485 = arith.constant 0 : i32
        %dma_wait3A_1486 = tpu.memref_slice %arg5[%dma_wait3A_1482, %dma_wait3A_1483, %dma_wait3A_1484, %dma_wait3A_1485] : memref<8x11x8x128xf32, #tpu.memory_space<vmem>> -> memref<1x1x8x128xf32, #tpu.memory_space<vmem>>
        %dma_wait3A_1487 = tpu.memref_squeeze %dma_wait3A_1486 : memref<1x1x8x128xf32, #tpu.memory_space<vmem>> -> memref<8x128xf32, #tpu.memory_space<vmem>>
        %dma_wait3A_1488 = arith.constant 0 : i32
        %dma_wait3A_1489 = tpu.memref_slice %arg3[%dma_wait3A_1488, %add3A_82] : memref<64x100000xf32, #tpu.memory_space<hbm>> -> memref<8x128xf32, #tpu.memory_space<hbm>>
        %dma_wait3A_1490 = arith.constant 0 : i32
        %dma_wait3A_1491 = tpu.memref_slice %arg3[%dma_wait3A_1490, %add3A_82] : memref<64x100000xf32, #tpu.memory_space<hbm>> -> memref<8x128xf32, #tpu.memory_space<hbm>>
        %dma_wait3A_1492 = arith.constant 0 : i32
        %dma_wait3A_1493 = arith.constant 0 : i32
        %dma_wait3A_1494 = tpu.memref_slice %arg5[%dma_wait3A_1482, %dma_wait3A_1483, %dma_wait3A_1492, %dma_wait3A_1493] : memref<8x11x8x128xf32, #tpu.memory_space<vmem>> -> memref<1x1x8x128xf32, #tpu.memory_space<vmem>>
        %dma_wait3A_1495 = tpu.memref_squeeze %dma_wait3A_1494 : memref<1x1x8x128xf32, #tpu.memory_space<vmem>> -> memref<8x128xf32, #tpu.memory_space<vmem>>
        tpu.wait_dma2 semaphore(%arg6 : memref<!tpu.dma_semaphore, #tpu.memory_space<semaphore_mem>>) src(%dma_wait3A_1495 : memref<8x128xf32, #tpu.memory_space<vmem>>) dst(%dma_wait3A_1491 : memref<8x128xf32, #tpu.memory_space<hbm>>)
        %dma_wait3A_1496 = arith.constant 0 : i32
        %dma_wait3A_1497 = arith.constant 4 : i32
        %dma_wait3A_1498 = arith.constant 0 : i32
        %dma_wait3A_1499 = arith.constant 0 : i32
        %dma_wait3A_1500 = tpu.memref_slice %arg5[%dma_wait3A_1496, %dma_wait3A_1497, %dma_wait3A_1498, %dma_wait3A_1499] : memref<8x11x8x128xf32, #tpu.memory_space<vmem>> -> memref<1x1x8x128xf32, #tpu.memory_space<vmem>>
        %dma_wait3A_1501 = tpu.memref_squeeze %dma_wait3A_1500 : memref<1x1x8x128xf32, #tpu.memory_space<vmem>> -> memref<8x128xf32, #tpu.memory_space<vmem>>
        %dma_wait3A_1502 = arith.constant 0 : i32
        %dma_wait3A_1503 = tpu.memref_slice %arg3[%dma_wait3A_1502, %add3A_98] : memref<64x100000xf32, #tpu.memory_space<hbm>> -> memref<8x128xf32, #tpu.memory_space<hbm>>
        %dma_wait3A_1504 = arith.constant 0 : i32
        %dma_wait3A_1505 = tpu.memref_slice %arg3[%dma_wait3A_1504, %add3A_98] : memref<64x100000xf32, #tpu.memory_space<hbm>> -> memref<8x128xf32, #tpu.memory_space<hbm>>
        %dma_wait3A_1506 = arith.constant 0 : i32
        %dma_wait3A_1507 = arith.constant 0 : i32
        %dma_wait3A_1508 = tpu.memref_slice %arg5[%dma_wait3A_1496, %dma_wait3A_1497, %dma_wait3A_1506, %dma_wait3A_1507] : memref<8x11x8x128xf32, #tpu.memory_space<vmem>> -> memref<1x1x8x128xf32, #tpu.memory_space<vmem>>
        %dma_wait3A_1509 = tpu.memref_squeeze %dma_wait3A_1508 : memref<1x1x8x128xf32, #tpu.memory_space<vmem>> -> memref<8x128xf32, #tpu.memory_space<vmem>>
        tpu.wait_dma2 semaphore(%arg6 : memref<!tpu.dma_semaphore, #tpu.memory_space<semaphore_mem>>) src(%dma_wait3A_1509 : memref<8x128xf32, #tpu.memory_space<vmem>>) dst(%dma_wait3A_1505 : memref<8x128xf32, #tpu.memory_space<hbm>>)
        %dma_wait3A_1510 = arith.constant 0 : i32
        %dma_wait3A_1511 = arith.constant 5 : i32
        %dma_wait3A_1512 = arith.constant 0 : i32
        %dma_wait3A_1513 = arith.constant 0 : i32
        %dma_wait3A_1514 = tpu.memref_slice %arg5[%dma_wait3A_1510, %dma_wait3A_1511, %dma_wait3A_1512, %dma_wait3A_1513] : memref<8x11x8x128xf32, #tpu.memory_space<vmem>> -> memref<1x1x8x128xf32, #tpu.memory_space<vmem>>
        %dma_wait3A_1515 = tpu.memref_squeeze %dma_wait3A_1514 : memref<1x1x8x128xf32, #tpu.memory_space<vmem>> -> memref<8x128xf32, #tpu.memory_space<vmem>>
        %dma_wait3A_1516 = arith.constant 0 : i32
        %dma_wait3A_1517 = tpu.memref_slice %arg3[%dma_wait3A_1516, %add3A_114] : memref<64x100000xf32, #tpu.memory_space<hbm>> -> memref<8x128xf32, #tpu.memory_space<hbm>>
        %dma_wait3A_1518 = arith.constant 0 : i32
        %dma_wait3A_1519 = tpu.memref_slice %arg3[%dma_wait3A_1518, %add3A_114] : memref<64x100000xf32, #tpu.memory_space<hbm>> -> memref<8x128xf32, #tpu.memory_space<hbm>>
        %dma_wait3A_1520 = arith.constant 0 : i32
        %dma_wait3A_1521 = arith.constant 0 : i32
        %dma_wait3A_1522 = tpu.memref_slice %arg5[%dma_wait3A_1510, %dma_wait3A_1511, %dma_wait3A_1520, %dma_wait3A_1521] : memref<8x11x8x128xf32, #tpu.memory_space<vmem>> -> memref<1x1x8x128xf32, #tpu.memory_space<vmem>>
        %dma_wait3A_1523 = tpu.memref_squeeze %dma_wait3A_1522 : memref<1x1x8x128xf32, #tpu.memory_space<vmem>> -> memref<8x128xf32, #tpu.memory_space<vmem>>
        tpu.wait_dma2 semaphore(%arg6 : memref<!tpu.dma_semaphore, #tpu.memory_space<semaphore_mem>>) src(%dma_wait3A_1523 : memref<8x128xf32, #tpu.memory_space<vmem>>) dst(%dma_wait3A_1519 : memref<8x128xf32, #tpu.memory_space<hbm>>)
        %dma_wait3A_1524 = arith.constant 0 : i32
        %dma_wait3A_1525 = arith.constant 6 : i32
        %dma_wait3A_1526 = arith.constant 0 : i32
        %dma_wait3A_1527 = arith.constant 0 : i32
        %dma_wait3A_1528 = tpu.memref_slice %arg5[%dma_wait3A_1524, %dma_wait3A_1525, %dma_wait3A_1526, %dma_wait3A_1527] : memref<8x11x8x128xf32, #tpu.memory_space<vmem>> -> memref<1x1x8x128xf32, #tpu.memory_space<vmem>>
        %dma_wait3A_1529 = tpu.memref_squeeze %dma_wait3A_1528 : memref<1x1x8x128xf32, #tpu.memory_space<vmem>> -> memref<8x128xf32, #tpu.memory_space<vmem>>
        %dma_wait3A_1530 = arith.constant 0 : i32
        %dma_wait3A_1531 = tpu.memref_slice %arg3[%dma_wait3A_1530, %add3A_130] : memref<64x100000xf32, #tpu.memory_space<hbm>> -> memref<8x128xf32, #tpu.memory_space<hbm>>
        %dma_wait3A_1532 = arith.constant 0 : i32
        %dma_wait3A_1533 = tpu.memref_slice %arg3[%dma_wait3A_1532, %add3A_130] : memref<64x100000xf32, #tpu.memory_space<hbm>> -> memref<8x128xf32, #tpu.memory_space<hbm>>
        %dma_wait3A_1534 = arith.constant 0 : i32
        %dma_wait3A_1535 = arith.constant 0 : i32
        %dma_wait3A_1536 = tpu.memref_slice %arg5[%dma_wait3A_1524, %dma_wait3A_1525, %dma_wait3A_1534, %dma_wait3A_1535] : memref<8x11x8x128xf32, #tpu.memory_space<vmem>> -> memref<1x1x8x128xf32, #tpu.memory_space<vmem>>
        %dma_wait3A_1537 = tpu.memref_squeeze %dma_wait3A_1536 : memref<1x1x8x128xf32, #tpu.memory_space<vmem>> -> memref<8x128xf32, #tpu.memory_space<vmem>>
        tpu.wait_dma2 semaphore(%arg6 : memref<!tpu.dma_semaphore, #tpu.memory_space<semaphore_mem>>) src(%dma_wait3A_1537 : memref<8x128xf32, #tpu.memory_space<vmem>>) dst(%dma_wait3A_1533 : memref<8x128xf32, #tpu.memory_space<hbm>>)
        %dma_wait3A_1538 = arith.constant 0 : i32
        %dma_wait3A_1539 = arith.constant 7 : i32
        %dma_wait3A_1540 = arith.constant 0 : i32
        %dma_wait3A_1541 = arith.constant 0 : i32
        %dma_wait3A_1542 = tpu.memref_slice %arg5[%dma_wait3A_1538, %dma_wait3A_1539, %dma_wait3A_1540, %dma_wait3A_1541] : memref<8x11x8x128xf32, #tpu.memory_space<vmem>> -> memref<1x1x8x128xf32, #tpu.memory_space<vmem>>
        %dma_wait3A_1543 = tpu.memref_squeeze %dma_wait3A_1542 : memref<1x1x8x128xf32, #tpu.memory_space<vmem>> -> memref<8x128xf32, #tpu.memory_space<vmem>>
        %dma_wait3A_1544 = arith.constant 0 : i32
        %dma_wait3A_1545 = tpu.memref_slice %arg3[%dma_wait3A_1544, %add3A_146] : memref<64x100000xf32, #tpu.memory_space<hbm>> -> memref<8x128xf32, #tpu.memory_space<hbm>>
        %dma_wait3A_1546 = arith.constant 0 : i32
        %dma_wait3A_1547 = tpu.memref_slice %arg3[%dma_wait3A_1546, %add3A_146] : memref<64x100000xf32, #tpu.memory_space<hbm>> -> memref<8x128xf32, #tpu.memory_space<hbm>>
        %dma_wait3A_1548 = arith.constant 0 : i32
        %dma_wait3A_1549 = arith.constant 0 : i32
        %dma_wait3A_1550 = tpu.memref_slice %arg5[%dma_wait3A_1538, %dma_wait3A_1539, %dma_wait3A_1548, %dma_wait3A_1549] : memref<8x11x8x128xf32, #tpu.memory_space<vmem>> -> memref<1x1x8x128xf32, #tpu.memory_space<vmem>>
        %dma_wait3A_1551 = tpu.memref_squeeze %dma_wait3A_1550 : memref<1x1x8x128xf32, #tpu.memory_space<vmem>> -> memref<8x128xf32, #tpu.memory_space<vmem>>
        tpu.wait_dma2 semaphore(%arg6 : memref<!tpu.dma_semaphore, #tpu.memory_space<semaphore_mem>>) src(%dma_wait3A_1551 : memref<8x128xf32, #tpu.memory_space<vmem>>) dst(%dma_wait3A_1547 : memref<8x128xf32, #tpu.memory_space<hbm>>)
        %dma_wait3A_1552 = arith.constant 0 : i32
        %dma_wait3A_1553 = arith.constant 8 : i32
        %dma_wait3A_1554 = arith.constant 0 : i32
        %dma_wait3A_1555 = arith.constant 0 : i32
        %dma_wait3A_1556 = tpu.memref_slice %arg5[%dma_wait3A_1552, %dma_wait3A_1553, %dma_wait3A_1554, %dma_wait3A_1555] : memref<8x11x8x128xf32, #tpu.memory_space<vmem>> -> memref<1x1x8x128xf32, #tpu.memory_space<vmem>>
        %dma_wait3A_1557 = tpu.memref_squeeze %dma_wait3A_1556 : memref<1x1x8x128xf32, #tpu.memory_space<vmem>> -> memref<8x128xf32, #tpu.memory_space<vmem>>
        %dma_wait3A_1558 = arith.constant 0 : i32
        %dma_wait3A_1559 = tpu.memref_slice %arg3[%dma_wait3A_1558, %add3A_162] : memref<64x100000xf32, #tpu.memory_space<hbm>> -> memref<8x128xf32, #tpu.memory_space<hbm>>
        %dma_wait3A_1560 = arith.constant 0 : i32
        %dma_wait3A_1561 = tpu.memref_slice %arg3[%dma_wait3A_1560, %add3A_162] : memref<64x100000xf32, #tpu.memory_space<hbm>> -> memref<8x128xf32, #tpu.memory_space<hbm>>
        %dma_wait3A_1562 = arith.constant 0 : i32
        %dma_wait3A_1563 = arith.constant 0 : i32
        %dma_wait3A_1564 = tpu.memref_slice %arg5[%dma_wait3A_1552, %dma_wait3A_1553, %dma_wait3A_1562, %dma_wait3A_1563] : memref<8x11x8x128xf32, #tpu.memory_space<vmem>> -> memref<1x1x8x128xf32, #tpu.memory_space<vmem>>
        %dma_wait3A_1565 = tpu.memref_squeeze %dma_wait3A_1564 : memref<1x1x8x128xf32, #tpu.memory_space<vmem>> -> memref<8x128xf32, #tpu.memory_space<vmem>>
        tpu.wait_dma2 semaphore(%arg6 : memref<!tpu.dma_semaphore, #tpu.memory_space<semaphore_mem>>) src(%dma_wait3A_1565 : memref<8x128xf32, #tpu.memory_space<vmem>>) dst(%dma_wait3A_1561 : memref<8x128xf32, #tpu.memory_space<hbm>>)
        %dma_wait3A_1566 = arith.constant 0 : i32
        %dma_wait3A_1567 = arith.constant 9 : i32
        %dma_wait3A_1568 = arith.constant 0 : i32
        %dma_wait3A_1569 = arith.constant 0 : i32
        %dma_wait3A_1570 = tpu.memref_slice %arg5[%dma_wait3A_1566, %dma_wait3A_1567, %dma_wait3A_1568, %dma_wait3A_1569] : memref<8x11x8x128xf32, #tpu.memory_space<vmem>> -> memref<1x1x8x128xf32, #tpu.memory_space<vmem>>
        %dma_wait3A_1571 = tpu.memref_squeeze %dma_wait3A_1570 : memref<1x1x8x128xf32, #tpu.memory_space<vmem>> -> memref<8x128xf32, #tpu.memory_space<vmem>>
        %dma_wait3A_1572 = arith.constant 0 : i32
        %dma_wait3A_1573 = tpu.memref_slice %arg3[%dma_wait3A_1572, %add3A_178] : memref<64x100000xf32, #tpu.memory_space<hbm>> -> memref<8x128xf32, #tpu.memory_space<hbm>>
        %dma_wait3A_1574 = arith.constant 0 : i32
        %dma_wait3A_1575 = tpu.memref_slice %arg3[%dma_wait3A_1574, %add3A_178] : memref<64x100000xf32, #tpu.memory_space<hbm>> -> memref<8x128xf32, #tpu.memory_space<hbm>>
        %dma_wait3A_1576 = arith.constant 0 : i32
        %dma_wait3A_1577 = arith.constant 0 : i32
        %dma_wait3A_1578 = tpu.memref_slice %arg5[%dma_wait3A_1566, %dma_wait3A_1567, %dma_wait3A_1576, %dma_wait3A_1577] : memref<8x11x8x128xf32, #tpu.memory_space<vmem>> -> memref<1x1x8x128xf32, #tpu.memory_space<vmem>>
        %dma_wait3A_1579 = tpu.memref_squeeze %dma_wait3A_1578 : memref<1x1x8x128xf32, #tpu.memory_space<vmem>> -> memref<8x128xf32, #tpu.memory_space<vmem>>
        tpu.wait_dma2 semaphore(%arg6 : memref<!tpu.dma_semaphore, #tpu.memory_space<semaphore_mem>>) src(%dma_wait3A_1579 : memref<8x128xf32, #tpu.memory_space<vmem>>) dst(%dma_wait3A_1575 : memref<8x128xf32, #tpu.memory_space<hbm>>)
        %dma_wait3A_1580 = arith.constant 0 : i32
        %dma_wait3A_1581 = arith.constant 10 : i32
        %dma_wait3A_1582 = arith.constant 0 : i32
        %dma_wait3A_1583 = arith.constant 0 : i32
        %dma_wait3A_1584 = tpu.memref_slice %arg5[%dma_wait3A_1580, %dma_wait3A_1581, %dma_wait3A_1582, %dma_wait3A_1583] : memref<8x11x8x128xf32, #tpu.memory_space<vmem>> -> memref<1x1x8x128xf32, #tpu.memory_space<vmem>>
        %dma_wait3A_1585 = tpu.memref_squeeze %dma_wait3A_1584 : memref<1x1x8x128xf32, #tpu.memory_space<vmem>> -> memref<8x128xf32, #tpu.memory_space<vmem>>
        %dma_wait3A_1586 = arith.constant 0 : i32
        %dma_wait3A_1587 = tpu.memref_slice %arg3[%dma_wait3A_1586, %add3A_194] : memref<64x100000xf32, #tpu.memory_space<hbm>> -> memref<8x128xf32, #tpu.memory_space<hbm>>
        %dma_wait3A_1588 = arith.constant 0 : i32
        %dma_wait3A_1589 = tpu.memref_slice %arg3[%dma_wait3A_1588, %add3A_194] : memref<64x100000xf32, #tpu.memory_space<hbm>> -> memref<8x128xf32, #tpu.memory_space<hbm>>
        %dma_wait3A_1590 = arith.constant 0 : i32
        %dma_wait3A_1591 = arith.constant 0 : i32
        %dma_wait3A_1592 = tpu.memref_slice %arg5[%dma_wait3A_1580, %dma_wait3A_1581, %dma_wait3A_1590, %dma_wait3A_1591] : memref<8x11x8x128xf32, #tpu.memory_space<vmem>> -> memref<1x1x8x128xf32, #tpu.memory_space<vmem>>
        %dma_wait3A_1593 = tpu.memref_squeeze %dma_wait3A_1592 : memref<1x1x8x128xf32, #tpu.memory_space<vmem>> -> memref<8x128xf32, #tpu.memory_space<vmem>>
        tpu.wait_dma2 semaphore(%arg6 : memref<!tpu.dma_semaphore, #tpu.memory_space<semaphore_mem>>) src(%dma_wait3A_1593 : memref<8x128xf32, #tpu.memory_space<vmem>>) dst(%dma_wait3A_1589 : memref<8x128xf32, #tpu.memory_space<hbm>>)
        %dma_wait3A_1594 = arith.constant 1 : i32
        %dma_wait3A_1595 = arith.constant 0 : i32
        %dma_wait3A_1596 = arith.constant 0 : i32
        %dma_wait3A_1597 = arith.constant 0 : i32
        %dma_wait3A_1598 = tpu.memref_slice %arg5[%dma_wait3A_1594, %dma_wait3A_1595, %dma_wait3A_1596, %dma_wait3A_1597] : memref<8x11x8x128xf32, #tpu.memory_space<vmem>> -> memref<1x1x8x128xf32, #tpu.memory_space<vmem>>
        %dma_wait3A_1599 = tpu.memref_squeeze %dma_wait3A_1598 : memref<1x1x8x128xf32, #tpu.memory_space<vmem>> -> memref<8x128xf32, #tpu.memory_space<vmem>>
        %dma_wait3A_1600 = arith.constant 8 : i32
        %dma_wait3A_1601 = tpu.memref_slice %arg3[%dma_wait3A_1600, %add3A_210] : memref<64x100000xf32, #tpu.memory_space<hbm>> -> memref<8x128xf32, #tpu.memory_space<hbm>>
        %dma_wait3A_1602 = arith.constant 8 : i32
        %dma_wait3A_1603 = tpu.memref_slice %arg3[%dma_wait3A_1602, %add3A_210] : memref<64x100000xf32, #tpu.memory_space<hbm>> -> memref<8x128xf32, #tpu.memory_space<hbm>>
        %dma_wait3A_1604 = arith.constant 0 : i32
        %dma_wait3A_1605 = arith.constant 0 : i32
        %dma_wait3A_1606 = tpu.memref_slice %arg5[%dma_wait3A_1594, %dma_wait3A_1595, %dma_wait3A_1604, %dma_wait3A_1605] : memref<8x11x8x128xf32, #tpu.memory_space<vmem>> -> memref<1x1x8x128xf32, #tpu.memory_space<vmem>>
        %dma_wait3A_1607 = tpu.memref_squeeze %dma_wait3A_1606 : memref<1x1x8x128xf32, #tpu.memory_space<vmem>> -> memref<8x128xf32, #tpu.memory_space<vmem>>
        tpu.wait_dma2 semaphore(%arg6 : memref<!tpu.dma_semaphore, #tpu.memory_space<semaphore_mem>>) src(%dma_wait3A_1607 : memref<8x128xf32, #tpu.memory_space<vmem>>) dst(%dma_wait3A_1603 : memref<8x128xf32, #tpu.memory_space<hbm>>)
        %dma_wait3A_1608 = arith.constant 1 : i32
        %dma_wait3A_1609 = arith.constant 1 : i32
        %dma_wait3A_1610 = arith.constant 0 : i32
        %dma_wait3A_1611 = arith.constant 0 : i32
        %dma_wait3A_1612 = tpu.memref_slice %arg5[%dma_wait3A_1608, %dma_wait3A_1609, %dma_wait3A_1610, %dma_wait3A_1611] : memref<8x11x8x128xf32, #tpu.memory_space<vmem>> -> memref<1x1x8x128xf32, #tpu.memory_space<vmem>>
        %dma_wait3A_1613 = tpu.memref_squeeze %dma_wait3A_1612 : memref<1x1x8x128xf32, #tpu.memory_space<vmem>> -> memref<8x128xf32, #tpu.memory_space<vmem>>
        %dma_wait3A_1614 = arith.constant 8 : i32
        %dma_wait3A_1615 = tpu.memref_slice %arg3[%dma_wait3A_1614, %add3A_226] : memref<64x100000xf32, #tpu.memory_space<hbm>> -> memref<8x128xf32, #tpu.memory_space<hbm>>
        %dma_wait3A_1616 = arith.constant 8 : i32
        %dma_wait3A_1617 = tpu.memref_slice %arg3[%dma_wait3A_1616, %add3A_226] : memref<64x100000xf32, #tpu.memory_space<hbm>> -> memref<8x128xf32, #tpu.memory_space<hbm>>
        %dma_wait3A_1618 = arith.constant 0 : i32
        %dma_wait3A_1619 = arith.constant 0 : i32
        %dma_wait3A_1620 = tpu.memref_slice %arg5[%dma_wait3A_1608, %dma_wait3A_1609, %dma_wait3A_1618, %dma_wait3A_1619] : memref<8x11x8x128xf32, #tpu.memory_space<vmem>> -> memref<1x1x8x128xf32, #tpu.memory_space<vmem>>
        %dma_wait3A_1621 = tpu.memref_squeeze %dma_wait3A_1620 : memref<1x1x8x128xf32, #tpu.memory_space<vmem>> -> memref<8x128xf32, #tpu.memory_space<vmem>>
        tpu.wait_dma2 semaphore(%arg6 : memref<!tpu.dma_semaphore, #tpu.memory_space<semaphore_mem>>) src(%dma_wait3A_1621 : memref<8x128xf32, #tpu.memory_space<vmem>>) dst(%dma_wait3A_1617 : memref<8x128xf32, #tpu.memory_space<hbm>>)
        %dma_wait3A_1622 = arith.constant 1 : i32
        %dma_wait3A_1623 = arith.constant 2 : i32
        %dma_wait3A_1624 = arith.constant 0 : i32
        %dma_wait3A_1625 = arith.constant 0 : i32
        %dma_wait3A_1626 = tpu.memref_slice %arg5[%dma_wait3A_1622, %dma_wait3A_1623, %dma_wait3A_1624, %dma_wait3A_1625] : memref<8x11x8x128xf32, #tpu.memory_space<vmem>> -> memref<1x1x8x128xf32, #tpu.memory_space<vmem>>
        %dma_wait3A_1627 = tpu.memref_squeeze %dma_wait3A_1626 : memref<1x1x8x128xf32, #tpu.memory_space<vmem>> -> memref<8x128xf32, #tpu.memory_space<vmem>>
        %dma_wait3A_1628 = arith.constant 8 : i32
        %dma_wait3A_1629 = tpu.memref_slice %arg3[%dma_wait3A_1628, %add3A_242] : memref<64x100000xf32, #tpu.memory_space<hbm>> -> memref<8x128xf32, #tpu.memory_space<hbm>>
        %dma_wait3A_1630 = arith.constant 8 : i32
        %dma_wait3A_1631 = tpu.memref_slice %arg3[%dma_wait3A_1630, %add3A_242] : memref<64x100000xf32, #tpu.memory_space<hbm>> -> memref<8x128xf32, #tpu.memory_space<hbm>>
        %dma_wait3A_1632 = arith.constant 0 : i32
        %dma_wait3A_1633 = arith.constant 0 : i32
        %dma_wait3A_1634 = tpu.memref_slice %arg5[%dma_wait3A_1622, %dma_wait3A_1623, %dma_wait3A_1632, %dma_wait3A_1633] : memref<8x11x8x128xf32, #tpu.memory_space<vmem>> -> memref<1x1x8x128xf32, #tpu.memory_space<vmem>>
        %dma_wait3A_1635 = tpu.memref_squeeze %dma_wait3A_1634 : memref<1x1x8x128xf32, #tpu.memory_space<vmem>> -> memref<8x128xf32, #tpu.memory_space<vmem>>
        tpu.wait_dma2 semaphore(%arg6 : memref<!tpu.dma_semaphore, #tpu.memory_space<semaphore_mem>>) src(%dma_wait3A_1635 : memref<8x128xf32, #tpu.memory_space<vmem>>) dst(%dma_wait3A_1631 : memref<8x128xf32, #tpu.memory_space<hbm>>)
        %dma_wait3A_1636 = arith.constant 1 : i32
        %dma_wait3A_1637 = arith.constant 3 : i32
        %dma_wait3A_1638 = arith.constant 0 : i32
        %dma_wait3A_1639 = arith.constant 0 : i32
        %dma_wait3A_1640 = tpu.memref_slice %arg5[%dma_wait3A_1636, %dma_wait3A_1637, %dma_wait3A_1638, %dma_wait3A_1639] : memref<8x11x8x128xf32, #tpu.memory_space<vmem>> -> memref<1x1x8x128xf32, #tpu.memory_space<vmem>>
        %dma_wait3A_1641 = tpu.memref_squeeze %dma_wait3A_1640 : memref<1x1x8x128xf32, #tpu.memory_space<vmem>> -> memref<8x128xf32, #tpu.memory_space<vmem>>
        %dma_wait3A_1642 = arith.constant 8 : i32
        %dma_wait3A_1643 = tpu.memref_slice %arg3[%dma_wait3A_1642, %add3A_258] : memref<64x100000xf32, #tpu.memory_space<hbm>> -> memref<8x128xf32, #tpu.memory_space<hbm>>
        %dma_wait3A_1644 = arith.constant 8 : i32
        %dma_wait3A_1645 = tpu.memref_slice %arg3[%dma_wait3A_1644, %add3A_258] : memref<64x100000xf32, #tpu.memory_space<hbm>> -> memref<8x128xf32, #tpu.memory_space<hbm>>
        %dma_wait3A_1646 = arith.constant 0 : i32
        %dma_wait3A_1647 = arith.constant 0 : i32
        %dma_wait3A_1648 = tpu.memref_slice %arg5[%dma_wait3A_1636, %dma_wait3A_1637, %dma_wait3A_1646, %dma_wait3A_1647] : memref<8x11x8x128xf32, #tpu.memory_space<vmem>> -> memref<1x1x8x128xf32, #tpu.memory_space<vmem>>
        %dma_wait3A_1649 = tpu.memref_squeeze %dma_wait3A_1648 : memref<1x1x8x128xf32, #tpu.memory_space<vmem>> -> memref<8x128xf32, #tpu.memory_space<vmem>>
        tpu.wait_dma2 semaphore(%arg6 : memref<!tpu.dma_semaphore, #tpu.memory_space<semaphore_mem>>) src(%dma_wait3A_1649 : memref<8x128xf32, #tpu.memory_space<vmem>>) dst(%dma_wait3A_1645 : memref<8x128xf32, #tpu.memory_space<hbm>>)
        %dma_wait3A_1650 = arith.constant 1 : i32
        %dma_wait3A_1651 = arith.constant 4 : i32
        %dma_wait3A_1652 = arith.constant 0 : i32
        %dma_wait3A_1653 = arith.constant 0 : i32
        %dma_wait3A_1654 = tpu.memref_slice %arg5[%dma_wait3A_1650, %dma_wait3A_1651, %dma_wait3A_1652, %dma_wait3A_1653] : memref<8x11x8x128xf32, #tpu.memory_space<vmem>> -> memref<1x1x8x128xf32, #tpu.memory_space<vmem>>
        %dma_wait3A_1655 = tpu.memref_squeeze %dma_wait3A_1654 : memref<1x1x8x128xf32, #tpu.memory_space<vmem>> -> memref<8x128xf32, #tpu.memory_space<vmem>>
        %dma_wait3A_1656 = arith.constant 8 : i32
        %dma_wait3A_1657 = tpu.memref_slice %arg3[%dma_wait3A_1656, %add3A_274] : memref<64x100000xf32, #tpu.memory_space<hbm>> -> memref<8x128xf32, #tpu.memory_space<hbm>>
        %dma_wait3A_1658 = arith.constant 8 : i32
        %dma_wait3A_1659 = tpu.memref_slice %arg3[%dma_wait3A_1658, %add3A_274] : memref<64x100000xf32, #tpu.memory_space<hbm>> -> memref<8x128xf32, #tpu.memory_space<hbm>>
        %dma_wait3A_1660 = arith.constant 0 : i32
        %dma_wait3A_1661 = arith.constant 0 : i32
        %dma_wait3A_1662 = tpu.memref_slice %arg5[%dma_wait3A_1650, %dma_wait3A_1651, %dma_wait3A_1660, %dma_wait3A_1661] : memref<8x11x8x128xf32, #tpu.memory_space<vmem>> -> memref<1x1x8x128xf32, #tpu.memory_space<vmem>>
        %dma_wait3A_1663 = tpu.memref_squeeze %dma_wait3A_1662 : memref<1x1x8x128xf32, #tpu.memory_space<vmem>> -> memref<8x128xf32, #tpu.memory_space<vmem>>
        tpu.wait_dma2 semaphore(%arg6 : memref<!tpu.dma_semaphore, #tpu.memory_space<semaphore_mem>>) src(%dma_wait3A_1663 : memref<8x128xf32, #tpu.memory_space<vmem>>) dst(%dma_wait3A_1659 : memref<8x128xf32, #tpu.memory_space<hbm>>)
        %dma_wait3A_1664 = arith.constant 1 : i32
        %dma_wait3A_1665 = arith.constant 5 : i32
        %dma_wait3A_1666 = arith.constant 0 : i32
        %dma_wait3A_1667 = arith.constant 0 : i32
        %dma_wait3A_1668 = tpu.memref_slice %arg5[%dma_wait3A_1664, %dma_wait3A_1665, %dma_wait3A_1666, %dma_wait3A_1667] : memref<8x11x8x128xf32, #tpu.memory_space<vmem>> -> memref<1x1x8x128xf32, #tpu.memory_space<vmem>>
        %dma_wait3A_1669 = tpu.memref_squeeze %dma_wait3A_1668 : memref<1x1x8x128xf32, #tpu.memory_space<vmem>> -> memref<8x128xf32, #tpu.memory_space<vmem>>
        %dma_wait3A_1670 = arith.constant 8 : i32
        %dma_wait3A_1671 = tpu.memref_slice %arg3[%dma_wait3A_1670, %add3A_290] : memref<64x100000xf32, #tpu.memory_space<hbm>> -> memref<8x128xf32, #tpu.memory_space<hbm>>
        %dma_wait3A_1672 = arith.constant 8 : i32
        %dma_wait3A_1673 = tpu.memref_slice %arg3[%dma_wait3A_1672, %add3A_290] : memref<64x100000xf32, #tpu.memory_space<hbm>> -> memref<8x128xf32, #tpu.memory_space<hbm>>
        %dma_wait3A_1674 = arith.constant 0 : i32
        %dma_wait3A_1675 = arith.constant 0 : i32
        %dma_wait3A_1676 = tpu.memref_slice %arg5[%dma_wait3A_1664, %dma_wait3A_1665, %dma_wait3A_1674, %dma_wait3A_1675] : memref<8x11x8x128xf32, #tpu.memory_space<vmem>> -> memref<1x1x8x128xf32, #tpu.memory_space<vmem>>
        %dma_wait3A_1677 = tpu.memref_squeeze %dma_wait3A_1676 : memref<1x1x8x128xf32, #tpu.memory_space<vmem>> -> memref<8x128xf32, #tpu.memory_space<vmem>>
        tpu.wait_dma2 semaphore(%arg6 : memref<!tpu.dma_semaphore, #tpu.memory_space<semaphore_mem>>) src(%dma_wait3A_1677 : memref<8x128xf32, #tpu.memory_space<vmem>>) dst(%dma_wait3A_1673 : memref<8x128xf32, #tpu.memory_space<hbm>>)
        %dma_wait3A_1678 = arith.constant 1 : i32
        %dma_wait3A_1679 = arith.constant 6 : i32
        %dma_wait3A_1680 = arith.constant 0 : i32
        %dma_wait3A_1681 = arith.constant 0 : i32
        %dma_wait3A_1682 = tpu.memref_slice %arg5[%dma_wait3A_1678, %dma_wait3A_1679, %dma_wait3A_1680, %dma_wait3A_1681] : memref<8x11x8x128xf32, #tpu.memory_space<vmem>> -> memref<1x1x8x128xf32, #tpu.memory_space<vmem>>
        %dma_wait3A_1683 = tpu.memref_squeeze %dma_wait3A_1682 : memref<1x1x8x128xf32, #tpu.memory_space<vmem>> -> memref<8x128xf32, #tpu.memory_space<vmem>>
        %dma_wait3A_1684 = arith.constant 8 : i32
        %dma_wait3A_1685 = tpu.memref_slice %arg3[%dma_wait3A_1684, %add3A_306] : memref<64x100000xf32, #tpu.memory_space<hbm>> -> memref<8x128xf32, #tpu.memory_space<hbm>>
        %dma_wait3A_1686 = arith.constant 8 : i32
        %dma_wait3A_1687 = tpu.memref_slice %arg3[%dma_wait3A_1686, %add3A_306] : memref<64x100000xf32, #tpu.memory_space<hbm>> -> memref<8x128xf32, #tpu.memory_space<hbm>>
        %dma_wait3A_1688 = arith.constant 0 : i32
        %dma_wait3A_1689 = arith.constant 0 : i32
        %dma_wait3A_1690 = tpu.memref_slice %arg5[%dma_wait3A_1678, %dma_wait3A_1679, %dma_wait3A_1688, %dma_wait3A_1689] : memref<8x11x8x128xf32, #tpu.memory_space<vmem>> -> memref<1x1x8x128xf32, #tpu.memory_space<vmem>>
        %dma_wait3A_1691 = tpu.memref_squeeze %dma_wait3A_1690 : memref<1x1x8x128xf32, #tpu.memory_space<vmem>> -> memref<8x128xf32, #tpu.memory_space<vmem>>
        tpu.wait_dma2 semaphore(%arg6 : memref<!tpu.dma_semaphore, #tpu.memory_space<semaphore_mem>>) src(%dma_wait3A_1691 : memref<8x128xf32, #tpu.memory_space<vmem>>) dst(%dma_wait3A_1687 : memref<8x128xf32, #tpu.memory_space<hbm>>)
        %dma_wait3A_1692 = arith.constant 1 : i32
        %dma_wait3A_1693 = arith.constant 7 : i32
        %dma_wait3A_1694 = arith.constant 0 : i32
        %dma_wait3A_1695 = arith.constant 0 : i32
        %dma_wait3A_1696 = tpu.memref_slice %arg5[%dma_wait3A_1692, %dma_wait3A_1693, %dma_wait3A_1694, %dma_wait3A_1695] : memref<8x11x8x128xf32, #tpu.memory_space<vmem>> -> memref<1x1x8x128xf32, #tpu.memory_space<vmem>>
        %dma_wait3A_1697 = tpu.memref_squeeze %dma_wait3A_1696 : memref<1x1x8x128xf32, #tpu.memory_space<vmem>> -> memref<8x128xf32, #tpu.memory_space<vmem>>
        %dma_wait3A_1698 = arith.constant 8 : i32
        %dma_wait3A_1699 = tpu.memref_slice %arg3[%dma_wait3A_1698, %add3A_322] : memref<64x100000xf32, #tpu.memory_space<hbm>> -> memref<8x128xf32, #tpu.memory_space<hbm>>
        %dma_wait3A_1700 = arith.constant 8 : i32
        %dma_wait3A_1701 = tpu.memref_slice %arg3[%dma_wait3A_1700, %add3A_322] : memref<64x100000xf32, #tpu.memory_space<hbm>> -> memref<8x128xf32, #tpu.memory_space<hbm>>
        %dma_wait3A_1702 = arith.constant 0 : i32
        %dma_wait3A_1703 = arith.constant 0 : i32
        %dma_wait3A_1704 = tpu.memref_slice %arg5[%dma_wait3A_1692, %dma_wait3A_1693, %dma_wait3A_1702, %dma_wait3A_1703] : memref<8x11x8x128xf32, #tpu.memory_space<vmem>> -> memref<1x1x8x128xf32, #tpu.memory_space<vmem>>
        %dma_wait3A_1705 = tpu.memref_squeeze %dma_wait3A_1704 : memref<1x1x8x128xf32, #tpu.memory_space<vmem>> -> memref<8x128xf32, #tpu.memory_space<vmem>>
        tpu.wait_dma2 semaphore(%arg6 : memref<!tpu.dma_semaphore, #tpu.memory_space<semaphore_mem>>) src(%dma_wait3A_1705 : memref<8x128xf32, #tpu.memory_space<vmem>>) dst(%dma_wait3A_1701 : memref<8x128xf32, #tpu.memory_space<hbm>>)
        %dma_wait3A_1706 = arith.constant 1 : i32
        %dma_wait3A_1707 = arith.constant 8 : i32
        %dma_wait3A_1708 = arith.constant 0 : i32
        %dma_wait3A_1709 = arith.constant 0 : i32
        %dma_wait3A_1710 = tpu.memref_slice %arg5[%dma_wait3A_1706, %dma_wait3A_1707, %dma_wait3A_1708, %dma_wait3A_1709] : memref<8x11x8x128xf32, #tpu.memory_space<vmem>> -> memref<1x1x8x128xf32, #tpu.memory_space<vmem>>
        %dma_wait3A_1711 = tpu.memref_squeeze %dma_wait3A_1710 : memref<1x1x8x128xf32, #tpu.memory_space<vmem>> -> memref<8x128xf32, #tpu.memory_space<vmem>>
        %dma_wait3A_1712 = arith.constant 8 : i32
        %dma_wait3A_1713 = tpu.memref_slice %arg3[%dma_wait3A_1712, %add3A_338] : memref<64x100000xf32, #tpu.memory_space<hbm>> -> memref<8x128xf32, #tpu.memory_space<hbm>>
        %dma_wait3A_1714 = arith.constant 8 : i32
        %dma_wait3A_1715 = tpu.memref_slice %arg3[%dma_wait3A_1714, %add3A_338] : memref<64x100000xf32, #tpu.memory_space<hbm>> -> memref<8x128xf32, #tpu.memory_space<hbm>>
        %dma_wait3A_1716 = arith.constant 0 : i32
        %dma_wait3A_1717 = arith.constant 0 : i32
        %dma_wait3A_1718 = tpu.memref_slice %arg5[%dma_wait3A_1706, %dma_wait3A_1707, %dma_wait3A_1716, %dma_wait3A_1717] : memref<8x11x8x128xf32, #tpu.memory_space<vmem>> -> memref<1x1x8x128xf32, #tpu.memory_space<vmem>>
        %dma_wait3A_1719 = tpu.memref_squeeze %dma_wait3A_1718 : memref<1x1x8x128xf32, #tpu.memory_space<vmem>> -> memref<8x128xf32, #tpu.memory_space<vmem>>
        tpu.wait_dma2 semaphore(%arg6 : memref<!tpu.dma_semaphore, #tpu.memory_space<semaphore_mem>>) src(%dma_wait3A_1719 : memref<8x128xf32, #tpu.memory_space<vmem>>) dst(%dma_wait3A_1715 : memref<8x128xf32, #tpu.memory_space<hbm>>)
        %dma_wait3A_1720 = arith.constant 1 : i32
        %dma_wait3A_1721 = arith.constant 9 : i32
        %dma_wait3A_1722 = arith.constant 0 : i32
        %dma_wait3A_1723 = arith.constant 0 : i32
        %dma_wait3A_1724 = tpu.memref_slice %arg5[%dma_wait3A_1720, %dma_wait3A_1721, %dma_wait3A_1722, %dma_wait3A_1723] : memref<8x11x8x128xf32, #tpu.memory_space<vmem>> -> memref<1x1x8x128xf32, #tpu.memory_space<vmem>>
        %dma_wait3A_1725 = tpu.memref_squeeze %dma_wait3A_1724 : memref<1x1x8x128xf32, #tpu.memory_space<vmem>> -> memref<8x128xf32, #tpu.memory_space<vmem>>
        %dma_wait3A_1726 = arith.constant 8 : i32
        %dma_wait3A_1727 = tpu.memref_slice %arg3[%dma_wait3A_1726, %add3A_354] : memref<64x100000xf32, #tpu.memory_space<hbm>> -> memref<8x128xf32, #tpu.memory_space<hbm>>
        %dma_wait3A_1728 = arith.constant 8 : i32
        %dma_wait3A_1729 = tpu.memref_slice %arg3[%dma_wait3A_1728, %add3A_354] : memref<64x100000xf32, #tpu.memory_space<hbm>> -> memref<8x128xf32, #tpu.memory_space<hbm>>
        %dma_wait3A_1730 = arith.constant 0 : i32
        %dma_wait3A_1731 = arith.constant 0 : i32
        %dma_wait3A_1732 = tpu.memref_slice %arg5[%dma_wait3A_1720, %dma_wait3A_1721, %dma_wait3A_1730, %dma_wait3A_1731] : memref<8x11x8x128xf32, #tpu.memory_space<vmem>> -> memref<1x1x8x128xf32, #tpu.memory_space<vmem>>
        %dma_wait3A_1733 = tpu.memref_squeeze %dma_wait3A_1732 : memref<1x1x8x128xf32, #tpu.memory_space<vmem>> -> memref<8x128xf32, #tpu.memory_space<vmem>>
        tpu.wait_dma2 semaphore(%arg6 : memref<!tpu.dma_semaphore, #tpu.memory_space<semaphore_mem>>) src(%dma_wait3A_1733 : memref<8x128xf32, #tpu.memory_space<vmem>>) dst(%dma_wait3A_1729 : memref<8x128xf32, #tpu.memory_space<hbm>>)
        %dma_wait3A_1734 = arith.constant 1 : i32
        %dma_wait3A_1735 = arith.constant 10 : i32
        %dma_wait3A_1736 = arith.constant 0 : i32
        %dma_wait3A_1737 = arith.constant 0 : i32
        %dma_wait3A_1738 = tpu.memref_slice %arg5[%dma_wait3A_1734, %dma_wait3A_1735, %dma_wait3A_1736, %dma_wait3A_1737] : memref<8x11x8x128xf32, #tpu.memory_space<vmem>> -> memref<1x1x8x128xf32, #tpu.memory_space<vmem>>
        %dma_wait3A_1739 = tpu.memref_squeeze %dma_wait3A_1738 : memref<1x1x8x128xf32, #tpu.memory_space<vmem>> -> memref<8x128xf32, #tpu.memory_space<vmem>>
        %dma_wait3A_1740 = arith.constant 8 : i32
        %dma_wait3A_1741 = tpu.memref_slice %arg3[%dma_wait3A_1740, %add3A_370] : memref<64x100000xf32, #tpu.memory_space<hbm>> -> memref<8x128xf32, #tpu.memory_space<hbm>>
        %dma_wait3A_1742 = arith.constant 8 : i32
        %dma_wait3A_1743 = tpu.memref_slice %arg3[%dma_wait3A_1742, %add3A_370] : memref<64x100000xf32, #tpu.memory_space<hbm>> -> memref<8x128xf32, #tpu.memory_space<hbm>>
        %dma_wait3A_1744 = arith.constant 0 : i32
        %dma_wait3A_1745 = arith.constant 0 : i32
        %dma_wait3A_1746 = tpu.memref_slice %arg5[%dma_wait3A_1734, %dma_wait3A_1735, %dma_wait3A_1744, %dma_wait3A_1745] : memref<8x11x8x128xf32, #tpu.memory_space<vmem>> -> memref<1x1x8x128xf32, #tpu.memory_space<vmem>>
        %dma_wait3A_1747 = tpu.memref_squeeze %dma_wait3A_1746 : memref<1x1x8x128xf32, #tpu.memory_space<vmem>> -> memref<8x128xf32, #tpu.memory_space<vmem>>
        tpu.wait_dma2 semaphore(%arg6 : memref<!tpu.dma_semaphore, #tpu.memory_space<semaphore_mem>>) src(%dma_wait3A_1747 : memref<8x128xf32, #tpu.memory_space<vmem>>) dst(%dma_wait3A_1743 : memref<8x128xf32, #tpu.memory_space<hbm>>)
        %dma_wait3A_1748 = arith.constant 2 : i32
        %dma_wait3A_1749 = arith.constant 0 : i32
        %dma_wait3A_1750 = arith.constant 0 : i32
        %dma_wait3A_1751 = arith.constant 0 : i32
        %dma_wait3A_1752 = tpu.memref_slice %arg5[%dma_wait3A_1748, %dma_wait3A_1749, %dma_wait3A_1750, %dma_wait3A_1751] : memref<8x11x8x128xf32, #tpu.memory_space<vmem>> -> memref<1x1x8x128xf32, #tpu.memory_space<vmem>>
        %dma_wait3A_1753 = tpu.memref_squeeze %dma_wait3A_1752 : memref<1x1x8x128xf32, #tpu.memory_space<vmem>> -> memref<8x128xf32, #tpu.memory_space<vmem>>
        %dma_wait3A_1754 = arith.constant 16 : i32
        %dma_wait3A_1755 = tpu.memref_slice %arg3[%dma_wait3A_1754, %add3A_386] : memref<64x100000xf32, #tpu.memory_space<hbm>> -> memref<8x128xf32, #tpu.memory_space<hbm>>
        %dma_wait3A_1756 = arith.constant 16 : i32
        %dma_wait3A_1757 = tpu.memref_slice %arg3[%dma_wait3A_1756, %add3A_386] : memref<64x100000xf32, #tpu.memory_space<hbm>> -> memref<8x128xf32, #tpu.memory_space<hbm>>
        %dma_wait3A_1758 = arith.constant 0 : i32
        %dma_wait3A_1759 = arith.constant 0 : i32
        %dma_wait3A_1760 = tpu.memref_slice %arg5[%dma_wait3A_1748, %dma_wait3A_1749, %dma_wait3A_1758, %dma_wait3A_1759] : memref<8x11x8x128xf32, #tpu.memory_space<vmem>> -> memref<1x1x8x128xf32, #tpu.memory_space<vmem>>
        %dma_wait3A_1761 = tpu.memref_squeeze %dma_wait3A_1760 : memref<1x1x8x128xf32, #tpu.memory_space<vmem>> -> memref<8x128xf32, #tpu.memory_space<vmem>>
        tpu.wait_dma2 semaphore(%arg6 : memref<!tpu.dma_semaphore, #tpu.memory_space<semaphore_mem>>) src(%dma_wait3A_1761 : memref<8x128xf32, #tpu.memory_space<vmem>>) dst(%dma_wait3A_1757 : memref<8x128xf32, #tpu.memory_space<hbm>>)
        %dma_wait3A_1762 = arith.constant 2 : i32
        %dma_wait3A_1763 = arith.constant 1 : i32
        %dma_wait3A_1764 = arith.constant 0 : i32
        %dma_wait3A_1765 = arith.constant 0 : i32
        %dma_wait3A_1766 = tpu.memref_slice %arg5[%dma_wait3A_1762, %dma_wait3A_1763, %dma_wait3A_1764, %dma_wait3A_1765] : memref<8x11x8x128xf32, #tpu.memory_space<vmem>> -> memref<1x1x8x128xf32, #tpu.memory_space<vmem>>
        %dma_wait3A_1767 = tpu.memref_squeeze %dma_wait3A_1766 : memref<1x1x8x128xf32, #tpu.memory_space<vmem>> -> memref<8x128xf32, #tpu.memory_space<vmem>>
        %dma_wait3A_1768 = arith.constant 16 : i32
        %dma_wait3A_1769 = tpu.memref_slice %arg3[%dma_wait3A_1768, %add3A_402] : memref<64x100000xf32, #tpu.memory_space<hbm>> -> memref<8x128xf32, #tpu.memory_space<hbm>>
        %dma_wait3A_1770 = arith.constant 16 : i32
        %dma_wait3A_1771 = tpu.memref_slice %arg3[%dma_wait3A_1770, %add3A_402] : memref<64x100000xf32, #tpu.memory_space<hbm>> -> memref<8x128xf32, #tpu.memory_space<hbm>>
        %dma_wait3A_1772 = arith.constant 0 : i32
        %dma_wait3A_1773 = arith.constant 0 : i32
        %dma_wait3A_1774 = tpu.memref_slice %arg5[%dma_wait3A_1762, %dma_wait3A_1763, %dma_wait3A_1772, %dma_wait3A_1773] : memref<8x11x8x128xf32, #tpu.memory_space<vmem>> -> memref<1x1x8x128xf32, #tpu.memory_space<vmem>>
        %dma_wait3A_1775 = tpu.memref_squeeze %dma_wait3A_1774 : memref<1x1x8x128xf32, #tpu.memory_space<vmem>> -> memref<8x128xf32, #tpu.memory_space<vmem>>
        tpu.wait_dma2 semaphore(%arg6 : memref<!tpu.dma_semaphore, #tpu.memory_space<semaphore_mem>>) src(%dma_wait3A_1775 : memref<8x128xf32, #tpu.memory_space<vmem>>) dst(%dma_wait3A_1771 : memref<8x128xf32, #tpu.memory_space<hbm>>)
        %dma_wait3A_1776 = arith.constant 2 : i32
        %dma_wait3A_1777 = arith.constant 2 : i32
        %dma_wait3A_1778 = arith.constant 0 : i32
        %dma_wait3A_1779 = arith.constant 0 : i32
        %dma_wait3A_1780 = tpu.memref_slice %arg5[%dma_wait3A_1776, %dma_wait3A_1777, %dma_wait3A_1778, %dma_wait3A_1779] : memref<8x11x8x128xf32, #tpu.memory_space<vmem>> -> memref<1x1x8x128xf32, #tpu.memory_space<vmem>>
        %dma_wait3A_1781 = tpu.memref_squeeze %dma_wait3A_1780 : memref<1x1x8x128xf32, #tpu.memory_space<vmem>> -> memref<8x128xf32, #tpu.memory_space<vmem>>
        %dma_wait3A_1782 = arith.constant 16 : i32
        %dma_wait3A_1783 = tpu.memref_slice %arg3[%dma_wait3A_1782, %add3A_418] : memref<64x100000xf32, #tpu.memory_space<hbm>> -> memref<8x128xf32, #tpu.memory_space<hbm>>
        %dma_wait3A_1784 = arith.constant 16 : i32
        %dma_wait3A_1785 = tpu.memref_slice %arg3[%dma_wait3A_1784, %add3A_418] : memref<64x100000xf32, #tpu.memory_space<hbm>> -> memref<8x128xf32, #tpu.memory_space<hbm>>
        %dma_wait3A_1786 = arith.constant 0 : i32
        %dma_wait3A_1787 = arith.constant 0 : i32
        %dma_wait3A_1788 = tpu.memref_slice %arg5[%dma_wait3A_1776, %dma_wait3A_1777, %dma_wait3A_1786, %dma_wait3A_1787] : memref<8x11x8x128xf32, #tpu.memory_space<vmem>> -> memref<1x1x8x128xf32, #tpu.memory_space<vmem>>
        %dma_wait3A_1789 = tpu.memref_squeeze %dma_wait3A_1788 : memref<1x1x8x128xf32, #tpu.memory_space<vmem>> -> memref<8x128xf32, #tpu.memory_space<vmem>>
        tpu.wait_dma2 semaphore(%arg6 : memref<!tpu.dma_semaphore, #tpu.memory_space<semaphore_mem>>) src(%dma_wait3A_1789 : memref<8x128xf32, #tpu.memory_space<vmem>>) dst(%dma_wait3A_1785 : memref<8x128xf32, #tpu.memory_space<hbm>>)
        %dma_wait3A_1790 = arith.constant 2 : i32
        %dma_wait3A_1791 = arith.constant 3 : i32
        %dma_wait3A_1792 = arith.constant 0 : i32
        %dma_wait3A_1793 = arith.constant 0 : i32
        %dma_wait3A_1794 = tpu.memref_slice %arg5[%dma_wait3A_1790, %dma_wait3A_1791, %dma_wait3A_1792, %dma_wait3A_1793] : memref<8x11x8x128xf32, #tpu.memory_space<vmem>> -> memref<1x1x8x128xf32, #tpu.memory_space<vmem>>
        %dma_wait3A_1795 = tpu.memref_squeeze %dma_wait3A_1794 : memref<1x1x8x128xf32, #tpu.memory_space<vmem>> -> memref<8x128xf32, #tpu.memory_space<vmem>>
        %dma_wait3A_1796 = arith.constant 16 : i32
        %dma_wait3A_1797 = tpu.memref_slice %arg3[%dma_wait3A_1796, %add3A_434] : memref<64x100000xf32, #tpu.memory_space<hbm>> -> memref<8x128xf32, #tpu.memory_space<hbm>>
        %dma_wait3A_1798 = arith.constant 16 : i32
        %dma_wait3A_1799 = tpu.memref_slice %arg3[%dma_wait3A_1798, %add3A_434] : memref<64x100000xf32, #tpu.memory_space<hbm>> -> memref<8x128xf32, #tpu.memory_space<hbm>>
        %dma_wait3A_1800 = arith.constant 0 : i32
        %dma_wait3A_1801 = arith.constant 0 : i32
        %dma_wait3A_1802 = tpu.memref_slice %arg5[%dma_wait3A_1790, %dma_wait3A_1791, %dma_wait3A_1800, %dma_wait3A_1801] : memref<8x11x8x128xf32, #tpu.memory_space<vmem>> -> memref<1x1x8x128xf32, #tpu.memory_space<vmem>>
        %dma_wait3A_1803 = tpu.memref_squeeze %dma_wait3A_1802 : memref<1x1x8x128xf32, #tpu.memory_space<vmem>> -> memref<8x128xf32, #tpu.memory_space<vmem>>
        tpu.wait_dma2 semaphore(%arg6 : memref<!tpu.dma_semaphore, #tpu.memory_space<semaphore_mem>>) src(%dma_wait3A_1803 : memref<8x128xf32, #tpu.memory_space<vmem>>) dst(%dma_wait3A_1799 : memref<8x128xf32, #tpu.memory_space<hbm>>)
        %dma_wait3A_1804 = arith.constant 2 : i32
        %dma_wait3A_1805 = arith.constant 4 : i32
        %dma_wait3A_1806 = arith.constant 0 : i32
        %dma_wait3A_1807 = arith.constant 0 : i32
        %dma_wait3A_1808 = tpu.memref_slice %arg5[%dma_wait3A_1804, %dma_wait3A_1805, %dma_wait3A_1806, %dma_wait3A_1807] : memref<8x11x8x128xf32, #tpu.memory_space<vmem>> -> memref<1x1x8x128xf32, #tpu.memory_space<vmem>>
        %dma_wait3A_1809 = tpu.memref_squeeze %dma_wait3A_1808 : memref<1x1x8x128xf32, #tpu.memory_space<vmem>> -> memref<8x128xf32, #tpu.memory_space<vmem>>
        %dma_wait3A_1810 = arith.constant 16 : i32
        %dma_wait3A_1811 = tpu.memref_slice %arg3[%dma_wait3A_1810, %add3A_450] : memref<64x100000xf32, #tpu.memory_space<hbm>> -> memref<8x128xf32, #tpu.memory_space<hbm>>
        %dma_wait3A_1812 = arith.constant 16 : i32
        %dma_wait3A_1813 = tpu.memref_slice %arg3[%dma_wait3A_1812, %add3A_450] : memref<64x100000xf32, #tpu.memory_space<hbm>> -> memref<8x128xf32, #tpu.memory_space<hbm>>
        %dma_wait3A_1814 = arith.constant 0 : i32
        %dma_wait3A_1815 = arith.constant 0 : i32
        %dma_wait3A_1816 = tpu.memref_slice %arg5[%dma_wait3A_1804, %dma_wait3A_1805, %dma_wait3A_1814, %dma_wait3A_1815] : memref<8x11x8x128xf32, #tpu.memory_space<vmem>> -> memref<1x1x8x128xf32, #tpu.memory_space<vmem>>
        %dma_wait3A_1817 = tpu.memref_squeeze %dma_wait3A_1816 : memref<1x1x8x128xf32, #tpu.memory_space<vmem>> -> memref<8x128xf32, #tpu.memory_space<vmem>>
        tpu.wait_dma2 semaphore(%arg6 : memref<!tpu.dma_semaphore, #tpu.memory_space<semaphore_mem>>) src(%dma_wait3A_1817 : memref<8x128xf32, #tpu.memory_space<vmem>>) dst(%dma_wait3A_1813 : memref<8x128xf32, #tpu.memory_space<hbm>>)
        %dma_wait3A_1818 = arith.constant 2 : i32
        %dma_wait3A_1819 = arith.constant 5 : i32
        %dma_wait3A_1820 = arith.constant 0 : i32
        %dma_wait3A_1821 = arith.constant 0 : i32
        %dma_wait3A_1822 = tpu.memref_slice %arg5[%dma_wait3A_1818, %dma_wait3A_1819, %dma_wait3A_1820, %dma_wait3A_1821] : memref<8x11x8x128xf32, #tpu.memory_space<vmem>> -> memref<1x1x8x128xf32, #tpu.memory_space<vmem>>
        %dma_wait3A_1823 = tpu.memref_squeeze %dma_wait3A_1822 : memref<1x1x8x128xf32, #tpu.memory_space<vmem>> -> memref<8x128xf32, #tpu.memory_space<vmem>>
        %dma_wait3A_1824 = arith.constant 16 : i32
        %dma_wait3A_1825 = tpu.memref_slice %arg3[%dma_wait3A_1824, %add3A_466] : memref<64x100000xf32, #tpu.memory_space<hbm>> -> memref<8x128xf32, #tpu.memory_space<hbm>>
        %dma_wait3A_1826 = arith.constant 16 : i32
        %dma_wait3A_1827 = tpu.memref_slice %arg3[%dma_wait3A_1826, %add3A_466] : memref<64x100000xf32, #tpu.memory_space<hbm>> -> memref<8x128xf32, #tpu.memory_space<hbm>>
        %dma_wait3A_1828 = arith.constant 0 : i32
        %dma_wait3A_1829 = arith.constant 0 : i32
        %dma_wait3A_1830 = tpu.memref_slice %arg5[%dma_wait3A_1818, %dma_wait3A_1819, %dma_wait3A_1828, %dma_wait3A_1829] : memref<8x11x8x128xf32, #tpu.memory_space<vmem>> -> memref<1x1x8x128xf32, #tpu.memory_space<vmem>>
        %dma_wait3A_1831 = tpu.memref_squeeze %dma_wait3A_1830 : memref<1x1x8x128xf32, #tpu.memory_space<vmem>> -> memref<8x128xf32, #tpu.memory_space<vmem>>
        tpu.wait_dma2 semaphore(%arg6 : memref<!tpu.dma_semaphore, #tpu.memory_space<semaphore_mem>>) src(%dma_wait3A_1831 : memref<8x128xf32, #tpu.memory_space<vmem>>) dst(%dma_wait3A_1827 : memref<8x128xf32, #tpu.memory_space<hbm>>)
        %dma_wait3A_1832 = arith.constant 2 : i32
        %dma_wait3A_1833 = arith.constant 6 : i32
        %dma_wait3A_1834 = arith.constant 0 : i32
        %dma_wait3A_1835 = arith.constant 0 : i32
        %dma_wait3A_1836 = tpu.memref_slice %arg5[%dma_wait3A_1832, %dma_wait3A_1833, %dma_wait3A_1834, %dma_wait3A_1835] : memref<8x11x8x128xf32, #tpu.memory_space<vmem>> -> memref<1x1x8x128xf32, #tpu.memory_space<vmem>>
        %dma_wait3A_1837 = tpu.memref_squeeze %dma_wait3A_1836 : memref<1x1x8x128xf32, #tpu.memory_space<vmem>> -> memref<8x128xf32, #tpu.memory_space<vmem>>
        %dma_wait3A_1838 = arith.constant 16 : i32
        %dma_wait3A_1839 = tpu.memref_slice %arg3[%dma_wait3A_1838, %add3A_482] : memref<64x100000xf32, #tpu.memory_space<hbm>> -> memref<8x128xf32, #tpu.memory_space<hbm>>
        %dma_wait3A_1840 = arith.constant 16 : i32
        %dma_wait3A_1841 = tpu.memref_slice %arg3[%dma_wait3A_1840, %add3A_482] : memref<64x100000xf32, #tpu.memory_space<hbm>> -> memref<8x128xf32, #tpu.memory_space<hbm>>
        %dma_wait3A_1842 = arith.constant 0 : i32
        %dma_wait3A_1843 = arith.constant 0 : i32
        %dma_wait3A_1844 = tpu.memref_slice %arg5[%dma_wait3A_1832, %dma_wait3A_1833, %dma_wait3A_1842, %dma_wait3A_1843] : memref<8x11x8x128xf32, #tpu.memory_space<vmem>> -> memref<1x1x8x128xf32, #tpu.memory_space<vmem>>
        %dma_wait3A_1845 = tpu.memref_squeeze %dma_wait3A_1844 : memref<1x1x8x128xf32, #tpu.memory_space<vmem>> -> memref<8x128xf32, #tpu.memory_space<vmem>>
        tpu.wait_dma2 semaphore(%arg6 : memref<!tpu.dma_semaphore, #tpu.memory_space<semaphore_mem>>) src(%dma_wait3A_1845 : memref<8x128xf32, #tpu.memory_space<vmem>>) dst(%dma_wait3A_1841 : memref<8x128xf32, #tpu.memory_space<hbm>>)
        %dma_wait3A_1846 = arith.constant 2 : i32
        %dma_wait3A_1847 = arith.constant 7 : i32
        %dma_wait3A_1848 = arith.constant 0 : i32
        %dma_wait3A_1849 = arith.constant 0 : i32
        %dma_wait3A_1850 = tpu.memref_slice %arg5[%dma_wait3A_1846, %dma_wait3A_1847, %dma_wait3A_1848, %dma_wait3A_1849] : memref<8x11x8x128xf32, #tpu.memory_space<vmem>> -> memref<1x1x8x128xf32, #tpu.memory_space<vmem>>
        %dma_wait3A_1851 = tpu.memref_squeeze %dma_wait3A_1850 : memref<1x1x8x128xf32, #tpu.memory_space<vmem>> -> memref<8x128xf32, #tpu.memory_space<vmem>>
        %dma_wait3A_1852 = arith.constant 16 : i32
        %dma_wait3A_1853 = tpu.memref_slice %arg3[%dma_wait3A_1852, %add3A_498] : memref<64x100000xf32, #tpu.memory_space<hbm>> -> memref<8x128xf32, #tpu.memory_space<hbm>>
        %dma_wait3A_1854 = arith.constant 16 : i32
        %dma_wait3A_1855 = tpu.memref_slice %arg3[%dma_wait3A_1854, %add3A_498] : memref<64x100000xf32, #tpu.memory_space<hbm>> -> memref<8x128xf32, #tpu.memory_space<hbm>>
        %dma_wait3A_1856 = arith.constant 0 : i32
        %dma_wait3A_1857 = arith.constant 0 : i32
        %dma_wait3A_1858 = tpu.memref_slice %arg5[%dma_wait3A_1846, %dma_wait3A_1847, %dma_wait3A_1856, %dma_wait3A_1857] : memref<8x11x8x128xf32, #tpu.memory_space<vmem>> -> memref<1x1x8x128xf32, #tpu.memory_space<vmem>>
        %dma_wait3A_1859 = tpu.memref_squeeze %dma_wait3A_1858 : memref<1x1x8x128xf32, #tpu.memory_space<vmem>> -> memref<8x128xf32, #tpu.memory_space<vmem>>
        tpu.wait_dma2 semaphore(%arg6 : memref<!tpu.dma_semaphore, #tpu.memory_space<semaphore_mem>>) src(%dma_wait3A_1859 : memref<8x128xf32, #tpu.memory_space<vmem>>) dst(%dma_wait3A_1855 : memref<8x128xf32, #tpu.memory_space<hbm>>)
        %dma_wait3A_1860 = arith.constant 2 : i32
        %dma_wait3A_1861 = arith.constant 8 : i32
        %dma_wait3A_1862 = arith.constant 0 : i32
        %dma_wait3A_1863 = arith.constant 0 : i32
        %dma_wait3A_1864 = tpu.memref_slice %arg5[%dma_wait3A_1860, %dma_wait3A_1861, %dma_wait3A_1862, %dma_wait3A_1863] : memref<8x11x8x128xf32, #tpu.memory_space<vmem>> -> memref<1x1x8x128xf32, #tpu.memory_space<vmem>>
        %dma_wait3A_1865 = tpu.memref_squeeze %dma_wait3A_1864 : memref<1x1x8x128xf32, #tpu.memory_space<vmem>> -> memref<8x128xf32, #tpu.memory_space<vmem>>
        %dma_wait3A_1866 = arith.constant 16 : i32
        %dma_wait3A_1867 = tpu.memref_slice %arg3[%dma_wait3A_1866, %add3A_514] : memref<64x100000xf32, #tpu.memory_space<hbm>> -> memref<8x128xf32, #tpu.memory_space<hbm>>
        %dma_wait3A_1868 = arith.constant 16 : i32
        %dma_wait3A_1869 = tpu.memref_slice %arg3[%dma_wait3A_1868, %add3A_514] : memref<64x100000xf32, #tpu.memory_space<hbm>> -> memref<8x128xf32, #tpu.memory_space<hbm>>
        %dma_wait3A_1870 = arith.constant 0 : i32
        %dma_wait3A_1871 = arith.constant 0 : i32
        %dma_wait3A_1872 = tpu.memref_slice %arg5[%dma_wait3A_1860, %dma_wait3A_1861, %dma_wait3A_1870, %dma_wait3A_1871] : memref<8x11x8x128xf32, #tpu.memory_space<vmem>> -> memref<1x1x8x128xf32, #tpu.memory_space<vmem>>
        %dma_wait3A_1873 = tpu.memref_squeeze %dma_wait3A_1872 : memref<1x1x8x128xf32, #tpu.memory_space<vmem>> -> memref<8x128xf32, #tpu.memory_space<vmem>>
        tpu.wait_dma2 semaphore(%arg6 : memref<!tpu.dma_semaphore, #tpu.memory_space<semaphore_mem>>) src(%dma_wait3A_1873 : memref<8x128xf32, #tpu.memory_space<vmem>>) dst(%dma_wait3A_1869 : memref<8x128xf32, #tpu.memory_space<hbm>>)
        %dma_wait3A_1874 = arith.constant 2 : i32
        %dma_wait3A_1875 = arith.constant 9 : i32
        %dma_wait3A_1876 = arith.constant 0 : i32
        %dma_wait3A_1877 = arith.constant 0 : i32
        %dma_wait3A_1878 = tpu.memref_slice %arg5[%dma_wait3A_1874, %dma_wait3A_1875, %dma_wait3A_1876, %dma_wait3A_1877] : memref<8x11x8x128xf32, #tpu.memory_space<vmem>> -> memref<1x1x8x128xf32, #tpu.memory_space<vmem>>
        %dma_wait3A_1879 = tpu.memref_squeeze %dma_wait3A_1878 : memref<1x1x8x128xf32, #tpu.memory_space<vmem>> -> memref<8x128xf32, #tpu.memory_space<vmem>>
        %dma_wait3A_1880 = arith.constant 16 : i32
        %dma_wait3A_1881 = tpu.memref_slice %arg3[%dma_wait3A_1880, %add3A_530] : memref<64x100000xf32, #tpu.memory_space<hbm>> -> memref<8x128xf32, #tpu.memory_space<hbm>>
        %dma_wait3A_1882 = arith.constant 16 : i32
        %dma_wait3A_1883 = tpu.memref_slice %arg3[%dma_wait3A_1882, %add3A_530] : memref<64x100000xf32, #tpu.memory_space<hbm>> -> memref<8x128xf32, #tpu.memory_space<hbm>>
        %dma_wait3A_1884 = arith.constant 0 : i32
        %dma_wait3A_1885 = arith.constant 0 : i32
        %dma_wait3A_1886 = tpu.memref_slice %arg5[%dma_wait3A_1874, %dma_wait3A_1875, %dma_wait3A_1884, %dma_wait3A_1885] : memref<8x11x8x128xf32, #tpu.memory_space<vmem>> -> memref<1x1x8x128xf32, #tpu.memory_space<vmem>>
        %dma_wait3A_1887 = tpu.memref_squeeze %dma_wait3A_1886 : memref<1x1x8x128xf32, #tpu.memory_space<vmem>> -> memref<8x128xf32, #tpu.memory_space<vmem>>
        tpu.wait_dma2 semaphore(%arg6 : memref<!tpu.dma_semaphore, #tpu.memory_space<semaphore_mem>>) src(%dma_wait3A_1887 : memref<8x128xf32, #tpu.memory_space<vmem>>) dst(%dma_wait3A_1883 : memref<8x128xf32, #tpu.memory_space<hbm>>)
        %dma_wait3A_1888 = arith.constant 2 : i32
        %dma_wait3A_1889 = arith.constant 10 : i32
        %dma_wait3A_1890 = arith.constant 0 : i32
        %dma_wait3A_1891 = arith.constant 0 : i32
        %dma_wait3A_1892 = tpu.memref_slice %arg5[%dma_wait3A_1888, %dma_wait3A_1889, %dma_wait3A_1890, %dma_wait3A_1891] : memref<8x11x8x128xf32, #tpu.memory_space<vmem>> -> memref<1x1x8x128xf32, #tpu.memory_space<vmem>>
        %dma_wait3A_1893 = tpu.memref_squeeze %dma_wait3A_1892 : memref<1x1x8x128xf32, #tpu.memory_space<vmem>> -> memref<8x128xf32, #tpu.memory_space<vmem>>
        %dma_wait3A_1894 = arith.constant 16 : i32
        %dma_wait3A_1895 = tpu.memref_slice %arg3[%dma_wait3A_1894, %add3A_546] : memref<64x100000xf32, #tpu.memory_space<hbm>> -> memref<8x128xf32, #tpu.memory_space<hbm>>
        %dma_wait3A_1896 = arith.constant 16 : i32
        %dma_wait3A_1897 = tpu.memref_slice %arg3[%dma_wait3A_1896, %add3A_546] : memref<64x100000xf32, #tpu.memory_space<hbm>> -> memref<8x128xf32, #tpu.memory_space<hbm>>
        %dma_wait3A_1898 = arith.constant 0 : i32
        %dma_wait3A_1899 = arith.constant 0 : i32
        %dma_wait3A_1900 = tpu.memref_slice %arg5[%dma_wait3A_1888, %dma_wait3A_1889, %dma_wait3A_1898, %dma_wait3A_1899] : memref<8x11x8x128xf32, #tpu.memory_space<vmem>> -> memref<1x1x8x128xf32, #tpu.memory_space<vmem>>
        %dma_wait3A_1901 = tpu.memref_squeeze %dma_wait3A_1900 : memref<1x1x8x128xf32, #tpu.memory_space<vmem>> -> memref<8x128xf32, #tpu.memory_space<vmem>>
        tpu.wait_dma2 semaphore(%arg6 : memref<!tpu.dma_semaphore, #tpu.memory_space<semaphore_mem>>) src(%dma_wait3A_1901 : memref<8x128xf32, #tpu.memory_space<vmem>>) dst(%dma_wait3A_1897 : memref<8x128xf32, #tpu.memory_space<hbm>>)
        %dma_wait3A_1902 = arith.constant 3 : i32
        %dma_wait3A_1903 = arith.constant 0 : i32
        %dma_wait3A_1904 = arith.constant 0 : i32
        %dma_wait3A_1905 = arith.constant 0 : i32
        %dma_wait3A_1906 = tpu.memref_slice %arg5[%dma_wait3A_1902, %dma_wait3A_1903, %dma_wait3A_1904, %dma_wait3A_1905] : memref<8x11x8x128xf32, #tpu.memory_space<vmem>> -> memref<1x1x8x128xf32, #tpu.memory_space<vmem>>
        %dma_wait3A_1907 = tpu.memref_squeeze %dma_wait3A_1906 : memref<1x1x8x128xf32, #tpu.memory_space<vmem>> -> memref<8x128xf32, #tpu.memory_space<vmem>>
        %dma_wait3A_1908 = arith.constant 24 : i32
        %dma_wait3A_1909 = tpu.memref_slice %arg3[%dma_wait3A_1908, %add3A_562] : memref<64x100000xf32, #tpu.memory_space<hbm>> -> memref<8x128xf32, #tpu.memory_space<hbm>>
        %dma_wait3A_1910 = arith.constant 24 : i32
        %dma_wait3A_1911 = tpu.memref_slice %arg3[%dma_wait3A_1910, %add3A_562] : memref<64x100000xf32, #tpu.memory_space<hbm>> -> memref<8x128xf32, #tpu.memory_space<hbm>>
        %dma_wait3A_1912 = arith.constant 0 : i32
        %dma_wait3A_1913 = arith.constant 0 : i32
        %dma_wait3A_1914 = tpu.memref_slice %arg5[%dma_wait3A_1902, %dma_wait3A_1903, %dma_wait3A_1912, %dma_wait3A_1913] : memref<8x11x8x128xf32, #tpu.memory_space<vmem>> -> memref<1x1x8x128xf32, #tpu.memory_space<vmem>>
        %dma_wait3A_1915 = tpu.memref_squeeze %dma_wait3A_1914 : memref<1x1x8x128xf32, #tpu.memory_space<vmem>> -> memref<8x128xf32, #tpu.memory_space<vmem>>
        tpu.wait_dma2 semaphore(%arg6 : memref<!tpu.dma_semaphore, #tpu.memory_space<semaphore_mem>>) src(%dma_wait3A_1915 : memref<8x128xf32, #tpu.memory_space<vmem>>) dst(%dma_wait3A_1911 : memref<8x128xf32, #tpu.memory_space<hbm>>)
        %dma_wait3A_1916 = arith.constant 3 : i32
        %dma_wait3A_1917 = arith.constant 1 : i32
        %dma_wait3A_1918 = arith.constant 0 : i32
        %dma_wait3A_1919 = arith.constant 0 : i32
        %dma_wait3A_1920 = tpu.memref_slice %arg5[%dma_wait3A_1916, %dma_wait3A_1917, %dma_wait3A_1918, %dma_wait3A_1919] : memref<8x11x8x128xf32, #tpu.memory_space<vmem>> -> memref<1x1x8x128xf32, #tpu.memory_space<vmem>>
        %dma_wait3A_1921 = tpu.memref_squeeze %dma_wait3A_1920 : memref<1x1x8x128xf32, #tpu.memory_space<vmem>> -> memref<8x128xf32, #tpu.memory_space<vmem>>
        %dma_wait3A_1922 = arith.constant 24 : i32
        %dma_wait3A_1923 = tpu.memref_slice %arg3[%dma_wait3A_1922, %add3A_578] : memref<64x100000xf32, #tpu.memory_space<hbm>> -> memref<8x128xf32, #tpu.memory_space<hbm>>
        %dma_wait3A_1924 = arith.constant 24 : i32
        %dma_wait3A_1925 = tpu.memref_slice %arg3[%dma_wait3A_1924, %add3A_578] : memref<64x100000xf32, #tpu.memory_space<hbm>> -> memref<8x128xf32, #tpu.memory_space<hbm>>
        %dma_wait3A_1926 = arith.constant 0 : i32
        %dma_wait3A_1927 = arith.constant 0 : i32
        %dma_wait3A_1928 = tpu.memref_slice %arg5[%dma_wait3A_1916, %dma_wait3A_1917, %dma_wait3A_1926, %dma_wait3A_1927] : memref<8x11x8x128xf32, #tpu.memory_space<vmem>> -> memref<1x1x8x128xf32, #tpu.memory_space<vmem>>
        %dma_wait3A_1929 = tpu.memref_squeeze %dma_wait3A_1928 : memref<1x1x8x128xf32, #tpu.memory_space<vmem>> -> memref<8x128xf32, #tpu.memory_space<vmem>>
        tpu.wait_dma2 semaphore(%arg6 : memref<!tpu.dma_semaphore, #tpu.memory_space<semaphore_mem>>) src(%dma_wait3A_1929 : memref<8x128xf32, #tpu.memory_space<vmem>>) dst(%dma_wait3A_1925 : memref<8x128xf32, #tpu.memory_space<hbm>>)
        %dma_wait3A_1930 = arith.constant 3 : i32
        %dma_wait3A_1931 = arith.constant 2 : i32
        %dma_wait3A_1932 = arith.constant 0 : i32
        %dma_wait3A_1933 = arith.constant 0 : i32
        %dma_wait3A_1934 = tpu.memref_slice %arg5[%dma_wait3A_1930, %dma_wait3A_1931, %dma_wait3A_1932, %dma_wait3A_1933] : memref<8x11x8x128xf32, #tpu.memory_space<vmem>> -> memref<1x1x8x128xf32, #tpu.memory_space<vmem>>
        %dma_wait3A_1935 = tpu.memref_squeeze %dma_wait3A_1934 : memref<1x1x8x128xf32, #tpu.memory_space<vmem>> -> memref<8x128xf32, #tpu.memory_space<vmem>>
        %dma_wait3A_1936 = arith.constant 24 : i32
        %dma_wait3A_1937 = tpu.memref_slice %arg3[%dma_wait3A_1936, %add3A_594] : memref<64x100000xf32, #tpu.memory_space<hbm>> -> memref<8x128xf32, #tpu.memory_space<hbm>>
        %dma_wait3A_1938 = arith.constant 24 : i32
        %dma_wait3A_1939 = tpu.memref_slice %arg3[%dma_wait3A_1938, %add3A_594] : memref<64x100000xf32, #tpu.memory_space<hbm>> -> memref<8x128xf32, #tpu.memory_space<hbm>>
        %dma_wait3A_1940 = arith.constant 0 : i32
        %dma_wait3A_1941 = arith.constant 0 : i32
        %dma_wait3A_1942 = tpu.memref_slice %arg5[%dma_wait3A_1930, %dma_wait3A_1931, %dma_wait3A_1940, %dma_wait3A_1941] : memref<8x11x8x128xf32, #tpu.memory_space<vmem>> -> memref<1x1x8x128xf32, #tpu.memory_space<vmem>>
        %dma_wait3A_1943 = tpu.memref_squeeze %dma_wait3A_1942 : memref<1x1x8x128xf32, #tpu.memory_space<vmem>> -> memref<8x128xf32, #tpu.memory_space<vmem>>
        tpu.wait_dma2 semaphore(%arg6 : memref<!tpu.dma_semaphore, #tpu.memory_space<semaphore_mem>>) src(%dma_wait3A_1943 : memref<8x128xf32, #tpu.memory_space<vmem>>) dst(%dma_wait3A_1939 : memref<8x128xf32, #tpu.memory_space<hbm>>)
        %dma_wait3A_1944 = arith.constant 3 : i32
        %dma_wait3A_1945 = arith.constant 3 : i32
        %dma_wait3A_1946 = arith.constant 0 : i32
        %dma_wait3A_1947 = arith.constant 0 : i32
        %dma_wait3A_1948 = tpu.memref_slice %arg5[%dma_wait3A_1944, %dma_wait3A_1945, %dma_wait3A_1946, %dma_wait3A_1947] : memref<8x11x8x128xf32, #tpu.memory_space<vmem>> -> memref<1x1x8x128xf32, #tpu.memory_space<vmem>>
        %dma_wait3A_1949 = tpu.memref_squeeze %dma_wait3A_1948 : memref<1x1x8x128xf32, #tpu.memory_space<vmem>> -> memref<8x128xf32, #tpu.memory_space<vmem>>
        %dma_wait3A_1950 = arith.constant 24 : i32
        %dma_wait3A_1951 = tpu.memref_slice %arg3[%dma_wait3A_1950, %add3A_610] : memref<64x100000xf32, #tpu.memory_space<hbm>> -> memref<8x128xf32, #tpu.memory_space<hbm>>
        %dma_wait3A_1952 = arith.constant 24 : i32
        %dma_wait3A_1953 = tpu.memref_slice %arg3[%dma_wait3A_1952, %add3A_610] : memref<64x100000xf32, #tpu.memory_space<hbm>> -> memref<8x128xf32, #tpu.memory_space<hbm>>
        %dma_wait3A_1954 = arith.constant 0 : i32
        %dma_wait3A_1955 = arith.constant 0 : i32
        %dma_wait3A_1956 = tpu.memref_slice %arg5[%dma_wait3A_1944, %dma_wait3A_1945, %dma_wait3A_1954, %dma_wait3A_1955] : memref<8x11x8x128xf32, #tpu.memory_space<vmem>> -> memref<1x1x8x128xf32, #tpu.memory_space<vmem>>
        %dma_wait3A_1957 = tpu.memref_squeeze %dma_wait3A_1956 : memref<1x1x8x128xf32, #tpu.memory_space<vmem>> -> memref<8x128xf32, #tpu.memory_space<vmem>>
        tpu.wait_dma2 semaphore(%arg6 : memref<!tpu.dma_semaphore, #tpu.memory_space<semaphore_mem>>) src(%dma_wait3A_1957 : memref<8x128xf32, #tpu.memory_space<vmem>>) dst(%dma_wait3A_1953 : memref<8x128xf32, #tpu.memory_space<hbm>>)
        %dma_wait3A_1958 = arith.constant 3 : i32
        %dma_wait3A_1959 = arith.constant 4 : i32
        %dma_wait3A_1960 = arith.constant 0 : i32
        %dma_wait3A_1961 = arith.constant 0 : i32
        %dma_wait3A_1962 = tpu.memref_slice %arg5[%dma_wait3A_1958, %dma_wait3A_1959, %dma_wait3A_1960, %dma_wait3A_1961] : memref<8x11x8x128xf32, #tpu.memory_space<vmem>> -> memref<1x1x8x128xf32, #tpu.memory_space<vmem>>
        %dma_wait3A_1963 = tpu.memref_squeeze %dma_wait3A_1962 : memref<1x1x8x128xf32, #tpu.memory_space<vmem>> -> memref<8x128xf32, #tpu.memory_space<vmem>>
        %dma_wait3A_1964 = arith.constant 24 : i32
        %dma_wait3A_1965 = tpu.memref_slice %arg3[%dma_wait3A_1964, %add3A_626] : memref<64x100000xf32, #tpu.memory_space<hbm>> -> memref<8x128xf32, #tpu.memory_space<hbm>>
        %dma_wait3A_1966 = arith.constant 24 : i32
        %dma_wait3A_1967 = tpu.memref_slice %arg3[%dma_wait3A_1966, %add3A_626] : memref<64x100000xf32, #tpu.memory_space<hbm>> -> memref<8x128xf32, #tpu.memory_space<hbm>>
        %dma_wait3A_1968 = arith.constant 0 : i32
        %dma_wait3A_1969 = arith.constant 0 : i32
        %dma_wait3A_1970 = tpu.memref_slice %arg5[%dma_wait3A_1958, %dma_wait3A_1959, %dma_wait3A_1968, %dma_wait3A_1969] : memref<8x11x8x128xf32, #tpu.memory_space<vmem>> -> memref<1x1x8x128xf32, #tpu.memory_space<vmem>>
        %dma_wait3A_1971 = tpu.memref_squeeze %dma_wait3A_1970 : memref<1x1x8x128xf32, #tpu.memory_space<vmem>> -> memref<8x128xf32, #tpu.memory_space<vmem>>
        tpu.wait_dma2 semaphore(%arg6 : memref<!tpu.dma_semaphore, #tpu.memory_space<semaphore_mem>>) src(%dma_wait3A_1971 : memref<8x128xf32, #tpu.memory_space<vmem>>) dst(%dma_wait3A_1967 : memref<8x128xf32, #tpu.memory_space<hbm>>)
        %dma_wait3A_1972 = arith.constant 3 : i32
        %dma_wait3A_1973 = arith.constant 5 : i32
        %dma_wait3A_1974 = arith.constant 0 : i32
        %dma_wait3A_1975 = arith.constant 0 : i32
        %dma_wait3A_1976 = tpu.memref_slice %arg5[%dma_wait3A_1972, %dma_wait3A_1973, %dma_wait3A_1974, %dma_wait3A_1975] : memref<8x11x8x128xf32, #tpu.memory_space<vmem>> -> memref<1x1x8x128xf32, #tpu.memory_space<vmem>>
        %dma_wait3A_1977 = tpu.memref_squeeze %dma_wait3A_1976 : memref<1x1x8x128xf32, #tpu.memory_space<vmem>> -> memref<8x128xf32, #tpu.memory_space<vmem>>
        %dma_wait3A_1978 = arith.constant 24 : i32
        %dma_wait3A_1979 = tpu.memref_slice %arg3[%dma_wait3A_1978, %add3A_642] : memref<64x100000xf32, #tpu.memory_space<hbm>> -> memref<8x128xf32, #tpu.memory_space<hbm>>
        %dma_wait3A_1980 = arith.constant 24 : i32
        %dma_wait3A_1981 = tpu.memref_slice %arg3[%dma_wait3A_1980, %add3A_642] : memref<64x100000xf32, #tpu.memory_space<hbm>> -> memref<8x128xf32, #tpu.memory_space<hbm>>
        %dma_wait3A_1982 = arith.constant 0 : i32
        %dma_wait3A_1983 = arith.constant 0 : i32
        %dma_wait3A_1984 = tpu.memref_slice %arg5[%dma_wait3A_1972, %dma_wait3A_1973, %dma_wait3A_1982, %dma_wait3A_1983] : memref<8x11x8x128xf32, #tpu.memory_space<vmem>> -> memref<1x1x8x128xf32, #tpu.memory_space<vmem>>
        %dma_wait3A_1985 = tpu.memref_squeeze %dma_wait3A_1984 : memref<1x1x8x128xf32, #tpu.memory_space<vmem>> -> memref<8x128xf32, #tpu.memory_space<vmem>>
        tpu.wait_dma2 semaphore(%arg6 : memref<!tpu.dma_semaphore, #tpu.memory_space<semaphore_mem>>) src(%dma_wait3A_1985 : memref<8x128xf32, #tpu.memory_space<vmem>>) dst(%dma_wait3A_1981 : memref<8x128xf32, #tpu.memory_space<hbm>>)
        %dma_wait3A_1986 = arith.constant 3 : i32
        %dma_wait3A_1987 = arith.constant 6 : i32
        %dma_wait3A_1988 = arith.constant 0 : i32
        %dma_wait3A_1989 = arith.constant 0 : i32
        %dma_wait3A_1990 = tpu.memref_slice %arg5[%dma_wait3A_1986, %dma_wait3A_1987, %dma_wait3A_1988, %dma_wait3A_1989] : memref<8x11x8x128xf32, #tpu.memory_space<vmem>> -> memref<1x1x8x128xf32, #tpu.memory_space<vmem>>
        %dma_wait3A_1991 = tpu.memref_squeeze %dma_wait3A_1990 : memref<1x1x8x128xf32, #tpu.memory_space<vmem>> -> memref<8x128xf32, #tpu.memory_space<vmem>>
        %dma_wait3A_1992 = arith.constant 24 : i32
        %dma_wait3A_1993 = tpu.memref_slice %arg3[%dma_wait3A_1992, %add3A_658] : memref<64x100000xf32, #tpu.memory_space<hbm>> -> memref<8x128xf32, #tpu.memory_space<hbm>>
        %dma_wait3A_1994 = arith.constant 24 : i32
        %dma_wait3A_1995 = tpu.memref_slice %arg3[%dma_wait3A_1994, %add3A_658] : memref<64x100000xf32, #tpu.memory_space<hbm>> -> memref<8x128xf32, #tpu.memory_space<hbm>>
        %dma_wait3A_1996 = arith.constant 0 : i32
        %dma_wait3A_1997 = arith.constant 0 : i32
        %dma_wait3A_1998 = tpu.memref_slice %arg5[%dma_wait3A_1986, %dma_wait3A_1987, %dma_wait3A_1996, %dma_wait3A_1997] : memref<8x11x8x128xf32, #tpu.memory_space<vmem>> -> memref<1x1x8x128xf32, #tpu.memory_space<vmem>>
        %dma_wait3A_1999 = tpu.memref_squeeze %dma_wait3A_1998 : memref<1x1x8x128xf32, #tpu.memory_space<vmem>> -> memref<8x128xf32, #tpu.memory_space<vmem>>
        tpu.wait_dma2 semaphore(%arg6 : memref<!tpu.dma_semaphore, #tpu.memory_space<semaphore_mem>>) src(%dma_wait3A_1999 : memref<8x128xf32, #tpu.memory_space<vmem>>) dst(%dma_wait3A_1995 : memref<8x128xf32, #tpu.memory_space<hbm>>)
        %dma_wait3A_2000 = arith.constant 3 : i32
        %dma_wait3A_2001 = arith.constant 7 : i32
        %dma_wait3A_2002 = arith.constant 0 : i32
        %dma_wait3A_2003 = arith.constant 0 : i32
        %dma_wait3A_2004 = tpu.memref_slice %arg5[%dma_wait3A_2000, %dma_wait3A_2001, %dma_wait3A_2002, %dma_wait3A_2003] : memref<8x11x8x128xf32, #tpu.memory_space<vmem>> -> memref<1x1x8x128xf32, #tpu.memory_space<vmem>>
        %dma_wait3A_2005 = tpu.memref_squeeze %dma_wait3A_2004 : memref<1x1x8x128xf32, #tpu.memory_space<vmem>> -> memref<8x128xf32, #tpu.memory_space<vmem>>
        %dma_wait3A_2006 = arith.constant 24 : i32
        %dma_wait3A_2007 = tpu.memref_slice %arg3[%dma_wait3A_2006, %add3A_674] : memref<64x100000xf32, #tpu.memory_space<hbm>> -> memref<8x128xf32, #tpu.memory_space<hbm>>
        %dma_wait3A_2008 = arith.constant 24 : i32
        %dma_wait3A_2009 = tpu.memref_slice %arg3[%dma_wait3A_2008, %add3A_674] : memref<64x100000xf32, #tpu.memory_space<hbm>> -> memref<8x128xf32, #tpu.memory_space<hbm>>
        %dma_wait3A_2010 = arith.constant 0 : i32
        %dma_wait3A_2011 = arith.constant 0 : i32
        %dma_wait3A_2012 = tpu.memref_slice %arg5[%dma_wait3A_2000, %dma_wait3A_2001, %dma_wait3A_2010, %dma_wait3A_2011] : memref<8x11x8x128xf32, #tpu.memory_space<vmem>> -> memref<1x1x8x128xf32, #tpu.memory_space<vmem>>
        %dma_wait3A_2013 = tpu.memref_squeeze %dma_wait3A_2012 : memref<1x1x8x128xf32, #tpu.memory_space<vmem>> -> memref<8x128xf32, #tpu.memory_space<vmem>>
        tpu.wait_dma2 semaphore(%arg6 : memref<!tpu.dma_semaphore, #tpu.memory_space<semaphore_mem>>) src(%dma_wait3A_2013 : memref<8x128xf32, #tpu.memory_space<vmem>>) dst(%dma_wait3A_2009 : memref<8x128xf32, #tpu.memory_space<hbm>>)
        %dma_wait3A_2014 = arith.constant 3 : i32
        %dma_wait3A_2015 = arith.constant 8 : i32
        %dma_wait3A_2016 = arith.constant 0 : i32
        %dma_wait3A_2017 = arith.constant 0 : i32
        %dma_wait3A_2018 = tpu.memref_slice %arg5[%dma_wait3A_2014, %dma_wait3A_2015, %dma_wait3A_2016, %dma_wait3A_2017] : memref<8x11x8x128xf32, #tpu.memory_space<vmem>> -> memref<1x1x8x128xf32, #tpu.memory_space<vmem>>
        %dma_wait3A_2019 = tpu.memref_squeeze %dma_wait3A_2018 : memref<1x1x8x128xf32, #tpu.memory_space<vmem>> -> memref<8x128xf32, #tpu.memory_space<vmem>>
        %dma_wait3A_2020 = arith.constant 24 : i32
        %dma_wait3A_2021 = tpu.memref_slice %arg3[%dma_wait3A_2020, %add3A_690] : memref<64x100000xf32, #tpu.memory_space<hbm>> -> memref<8x128xf32, #tpu.memory_space<hbm>>
        %dma_wait3A_2022 = arith.constant 24 : i32
        %dma_wait3A_2023 = tpu.memref_slice %arg3[%dma_wait3A_2022, %add3A_690] : memref<64x100000xf32, #tpu.memory_space<hbm>> -> memref<8x128xf32, #tpu.memory_space<hbm>>
        %dma_wait3A_2024 = arith.constant 0 : i32
        %dma_wait3A_2025 = arith.constant 0 : i32
        %dma_wait3A_2026 = tpu.memref_slice %arg5[%dma_wait3A_2014, %dma_wait3A_2015, %dma_wait3A_2024, %dma_wait3A_2025] : memref<8x11x8x128xf32, #tpu.memory_space<vmem>> -> memref<1x1x8x128xf32, #tpu.memory_space<vmem>>
        %dma_wait3A_2027 = tpu.memref_squeeze %dma_wait3A_2026 : memref<1x1x8x128xf32, #tpu.memory_space<vmem>> -> memref<8x128xf32, #tpu.memory_space<vmem>>
        tpu.wait_dma2 semaphore(%arg6 : memref<!tpu.dma_semaphore, #tpu.memory_space<semaphore_mem>>) src(%dma_wait3A_2027 : memref<8x128xf32, #tpu.memory_space<vmem>>) dst(%dma_wait3A_2023 : memref<8x128xf32, #tpu.memory_space<hbm>>)
        %dma_wait3A_2028 = arith.constant 3 : i32
        %dma_wait3A_2029 = arith.constant 9 : i32
        %dma_wait3A_2030 = arith.constant 0 : i32
        %dma_wait3A_2031 = arith.constant 0 : i32
        %dma_wait3A_2032 = tpu.memref_slice %arg5[%dma_wait3A_2028, %dma_wait3A_2029, %dma_wait3A_2030, %dma_wait3A_2031] : memref<8x11x8x128xf32, #tpu.memory_space<vmem>> -> memref<1x1x8x128xf32, #tpu.memory_space<vmem>>
        %dma_wait3A_2033 = tpu.memref_squeeze %dma_wait3A_2032 : memref<1x1x8x128xf32, #tpu.memory_space<vmem>> -> memref<8x128xf32, #tpu.memory_space<vmem>>
        %dma_wait3A_2034 = arith.constant 24 : i32
        %dma_wait3A_2035 = tpu.memref_slice %arg3[%dma_wait3A_2034, %add3A_706] : memref<64x100000xf32, #tpu.memory_space<hbm>> -> memref<8x128xf32, #tpu.memory_space<hbm>>
        %dma_wait3A_2036 = arith.constant 24 : i32
        %dma_wait3A_2037 = tpu.memref_slice %arg3[%dma_wait3A_2036, %add3A_706] : memref<64x100000xf32, #tpu.memory_space<hbm>> -> memref<8x128xf32, #tpu.memory_space<hbm>>
        %dma_wait3A_2038 = arith.constant 0 : i32
        %dma_wait3A_2039 = arith.constant 0 : i32
        %dma_wait3A_2040 = tpu.memref_slice %arg5[%dma_wait3A_2028, %dma_wait3A_2029, %dma_wait3A_2038, %dma_wait3A_2039] : memref<8x11x8x128xf32, #tpu.memory_space<vmem>> -> memref<1x1x8x128xf32, #tpu.memory_space<vmem>>
        %dma_wait3A_2041 = tpu.memref_squeeze %dma_wait3A_2040 : memref<1x1x8x128xf32, #tpu.memory_space<vmem>> -> memref<8x128xf32, #tpu.memory_space<vmem>>
        tpu.wait_dma2 semaphore(%arg6 : memref<!tpu.dma_semaphore, #tpu.memory_space<semaphore_mem>>) src(%dma_wait3A_2041 : memref<8x128xf32, #tpu.memory_space<vmem>>) dst(%dma_wait3A_2037 : memref<8x128xf32, #tpu.memory_space<hbm>>)
        %dma_wait3A_2042 = arith.constant 3 : i32
        %dma_wait3A_2043 = arith.constant 10 : i32
        %dma_wait3A_2044 = arith.constant 0 : i32
        %dma_wait3A_2045 = arith.constant 0 : i32
        %dma_wait3A_2046 = tpu.memref_slice %arg5[%dma_wait3A_2042, %dma_wait3A_2043, %dma_wait3A_2044, %dma_wait3A_2045] : memref<8x11x8x128xf32, #tpu.memory_space<vmem>> -> memref<1x1x8x128xf32, #tpu.memory_space<vmem>>
        %dma_wait3A_2047 = tpu.memref_squeeze %dma_wait3A_2046 : memref<1x1x8x128xf32, #tpu.memory_space<vmem>> -> memref<8x128xf32, #tpu.memory_space<vmem>>
        %dma_wait3A_2048 = arith.constant 24 : i32
        %dma_wait3A_2049 = tpu.memref_slice %arg3[%dma_wait3A_2048, %add3A_722] : memref<64x100000xf32, #tpu.memory_space<hbm>> -> memref<8x128xf32, #tpu.memory_space<hbm>>
        %dma_wait3A_2050 = arith.constant 24 : i32
        %dma_wait3A_2051 = tpu.memref_slice %arg3[%dma_wait3A_2050, %add3A_722] : memref<64x100000xf32, #tpu.memory_space<hbm>> -> memref<8x128xf32, #tpu.memory_space<hbm>>
        %dma_wait3A_2052 = arith.constant 0 : i32
        %dma_wait3A_2053 = arith.constant 0 : i32
        %dma_wait3A_2054 = tpu.memref_slice %arg5[%dma_wait3A_2042, %dma_wait3A_2043, %dma_wait3A_2052, %dma_wait3A_2053] : memref<8x11x8x128xf32, #tpu.memory_space<vmem>> -> memref<1x1x8x128xf32, #tpu.memory_space<vmem>>
        %dma_wait3A_2055 = tpu.memref_squeeze %dma_wait3A_2054 : memref<1x1x8x128xf32, #tpu.memory_space<vmem>> -> memref<8x128xf32, #tpu.memory_space<vmem>>
        tpu.wait_dma2 semaphore(%arg6 : memref<!tpu.dma_semaphore, #tpu.memory_space<semaphore_mem>>) src(%dma_wait3A_2055 : memref<8x128xf32, #tpu.memory_space<vmem>>) dst(%dma_wait3A_2051 : memref<8x128xf32, #tpu.memory_space<hbm>>)
        %dma_wait3A_2056 = arith.constant 4 : i32
        %dma_wait3A_2057 = arith.constant 0 : i32
        %dma_wait3A_2058 = arith.constant 0 : i32
        %dma_wait3A_2059 = arith.constant 0 : i32
        %dma_wait3A_2060 = tpu.memref_slice %arg5[%dma_wait3A_2056, %dma_wait3A_2057, %dma_wait3A_2058, %dma_wait3A_2059] : memref<8x11x8x128xf32, #tpu.memory_space<vmem>> -> memref<1x1x8x128xf32, #tpu.memory_space<vmem>>
        %dma_wait3A_2061 = tpu.memref_squeeze %dma_wait3A_2060 : memref<1x1x8x128xf32, #tpu.memory_space<vmem>> -> memref<8x128xf32, #tpu.memory_space<vmem>>
        %dma_wait3A_2062 = arith.constant 32 : i32
        %dma_wait3A_2063 = tpu.memref_slice %arg3[%dma_wait3A_2062, %add3A_738] : memref<64x100000xf32, #tpu.memory_space<hbm>> -> memref<8x128xf32, #tpu.memory_space<hbm>>
        %dma_wait3A_2064 = arith.constant 32 : i32
        %dma_wait3A_2065 = tpu.memref_slice %arg3[%dma_wait3A_2064, %add3A_738] : memref<64x100000xf32, #tpu.memory_space<hbm>> -> memref<8x128xf32, #tpu.memory_space<hbm>>
        %dma_wait3A_2066 = arith.constant 0 : i32
        %dma_wait3A_2067 = arith.constant 0 : i32
        %dma_wait3A_2068 = tpu.memref_slice %arg5[%dma_wait3A_2056, %dma_wait3A_2057, %dma_wait3A_2066, %dma_wait3A_2067] : memref<8x11x8x128xf32, #tpu.memory_space<vmem>> -> memref<1x1x8x128xf32, #tpu.memory_space<vmem>>
        %dma_wait3A_2069 = tpu.memref_squeeze %dma_wait3A_2068 : memref<1x1x8x128xf32, #tpu.memory_space<vmem>> -> memref<8x128xf32, #tpu.memory_space<vmem>>
        tpu.wait_dma2 semaphore(%arg6 : memref<!tpu.dma_semaphore, #tpu.memory_space<semaphore_mem>>) src(%dma_wait3A_2069 : memref<8x128xf32, #tpu.memory_space<vmem>>) dst(%dma_wait3A_2065 : memref<8x128xf32, #tpu.memory_space<hbm>>)
        %dma_wait3A_2070 = arith.constant 4 : i32
        %dma_wait3A_2071 = arith.constant 1 : i32
        %dma_wait3A_2072 = arith.constant 0 : i32
        %dma_wait3A_2073 = arith.constant 0 : i32
        %dma_wait3A_2074 = tpu.memref_slice %arg5[%dma_wait3A_2070, %dma_wait3A_2071, %dma_wait3A_2072, %dma_wait3A_2073] : memref<8x11x8x128xf32, #tpu.memory_space<vmem>> -> memref<1x1x8x128xf32, #tpu.memory_space<vmem>>
        %dma_wait3A_2075 = tpu.memref_squeeze %dma_wait3A_2074 : memref<1x1x8x128xf32, #tpu.memory_space<vmem>> -> memref<8x128xf32, #tpu.memory_space<vmem>>
        %dma_wait3A_2076 = arith.constant 32 : i32
        %dma_wait3A_2077 = tpu.memref_slice %arg3[%dma_wait3A_2076, %add3A_754] : memref<64x100000xf32, #tpu.memory_space<hbm>> -> memref<8x128xf32, #tpu.memory_space<hbm>>
        %dma_wait3A_2078 = arith.constant 32 : i32
        %dma_wait3A_2079 = tpu.memref_slice %arg3[%dma_wait3A_2078, %add3A_754] : memref<64x100000xf32, #tpu.memory_space<hbm>> -> memref<8x128xf32, #tpu.memory_space<hbm>>
        %dma_wait3A_2080 = arith.constant 0 : i32
        %dma_wait3A_2081 = arith.constant 0 : i32
        %dma_wait3A_2082 = tpu.memref_slice %arg5[%dma_wait3A_2070, %dma_wait3A_2071, %dma_wait3A_2080, %dma_wait3A_2081] : memref<8x11x8x128xf32, #tpu.memory_space<vmem>> -> memref<1x1x8x128xf32, #tpu.memory_space<vmem>>
        %dma_wait3A_2083 = tpu.memref_squeeze %dma_wait3A_2082 : memref<1x1x8x128xf32, #tpu.memory_space<vmem>> -> memref<8x128xf32, #tpu.memory_space<vmem>>
        tpu.wait_dma2 semaphore(%arg6 : memref<!tpu.dma_semaphore, #tpu.memory_space<semaphore_mem>>) src(%dma_wait3A_2083 : memref<8x128xf32, #tpu.memory_space<vmem>>) dst(%dma_wait3A_2079 : memref<8x128xf32, #tpu.memory_space<hbm>>)
        %dma_wait3A_2084 = arith.constant 4 : i32
        %dma_wait3A_2085 = arith.constant 2 : i32
        %dma_wait3A_2086 = arith.constant 0 : i32
        %dma_wait3A_2087 = arith.constant 0 : i32
        %dma_wait3A_2088 = tpu.memref_slice %arg5[%dma_wait3A_2084, %dma_wait3A_2085, %dma_wait3A_2086, %dma_wait3A_2087] : memref<8x11x8x128xf32, #tpu.memory_space<vmem>> -> memref<1x1x8x128xf32, #tpu.memory_space<vmem>>
        %dma_wait3A_2089 = tpu.memref_squeeze %dma_wait3A_2088 : memref<1x1x8x128xf32, #tpu.memory_space<vmem>> -> memref<8x128xf32, #tpu.memory_space<vmem>>
        %dma_wait3A_2090 = arith.constant 32 : i32
        %dma_wait3A_2091 = tpu.memref_slice %arg3[%dma_wait3A_2090, %add3A_770] : memref<64x100000xf32, #tpu.memory_space<hbm>> -> memref<8x128xf32, #tpu.memory_space<hbm>>
        %dma_wait3A_2092 = arith.constant 32 : i32
        %dma_wait3A_2093 = tpu.memref_slice %arg3[%dma_wait3A_2092, %add3A_770] : memref<64x100000xf32, #tpu.memory_space<hbm>> -> memref<8x128xf32, #tpu.memory_space<hbm>>
        %dma_wait3A_2094 = arith.constant 0 : i32
        %dma_wait3A_2095 = arith.constant 0 : i32
        %dma_wait3A_2096 = tpu.memref_slice %arg5[%dma_wait3A_2084, %dma_wait3A_2085, %dma_wait3A_2094, %dma_wait3A_2095] : memref<8x11x8x128xf32, #tpu.memory_space<vmem>> -> memref<1x1x8x128xf32, #tpu.memory_space<vmem>>
        %dma_wait3A_2097 = tpu.memref_squeeze %dma_wait3A_2096 : memref<1x1x8x128xf32, #tpu.memory_space<vmem>> -> memref<8x128xf32, #tpu.memory_space<vmem>>
        tpu.wait_dma2 semaphore(%arg6 : memref<!tpu.dma_semaphore, #tpu.memory_space<semaphore_mem>>) src(%dma_wait3A_2097 : memref<8x128xf32, #tpu.memory_space<vmem>>) dst(%dma_wait3A_2093 : memref<8x128xf32, #tpu.memory_space<hbm>>)
        %dma_wait3A_2098 = arith.constant 4 : i32
        %dma_wait3A_2099 = arith.constant 3 : i32
        %dma_wait3A_2100 = arith.constant 0 : i32
        %dma_wait3A_2101 = arith.constant 0 : i32
        %dma_wait3A_2102 = tpu.memref_slice %arg5[%dma_wait3A_2098, %dma_wait3A_2099, %dma_wait3A_2100, %dma_wait3A_2101] : memref<8x11x8x128xf32, #tpu.memory_space<vmem>> -> memref<1x1x8x128xf32, #tpu.memory_space<vmem>>
        %dma_wait3A_2103 = tpu.memref_squeeze %dma_wait3A_2102 : memref<1x1x8x128xf32, #tpu.memory_space<vmem>> -> memref<8x128xf32, #tpu.memory_space<vmem>>
        %dma_wait3A_2104 = arith.constant 32 : i32
        %dma_wait3A_2105 = tpu.memref_slice %arg3[%dma_wait3A_2104, %add3A_786] : memref<64x100000xf32, #tpu.memory_space<hbm>> -> memref<8x128xf32, #tpu.memory_space<hbm>>
        %dma_wait3A_2106 = arith.constant 32 : i32
        %dma_wait3A_2107 = tpu.memref_slice %arg3[%dma_wait3A_2106, %add3A_786] : memref<64x100000xf32, #tpu.memory_space<hbm>> -> memref<8x128xf32, #tpu.memory_space<hbm>>
        %dma_wait3A_2108 = arith.constant 0 : i32
        %dma_wait3A_2109 = arith.constant 0 : i32
        %dma_wait3A_2110 = tpu.memref_slice %arg5[%dma_wait3A_2098, %dma_wait3A_2099, %dma_wait3A_2108, %dma_wait3A_2109] : memref<8x11x8x128xf32, #tpu.memory_space<vmem>> -> memref<1x1x8x128xf32, #tpu.memory_space<vmem>>
        %dma_wait3A_2111 = tpu.memref_squeeze %dma_wait3A_2110 : memref<1x1x8x128xf32, #tpu.memory_space<vmem>> -> memref<8x128xf32, #tpu.memory_space<vmem>>
        tpu.wait_dma2 semaphore(%arg6 : memref<!tpu.dma_semaphore, #tpu.memory_space<semaphore_mem>>) src(%dma_wait3A_2111 : memref<8x128xf32, #tpu.memory_space<vmem>>) dst(%dma_wait3A_2107 : memref<8x128xf32, #tpu.memory_space<hbm>>)
        %dma_wait3A_2112 = arith.constant 4 : i32
        %dma_wait3A_2113 = arith.constant 4 : i32
        %dma_wait3A_2114 = arith.constant 0 : i32
        %dma_wait3A_2115 = arith.constant 0 : i32
        %dma_wait3A_2116 = tpu.memref_slice %arg5[%dma_wait3A_2112, %dma_wait3A_2113, %dma_wait3A_2114, %dma_wait3A_2115] : memref<8x11x8x128xf32, #tpu.memory_space<vmem>> -> memref<1x1x8x128xf32, #tpu.memory_space<vmem>>
        %dma_wait3A_2117 = tpu.memref_squeeze %dma_wait3A_2116 : memref<1x1x8x128xf32, #tpu.memory_space<vmem>> -> memref<8x128xf32, #tpu.memory_space<vmem>>
        %dma_wait3A_2118 = arith.constant 32 : i32
        %dma_wait3A_2119 = tpu.memref_slice %arg3[%dma_wait3A_2118, %add3A_802] : memref<64x100000xf32, #tpu.memory_space<hbm>> -> memref<8x128xf32, #tpu.memory_space<hbm>>
        %dma_wait3A_2120 = arith.constant 32 : i32
        %dma_wait3A_2121 = tpu.memref_slice %arg3[%dma_wait3A_2120, %add3A_802] : memref<64x100000xf32, #tpu.memory_space<hbm>> -> memref<8x128xf32, #tpu.memory_space<hbm>>
        %dma_wait3A_2122 = arith.constant 0 : i32
        %dma_wait3A_2123 = arith.constant 0 : i32
        %dma_wait3A_2124 = tpu.memref_slice %arg5[%dma_wait3A_2112, %dma_wait3A_2113, %dma_wait3A_2122, %dma_wait3A_2123] : memref<8x11x8x128xf32, #tpu.memory_space<vmem>> -> memref<1x1x8x128xf32, #tpu.memory_space<vmem>>
        %dma_wait3A_2125 = tpu.memref_squeeze %dma_wait3A_2124 : memref<1x1x8x128xf32, #tpu.memory_space<vmem>> -> memref<8x128xf32, #tpu.memory_space<vmem>>
        tpu.wait_dma2 semaphore(%arg6 : memref<!tpu.dma_semaphore, #tpu.memory_space<semaphore_mem>>) src(%dma_wait3A_2125 : memref<8x128xf32, #tpu.memory_space<vmem>>) dst(%dma_wait3A_2121 : memref<8x128xf32, #tpu.memory_space<hbm>>)
        %dma_wait3A_2126 = arith.constant 4 : i32
        %dma_wait3A_2127 = arith.constant 5 : i32
        %dma_wait3A_2128 = arith.constant 0 : i32
        %dma_wait3A_2129 = arith.constant 0 : i32
        %dma_wait3A_2130 = tpu.memref_slice %arg5[%dma_wait3A_2126, %dma_wait3A_2127, %dma_wait3A_2128, %dma_wait3A_2129] : memref<8x11x8x128xf32, #tpu.memory_space<vmem>> -> memref<1x1x8x128xf32, #tpu.memory_space<vmem>>
        %dma_wait3A_2131 = tpu.memref_squeeze %dma_wait3A_2130 : memref<1x1x8x128xf32, #tpu.memory_space<vmem>> -> memref<8x128xf32, #tpu.memory_space<vmem>>
        %dma_wait3A_2132 = arith.constant 32 : i32
        %dma_wait3A_2133 = tpu.memref_slice %arg3[%dma_wait3A_2132, %add3A_818] : memref<64x100000xf32, #tpu.memory_space<hbm>> -> memref<8x128xf32, #tpu.memory_space<hbm>>
        %dma_wait3A_2134 = arith.constant 32 : i32
        %dma_wait3A_2135 = tpu.memref_slice %arg3[%dma_wait3A_2134, %add3A_818] : memref<64x100000xf32, #tpu.memory_space<hbm>> -> memref<8x128xf32, #tpu.memory_space<hbm>>
        %dma_wait3A_2136 = arith.constant 0 : i32
        %dma_wait3A_2137 = arith.constant 0 : i32
        %dma_wait3A_2138 = tpu.memref_slice %arg5[%dma_wait3A_2126, %dma_wait3A_2127, %dma_wait3A_2136, %dma_wait3A_2137] : memref<8x11x8x128xf32, #tpu.memory_space<vmem>> -> memref<1x1x8x128xf32, #tpu.memory_space<vmem>>
        %dma_wait3A_2139 = tpu.memref_squeeze %dma_wait3A_2138 : memref<1x1x8x128xf32, #tpu.memory_space<vmem>> -> memref<8x128xf32, #tpu.memory_space<vmem>>
        tpu.wait_dma2 semaphore(%arg6 : memref<!tpu.dma_semaphore, #tpu.memory_space<semaphore_mem>>) src(%dma_wait3A_2139 : memref<8x128xf32, #tpu.memory_space<vmem>>) dst(%dma_wait3A_2135 : memref<8x128xf32, #tpu.memory_space<hbm>>)
        %dma_wait3A_2140 = arith.constant 4 : i32
        %dma_wait3A_2141 = arith.constant 6 : i32
        %dma_wait3A_2142 = arith.constant 0 : i32
        %dma_wait3A_2143 = arith.constant 0 : i32
        %dma_wait3A_2144 = tpu.memref_slice %arg5[%dma_wait3A_2140, %dma_wait3A_2141, %dma_wait3A_2142, %dma_wait3A_2143] : memref<8x11x8x128xf32, #tpu.memory_space<vmem>> -> memref<1x1x8x128xf32, #tpu.memory_space<vmem>>
        %dma_wait3A_2145 = tpu.memref_squeeze %dma_wait3A_2144 : memref<1x1x8x128xf32, #tpu.memory_space<vmem>> -> memref<8x128xf32, #tpu.memory_space<vmem>>
        %dma_wait3A_2146 = arith.constant 32 : i32
        %dma_wait3A_2147 = tpu.memref_slice %arg3[%dma_wait3A_2146, %add3A_834] : memref<64x100000xf32, #tpu.memory_space<hbm>> -> memref<8x128xf32, #tpu.memory_space<hbm>>
        %dma_wait3A_2148 = arith.constant 32 : i32
        %dma_wait3A_2149 = tpu.memref_slice %arg3[%dma_wait3A_2148, %add3A_834] : memref<64x100000xf32, #tpu.memory_space<hbm>> -> memref<8x128xf32, #tpu.memory_space<hbm>>
        %dma_wait3A_2150 = arith.constant 0 : i32
        %dma_wait3A_2151 = arith.constant 0 : i32
        %dma_wait3A_2152 = tpu.memref_slice %arg5[%dma_wait3A_2140, %dma_wait3A_2141, %dma_wait3A_2150, %dma_wait3A_2151] : memref<8x11x8x128xf32, #tpu.memory_space<vmem>> -> memref<1x1x8x128xf32, #tpu.memory_space<vmem>>
        %dma_wait3A_2153 = tpu.memref_squeeze %dma_wait3A_2152 : memref<1x1x8x128xf32, #tpu.memory_space<vmem>> -> memref<8x128xf32, #tpu.memory_space<vmem>>
        tpu.wait_dma2 semaphore(%arg6 : memref<!tpu.dma_semaphore, #tpu.memory_space<semaphore_mem>>) src(%dma_wait3A_2153 : memref<8x128xf32, #tpu.memory_space<vmem>>) dst(%dma_wait3A_2149 : memref<8x128xf32, #tpu.memory_space<hbm>>)
        %dma_wait3A_2154 = arith.constant 4 : i32
        %dma_wait3A_2155 = arith.constant 7 : i32
        %dma_wait3A_2156 = arith.constant 0 : i32
        %dma_wait3A_2157 = arith.constant 0 : i32
        %dma_wait3A_2158 = tpu.memref_slice %arg5[%dma_wait3A_2154, %dma_wait3A_2155, %dma_wait3A_2156, %dma_wait3A_2157] : memref<8x11x8x128xf32, #tpu.memory_space<vmem>> -> memref<1x1x8x128xf32, #tpu.memory_space<vmem>>
        %dma_wait3A_2159 = tpu.memref_squeeze %dma_wait3A_2158 : memref<1x1x8x128xf32, #tpu.memory_space<vmem>> -> memref<8x128xf32, #tpu.memory_space<vmem>>
        %dma_wait3A_2160 = arith.constant 32 : i32
        %dma_wait3A_2161 = tpu.memref_slice %arg3[%dma_wait3A_2160, %add3A_850] : memref<64x100000xf32, #tpu.memory_space<hbm>> -> memref<8x128xf32, #tpu.memory_space<hbm>>
        %dma_wait3A_2162 = arith.constant 32 : i32
        %dma_wait3A_2163 = tpu.memref_slice %arg3[%dma_wait3A_2162, %add3A_850] : memref<64x100000xf32, #tpu.memory_space<hbm>> -> memref<8x128xf32, #tpu.memory_space<hbm>>
        %dma_wait3A_2164 = arith.constant 0 : i32
        %dma_wait3A_2165 = arith.constant 0 : i32
        %dma_wait3A_2166 = tpu.memref_slice %arg5[%dma_wait3A_2154, %dma_wait3A_2155, %dma_wait3A_2164, %dma_wait3A_2165] : memref<8x11x8x128xf32, #tpu.memory_space<vmem>> -> memref<1x1x8x128xf32, #tpu.memory_space<vmem>>
        %dma_wait3A_2167 = tpu.memref_squeeze %dma_wait3A_2166 : memref<1x1x8x128xf32, #tpu.memory_space<vmem>> -> memref<8x128xf32, #tpu.memory_space<vmem>>
        tpu.wait_dma2 semaphore(%arg6 : memref<!tpu.dma_semaphore, #tpu.memory_space<semaphore_mem>>) src(%dma_wait3A_2167 : memref<8x128xf32, #tpu.memory_space<vmem>>) dst(%dma_wait3A_2163 : memref<8x128xf32, #tpu.memory_space<hbm>>)
        %dma_wait3A_2168 = arith.constant 4 : i32
        %dma_wait3A_2169 = arith.constant 8 : i32
        %dma_wait3A_2170 = arith.constant 0 : i32
        %dma_wait3A_2171 = arith.constant 0 : i32
        %dma_wait3A_2172 = tpu.memref_slice %arg5[%dma_wait3A_2168, %dma_wait3A_2169, %dma_wait3A_2170, %dma_wait3A_2171] : memref<8x11x8x128xf32, #tpu.memory_space<vmem>> -> memref<1x1x8x128xf32, #tpu.memory_space<vmem>>
        %dma_wait3A_2173 = tpu.memref_squeeze %dma_wait3A_2172 : memref<1x1x8x128xf32, #tpu.memory_space<vmem>> -> memref<8x128xf32, #tpu.memory_space<vmem>>
        %dma_wait3A_2174 = arith.constant 32 : i32
        %dma_wait3A_2175 = tpu.memref_slice %arg3[%dma_wait3A_2174, %add3A_866] : memref<64x100000xf32, #tpu.memory_space<hbm>> -> memref<8x128xf32, #tpu.memory_space<hbm>>
        %dma_wait3A_2176 = arith.constant 32 : i32
        %dma_wait3A_2177 = tpu.memref_slice %arg3[%dma_wait3A_2176, %add3A_866] : memref<64x100000xf32, #tpu.memory_space<hbm>> -> memref<8x128xf32, #tpu.memory_space<hbm>>
        %dma_wait3A_2178 = arith.constant 0 : i32
        %dma_wait3A_2179 = arith.constant 0 : i32
        %dma_wait3A_2180 = tpu.memref_slice %arg5[%dma_wait3A_2168, %dma_wait3A_2169, %dma_wait3A_2178, %dma_wait3A_2179] : memref<8x11x8x128xf32, #tpu.memory_space<vmem>> -> memref<1x1x8x128xf32, #tpu.memory_space<vmem>>
        %dma_wait3A_2181 = tpu.memref_squeeze %dma_wait3A_2180 : memref<1x1x8x128xf32, #tpu.memory_space<vmem>> -> memref<8x128xf32, #tpu.memory_space<vmem>>
        tpu.wait_dma2 semaphore(%arg6 : memref<!tpu.dma_semaphore, #tpu.memory_space<semaphore_mem>>) src(%dma_wait3A_2181 : memref<8x128xf32, #tpu.memory_space<vmem>>) dst(%dma_wait3A_2177 : memref<8x128xf32, #tpu.memory_space<hbm>>)
        %dma_wait3A_2182 = arith.constant 4 : i32
        %dma_wait3A_2183 = arith.constant 9 : i32
        %dma_wait3A_2184 = arith.constant 0 : i32
        %dma_wait3A_2185 = arith.constant 0 : i32
        %dma_wait3A_2186 = tpu.memref_slice %arg5[%dma_wait3A_2182, %dma_wait3A_2183, %dma_wait3A_2184, %dma_wait3A_2185] : memref<8x11x8x128xf32, #tpu.memory_space<vmem>> -> memref<1x1x8x128xf32, #tpu.memory_space<vmem>>
        %dma_wait3A_2187 = tpu.memref_squeeze %dma_wait3A_2186 : memref<1x1x8x128xf32, #tpu.memory_space<vmem>> -> memref<8x128xf32, #tpu.memory_space<vmem>>
        %dma_wait3A_2188 = arith.constant 32 : i32
        %dma_wait3A_2189 = tpu.memref_slice %arg3[%dma_wait3A_2188, %add3A_882] : memref<64x100000xf32, #tpu.memory_space<hbm>> -> memref<8x128xf32, #tpu.memory_space<hbm>>
        %dma_wait3A_2190 = arith.constant 32 : i32
        %dma_wait3A_2191 = tpu.memref_slice %arg3[%dma_wait3A_2190, %add3A_882] : memref<64x100000xf32, #tpu.memory_space<hbm>> -> memref<8x128xf32, #tpu.memory_space<hbm>>
        %dma_wait3A_2192 = arith.constant 0 : i32
        %dma_wait3A_2193 = arith.constant 0 : i32
        %dma_wait3A_2194 = tpu.memref_slice %arg5[%dma_wait3A_2182, %dma_wait3A_2183, %dma_wait3A_2192, %dma_wait3A_2193] : memref<8x11x8x128xf32, #tpu.memory_space<vmem>> -> memref<1x1x8x128xf32, #tpu.memory_space<vmem>>
        %dma_wait3A_2195 = tpu.memref_squeeze %dma_wait3A_2194 : memref<1x1x8x128xf32, #tpu.memory_space<vmem>> -> memref<8x128xf32, #tpu.memory_space<vmem>>
        tpu.wait_dma2 semaphore(%arg6 : memref<!tpu.dma_semaphore, #tpu.memory_space<semaphore_mem>>) src(%dma_wait3A_2195 : memref<8x128xf32, #tpu.memory_space<vmem>>) dst(%dma_wait3A_2191 : memref<8x128xf32, #tpu.memory_space<hbm>>)
        %dma_wait3A_2196 = arith.constant 4 : i32
        %dma_wait3A_2197 = arith.constant 10 : i32
        %dma_wait3A_2198 = arith.constant 0 : i32
        %dma_wait3A_2199 = arith.constant 0 : i32
        %dma_wait3A_2200 = tpu.memref_slice %arg5[%dma_wait3A_2196, %dma_wait3A_2197, %dma_wait3A_2198, %dma_wait3A_2199] : memref<8x11x8x128xf32, #tpu.memory_space<vmem>> -> memref<1x1x8x128xf32, #tpu.memory_space<vmem>>
        %dma_wait3A_2201 = tpu.memref_squeeze %dma_wait3A_2200 : memref<1x1x8x128xf32, #tpu.memory_space<vmem>> -> memref<8x128xf32, #tpu.memory_space<vmem>>
        %dma_wait3A_2202 = arith.constant 32 : i32
        %dma_wait3A_2203 = tpu.memref_slice %arg3[%dma_wait3A_2202, %add3A_898] : memref<64x100000xf32, #tpu.memory_space<hbm>> -> memref<8x128xf32, #tpu.memory_space<hbm>>
        %dma_wait3A_2204 = arith.constant 32 : i32
        %dma_wait3A_2205 = tpu.memref_slice %arg3[%dma_wait3A_2204, %add3A_898] : memref<64x100000xf32, #tpu.memory_space<hbm>> -> memref<8x128xf32, #tpu.memory_space<hbm>>
        %dma_wait3A_2206 = arith.constant 0 : i32
        %dma_wait3A_2207 = arith.constant 0 : i32
        %dma_wait3A_2208 = tpu.memref_slice %arg5[%dma_wait3A_2196, %dma_wait3A_2197, %dma_wait3A_2206, %dma_wait3A_2207] : memref<8x11x8x128xf32, #tpu.memory_space<vmem>> -> memref<1x1x8x128xf32, #tpu.memory_space<vmem>>
        %dma_wait3A_2209 = tpu.memref_squeeze %dma_wait3A_2208 : memref<1x1x8x128xf32, #tpu.memory_space<vmem>> -> memref<8x128xf32, #tpu.memory_space<vmem>>
        tpu.wait_dma2 semaphore(%arg6 : memref<!tpu.dma_semaphore, #tpu.memory_space<semaphore_mem>>) src(%dma_wait3A_2209 : memref<8x128xf32, #tpu.memory_space<vmem>>) dst(%dma_wait3A_2205 : memref<8x128xf32, #tpu.memory_space<hbm>>)
        %dma_wait3A_2210 = arith.constant 5 : i32
        %dma_wait3A_2211 = arith.constant 0 : i32
        %dma_wait3A_2212 = arith.constant 0 : i32
        %dma_wait3A_2213 = arith.constant 0 : i32
        %dma_wait3A_2214 = tpu.memref_slice %arg5[%dma_wait3A_2210, %dma_wait3A_2211, %dma_wait3A_2212, %dma_wait3A_2213] : memref<8x11x8x128xf32, #tpu.memory_space<vmem>> -> memref<1x1x8x128xf32, #tpu.memory_space<vmem>>
        %dma_wait3A_2215 = tpu.memref_squeeze %dma_wait3A_2214 : memref<1x1x8x128xf32, #tpu.memory_space<vmem>> -> memref<8x128xf32, #tpu.memory_space<vmem>>
        %dma_wait3A_2216 = arith.constant 40 : i32
        %dma_wait3A_2217 = tpu.memref_slice %arg3[%dma_wait3A_2216, %add3A_914] : memref<64x100000xf32, #tpu.memory_space<hbm>> -> memref<8x128xf32, #tpu.memory_space<hbm>>
        %dma_wait3A_2218 = arith.constant 40 : i32
        %dma_wait3A_2219 = tpu.memref_slice %arg3[%dma_wait3A_2218, %add3A_914] : memref<64x100000xf32, #tpu.memory_space<hbm>> -> memref<8x128xf32, #tpu.memory_space<hbm>>
        %dma_wait3A_2220 = arith.constant 0 : i32
        %dma_wait3A_2221 = arith.constant 0 : i32
        %dma_wait3A_2222 = tpu.memref_slice %arg5[%dma_wait3A_2210, %dma_wait3A_2211, %dma_wait3A_2220, %dma_wait3A_2221] : memref<8x11x8x128xf32, #tpu.memory_space<vmem>> -> memref<1x1x8x128xf32, #tpu.memory_space<vmem>>
        %dma_wait3A_2223 = tpu.memref_squeeze %dma_wait3A_2222 : memref<1x1x8x128xf32, #tpu.memory_space<vmem>> -> memref<8x128xf32, #tpu.memory_space<vmem>>
        tpu.wait_dma2 semaphore(%arg6 : memref<!tpu.dma_semaphore, #tpu.memory_space<semaphore_mem>>) src(%dma_wait3A_2223 : memref<8x128xf32, #tpu.memory_space<vmem>>) dst(%dma_wait3A_2219 : memref<8x128xf32, #tpu.memory_space<hbm>>)
        %dma_wait3A_2224 = arith.constant 5 : i32
        %dma_wait3A_2225 = arith.constant 1 : i32
        %dma_wait3A_2226 = arith.constant 0 : i32
        %dma_wait3A_2227 = arith.constant 0 : i32
        %dma_wait3A_2228 = tpu.memref_slice %arg5[%dma_wait3A_2224, %dma_wait3A_2225, %dma_wait3A_2226, %dma_wait3A_2227] : memref<8x11x8x128xf32, #tpu.memory_space<vmem>> -> memref<1x1x8x128xf32, #tpu.memory_space<vmem>>
        %dma_wait3A_2229 = tpu.memref_squeeze %dma_wait3A_2228 : memref<1x1x8x128xf32, #tpu.memory_space<vmem>> -> memref<8x128xf32, #tpu.memory_space<vmem>>
        %dma_wait3A_2230 = arith.constant 40 : i32
        %dma_wait3A_2231 = tpu.memref_slice %arg3[%dma_wait3A_2230, %add3A_930] : memref<64x100000xf32, #tpu.memory_space<hbm>> -> memref<8x128xf32, #tpu.memory_space<hbm>>
        %dma_wait3A_2232 = arith.constant 40 : i32
        %dma_wait3A_2233 = tpu.memref_slice %arg3[%dma_wait3A_2232, %add3A_930] : memref<64x100000xf32, #tpu.memory_space<hbm>> -> memref<8x128xf32, #tpu.memory_space<hbm>>
        %dma_wait3A_2234 = arith.constant 0 : i32
        %dma_wait3A_2235 = arith.constant 0 : i32
        %dma_wait3A_2236 = tpu.memref_slice %arg5[%dma_wait3A_2224, %dma_wait3A_2225, %dma_wait3A_2234, %dma_wait3A_2235] : memref<8x11x8x128xf32, #tpu.memory_space<vmem>> -> memref<1x1x8x128xf32, #tpu.memory_space<vmem>>
        %dma_wait3A_2237 = tpu.memref_squeeze %dma_wait3A_2236 : memref<1x1x8x128xf32, #tpu.memory_space<vmem>> -> memref<8x128xf32, #tpu.memory_space<vmem>>
        tpu.wait_dma2 semaphore(%arg6 : memref<!tpu.dma_semaphore, #tpu.memory_space<semaphore_mem>>) src(%dma_wait3A_2237 : memref<8x128xf32, #tpu.memory_space<vmem>>) dst(%dma_wait3A_2233 : memref<8x128xf32, #tpu.memory_space<hbm>>)
        %dma_wait3A_2238 = arith.constant 5 : i32
        %dma_wait3A_2239 = arith.constant 2 : i32
        %dma_wait3A_2240 = arith.constant 0 : i32
        %dma_wait3A_2241 = arith.constant 0 : i32
        %dma_wait3A_2242 = tpu.memref_slice %arg5[%dma_wait3A_2238, %dma_wait3A_2239, %dma_wait3A_2240, %dma_wait3A_2241] : memref<8x11x8x128xf32, #tpu.memory_space<vmem>> -> memref<1x1x8x128xf32, #tpu.memory_space<vmem>>
        %dma_wait3A_2243 = tpu.memref_squeeze %dma_wait3A_2242 : memref<1x1x8x128xf32, #tpu.memory_space<vmem>> -> memref<8x128xf32, #tpu.memory_space<vmem>>
        %dma_wait3A_2244 = arith.constant 40 : i32
        %dma_wait3A_2245 = tpu.memref_slice %arg3[%dma_wait3A_2244, %add3A_946] : memref<64x100000xf32, #tpu.memory_space<hbm>> -> memref<8x128xf32, #tpu.memory_space<hbm>>
        %dma_wait3A_2246 = arith.constant 40 : i32
        %dma_wait3A_2247 = tpu.memref_slice %arg3[%dma_wait3A_2246, %add3A_946] : memref<64x100000xf32, #tpu.memory_space<hbm>> -> memref<8x128xf32, #tpu.memory_space<hbm>>
        %dma_wait3A_2248 = arith.constant 0 : i32
        %dma_wait3A_2249 = arith.constant 0 : i32
        %dma_wait3A_2250 = tpu.memref_slice %arg5[%dma_wait3A_2238, %dma_wait3A_2239, %dma_wait3A_2248, %dma_wait3A_2249] : memref<8x11x8x128xf32, #tpu.memory_space<vmem>> -> memref<1x1x8x128xf32, #tpu.memory_space<vmem>>
        %dma_wait3A_2251 = tpu.memref_squeeze %dma_wait3A_2250 : memref<1x1x8x128xf32, #tpu.memory_space<vmem>> -> memref<8x128xf32, #tpu.memory_space<vmem>>
        tpu.wait_dma2 semaphore(%arg6 : memref<!tpu.dma_semaphore, #tpu.memory_space<semaphore_mem>>) src(%dma_wait3A_2251 : memref<8x128xf32, #tpu.memory_space<vmem>>) dst(%dma_wait3A_2247 : memref<8x128xf32, #tpu.memory_space<hbm>>)
        %dma_wait3A_2252 = arith.constant 5 : i32
        %dma_wait3A_2253 = arith.constant 3 : i32
        %dma_wait3A_2254 = arith.constant 0 : i32
        %dma_wait3A_2255 = arith.constant 0 : i32
        %dma_wait3A_2256 = tpu.memref_slice %arg5[%dma_wait3A_2252, %dma_wait3A_2253, %dma_wait3A_2254, %dma_wait3A_2255] : memref<8x11x8x128xf32, #tpu.memory_space<vmem>> -> memref<1x1x8x128xf32, #tpu.memory_space<vmem>>
        %dma_wait3A_2257 = tpu.memref_squeeze %dma_wait3A_2256 : memref<1x1x8x128xf32, #tpu.memory_space<vmem>> -> memref<8x128xf32, #tpu.memory_space<vmem>>
        %dma_wait3A_2258 = arith.constant 40 : i32
        %dma_wait3A_2259 = tpu.memref_slice %arg3[%dma_wait3A_2258, %add3A_962] : memref<64x100000xf32, #tpu.memory_space<hbm>> -> memref<8x128xf32, #tpu.memory_space<hbm>>
        %dma_wait3A_2260 = arith.constant 40 : i32
        %dma_wait3A_2261 = tpu.memref_slice %arg3[%dma_wait3A_2260, %add3A_962] : memref<64x100000xf32, #tpu.memory_space<hbm>> -> memref<8x128xf32, #tpu.memory_space<hbm>>
        %dma_wait3A_2262 = arith.constant 0 : i32
        %dma_wait3A_2263 = arith.constant 0 : i32
        %dma_wait3A_2264 = tpu.memref_slice %arg5[%dma_wait3A_2252, %dma_wait3A_2253, %dma_wait3A_2262, %dma_wait3A_2263] : memref<8x11x8x128xf32, #tpu.memory_space<vmem>> -> memref<1x1x8x128xf32, #tpu.memory_space<vmem>>
        %dma_wait3A_2265 = tpu.memref_squeeze %dma_wait3A_2264 : memref<1x1x8x128xf32, #tpu.memory_space<vmem>> -> memref<8x128xf32, #tpu.memory_space<vmem>>
        tpu.wait_dma2 semaphore(%arg6 : memref<!tpu.dma_semaphore, #tpu.memory_space<semaphore_mem>>) src(%dma_wait3A_2265 : memref<8x128xf32, #tpu.memory_space<vmem>>) dst(%dma_wait3A_2261 : memref<8x128xf32, #tpu.memory_space<hbm>>)
        %dma_wait3A_2266 = arith.constant 5 : i32
        %dma_wait3A_2267 = arith.constant 4 : i32
        %dma_wait3A_2268 = arith.constant 0 : i32
        %dma_wait3A_2269 = arith.constant 0 : i32
        %dma_wait3A_2270 = tpu.memref_slice %arg5[%dma_wait3A_2266, %dma_wait3A_2267, %dma_wait3A_2268, %dma_wait3A_2269] : memref<8x11x8x128xf32, #tpu.memory_space<vmem>> -> memref<1x1x8x128xf32, #tpu.memory_space<vmem>>
        %dma_wait3A_2271 = tpu.memref_squeeze %dma_wait3A_2270 : memref<1x1x8x128xf32, #tpu.memory_space<vmem>> -> memref<8x128xf32, #tpu.memory_space<vmem>>
        %dma_wait3A_2272 = arith.constant 40 : i32
        %dma_wait3A_2273 = tpu.memref_slice %arg3[%dma_wait3A_2272, %add3A_978] : memref<64x100000xf32, #tpu.memory_space<hbm>> -> memref<8x128xf32, #tpu.memory_space<hbm>>
        %dma_wait3A_2274 = arith.constant 40 : i32
        %dma_wait3A_2275 = tpu.memref_slice %arg3[%dma_wait3A_2274, %add3A_978] : memref<64x100000xf32, #tpu.memory_space<hbm>> -> memref<8x128xf32, #tpu.memory_space<hbm>>
        %dma_wait3A_2276 = arith.constant 0 : i32
        %dma_wait3A_2277 = arith.constant 0 : i32
        %dma_wait3A_2278 = tpu.memref_slice %arg5[%dma_wait3A_2266, %dma_wait3A_2267, %dma_wait3A_2276, %dma_wait3A_2277] : memref<8x11x8x128xf32, #tpu.memory_space<vmem>> -> memref<1x1x8x128xf32, #tpu.memory_space<vmem>>
        %dma_wait3A_2279 = tpu.memref_squeeze %dma_wait3A_2278 : memref<1x1x8x128xf32, #tpu.memory_space<vmem>> -> memref<8x128xf32, #tpu.memory_space<vmem>>
        tpu.wait_dma2 semaphore(%arg6 : memref<!tpu.dma_semaphore, #tpu.memory_space<semaphore_mem>>) src(%dma_wait3A_2279 : memref<8x128xf32, #tpu.memory_space<vmem>>) dst(%dma_wait3A_2275 : memref<8x128xf32, #tpu.memory_space<hbm>>)
        %dma_wait3A_2280 = arith.constant 5 : i32
        %dma_wait3A_2281 = arith.constant 5 : i32
        %dma_wait3A_2282 = arith.constant 0 : i32
        %dma_wait3A_2283 = arith.constant 0 : i32
        %dma_wait3A_2284 = tpu.memref_slice %arg5[%dma_wait3A_2280, %dma_wait3A_2281, %dma_wait3A_2282, %dma_wait3A_2283] : memref<8x11x8x128xf32, #tpu.memory_space<vmem>> -> memref<1x1x8x128xf32, #tpu.memory_space<vmem>>
        %dma_wait3A_2285 = tpu.memref_squeeze %dma_wait3A_2284 : memref<1x1x8x128xf32, #tpu.memory_space<vmem>> -> memref<8x128xf32, #tpu.memory_space<vmem>>
        %dma_wait3A_2286 = arith.constant 40 : i32
        %dma_wait3A_2287 = tpu.memref_slice %arg3[%dma_wait3A_2286, %add3A_994] : memref<64x100000xf32, #tpu.memory_space<hbm>> -> memref<8x128xf32, #tpu.memory_space<hbm>>
        %dma_wait3A_2288 = arith.constant 40 : i32
        %dma_wait3A_2289 = tpu.memref_slice %arg3[%dma_wait3A_2288, %add3A_994] : memref<64x100000xf32, #tpu.memory_space<hbm>> -> memref<8x128xf32, #tpu.memory_space<hbm>>
        %dma_wait3A_2290 = arith.constant 0 : i32
        %dma_wait3A_2291 = arith.constant 0 : i32
        %dma_wait3A_2292 = tpu.memref_slice %arg5[%dma_wait3A_2280, %dma_wait3A_2281, %dma_wait3A_2290, %dma_wait3A_2291] : memref<8x11x8x128xf32, #tpu.memory_space<vmem>> -> memref<1x1x8x128xf32, #tpu.memory_space<vmem>>
        %dma_wait3A_2293 = tpu.memref_squeeze %dma_wait3A_2292 : memref<1x1x8x128xf32, #tpu.memory_space<vmem>> -> memref<8x128xf32, #tpu.memory_space<vmem>>
        tpu.wait_dma2 semaphore(%arg6 : memref<!tpu.dma_semaphore, #tpu.memory_space<semaphore_mem>>) src(%dma_wait3A_2293 : memref<8x128xf32, #tpu.memory_space<vmem>>) dst(%dma_wait3A_2289 : memref<8x128xf32, #tpu.memory_space<hbm>>)
        %dma_wait3A_2294 = arith.constant 5 : i32
        %dma_wait3A_2295 = arith.constant 6 : i32
        %dma_wait3A_2296 = arith.constant 0 : i32
        %dma_wait3A_2297 = arith.constant 0 : i32
        %dma_wait3A_2298 = tpu.memref_slice %arg5[%dma_wait3A_2294, %dma_wait3A_2295, %dma_wait3A_2296, %dma_wait3A_2297] : memref<8x11x8x128xf32, #tpu.memory_space<vmem>> -> memref<1x1x8x128xf32, #tpu.memory_space<vmem>>
        %dma_wait3A_2299 = tpu.memref_squeeze %dma_wait3A_2298 : memref<1x1x8x128xf32, #tpu.memory_space<vmem>> -> memref<8x128xf32, #tpu.memory_space<vmem>>
        %dma_wait3A_2300 = arith.constant 40 : i32
        %dma_wait3A_2301 = tpu.memref_slice %arg3[%dma_wait3A_2300, %add3A_1010] : memref<64x100000xf32, #tpu.memory_space<hbm>> -> memref<8x128xf32, #tpu.memory_space<hbm>>
        %dma_wait3A_2302 = arith.constant 40 : i32
        %dma_wait3A_2303 = tpu.memref_slice %arg3[%dma_wait3A_2302, %add3A_1010] : memref<64x100000xf32, #tpu.memory_space<hbm>> -> memref<8x128xf32, #tpu.memory_space<hbm>>
        %dma_wait3A_2304 = arith.constant 0 : i32
        %dma_wait3A_2305 = arith.constant 0 : i32
        %dma_wait3A_2306 = tpu.memref_slice %arg5[%dma_wait3A_2294, %dma_wait3A_2295, %dma_wait3A_2304, %dma_wait3A_2305] : memref<8x11x8x128xf32, #tpu.memory_space<vmem>> -> memref<1x1x8x128xf32, #tpu.memory_space<vmem>>
        %dma_wait3A_2307 = tpu.memref_squeeze %dma_wait3A_2306 : memref<1x1x8x128xf32, #tpu.memory_space<vmem>> -> memref<8x128xf32, #tpu.memory_space<vmem>>
        tpu.wait_dma2 semaphore(%arg6 : memref<!tpu.dma_semaphore, #tpu.memory_space<semaphore_mem>>) src(%dma_wait3A_2307 : memref<8x128xf32, #tpu.memory_space<vmem>>) dst(%dma_wait3A_2303 : memref<8x128xf32, #tpu.memory_space<hbm>>)
        %dma_wait3A_2308 = arith.constant 5 : i32
        %dma_wait3A_2309 = arith.constant 7 : i32
        %dma_wait3A_2310 = arith.constant 0 : i32
        %dma_wait3A_2311 = arith.constant 0 : i32
        %dma_wait3A_2312 = tpu.memref_slice %arg5[%dma_wait3A_2308, %dma_wait3A_2309, %dma_wait3A_2310, %dma_wait3A_2311] : memref<8x11x8x128xf32, #tpu.memory_space<vmem>> -> memref<1x1x8x128xf32, #tpu.memory_space<vmem>>
        %dma_wait3A_2313 = tpu.memref_squeeze %dma_wait3A_2312 : memref<1x1x8x128xf32, #tpu.memory_space<vmem>> -> memref<8x128xf32, #tpu.memory_space<vmem>>
        %dma_wait3A_2314 = arith.constant 40 : i32
        %dma_wait3A_2315 = tpu.memref_slice %arg3[%dma_wait3A_2314, %add3A_1026] : memref<64x100000xf32, #tpu.memory_space<hbm>> -> memref<8x128xf32, #tpu.memory_space<hbm>>
        %dma_wait3A_2316 = arith.constant 40 : i32
        %dma_wait3A_2317 = tpu.memref_slice %arg3[%dma_wait3A_2316, %add3A_1026] : memref<64x100000xf32, #tpu.memory_space<hbm>> -> memref<8x128xf32, #tpu.memory_space<hbm>>
        %dma_wait3A_2318 = arith.constant 0 : i32
        %dma_wait3A_2319 = arith.constant 0 : i32
        %dma_wait3A_2320 = tpu.memref_slice %arg5[%dma_wait3A_2308, %dma_wait3A_2309, %dma_wait3A_2318, %dma_wait3A_2319] : memref<8x11x8x128xf32, #tpu.memory_space<vmem>> -> memref<1x1x8x128xf32, #tpu.memory_space<vmem>>
        %dma_wait3A_2321 = tpu.memref_squeeze %dma_wait3A_2320 : memref<1x1x8x128xf32, #tpu.memory_space<vmem>> -> memref<8x128xf32, #tpu.memory_space<vmem>>
        tpu.wait_dma2 semaphore(%arg6 : memref<!tpu.dma_semaphore, #tpu.memory_space<semaphore_mem>>) src(%dma_wait3A_2321 : memref<8x128xf32, #tpu.memory_space<vmem>>) dst(%dma_wait3A_2317 : memref<8x128xf32, #tpu.memory_space<hbm>>)
        %dma_wait3A_2322 = arith.constant 5 : i32
        %dma_wait3A_2323 = arith.constant 8 : i32
        %dma_wait3A_2324 = arith.constant 0 : i32
        %dma_wait3A_2325 = arith.constant 0 : i32
        %dma_wait3A_2326 = tpu.memref_slice %arg5[%dma_wait3A_2322, %dma_wait3A_2323, %dma_wait3A_2324, %dma_wait3A_2325] : memref<8x11x8x128xf32, #tpu.memory_space<vmem>> -> memref<1x1x8x128xf32, #tpu.memory_space<vmem>>
        %dma_wait3A_2327 = tpu.memref_squeeze %dma_wait3A_2326 : memref<1x1x8x128xf32, #tpu.memory_space<vmem>> -> memref<8x128xf32, #tpu.memory_space<vmem>>
        %dma_wait3A_2328 = arith.constant 40 : i32
        %dma_wait3A_2329 = tpu.memref_slice %arg3[%dma_wait3A_2328, %add3A_1042] : memref<64x100000xf32, #tpu.memory_space<hbm>> -> memref<8x128xf32, #tpu.memory_space<hbm>>
        %dma_wait3A_2330 = arith.constant 40 : i32
        %dma_wait3A_2331 = tpu.memref_slice %arg3[%dma_wait3A_2330, %add3A_1042] : memref<64x100000xf32, #tpu.memory_space<hbm>> -> memref<8x128xf32, #tpu.memory_space<hbm>>
        %dma_wait3A_2332 = arith.constant 0 : i32
        %dma_wait3A_2333 = arith.constant 0 : i32
        %dma_wait3A_2334 = tpu.memref_slice %arg5[%dma_wait3A_2322, %dma_wait3A_2323, %dma_wait3A_2332, %dma_wait3A_2333] : memref<8x11x8x128xf32, #tpu.memory_space<vmem>> -> memref<1x1x8x128xf32, #tpu.memory_space<vmem>>
        %dma_wait3A_2335 = tpu.memref_squeeze %dma_wait3A_2334 : memref<1x1x8x128xf32, #tpu.memory_space<vmem>> -> memref<8x128xf32, #tpu.memory_space<vmem>>
        tpu.wait_dma2 semaphore(%arg6 : memref<!tpu.dma_semaphore, #tpu.memory_space<semaphore_mem>>) src(%dma_wait3A_2335 : memref<8x128xf32, #tpu.memory_space<vmem>>) dst(%dma_wait3A_2331 : memref<8x128xf32, #tpu.memory_space<hbm>>)
        %dma_wait3A_2336 = arith.constant 5 : i32
        %dma_wait3A_2337 = arith.constant 9 : i32
        %dma_wait3A_2338 = arith.constant 0 : i32
        %dma_wait3A_2339 = arith.constant 0 : i32
        %dma_wait3A_2340 = tpu.memref_slice %arg5[%dma_wait3A_2336, %dma_wait3A_2337, %dma_wait3A_2338, %dma_wait3A_2339] : memref<8x11x8x128xf32, #tpu.memory_space<vmem>> -> memref<1x1x8x128xf32, #tpu.memory_space<vmem>>
        %dma_wait3A_2341 = tpu.memref_squeeze %dma_wait3A_2340 : memref<1x1x8x128xf32, #tpu.memory_space<vmem>> -> memref<8x128xf32, #tpu.memory_space<vmem>>
        %dma_wait3A_2342 = arith.constant 40 : i32
        %dma_wait3A_2343 = tpu.memref_slice %arg3[%dma_wait3A_2342, %add3A_1058] : memref<64x100000xf32, #tpu.memory_space<hbm>> -> memref<8x128xf32, #tpu.memory_space<hbm>>
        %dma_wait3A_2344 = arith.constant 40 : i32
        %dma_wait3A_2345 = tpu.memref_slice %arg3[%dma_wait3A_2344, %add3A_1058] : memref<64x100000xf32, #tpu.memory_space<hbm>> -> memref<8x128xf32, #tpu.memory_space<hbm>>
        %dma_wait3A_2346 = arith.constant 0 : i32
        %dma_wait3A_2347 = arith.constant 0 : i32
        %dma_wait3A_2348 = tpu.memref_slice %arg5[%dma_wait3A_2336, %dma_wait3A_2337, %dma_wait3A_2346, %dma_wait3A_2347] : memref<8x11x8x128xf32, #tpu.memory_space<vmem>> -> memref<1x1x8x128xf32, #tpu.memory_space<vmem>>
        %dma_wait3A_2349 = tpu.memref_squeeze %dma_wait3A_2348 : memref<1x1x8x128xf32, #tpu.memory_space<vmem>> -> memref<8x128xf32, #tpu.memory_space<vmem>>
        tpu.wait_dma2 semaphore(%arg6 : memref<!tpu.dma_semaphore, #tpu.memory_space<semaphore_mem>>) src(%dma_wait3A_2349 : memref<8x128xf32, #tpu.memory_space<vmem>>) dst(%dma_wait3A_2345 : memref<8x128xf32, #tpu.memory_space<hbm>>)
        %dma_wait3A_2350 = arith.constant 5 : i32
        %dma_wait3A_2351 = arith.constant 10 : i32
        %dma_wait3A_2352 = arith.constant 0 : i32
        %dma_wait3A_2353 = arith.constant 0 : i32
        %dma_wait3A_2354 = tpu.memref_slice %arg5[%dma_wait3A_2350, %dma_wait3A_2351, %dma_wait3A_2352, %dma_wait3A_2353] : memref<8x11x8x128xf32, #tpu.memory_space<vmem>> -> memref<1x1x8x128xf32, #tpu.memory_space<vmem>>
        %dma_wait3A_2355 = tpu.memref_squeeze %dma_wait3A_2354 : memref<1x1x8x128xf32, #tpu.memory_space<vmem>> -> memref<8x128xf32, #tpu.memory_space<vmem>>
        %dma_wait3A_2356 = arith.constant 40 : i32
        %dma_wait3A_2357 = tpu.memref_slice %arg3[%dma_wait3A_2356, %add3A_1074] : memref<64x100000xf32, #tpu.memory_space<hbm>> -> memref<8x128xf32, #tpu.memory_space<hbm>>
        %dma_wait3A_2358 = arith.constant 40 : i32
        %dma_wait3A_2359 = tpu.memref_slice %arg3[%dma_wait3A_2358, %add3A_1074] : memref<64x100000xf32, #tpu.memory_space<hbm>> -> memref<8x128xf32, #tpu.memory_space<hbm>>
        %dma_wait3A_2360 = arith.constant 0 : i32
        %dma_wait3A_2361 = arith.constant 0 : i32
        %dma_wait3A_2362 = tpu.memref_slice %arg5[%dma_wait3A_2350, %dma_wait3A_2351, %dma_wait3A_2360, %dma_wait3A_2361] : memref<8x11x8x128xf32, #tpu.memory_space<vmem>> -> memref<1x1x8x128xf32, #tpu.memory_space<vmem>>
        %dma_wait3A_2363 = tpu.memref_squeeze %dma_wait3A_2362 : memref<1x1x8x128xf32, #tpu.memory_space<vmem>> -> memref<8x128xf32, #tpu.memory_space<vmem>>
        tpu.wait_dma2 semaphore(%arg6 : memref<!tpu.dma_semaphore, #tpu.memory_space<semaphore_mem>>) src(%dma_wait3A_2363 : memref<8x128xf32, #tpu.memory_space<vmem>>) dst(%dma_wait3A_2359 : memref<8x128xf32, #tpu.memory_space<hbm>>)
        %dma_wait3A_2364 = arith.constant 6 : i32
        %dma_wait3A_2365 = arith.constant 0 : i32
        %dma_wait3A_2366 = arith.constant 0 : i32
        %dma_wait3A_2367 = arith.constant 0 : i32
        %dma_wait3A_2368 = tpu.memref_slice %arg5[%dma_wait3A_2364, %dma_wait3A_2365, %dma_wait3A_2366, %dma_wait3A_2367] : memref<8x11x8x128xf32, #tpu.memory_space<vmem>> -> memref<1x1x8x128xf32, #tpu.memory_space<vmem>>
        %dma_wait3A_2369 = tpu.memref_squeeze %dma_wait3A_2368 : memref<1x1x8x128xf32, #tpu.memory_space<vmem>> -> memref<8x128xf32, #tpu.memory_space<vmem>>
        %dma_wait3A_2370 = arith.constant 48 : i32
        %dma_wait3A_2371 = tpu.memref_slice %arg3[%dma_wait3A_2370, %add3A_1090] : memref<64x100000xf32, #tpu.memory_space<hbm>> -> memref<8x128xf32, #tpu.memory_space<hbm>>
        %dma_wait3A_2372 = arith.constant 48 : i32
        %dma_wait3A_2373 = tpu.memref_slice %arg3[%dma_wait3A_2372, %add3A_1090] : memref<64x100000xf32, #tpu.memory_space<hbm>> -> memref<8x128xf32, #tpu.memory_space<hbm>>
        %dma_wait3A_2374 = arith.constant 0 : i32
        %dma_wait3A_2375 = arith.constant 0 : i32
        %dma_wait3A_2376 = tpu.memref_slice %arg5[%dma_wait3A_2364, %dma_wait3A_2365, %dma_wait3A_2374, %dma_wait3A_2375] : memref<8x11x8x128xf32, #tpu.memory_space<vmem>> -> memref<1x1x8x128xf32, #tpu.memory_space<vmem>>
        %dma_wait3A_2377 = tpu.memref_squeeze %dma_wait3A_2376 : memref<1x1x8x128xf32, #tpu.memory_space<vmem>> -> memref<8x128xf32, #tpu.memory_space<vmem>>
        tpu.wait_dma2 semaphore(%arg6 : memref<!tpu.dma_semaphore, #tpu.memory_space<semaphore_mem>>) src(%dma_wait3A_2377 : memref<8x128xf32, #tpu.memory_space<vmem>>) dst(%dma_wait3A_2373 : memref<8x128xf32, #tpu.memory_space<hbm>>)
        %dma_wait3A_2378 = arith.constant 6 : i32
        %dma_wait3A_2379 = arith.constant 1 : i32
        %dma_wait3A_2380 = arith.constant 0 : i32
        %dma_wait3A_2381 = arith.constant 0 : i32
        %dma_wait3A_2382 = tpu.memref_slice %arg5[%dma_wait3A_2378, %dma_wait3A_2379, %dma_wait3A_2380, %dma_wait3A_2381] : memref<8x11x8x128xf32, #tpu.memory_space<vmem>> -> memref<1x1x8x128xf32, #tpu.memory_space<vmem>>
        %dma_wait3A_2383 = tpu.memref_squeeze %dma_wait3A_2382 : memref<1x1x8x128xf32, #tpu.memory_space<vmem>> -> memref<8x128xf32, #tpu.memory_space<vmem>>
        %dma_wait3A_2384 = arith.constant 48 : i32
        %dma_wait3A_2385 = tpu.memref_slice %arg3[%dma_wait3A_2384, %add3A_1106] : memref<64x100000xf32, #tpu.memory_space<hbm>> -> memref<8x128xf32, #tpu.memory_space<hbm>>
        %dma_wait3A_2386 = arith.constant 48 : i32
        %dma_wait3A_2387 = tpu.memref_slice %arg3[%dma_wait3A_2386, %add3A_1106] : memref<64x100000xf32, #tpu.memory_space<hbm>> -> memref<8x128xf32, #tpu.memory_space<hbm>>
        %dma_wait3A_2388 = arith.constant 0 : i32
        %dma_wait3A_2389 = arith.constant 0 : i32
        %dma_wait3A_2390 = tpu.memref_slice %arg5[%dma_wait3A_2378, %dma_wait3A_2379, %dma_wait3A_2388, %dma_wait3A_2389] : memref<8x11x8x128xf32, #tpu.memory_space<vmem>> -> memref<1x1x8x128xf32, #tpu.memory_space<vmem>>
        %dma_wait3A_2391 = tpu.memref_squeeze %dma_wait3A_2390 : memref<1x1x8x128xf32, #tpu.memory_space<vmem>> -> memref<8x128xf32, #tpu.memory_space<vmem>>
        tpu.wait_dma2 semaphore(%arg6 : memref<!tpu.dma_semaphore, #tpu.memory_space<semaphore_mem>>) src(%dma_wait3A_2391 : memref<8x128xf32, #tpu.memory_space<vmem>>) dst(%dma_wait3A_2387 : memref<8x128xf32, #tpu.memory_space<hbm>>)
        %dma_wait3A_2392 = arith.constant 6 : i32
        %dma_wait3A_2393 = arith.constant 2 : i32
        %dma_wait3A_2394 = arith.constant 0 : i32
        %dma_wait3A_2395 = arith.constant 0 : i32
        %dma_wait3A_2396 = tpu.memref_slice %arg5[%dma_wait3A_2392, %dma_wait3A_2393, %dma_wait3A_2394, %dma_wait3A_2395] : memref<8x11x8x128xf32, #tpu.memory_space<vmem>> -> memref<1x1x8x128xf32, #tpu.memory_space<vmem>>
        %dma_wait3A_2397 = tpu.memref_squeeze %dma_wait3A_2396 : memref<1x1x8x128xf32, #tpu.memory_space<vmem>> -> memref<8x128xf32, #tpu.memory_space<vmem>>
        %dma_wait3A_2398 = arith.constant 48 : i32
        %dma_wait3A_2399 = tpu.memref_slice %arg3[%dma_wait3A_2398, %add3A_1122] : memref<64x100000xf32, #tpu.memory_space<hbm>> -> memref<8x128xf32, #tpu.memory_space<hbm>>
        %dma_wait3A_2400 = arith.constant 48 : i32
        %dma_wait3A_2401 = tpu.memref_slice %arg3[%dma_wait3A_2400, %add3A_1122] : memref<64x100000xf32, #tpu.memory_space<hbm>> -> memref<8x128xf32, #tpu.memory_space<hbm>>
        %dma_wait3A_2402 = arith.constant 0 : i32
        %dma_wait3A_2403 = arith.constant 0 : i32
        %dma_wait3A_2404 = tpu.memref_slice %arg5[%dma_wait3A_2392, %dma_wait3A_2393, %dma_wait3A_2402, %dma_wait3A_2403] : memref<8x11x8x128xf32, #tpu.memory_space<vmem>> -> memref<1x1x8x128xf32, #tpu.memory_space<vmem>>
        %dma_wait3A_2405 = tpu.memref_squeeze %dma_wait3A_2404 : memref<1x1x8x128xf32, #tpu.memory_space<vmem>> -> memref<8x128xf32, #tpu.memory_space<vmem>>
        tpu.wait_dma2 semaphore(%arg6 : memref<!tpu.dma_semaphore, #tpu.memory_space<semaphore_mem>>) src(%dma_wait3A_2405 : memref<8x128xf32, #tpu.memory_space<vmem>>) dst(%dma_wait3A_2401 : memref<8x128xf32, #tpu.memory_space<hbm>>)
        %dma_wait3A_2406 = arith.constant 6 : i32
        %dma_wait3A_2407 = arith.constant 3 : i32
        %dma_wait3A_2408 = arith.constant 0 : i32
        %dma_wait3A_2409 = arith.constant 0 : i32
        %dma_wait3A_2410 = tpu.memref_slice %arg5[%dma_wait3A_2406, %dma_wait3A_2407, %dma_wait3A_2408, %dma_wait3A_2409] : memref<8x11x8x128xf32, #tpu.memory_space<vmem>> -> memref<1x1x8x128xf32, #tpu.memory_space<vmem>>
        %dma_wait3A_2411 = tpu.memref_squeeze %dma_wait3A_2410 : memref<1x1x8x128xf32, #tpu.memory_space<vmem>> -> memref<8x128xf32, #tpu.memory_space<vmem>>
        %dma_wait3A_2412 = arith.constant 48 : i32
        %dma_wait3A_2413 = tpu.memref_slice %arg3[%dma_wait3A_2412, %add3A_1138] : memref<64x100000xf32, #tpu.memory_space<hbm>> -> memref<8x128xf32, #tpu.memory_space<hbm>>
        %dma_wait3A_2414 = arith.constant 48 : i32
        %dma_wait3A_2415 = tpu.memref_slice %arg3[%dma_wait3A_2414, %add3A_1138] : memref<64x100000xf32, #tpu.memory_space<hbm>> -> memref<8x128xf32, #tpu.memory_space<hbm>>
        %dma_wait3A_2416 = arith.constant 0 : i32
        %dma_wait3A_2417 = arith.constant 0 : i32
        %dma_wait3A_2418 = tpu.memref_slice %arg5[%dma_wait3A_2406, %dma_wait3A_2407, %dma_wait3A_2416, %dma_wait3A_2417] : memref<8x11x8x128xf32, #tpu.memory_space<vmem>> -> memref<1x1x8x128xf32, #tpu.memory_space<vmem>>
        %dma_wait3A_2419 = tpu.memref_squeeze %dma_wait3A_2418 : memref<1x1x8x128xf32, #tpu.memory_space<vmem>> -> memref<8x128xf32, #tpu.memory_space<vmem>>
        tpu.wait_dma2 semaphore(%arg6 : memref<!tpu.dma_semaphore, #tpu.memory_space<semaphore_mem>>) src(%dma_wait3A_2419 : memref<8x128xf32, #tpu.memory_space<vmem>>) dst(%dma_wait3A_2415 : memref<8x128xf32, #tpu.memory_space<hbm>>)
        %dma_wait3A_2420 = arith.constant 6 : i32
        %dma_wait3A_2421 = arith.constant 4 : i32
        %dma_wait3A_2422 = arith.constant 0 : i32
        %dma_wait3A_2423 = arith.constant 0 : i32
        %dma_wait3A_2424 = tpu.memref_slice %arg5[%dma_wait3A_2420, %dma_wait3A_2421, %dma_wait3A_2422, %dma_wait3A_2423] : memref<8x11x8x128xf32, #tpu.memory_space<vmem>> -> memref<1x1x8x128xf32, #tpu.memory_space<vmem>>
        %dma_wait3A_2425 = tpu.memref_squeeze %dma_wait3A_2424 : memref<1x1x8x128xf32, #tpu.memory_space<vmem>> -> memref<8x128xf32, #tpu.memory_space<vmem>>
        %dma_wait3A_2426 = arith.constant 48 : i32
        %dma_wait3A_2427 = tpu.memref_slice %arg3[%dma_wait3A_2426, %add3A_1154] : memref<64x100000xf32, #tpu.memory_space<hbm>> -> memref<8x128xf32, #tpu.memory_space<hbm>>
        %dma_wait3A_2428 = arith.constant 48 : i32
        %dma_wait3A_2429 = tpu.memref_slice %arg3[%dma_wait3A_2428, %add3A_1154] : memref<64x100000xf32, #tpu.memory_space<hbm>> -> memref<8x128xf32, #tpu.memory_space<hbm>>
        %dma_wait3A_2430 = arith.constant 0 : i32
        %dma_wait3A_2431 = arith.constant 0 : i32
        %dma_wait3A_2432 = tpu.memref_slice %arg5[%dma_wait3A_2420, %dma_wait3A_2421, %dma_wait3A_2430, %dma_wait3A_2431] : memref<8x11x8x128xf32, #tpu.memory_space<vmem>> -> memref<1x1x8x128xf32, #tpu.memory_space<vmem>>
        %dma_wait3A_2433 = tpu.memref_squeeze %dma_wait3A_2432 : memref<1x1x8x128xf32, #tpu.memory_space<vmem>> -> memref<8x128xf32, #tpu.memory_space<vmem>>
        tpu.wait_dma2 semaphore(%arg6 : memref<!tpu.dma_semaphore, #tpu.memory_space<semaphore_mem>>) src(%dma_wait3A_2433 : memref<8x128xf32, #tpu.memory_space<vmem>>) dst(%dma_wait3A_2429 : memref<8x128xf32, #tpu.memory_space<hbm>>)
        %dma_wait3A_2434 = arith.constant 6 : i32
        %dma_wait3A_2435 = arith.constant 5 : i32
        %dma_wait3A_2436 = arith.constant 0 : i32
        %dma_wait3A_2437 = arith.constant 0 : i32
        %dma_wait3A_2438 = tpu.memref_slice %arg5[%dma_wait3A_2434, %dma_wait3A_2435, %dma_wait3A_2436, %dma_wait3A_2437] : memref<8x11x8x128xf32, #tpu.memory_space<vmem>> -> memref<1x1x8x128xf32, #tpu.memory_space<vmem>>
        %dma_wait3A_2439 = tpu.memref_squeeze %dma_wait3A_2438 : memref<1x1x8x128xf32, #tpu.memory_space<vmem>> -> memref<8x128xf32, #tpu.memory_space<vmem>>
        %dma_wait3A_2440 = arith.constant 48 : i32
        %dma_wait3A_2441 = tpu.memref_slice %arg3[%dma_wait3A_2440, %add3A_1170] : memref<64x100000xf32, #tpu.memory_space<hbm>> -> memref<8x128xf32, #tpu.memory_space<hbm>>
        %dma_wait3A_2442 = arith.constant 48 : i32
        %dma_wait3A_2443 = tpu.memref_slice %arg3[%dma_wait3A_2442, %add3A_1170] : memref<64x100000xf32, #tpu.memory_space<hbm>> -> memref<8x128xf32, #tpu.memory_space<hbm>>
        %dma_wait3A_2444 = arith.constant 0 : i32
        %dma_wait3A_2445 = arith.constant 0 : i32
        %dma_wait3A_2446 = tpu.memref_slice %arg5[%dma_wait3A_2434, %dma_wait3A_2435, %dma_wait3A_2444, %dma_wait3A_2445] : memref<8x11x8x128xf32, #tpu.memory_space<vmem>> -> memref<1x1x8x128xf32, #tpu.memory_space<vmem>>
        %dma_wait3A_2447 = tpu.memref_squeeze %dma_wait3A_2446 : memref<1x1x8x128xf32, #tpu.memory_space<vmem>> -> memref<8x128xf32, #tpu.memory_space<vmem>>
        tpu.wait_dma2 semaphore(%arg6 : memref<!tpu.dma_semaphore, #tpu.memory_space<semaphore_mem>>) src(%dma_wait3A_2447 : memref<8x128xf32, #tpu.memory_space<vmem>>) dst(%dma_wait3A_2443 : memref<8x128xf32, #tpu.memory_space<hbm>>)
        %dma_wait3A_2448 = arith.constant 6 : i32
        %dma_wait3A_2449 = arith.constant 6 : i32
        %dma_wait3A_2450 = arith.constant 0 : i32
        %dma_wait3A_2451 = arith.constant 0 : i32
        %dma_wait3A_2452 = tpu.memref_slice %arg5[%dma_wait3A_2448, %dma_wait3A_2449, %dma_wait3A_2450, %dma_wait3A_2451] : memref<8x11x8x128xf32, #tpu.memory_space<vmem>> -> memref<1x1x8x128xf32, #tpu.memory_space<vmem>>
        %dma_wait3A_2453 = tpu.memref_squeeze %dma_wait3A_2452 : memref<1x1x8x128xf32, #tpu.memory_space<vmem>> -> memref<8x128xf32, #tpu.memory_space<vmem>>
        %dma_wait3A_2454 = arith.constant 48 : i32
        %dma_wait3A_2455 = tpu.memref_slice %arg3[%dma_wait3A_2454, %add3A_1186] : memref<64x100000xf32, #tpu.memory_space<hbm>> -> memref<8x128xf32, #tpu.memory_space<hbm>>
        %dma_wait3A_2456 = arith.constant 48 : i32
        %dma_wait3A_2457 = tpu.memref_slice %arg3[%dma_wait3A_2456, %add3A_1186] : memref<64x100000xf32, #tpu.memory_space<hbm>> -> memref<8x128xf32, #tpu.memory_space<hbm>>
        %dma_wait3A_2458 = arith.constant 0 : i32
        %dma_wait3A_2459 = arith.constant 0 : i32
        %dma_wait3A_2460 = tpu.memref_slice %arg5[%dma_wait3A_2448, %dma_wait3A_2449, %dma_wait3A_2458, %dma_wait3A_2459] : memref<8x11x8x128xf32, #tpu.memory_space<vmem>> -> memref<1x1x8x128xf32, #tpu.memory_space<vmem>>
        %dma_wait3A_2461 = tpu.memref_squeeze %dma_wait3A_2460 : memref<1x1x8x128xf32, #tpu.memory_space<vmem>> -> memref<8x128xf32, #tpu.memory_space<vmem>>
        tpu.wait_dma2 semaphore(%arg6 : memref<!tpu.dma_semaphore, #tpu.memory_space<semaphore_mem>>) src(%dma_wait3A_2461 : memref<8x128xf32, #tpu.memory_space<vmem>>) dst(%dma_wait3A_2457 : memref<8x128xf32, #tpu.memory_space<hbm>>)
        %dma_wait3A_2462 = arith.constant 6 : i32
        %dma_wait3A_2463 = arith.constant 7 : i32
        %dma_wait3A_2464 = arith.constant 0 : i32
        %dma_wait3A_2465 = arith.constant 0 : i32
        %dma_wait3A_2466 = tpu.memref_slice %arg5[%dma_wait3A_2462, %dma_wait3A_2463, %dma_wait3A_2464, %dma_wait3A_2465] : memref<8x11x8x128xf32, #tpu.memory_space<vmem>> -> memref<1x1x8x128xf32, #tpu.memory_space<vmem>>
        %dma_wait3A_2467 = tpu.memref_squeeze %dma_wait3A_2466 : memref<1x1x8x128xf32, #tpu.memory_space<vmem>> -> memref<8x128xf32, #tpu.memory_space<vmem>>
        %dma_wait3A_2468 = arith.constant 48 : i32
        %dma_wait3A_2469 = tpu.memref_slice %arg3[%dma_wait3A_2468, %add3A_1202] : memref<64x100000xf32, #tpu.memory_space<hbm>> -> memref<8x128xf32, #tpu.memory_space<hbm>>
        %dma_wait3A_2470 = arith.constant 48 : i32
        %dma_wait3A_2471 = tpu.memref_slice %arg3[%dma_wait3A_2470, %add3A_1202] : memref<64x100000xf32, #tpu.memory_space<hbm>> -> memref<8x128xf32, #tpu.memory_space<hbm>>
        %dma_wait3A_2472 = arith.constant 0 : i32
        %dma_wait3A_2473 = arith.constant 0 : i32
        %dma_wait3A_2474 = tpu.memref_slice %arg5[%dma_wait3A_2462, %dma_wait3A_2463, %dma_wait3A_2472, %dma_wait3A_2473] : memref<8x11x8x128xf32, #tpu.memory_space<vmem>> -> memref<1x1x8x128xf32, #tpu.memory_space<vmem>>
        %dma_wait3A_2475 = tpu.memref_squeeze %dma_wait3A_2474 : memref<1x1x8x128xf32, #tpu.memory_space<vmem>> -> memref<8x128xf32, #tpu.memory_space<vmem>>
        tpu.wait_dma2 semaphore(%arg6 : memref<!tpu.dma_semaphore, #tpu.memory_space<semaphore_mem>>) src(%dma_wait3A_2475 : memref<8x128xf32, #tpu.memory_space<vmem>>) dst(%dma_wait3A_2471 : memref<8x128xf32, #tpu.memory_space<hbm>>)
        %dma_wait3A_2476 = arith.constant 6 : i32
        %dma_wait3A_2477 = arith.constant 8 : i32
        %dma_wait3A_2478 = arith.constant 0 : i32
        %dma_wait3A_2479 = arith.constant 0 : i32
        %dma_wait3A_2480 = tpu.memref_slice %arg5[%dma_wait3A_2476, %dma_wait3A_2477, %dma_wait3A_2478, %dma_wait3A_2479] : memref<8x11x8x128xf32, #tpu.memory_space<vmem>> -> memref<1x1x8x128xf32, #tpu.memory_space<vmem>>
        %dma_wait3A_2481 = tpu.memref_squeeze %dma_wait3A_2480 : memref<1x1x8x128xf32, #tpu.memory_space<vmem>> -> memref<8x128xf32, #tpu.memory_space<vmem>>
        %dma_wait3A_2482 = arith.constant 48 : i32
        %dma_wait3A_2483 = tpu.memref_slice %arg3[%dma_wait3A_2482, %add3A_1218] : memref<64x100000xf32, #tpu.memory_space<hbm>> -> memref<8x128xf32, #tpu.memory_space<hbm>>
        %dma_wait3A_2484 = arith.constant 48 : i32
        %dma_wait3A_2485 = tpu.memref_slice %arg3[%dma_wait3A_2484, %add3A_1218] : memref<64x100000xf32, #tpu.memory_space<hbm>> -> memref<8x128xf32, #tpu.memory_space<hbm>>
        %dma_wait3A_2486 = arith.constant 0 : i32
        %dma_wait3A_2487 = arith.constant 0 : i32
        %dma_wait3A_2488 = tpu.memref_slice %arg5[%dma_wait3A_2476, %dma_wait3A_2477, %dma_wait3A_2486, %dma_wait3A_2487] : memref<8x11x8x128xf32, #tpu.memory_space<vmem>> -> memref<1x1x8x128xf32, #tpu.memory_space<vmem>>
        %dma_wait3A_2489 = tpu.memref_squeeze %dma_wait3A_2488 : memref<1x1x8x128xf32, #tpu.memory_space<vmem>> -> memref<8x128xf32, #tpu.memory_space<vmem>>
        tpu.wait_dma2 semaphore(%arg6 : memref<!tpu.dma_semaphore, #tpu.memory_space<semaphore_mem>>) src(%dma_wait3A_2489 : memref<8x128xf32, #tpu.memory_space<vmem>>) dst(%dma_wait3A_2485 : memref<8x128xf32, #tpu.memory_space<hbm>>)
        %dma_wait3A_2490 = arith.constant 6 : i32
        %dma_wait3A_2491 = arith.constant 9 : i32
        %dma_wait3A_2492 = arith.constant 0 : i32
        %dma_wait3A_2493 = arith.constant 0 : i32
        %dma_wait3A_2494 = tpu.memref_slice %arg5[%dma_wait3A_2490, %dma_wait3A_2491, %dma_wait3A_2492, %dma_wait3A_2493] : memref<8x11x8x128xf32, #tpu.memory_space<vmem>> -> memref<1x1x8x128xf32, #tpu.memory_space<vmem>>
        %dma_wait3A_2495 = tpu.memref_squeeze %dma_wait3A_2494 : memref<1x1x8x128xf32, #tpu.memory_space<vmem>> -> memref<8x128xf32, #tpu.memory_space<vmem>>
        %dma_wait3A_2496 = arith.constant 48 : i32
        %dma_wait3A_2497 = tpu.memref_slice %arg3[%dma_wait3A_2496, %add3A_1234] : memref<64x100000xf32, #tpu.memory_space<hbm>> -> memref<8x128xf32, #tpu.memory_space<hbm>>
        %dma_wait3A_2498 = arith.constant 48 : i32
        %dma_wait3A_2499 = tpu.memref_slice %arg3[%dma_wait3A_2498, %add3A_1234] : memref<64x100000xf32, #tpu.memory_space<hbm>> -> memref<8x128xf32, #tpu.memory_space<hbm>>
        %dma_wait3A_2500 = arith.constant 0 : i32
        %dma_wait3A_2501 = arith.constant 0 : i32
        %dma_wait3A_2502 = tpu.memref_slice %arg5[%dma_wait3A_2490, %dma_wait3A_2491, %dma_wait3A_2500, %dma_wait3A_2501] : memref<8x11x8x128xf32, #tpu.memory_space<vmem>> -> memref<1x1x8x128xf32, #tpu.memory_space<vmem>>
        %dma_wait3A_2503 = tpu.memref_squeeze %dma_wait3A_2502 : memref<1x1x8x128xf32, #tpu.memory_space<vmem>> -> memref<8x128xf32, #tpu.memory_space<vmem>>
        tpu.wait_dma2 semaphore(%arg6 : memref<!tpu.dma_semaphore, #tpu.memory_space<semaphore_mem>>) src(%dma_wait3A_2503 : memref<8x128xf32, #tpu.memory_space<vmem>>) dst(%dma_wait3A_2499 : memref<8x128xf32, #tpu.memory_space<hbm>>)
        %dma_wait3A_2504 = arith.constant 6 : i32
        %dma_wait3A_2505 = arith.constant 10 : i32
        %dma_wait3A_2506 = arith.constant 0 : i32
        %dma_wait3A_2507 = arith.constant 0 : i32
        %dma_wait3A_2508 = tpu.memref_slice %arg5[%dma_wait3A_2504, %dma_wait3A_2505, %dma_wait3A_2506, %dma_wait3A_2507] : memref<8x11x8x128xf32, #tpu.memory_space<vmem>> -> memref<1x1x8x128xf32, #tpu.memory_space<vmem>>
        %dma_wait3A_2509 = tpu.memref_squeeze %dma_wait3A_2508 : memref<1x1x8x128xf32, #tpu.memory_space<vmem>> -> memref<8x128xf32, #tpu.memory_space<vmem>>
        %dma_wait3A_2510 = arith.constant 48 : i32
        %dma_wait3A_2511 = tpu.memref_slice %arg3[%dma_wait3A_2510, %add3A_1250] : memref<64x100000xf32, #tpu.memory_space<hbm>> -> memref<8x128xf32, #tpu.memory_space<hbm>>
        %dma_wait3A_2512 = arith.constant 48 : i32
        %dma_wait3A_2513 = tpu.memref_slice %arg3[%dma_wait3A_2512, %add3A_1250] : memref<64x100000xf32, #tpu.memory_space<hbm>> -> memref<8x128xf32, #tpu.memory_space<hbm>>
        %dma_wait3A_2514 = arith.constant 0 : i32
        %dma_wait3A_2515 = arith.constant 0 : i32
        %dma_wait3A_2516 = tpu.memref_slice %arg5[%dma_wait3A_2504, %dma_wait3A_2505, %dma_wait3A_2514, %dma_wait3A_2515] : memref<8x11x8x128xf32, #tpu.memory_space<vmem>> -> memref<1x1x8x128xf32, #tpu.memory_space<vmem>>
        %dma_wait3A_2517 = tpu.memref_squeeze %dma_wait3A_2516 : memref<1x1x8x128xf32, #tpu.memory_space<vmem>> -> memref<8x128xf32, #tpu.memory_space<vmem>>
        tpu.wait_dma2 semaphore(%arg6 : memref<!tpu.dma_semaphore, #tpu.memory_space<semaphore_mem>>) src(%dma_wait3A_2517 : memref<8x128xf32, #tpu.memory_space<vmem>>) dst(%dma_wait3A_2513 : memref<8x128xf32, #tpu.memory_space<hbm>>)
        %dma_wait3A_2518 = arith.constant 7 : i32
        %dma_wait3A_2519 = arith.constant 0 : i32
        %dma_wait3A_2520 = arith.constant 0 : i32
        %dma_wait3A_2521 = arith.constant 0 : i32
        %dma_wait3A_2522 = tpu.memref_slice %arg5[%dma_wait3A_2518, %dma_wait3A_2519, %dma_wait3A_2520, %dma_wait3A_2521] : memref<8x11x8x128xf32, #tpu.memory_space<vmem>> -> memref<1x1x8x128xf32, #tpu.memory_space<vmem>>
        %dma_wait3A_2523 = tpu.memref_squeeze %dma_wait3A_2522 : memref<1x1x8x128xf32, #tpu.memory_space<vmem>> -> memref<8x128xf32, #tpu.memory_space<vmem>>
        %dma_wait3A_2524 = arith.constant 56 : i32
        %dma_wait3A_2525 = tpu.memref_slice %arg3[%dma_wait3A_2524, %add3A_1266] : memref<64x100000xf32, #tpu.memory_space<hbm>> -> memref<8x128xf32, #tpu.memory_space<hbm>>
        %dma_wait3A_2526 = arith.constant 56 : i32
        %dma_wait3A_2527 = tpu.memref_slice %arg3[%dma_wait3A_2526, %add3A_1266] : memref<64x100000xf32, #tpu.memory_space<hbm>> -> memref<8x128xf32, #tpu.memory_space<hbm>>
        %dma_wait3A_2528 = arith.constant 0 : i32
        %dma_wait3A_2529 = arith.constant 0 : i32
        %dma_wait3A_2530 = tpu.memref_slice %arg5[%dma_wait3A_2518, %dma_wait3A_2519, %dma_wait3A_2528, %dma_wait3A_2529] : memref<8x11x8x128xf32, #tpu.memory_space<vmem>> -> memref<1x1x8x128xf32, #tpu.memory_space<vmem>>
        %dma_wait3A_2531 = tpu.memref_squeeze %dma_wait3A_2530 : memref<1x1x8x128xf32, #tpu.memory_space<vmem>> -> memref<8x128xf32, #tpu.memory_space<vmem>>
        tpu.wait_dma2 semaphore(%arg6 : memref<!tpu.dma_semaphore, #tpu.memory_space<semaphore_mem>>) src(%dma_wait3A_2531 : memref<8x128xf32, #tpu.memory_space<vmem>>) dst(%dma_wait3A_2527 : memref<8x128xf32, #tpu.memory_space<hbm>>)
        %dma_wait3A_2532 = arith.constant 7 : i32
        %dma_wait3A_2533 = arith.constant 1 : i32
        %dma_wait3A_2534 = arith.constant 0 : i32
        %dma_wait3A_2535 = arith.constant 0 : i32
        %dma_wait3A_2536 = tpu.memref_slice %arg5[%dma_wait3A_2532, %dma_wait3A_2533, %dma_wait3A_2534, %dma_wait3A_2535] : memref<8x11x8x128xf32, #tpu.memory_space<vmem>> -> memref<1x1x8x128xf32, #tpu.memory_space<vmem>>
        %dma_wait3A_2537 = tpu.memref_squeeze %dma_wait3A_2536 : memref<1x1x8x128xf32, #tpu.memory_space<vmem>> -> memref<8x128xf32, #tpu.memory_space<vmem>>
        %dma_wait3A_2538 = arith.constant 56 : i32
        %dma_wait3A_2539 = tpu.memref_slice %arg3[%dma_wait3A_2538, %add3A_1282] : memref<64x100000xf32, #tpu.memory_space<hbm>> -> memref<8x128xf32, #tpu.memory_space<hbm>>
        %dma_wait3A_2540 = arith.constant 56 : i32
        %dma_wait3A_2541 = tpu.memref_slice %arg3[%dma_wait3A_2540, %add3A_1282] : memref<64x100000xf32, #tpu.memory_space<hbm>> -> memref<8x128xf32, #tpu.memory_space<hbm>>
        %dma_wait3A_2542 = arith.constant 0 : i32
        %dma_wait3A_2543 = arith.constant 0 : i32
        %dma_wait3A_2544 = tpu.memref_slice %arg5[%dma_wait3A_2532, %dma_wait3A_2533, %dma_wait3A_2542, %dma_wait3A_2543] : memref<8x11x8x128xf32, #tpu.memory_space<vmem>> -> memref<1x1x8x128xf32, #tpu.memory_space<vmem>>
        %dma_wait3A_2545 = tpu.memref_squeeze %dma_wait3A_2544 : memref<1x1x8x128xf32, #tpu.memory_space<vmem>> -> memref<8x128xf32, #tpu.memory_space<vmem>>
        tpu.wait_dma2 semaphore(%arg6 : memref<!tpu.dma_semaphore, #tpu.memory_space<semaphore_mem>>) src(%dma_wait3A_2545 : memref<8x128xf32, #tpu.memory_space<vmem>>) dst(%dma_wait3A_2541 : memref<8x128xf32, #tpu.memory_space<hbm>>)
        %dma_wait3A_2546 = arith.constant 7 : i32
        %dma_wait3A_2547 = arith.constant 2 : i32
        %dma_wait3A_2548 = arith.constant 0 : i32
        %dma_wait3A_2549 = arith.constant 0 : i32
        %dma_wait3A_2550 = tpu.memref_slice %arg5[%dma_wait3A_2546, %dma_wait3A_2547, %dma_wait3A_2548, %dma_wait3A_2549] : memref<8x11x8x128xf32, #tpu.memory_space<vmem>> -> memref<1x1x8x128xf32, #tpu.memory_space<vmem>>
        %dma_wait3A_2551 = tpu.memref_squeeze %dma_wait3A_2550 : memref<1x1x8x128xf32, #tpu.memory_space<vmem>> -> memref<8x128xf32, #tpu.memory_space<vmem>>
        %dma_wait3A_2552 = arith.constant 56 : i32
        %dma_wait3A_2553 = tpu.memref_slice %arg3[%dma_wait3A_2552, %add3A_1298] : memref<64x100000xf32, #tpu.memory_space<hbm>> -> memref<8x128xf32, #tpu.memory_space<hbm>>
        %dma_wait3A_2554 = arith.constant 56 : i32
        %dma_wait3A_2555 = tpu.memref_slice %arg3[%dma_wait3A_2554, %add3A_1298] : memref<64x100000xf32, #tpu.memory_space<hbm>> -> memref<8x128xf32, #tpu.memory_space<hbm>>
        %dma_wait3A_2556 = arith.constant 0 : i32
        %dma_wait3A_2557 = arith.constant 0 : i32
        %dma_wait3A_2558 = tpu.memref_slice %arg5[%dma_wait3A_2546, %dma_wait3A_2547, %dma_wait3A_2556, %dma_wait3A_2557] : memref<8x11x8x128xf32, #tpu.memory_space<vmem>> -> memref<1x1x8x128xf32, #tpu.memory_space<vmem>>
        %dma_wait3A_2559 = tpu.memref_squeeze %dma_wait3A_2558 : memref<1x1x8x128xf32, #tpu.memory_space<vmem>> -> memref<8x128xf32, #tpu.memory_space<vmem>>
        tpu.wait_dma2 semaphore(%arg6 : memref<!tpu.dma_semaphore, #tpu.memory_space<semaphore_mem>>) src(%dma_wait3A_2559 : memref<8x128xf32, #tpu.memory_space<vmem>>) dst(%dma_wait3A_2555 : memref<8x128xf32, #tpu.memory_space<hbm>>)
        %dma_wait3A_2560 = arith.constant 7 : i32
        %dma_wait3A_2561 = arith.constant 3 : i32
        %dma_wait3A_2562 = arith.constant 0 : i32
        %dma_wait3A_2563 = arith.constant 0 : i32
        %dma_wait3A_2564 = tpu.memref_slice %arg5[%dma_wait3A_2560, %dma_wait3A_2561, %dma_wait3A_2562, %dma_wait3A_2563] : memref<8x11x8x128xf32, #tpu.memory_space<vmem>> -> memref<1x1x8x128xf32, #tpu.memory_space<vmem>>
        %dma_wait3A_2565 = tpu.memref_squeeze %dma_wait3A_2564 : memref<1x1x8x128xf32, #tpu.memory_space<vmem>> -> memref<8x128xf32, #tpu.memory_space<vmem>>
        %dma_wait3A_2566 = arith.constant 56 : i32
        %dma_wait3A_2567 = tpu.memref_slice %arg3[%dma_wait3A_2566, %add3A_1314] : memref<64x100000xf32, #tpu.memory_space<hbm>> -> memref<8x128xf32, #tpu.memory_space<hbm>>
        %dma_wait3A_2568 = arith.constant 56 : i32
        %dma_wait3A_2569 = tpu.memref_slice %arg3[%dma_wait3A_2568, %add3A_1314] : memref<64x100000xf32, #tpu.memory_space<hbm>> -> memref<8x128xf32, #tpu.memory_space<hbm>>
        %dma_wait3A_2570 = arith.constant 0 : i32
        %dma_wait3A_2571 = arith.constant 0 : i32
        %dma_wait3A_2572 = tpu.memref_slice %arg5[%dma_wait3A_2560, %dma_wait3A_2561, %dma_wait3A_2570, %dma_wait3A_2571] : memref<8x11x8x128xf32, #tpu.memory_space<vmem>> -> memref<1x1x8x128xf32, #tpu.memory_space<vmem>>
        %dma_wait3A_2573 = tpu.memref_squeeze %dma_wait3A_2572 : memref<1x1x8x128xf32, #tpu.memory_space<vmem>> -> memref<8x128xf32, #tpu.memory_space<vmem>>
        tpu.wait_dma2 semaphore(%arg6 : memref<!tpu.dma_semaphore, #tpu.memory_space<semaphore_mem>>) src(%dma_wait3A_2573 : memref<8x128xf32, #tpu.memory_space<vmem>>) dst(%dma_wait3A_2569 : memref<8x128xf32, #tpu.memory_space<hbm>>)
        %dma_wait3A_2574 = arith.constant 7 : i32
        %dma_wait3A_2575 = arith.constant 4 : i32
        %dma_wait3A_2576 = arith.constant 0 : i32
        %dma_wait3A_2577 = arith.constant 0 : i32
        %dma_wait3A_2578 = tpu.memref_slice %arg5[%dma_wait3A_2574, %dma_wait3A_2575, %dma_wait3A_2576, %dma_wait3A_2577] : memref<8x11x8x128xf32, #tpu.memory_space<vmem>> -> memref<1x1x8x128xf32, #tpu.memory_space<vmem>>
        %dma_wait3A_2579 = tpu.memref_squeeze %dma_wait3A_2578 : memref<1x1x8x128xf32, #tpu.memory_space<vmem>> -> memref<8x128xf32, #tpu.memory_space<vmem>>
        %dma_wait3A_2580 = arith.constant 56 : i32
        %dma_wait3A_2581 = tpu.memref_slice %arg3[%dma_wait3A_2580, %add3A_1330] : memref<64x100000xf32, #tpu.memory_space<hbm>> -> memref<8x128xf32, #tpu.memory_space<hbm>>
        %dma_wait3A_2582 = arith.constant 56 : i32
        %dma_wait3A_2583 = tpu.memref_slice %arg3[%dma_wait3A_2582, %add3A_1330] : memref<64x100000xf32, #tpu.memory_space<hbm>> -> memref<8x128xf32, #tpu.memory_space<hbm>>
        %dma_wait3A_2584 = arith.constant 0 : i32
        %dma_wait3A_2585 = arith.constant 0 : i32
        %dma_wait3A_2586 = tpu.memref_slice %arg5[%dma_wait3A_2574, %dma_wait3A_2575, %dma_wait3A_2584, %dma_wait3A_2585] : memref<8x11x8x128xf32, #tpu.memory_space<vmem>> -> memref<1x1x8x128xf32, #tpu.memory_space<vmem>>
        %dma_wait3A_2587 = tpu.memref_squeeze %dma_wait3A_2586 : memref<1x1x8x128xf32, #tpu.memory_space<vmem>> -> memref<8x128xf32, #tpu.memory_space<vmem>>
        tpu.wait_dma2 semaphore(%arg6 : memref<!tpu.dma_semaphore, #tpu.memory_space<semaphore_mem>>) src(%dma_wait3A_2587 : memref<8x128xf32, #tpu.memory_space<vmem>>) dst(%dma_wait3A_2583 : memref<8x128xf32, #tpu.memory_space<hbm>>)
        %dma_wait3A_2588 = arith.constant 7 : i32
        %dma_wait3A_2589 = arith.constant 5 : i32
        %dma_wait3A_2590 = arith.constant 0 : i32
        %dma_wait3A_2591 = arith.constant 0 : i32
        %dma_wait3A_2592 = tpu.memref_slice %arg5[%dma_wait3A_2588, %dma_wait3A_2589, %dma_wait3A_2590, %dma_wait3A_2591] : memref<8x11x8x128xf32, #tpu.memory_space<vmem>> -> memref<1x1x8x128xf32, #tpu.memory_space<vmem>>
        %dma_wait3A_2593 = tpu.memref_squeeze %dma_wait3A_2592 : memref<1x1x8x128xf32, #tpu.memory_space<vmem>> -> memref<8x128xf32, #tpu.memory_space<vmem>>
        %dma_wait3A_2594 = arith.constant 56 : i32
        %dma_wait3A_2595 = tpu.memref_slice %arg3[%dma_wait3A_2594, %add3A_1346] : memref<64x100000xf32, #tpu.memory_space<hbm>> -> memref<8x128xf32, #tpu.memory_space<hbm>>
        %dma_wait3A_2596 = arith.constant 56 : i32
        %dma_wait3A_2597 = tpu.memref_slice %arg3[%dma_wait3A_2596, %add3A_1346] : memref<64x100000xf32, #tpu.memory_space<hbm>> -> memref<8x128xf32, #tpu.memory_space<hbm>>
        %dma_wait3A_2598 = arith.constant 0 : i32
        %dma_wait3A_2599 = arith.constant 0 : i32
        %dma_wait3A_2600 = tpu.memref_slice %arg5[%dma_wait3A_2588, %dma_wait3A_2589, %dma_wait3A_2598, %dma_wait3A_2599] : memref<8x11x8x128xf32, #tpu.memory_space<vmem>> -> memref<1x1x8x128xf32, #tpu.memory_space<vmem>>
        %dma_wait3A_2601 = tpu.memref_squeeze %dma_wait3A_2600 : memref<1x1x8x128xf32, #tpu.memory_space<vmem>> -> memref<8x128xf32, #tpu.memory_space<vmem>>
        tpu.wait_dma2 semaphore(%arg6 : memref<!tpu.dma_semaphore, #tpu.memory_space<semaphore_mem>>) src(%dma_wait3A_2601 : memref<8x128xf32, #tpu.memory_space<vmem>>) dst(%dma_wait3A_2597 : memref<8x128xf32, #tpu.memory_space<hbm>>)
        %dma_wait3A_2602 = arith.constant 7 : i32
        %dma_wait3A_2603 = arith.constant 6 : i32
        %dma_wait3A_2604 = arith.constant 0 : i32
        %dma_wait3A_2605 = arith.constant 0 : i32
        %dma_wait3A_2606 = tpu.memref_slice %arg5[%dma_wait3A_2602, %dma_wait3A_2603, %dma_wait3A_2604, %dma_wait3A_2605] : memref<8x11x8x128xf32, #tpu.memory_space<vmem>> -> memref<1x1x8x128xf32, #tpu.memory_space<vmem>>
        %dma_wait3A_2607 = tpu.memref_squeeze %dma_wait3A_2606 : memref<1x1x8x128xf32, #tpu.memory_space<vmem>> -> memref<8x128xf32, #tpu.memory_space<vmem>>
        %dma_wait3A_2608 = arith.constant 56 : i32
        %dma_wait3A_2609 = tpu.memref_slice %arg3[%dma_wait3A_2608, %add3A_1362] : memref<64x100000xf32, #tpu.memory_space<hbm>> -> memref<8x128xf32, #tpu.memory_space<hbm>>
        %dma_wait3A_2610 = arith.constant 56 : i32
        %dma_wait3A_2611 = tpu.memref_slice %arg3[%dma_wait3A_2610, %add3A_1362] : memref<64x100000xf32, #tpu.memory_space<hbm>> -> memref<8x128xf32, #tpu.memory_space<hbm>>
        %dma_wait3A_2612 = arith.constant 0 : i32
        %dma_wait3A_2613 = arith.constant 0 : i32
        %dma_wait3A_2614 = tpu.memref_slice %arg5[%dma_wait3A_2602, %dma_wait3A_2603, %dma_wait3A_2612, %dma_wait3A_2613] : memref<8x11x8x128xf32, #tpu.memory_space<vmem>> -> memref<1x1x8x128xf32, #tpu.memory_space<vmem>>
        %dma_wait3A_2615 = tpu.memref_squeeze %dma_wait3A_2614 : memref<1x1x8x128xf32, #tpu.memory_space<vmem>> -> memref<8x128xf32, #tpu.memory_space<vmem>>
        tpu.wait_dma2 semaphore(%arg6 : memref<!tpu.dma_semaphore, #tpu.memory_space<semaphore_mem>>) src(%dma_wait3A_2615 : memref<8x128xf32, #tpu.memory_space<vmem>>) dst(%dma_wait3A_2611 : memref<8x128xf32, #tpu.memory_space<hbm>>)
        %dma_wait3A_2616 = arith.constant 7 : i32
        %dma_wait3A_2617 = arith.constant 7 : i32
        %dma_wait3A_2618 = arith.constant 0 : i32
        %dma_wait3A_2619 = arith.constant 0 : i32
        %dma_wait3A_2620 = tpu.memref_slice %arg5[%dma_wait3A_2616, %dma_wait3A_2617, %dma_wait3A_2618, %dma_wait3A_2619] : memref<8x11x8x128xf32, #tpu.memory_space<vmem>> -> memref<1x1x8x128xf32, #tpu.memory_space<vmem>>
        %dma_wait3A_2621 = tpu.memref_squeeze %dma_wait3A_2620 : memref<1x1x8x128xf32, #tpu.memory_space<vmem>> -> memref<8x128xf32, #tpu.memory_space<vmem>>
        %dma_wait3A_2622 = arith.constant 56 : i32
        %dma_wait3A_2623 = tpu.memref_slice %arg3[%dma_wait3A_2622, %add3A_1378] : memref<64x100000xf32, #tpu.memory_space<hbm>> -> memref<8x128xf32, #tpu.memory_space<hbm>>
        %dma_wait3A_2624 = arith.constant 56 : i32
        %dma_wait3A_2625 = tpu.memref_slice %arg3[%dma_wait3A_2624, %add3A_1378] : memref<64x100000xf32, #tpu.memory_space<hbm>> -> memref<8x128xf32, #tpu.memory_space<hbm>>
        %dma_wait3A_2626 = arith.constant 0 : i32
        %dma_wait3A_2627 = arith.constant 0 : i32
        %dma_wait3A_2628 = tpu.memref_slice %arg5[%dma_wait3A_2616, %dma_wait3A_2617, %dma_wait3A_2626, %dma_wait3A_2627] : memref<8x11x8x128xf32, #tpu.memory_space<vmem>> -> memref<1x1x8x128xf32, #tpu.memory_space<vmem>>
        %dma_wait3A_2629 = tpu.memref_squeeze %dma_wait3A_2628 : memref<1x1x8x128xf32, #tpu.memory_space<vmem>> -> memref<8x128xf32, #tpu.memory_space<vmem>>
        tpu.wait_dma2 semaphore(%arg6 : memref<!tpu.dma_semaphore, #tpu.memory_space<semaphore_mem>>) src(%dma_wait3A_2629 : memref<8x128xf32, #tpu.memory_space<vmem>>) dst(%dma_wait3A_2625 : memref<8x128xf32, #tpu.memory_space<hbm>>)
        %dma_wait3A_2630 = arith.constant 7 : i32
        %dma_wait3A_2631 = arith.constant 8 : i32
        %dma_wait3A_2632 = arith.constant 0 : i32
        %dma_wait3A_2633 = arith.constant 0 : i32
        %dma_wait3A_2634 = tpu.memref_slice %arg5[%dma_wait3A_2630, %dma_wait3A_2631, %dma_wait3A_2632, %dma_wait3A_2633] : memref<8x11x8x128xf32, #tpu.memory_space<vmem>> -> memref<1x1x8x128xf32, #tpu.memory_space<vmem>>
        %dma_wait3A_2635 = tpu.memref_squeeze %dma_wait3A_2634 : memref<1x1x8x128xf32, #tpu.memory_space<vmem>> -> memref<8x128xf32, #tpu.memory_space<vmem>>
        %dma_wait3A_2636 = arith.constant 56 : i32
        %dma_wait3A_2637 = tpu.memref_slice %arg3[%dma_wait3A_2636, %add3A_1394] : memref<64x100000xf32, #tpu.memory_space<hbm>> -> memref<8x128xf32, #tpu.memory_space<hbm>>
        %dma_wait3A_2638 = arith.constant 56 : i32
        %dma_wait3A_2639 = tpu.memref_slice %arg3[%dma_wait3A_2638, %add3A_1394] : memref<64x100000xf32, #tpu.memory_space<hbm>> -> memref<8x128xf32, #tpu.memory_space<hbm>>
        %dma_wait3A_2640 = arith.constant 0 : i32
        %dma_wait3A_2641 = arith.constant 0 : i32
        %dma_wait3A_2642 = tpu.memref_slice %arg5[%dma_wait3A_2630, %dma_wait3A_2631, %dma_wait3A_2640, %dma_wait3A_2641] : memref<8x11x8x128xf32, #tpu.memory_space<vmem>> -> memref<1x1x8x128xf32, #tpu.memory_space<vmem>>
        %dma_wait3A_2643 = tpu.memref_squeeze %dma_wait3A_2642 : memref<1x1x8x128xf32, #tpu.memory_space<vmem>> -> memref<8x128xf32, #tpu.memory_space<vmem>>
        tpu.wait_dma2 semaphore(%arg6 : memref<!tpu.dma_semaphore, #tpu.memory_space<semaphore_mem>>) src(%dma_wait3A_2643 : memref<8x128xf32, #tpu.memory_space<vmem>>) dst(%dma_wait3A_2639 : memref<8x128xf32, #tpu.memory_space<hbm>>)
        %dma_wait3A_2644 = arith.constant 7 : i32
        %dma_wait3A_2645 = arith.constant 9 : i32
        %dma_wait3A_2646 = arith.constant 0 : i32
        %dma_wait3A_2647 = arith.constant 0 : i32
        %dma_wait3A_2648 = tpu.memref_slice %arg5[%dma_wait3A_2644, %dma_wait3A_2645, %dma_wait3A_2646, %dma_wait3A_2647] : memref<8x11x8x128xf32, #tpu.memory_space<vmem>> -> memref<1x1x8x128xf32, #tpu.memory_space<vmem>>
        %dma_wait3A_2649 = tpu.memref_squeeze %dma_wait3A_2648 : memref<1x1x8x128xf32, #tpu.memory_space<vmem>> -> memref<8x128xf32, #tpu.memory_space<vmem>>
        %dma_wait3A_2650 = arith.constant 56 : i32
        %dma_wait3A_2651 = tpu.memref_slice %arg3[%dma_wait3A_2650, %add3A_1410] : memref<64x100000xf32, #tpu.memory_space<hbm>> -> memref<8x128xf32, #tpu.memory_space<hbm>>
        %dma_wait3A_2652 = arith.constant 56 : i32
        %dma_wait3A_2653 = tpu.memref_slice %arg3[%dma_wait3A_2652, %add3A_1410] : memref<64x100000xf32, #tpu.memory_space<hbm>> -> memref<8x128xf32, #tpu.memory_space<hbm>>
        %dma_wait3A_2654 = arith.constant 0 : i32
        %dma_wait3A_2655 = arith.constant 0 : i32
        %dma_wait3A_2656 = tpu.memref_slice %arg5[%dma_wait3A_2644, %dma_wait3A_2645, %dma_wait3A_2654, %dma_wait3A_2655] : memref<8x11x8x128xf32, #tpu.memory_space<vmem>> -> memref<1x1x8x128xf32, #tpu.memory_space<vmem>>
        %dma_wait3A_2657 = tpu.memref_squeeze %dma_wait3A_2656 : memref<1x1x8x128xf32, #tpu.memory_space<vmem>> -> memref<8x128xf32, #tpu.memory_space<vmem>>
        tpu.wait_dma2 semaphore(%arg6 : memref<!tpu.dma_semaphore, #tpu.memory_space<semaphore_mem>>) src(%dma_wait3A_2657 : memref<8x128xf32, #tpu.memory_space<vmem>>) dst(%dma_wait3A_2653 : memref<8x128xf32, #tpu.memory_space<hbm>>)
        %dma_wait3A_2658 = arith.constant 7 : i32
        %dma_wait3A_2659 = arith.constant 10 : i32
        %dma_wait3A_2660 = arith.constant 0 : i32
        %dma_wait3A_2661 = arith.constant 0 : i32
        %dma_wait3A_2662 = tpu.memref_slice %arg5[%dma_wait3A_2658, %dma_wait3A_2659, %dma_wait3A_2660, %dma_wait3A_2661] : memref<8x11x8x128xf32, #tpu.memory_space<vmem>> -> memref<1x1x8x128xf32, #tpu.memory_space<vmem>>
        %dma_wait3A_2663 = tpu.memref_squeeze %dma_wait3A_2662 : memref<1x1x8x128xf32, #tpu.memory_space<vmem>> -> memref<8x128xf32, #tpu.memory_space<vmem>>
        %dma_wait3A_2664 = arith.constant 56 : i32
        %dma_wait3A_2665 = tpu.memref_slice %arg3[%dma_wait3A_2664, %add3A_1426] : memref<64x100000xf32, #tpu.memory_space<hbm>> -> memref<8x128xf32, #tpu.memory_space<hbm>>
        %dma_wait3A_2666 = arith.constant 56 : i32
        %dma_wait3A_2667 = tpu.memref_slice %arg3[%dma_wait3A_2666, %add3A_1426] : memref<64x100000xf32, #tpu.memory_space<hbm>> -> memref<8x128xf32, #tpu.memory_space<hbm>>
        %dma_wait3A_2668 = arith.constant 0 : i32
        %dma_wait3A_2669 = arith.constant 0 : i32
        %dma_wait3A_2670 = tpu.memref_slice %arg5[%dma_wait3A_2658, %dma_wait3A_2659, %dma_wait3A_2668, %dma_wait3A_2669] : memref<8x11x8x128xf32, #tpu.memory_space<vmem>> -> memref<1x1x8x128xf32, #tpu.memory_space<vmem>>
        %dma_wait3A_2671 = tpu.memref_squeeze %dma_wait3A_2670 : memref<1x1x8x128xf32, #tpu.memory_space<vmem>> -> memref<8x128xf32, #tpu.memory_space<vmem>>
        tpu.wait_dma2 semaphore(%arg6 : memref<!tpu.dma_semaphore, #tpu.memory_space<semaphore_mem>>) src(%dma_wait3A_2671 : memref<8x128xf32, #tpu.memory_space<vmem>>) dst(%dma_wait3A_2667 : memref<8x128xf32, #tpu.memory_space<hbm>>)
        %scan3A_2672 = arith.constant 0 : i32
        %scan3A_2673 = arith.constant 0 : i32
        %scan3A_2674 = arith.constant 88 : i32
        %scan3A_2675 = arith.addi %scan3A_2673, %scan3A_2674 : i32
        %scan3A_2676 = arith.constant 1 : i32
        %scan3A_2677 = scf.for %scan3A_2679 = %scan3A_2673 to %scan3A_2675 step %scan3A_2676 iter_args(%scan3A_2680 = %scan3A_2672) -> (i32)  : i32 {
          %mul3A_2681 = arith.constant 16 : i32
          %mul3A_2682 = arith.muli %scan3A_2679, %mul3A_2681 : i32
          %get3A = arith.index_cast %mul3A_2682 : i32 to index
          %get3A_2683 = tpu.vector_load %arg4[%get3A] {strides = array<i32>} : memref<1408xi32, #tpu.memory_space<vmem>>, vector<16xi32>,
          %mul3A_2684 = arith.constant 16 : i32
          %mul3A_2685 = arith.muli %scan3A_2679, %mul3A_2684 : i32
          %add3A_2686 = vector.broadcast %mul3A_2685 : i32 to vector<16xi32>
          %add3A_2687 = arith.addi %iota3A, %add3A_2686 : vector<16xi32>
          %shift_right_logical3A = arith.constant 3 : i32
          %shift_right_logical3A_2688 = vector.broadcast %shift_right_logical3A : i32 to vector<16xi32>
          %shift_right_logical3A_2689 = arith.shrui %get3A_2683, %shift_right_logical3A_2688 : vector<16xi32>
          %and3A = arith.constant 7 : i32
          %and3A_2690 = vector.broadcast %and3A : i32 to vector<16xi32>
          %and3A_2691 = arith.andi %get3A_2683, %and3A_2690 : vector<16xi32>
          %shift_right_logical3A_2692 = arith.constant 7 : i32
          %shift_right_logical3A_2693 = vector.broadcast %shift_right_logical3A_2692 : i32 to vector<16xi32>
          %shift_right_logical3A_2694 = arith.shrui %add3A_2687, %shift_right_logical3A_2693 : vector<16xi32>
          %and3A_2695 = arith.constant 127 : i32
          %and3A_2696 = vector.broadcast %and3A_2695 : i32 to vector<16xi32>
          %and3A_2697 = arith.andi %add3A_2687, %and3A_2696 : vector<16xi32>
          tpu.vector_store_idx %arg5[%shift_right_logical3A_2689, %shift_right_logical3A_2694, %and3A_2691, %and3A_2697], %broadcast_in_dim3A_9 : memref<8x11x8x128xf32, #tpu.memory_space<vmem>>[vector<16xi32>, vector<16xi32>, vector<16xi32>, vector<16xi32>], vector<16xf32>,
          %scan3A_2698 = arith.constant 0 : i32
          scf.yield %scan3A_2698 : i32
        }
        %scan3A_2678 = arith.constant 88 : i32
      } else {
      }
      %scan3A_24 = arith.constant 0 : i32
      scf.yield %scan3A_24 : i32
    }
    %scan3A_16 = arith.constant 3 : i32
    return
  }
}

module attributes {stable_mosaic.version = 14 : i64} {
  func.func @_tc_body(%arg0: i32, %arg1: memref<1x1x8192xi32, #tpu.memory_space<vmem>>, %arg2: memref<64x8192xf32, #tpu.memory_space<vmem>>) attributes {dimension_semantics = [#tpu.dimension_semantics<arbitrary>], iteration_bounds = array<i64: 13>, scalar_prefetch = 0 : i64, scratch_operands = 0 : i64, tpu.core_type = #tpu.core_type<tc>, window_params = [{transform_indices = @transform_0, window_bounds = array<i64: 1, 1, 8192>}, {transform_indices = @transform_1, window_bounds = array<i64: 64, 8192>}]} {
    %get3A = arith.constant 0 : index
    %get3A_0 = arith.constant 0 : index
    %get3A_1 = arith.constant 0 : index
    %get3A_2 = vector.load %arg1[%get3A, %get3A_0, %get3A_1] : memref<1x1x8192xi32, #tpu.memory_space<vmem>>, vector<1x1x8192xi32>
    %get3A_3 = vector.shape_cast %get3A_2 : vector<1x1x8192xi32> to vector<1x8192xi32>
    %iota3A = tpu.iota {dimensions = array<i32: 0>} : vector<64x8192xi32>
    %eq3A = vector.broadcast %get3A_3 : vector<1x8192xi32> to vector<64x8192xi32>
    %eq3A_4 = arith.cmpi eq, %iota3A, %eq3A : vector<64x8192xi32>
    %convert_element_type3A = arith.extui %eq3A_4 : vector<64x8192xi1> to vector<64x8192xi32>
    %convert_element_type3A_5 = arith.sitofp %convert_element_type3A : vector<64x8192xi32> to vector<64x8192xf32>
    %swap3A = arith.constant 0 : index
    %swap3A_6 = arith.constant 0 : index
    %swap3A_7 = vector.load %arg2[%swap3A, %swap3A_6] : memref<64x8192xf32, #tpu.memory_space<vmem>>, vector<64x8192xf32>
    tpu.vector_store %arg2[%swap3A, %swap3A_6], %convert_element_type3A_5 {strides = array<i32>} : memref<64x8192xf32, #tpu.memory_space<vmem>>, vector<64x8192xf32>,
    return
  }
  func.func @transform_0(%arg0: i32) -> (i32, i32, i32) {
    %c0_i32 = arith.constant 0 : i32
    %c0_i32_0 = arith.constant 0 : i32
    %c0_i32_1 = arith.constant 0 : i32
    return %c0_i32, %c0_i32_0, %arg0 : i32, i32, i32
  }
  func.func @transform_1(%arg0: i32) -> (i32, i32) {
    %c0_i32 = arith.constant 0 : i32
    %c0_i32_0 = arith.constant 0 : i32
    return %c0_i32, %arg0 : i32, i32
  }
}

module attributes {stable_mosaic.version = 14 : i64} {
  func.func @_tail_body(%arg0: i32, %arg1: memref<1x1x128xi32, #tpu.memory_space<vmem>>, %arg2: memref<64x100000xf32, #tpu.memory_space<any>>, %arg3: memref<64x128xf32, #tpu.memory_space<vmem>>) attributes {dimension_semantics = [#tpu.dimension_semantics<arbitrary>], iteration_bounds = array<i64: 1>, scalar_prefetch = 0 : i64, scratch_operands = 0 : i64, tpu.core_type = #tpu.core_type<tc>, window_params = [{pipeline_mode = #tpu.pipeline_mode<synchronous>, transform_indices = @transform_0, window_bounds = array<i64: 1, 1, 128>}, {}, {transform_indices = @transform_2, window_bounds = array<i64: 64, 128>}]} {
    %get3A = arith.constant 0 : index
    %get3A_0 = arith.constant 0 : index
    %get3A_1 = arith.constant 0 : index
    %get3A_2 = vector.load %arg1[%get3A, %get3A_0, %get3A_1] : memref<1x1x128xi32, #tpu.memory_space<vmem>>, vector<1x1x128xi32>
    %get3A_3 = vector.shape_cast %get3A_2 : vector<1x1x128xi32> to vector<1x128xi32>
    %iota3A = tpu.iota {dimensions = array<i32: 0>} : vector<64x128xi32>
    %eq3A = vector.broadcast %get3A_3 : vector<1x128xi32> to vector<64x128xi32>
    %eq3A_4 = arith.cmpi eq, %iota3A, %eq3A : vector<64x128xi32>
    %convert_element_type3A = arith.extui %eq3A_4 : vector<64x128xi1> to vector<64x128xi32>
    %convert_element_type3A_5 = arith.sitofp %convert_element_type3A : vector<64x128xi32> to vector<64x128xf32>
    %swap3A = arith.constant 0 : index
    %swap3A_6 = arith.constant 0 : index
    %swap3A_7 = vector.load %arg3[%swap3A, %swap3A_6] : memref<64x128xf32, #tpu.memory_space<vmem>>, vector<64x128xf32>
    tpu.vector_store %arg3[%swap3A, %swap3A_6], %convert_element_type3A_5 {strides = array<i32>} : memref<64x128xf32, #tpu.memory_space<vmem>>, vector<64x128xf32>,
    return
  }
  func.func @transform_0(%arg0: i32) -> (i32, i32, i32) {
    %c0_i32 = arith.constant 0 : i32
    %c0_i32_0 = arith.constant 0 : i32
    %c0_i32_1 = arith.constant 0 : i32
    %c0_i32_2 = arith.constant 0 : i32
    return %c0_i32, %c0_i32_0, %c0_i32_1 : i32, i32, i32
  }
  func.func @transform_2(%arg0: i32) -> (i32, i32) {
    %c0_i32 = arith.constant 0 : i32
    %c781_i32 = arith.constant 781 : i32
    %c0_i32_0 = arith.constant 0 : i32
    return %c0_i32, %c781_i32 : i32, i32
  }
}

</mosaic_0001>

<sc_bundles>
// kernel: kernel.5.cloned.1.call-start
scs
__scs_entry_jumppad:
0x0: {  	(pc) =	sbr.rel $0x88, $3  }
0x1: {  	(tag) =	ssettag $0x0;
	lr =	simm.s32 $0x1  }
0x2: {  	[smem:$0x3FA0] =	sst lr;
	_ =	strace $0xD0000000  }
0x3: {  	_ = 	snop  }
0x4: {  	_ = 	snop  }
0x5: {  	_ = 	snop  }
0x6: {  	_ = 	snop  }
0x7: {  	_ = 	snop  }
__scs_overlays_trampoline_lowered:
0x8: {  	[smem:$0x3FAF] =	sst s0  }
0x9: {  	[smem:$0x3FB0] =	sst s1  }
0xa: {  	[smem:$0x3FB1] =	sst s2  }
0xb: {  	[smem:$0x3FB2] =	sst s3  }
0xc: {  	[smem:$0x3FB3] =	sst s4  }
0xd: {  	[smem:$0x3FB4] =	sst s5  }
0xe: {  	[smem:$0x3FB5] =	sst s6  }
0xf: {  	[smem:$0x3FB6] =	sst s7  }
0x10: {  	[smem:$0x3FB7] =	sst s8  }
0x11: {  	[smem:$0x3FB8] =	sst s9;
	s0 =	simm.s32 @!p0 $0x0  }
0x12: {  	s1 =	sld [smem:$0x3F9E];
	s0 =	simm.s32 @p0 $0x1  }
0x13: {  	[smem:$0x3FB9] =	sst s0;
	s0 =	simm.s32 @!p1 $0x0  }
0x14: {  	s2 =	sld [smem:$0x3F9D];
	s0 =	simm.s32 @p1 $0x1  }
0x15: {  	[smem:$0x3FBA] =	sst s0;
	s0 =	simm.s32 @!p2 $0x0  }
0x16: {  	s3 =	sld [smem:$0x3FDB];
	s0 =	simm.s32 @p2 $0x1  }
0x17: {  	s4 =	simm.s32 $0x1BF5;
	[smem:$0x3FBC] =	sst s0  }
0x18: {  	s0 =	sld [smem:$0x3F9F];
	_ =	swait.ge [sflag:s4], $0x0  }
0x19: {  	s7 =	sld [smem:$0x3FA0]  }
0x1a: {  	s8 =	sadd.s32 $0xFFFFE003, lr  }
0x1b: {  	s9 =	sadd.s32 $0xFFFFFEF7, lr;
	s5 =	simm.s32 $0xFFFFFFFF;
	p2 =	slt.u32 s8, $0xFFFFF086  }
0x1c: {  	p1 =	slt.u32 s9, $0xF7A;
	s5 =	simm.s32 @!p2 $0x0  }
0x1d: {  	s5 =	simm.s32 @p1 $0x1;
	p0 =	seq.s32 s7, s2  }
0x1e: {  	s7 =	smul.u32 @!p0 $0xF7A, s2;
	p2 =	seq.s32 @!p0 s5, $0x0  }
0x1f: {  	s9 =	smul.u32 $0xF7A, s1;
	s8 =	simm.s32 @!p0 $0x1BF5;
	p2 =	por !p2, p0  }
0x20: {  	[sflag:s8] =	ssyncset.s32 @!p0 $0xFFFFF086;
	s6 =	sadd.s32 @!p0 s3, s7;
	s7 =	simm.s32 @!p0 $0x108  }
0x21: {  	s3 =	sadd.s32 s3, s9;
	s6 =	sadd.s32 @!p0 $0x88, s6;
	s7 =	simm.s32 @p2 $0x1082  }
0x22: {  	[simem:s7], [sflag:s8] =	dma.local @!p0 [hbm:s6], $0xF7A  }
0x23: {  	s9 =	sor.u32 $0xD0000000, s2;
	s6 =	simm.s32 $0x108;
	_ =	swait.ge @!p0 [sflag:s8], $0x0  }
0x24: {  	s3 =	sadd.s32 $0x88, s3;
	s6 =	simm.s32 @!p1 $0x1082;
	[sflag:s4] =	ssyncset.s32 $0xFFFFF086  }
0x25: {  	[simem:s6], [sflag:s4] =	dma.local [hbm:s3], $0xF7A  }
0x26: {  	[smem:$0x3FA0] =	sst s1;
	(tag) =	ssettag s2;
	_ =	strace s9  }
0x27: {  	s1 =	sld [smem:$0x3FB0]  }
0x28: {  	s2 =	sld [smem:$0x3FB1]  }
0x29: {  	s4 =	sld [smem:$0x3FB3]  }
0x2a: {  	p0 =	seq.s32 s5, $0x0;
	s5 =	sld [smem:$0x3FB4]  }
0x2b: {  	s6 =	sld [smem:$0x3FB5]  }
0x2c: {  	s7 =	sld [smem:$0x3FB6]  }
0x2d: {  	s3 =	simm.s32 $0x108;
	s8 =	sld [smem:$0x3FB7]  }
0x2e: {  	s3 =	simm.s32 @!p0 $0x1082;
	s9 =	sld [smem:$0x3FB8]  }
0x2f: {  	lr =	sadd.s32 s0, s3;
	s0 =	sld [smem:$0x3FAF]  }
0x30: {  	s3 =	sld [smem:$0x3FB2]  }
0x31: {  	[smem:$0x3FBB] =	sst s10  }
0x32: {  	s10 =	sld [smem:$0x3FB9];
	_ =	sdelay $0x3  }
0x33: {  	p0 =	seq.s32 s10, $0x1;
	s10 =	sld [smem:$0x3FBB];
	_ =	sdelay $0x3  }
0x34: {  	[smem:$0x3FBB] =	sst s10  }
0x35: {  	s10 =	sld [smem:$0x3FBA];
	_ =	sdelay $0x3  }
0x36: {  	p1 =	seq.s32 s10, $0x1;
	s10 =	sld [smem:$0x3FBB];
	_ =	sdelay $0x3  }
0x37: {  	[smem:$0x3FBB] =	sst s10  }
0x38: {  	s10 =	sld [smem:$0x3FBC]  }
0x39: {  	_ = 	snop;
	(pc) =	sbr.ind lr, $3  }
0x3a: {  	_ = 	snop  }
0x3b: {  	_ = 	snop  }
0x3c: {  	p2 =	seq.s32 s10, $0x1;
	s10 =	sld [smem:$0x3FBB]  }
0x3d: {  	_ =	shalt  }
0x3e: {  	_ =	shalt  }
0x3f: {  	_ =	shalt  }
0x40: {  	_ =	shalt  }
0x41: {  	_ =	shalt  }
0x42: {  	_ =	shalt  }
0x43: {  	_ =	shalt  }
0x44: {  	_ =	shalt  }
0x45: {  	_ =	shalt  }
0x46: {  	_ =	shalt  }
0x47: {  	_ =	shalt  }
0x48: {  	_ =	shalt  }
0x49: {  	_ =	shalt  }
0x4a: {  	_ =	shalt  }
0x4b: {  	_ =	shalt  }
0x4c: {  	_ =	shalt  }
0x4d: {  	_ =	shalt  }
0x4e: {  	_ =	shalt  }
0x4f: {  	_ =	shalt  }
0x50: {  	_ =	shalt  }
0x51: {  	_ =	shalt  }
0x52: {  	_ =	shalt  }
0x53: {  	_ =	shalt  }
0x54: {  	_ =	shalt  }
0x55: {  	_ =	shalt  }
0x56: {  	_ =	shalt  }
0x57: {  	_ =	shalt  }
0x58: {  	_ =	shalt  }
0x59: {  	_ =	shalt  }
0x5a: {  	_ =	shalt  }
0x5b: {  	_ =	shalt  }
0x5c: {  	_ =	shalt  }
0x5d: {  	_ =	shalt  }
0x5e: {  	_ =	shalt  }
0x5f: {  	_ =	shalt  }
0x60: {  	_ =	shalt  }
0x61: {  	_ =	shalt  }
0x62: {  	_ =	shalt  }
0x63: {  	_ =	shalt  }
0x64: {  	_ =	shalt  }
0x65: {  	_ =	shalt  }
0x66: {  	_ =	shalt  }
0x67: {  	_ =	shalt  }
0x68: {  	_ =	shalt  }
0x69: {  	_ =	shalt  }
0x6a: {  	_ =	shalt  }
0x6b: {  	_ =	shalt  }
0x6c: {  	_ =	shalt  }
0x6d: {  	_ =	shalt  }
0x6e: {  	_ =	shalt  }
0x6f: {  	_ =	shalt  }
0x70: {  	_ =	shalt  }
0x71: {  	_ =	shalt  }
0x72: {  	_ =	shalt  }
0x73: {  	_ =	shalt  }
0x74: {  	_ =	shalt  }
0x75: {  	_ =	shalt  }
0x76: {  	_ =	shalt  }
0x77: {  	_ =	shalt  }
0x78: {  	_ =	shalt  }
0x79: {  	_ =	shalt  }
0x7a: {  	_ =	shalt  }
0x7b: {  	_ =	shalt  }
0x7c: {  	_ =	shalt  }
0x7d: {  	_ =	shalt  }
0x7e: {  	_ =	shalt  }
0x7f: {  	_ =	shalt  }
0x80: {  	_ =	shalt  }
0x81: {  	_ =	shalt  }
0x82: {  	_ =	shalt  }
0x83: {  	_ =	shalt  }
0x84: {  	_ =	shalt  }
0x85: {  	_ =	shalt  }
0x86: {  	_ =	shalt  }
0x87: {  	_ =	shalt  }
.Lfunc_end0:
.L_simem_size_0:
called_computation_lowered:
.L_overlay_start_0:
0x88: {  	s2 =	sld [smem:$0x3FD9]  }
0x89: {  	s3 =	sld [smem:$0x3FFE];
	_ =	sdelay $0x1  }
0x8a: {  	s1 =	srdreg.scid  }
0x8b: {  	s0 =	sand.u32 $0x1, s1  }
0x8c: {  	s15 =	sshll.u32 s0, $0xA;
	s2 =	sadd.s32 s3, s2  }
0x8d: {  	s2 =	sadd.s32 s2, s15  }
0x8e: {  	[smem:$0x3FC7] =	sst s2  }
0x8f: {  	_ = 	snop  }
0x90: {  	s2 =	sld [smem:$0x3FD0];
	_ =	sdelay $0x2  }
0x91: {  	s4 =	simm.s32 $0xA;
	s5 =	simm.s32 $0x10;
	s16 =	sld [smem:$0x3FC9]  }
0x92: {  	[smem:s5], [sflag:s4] =	dma.local [hbm:s2], $0x1  }
0x93: {  	_ =	swait.eq [sflag:s4], $0x1  }
0x94: {  	[sflag:s4] =	ssyncset.done $0x0  }
0x95: {  	[sflag:s4] =	ssyncadd.s32 $0xFFFFFFFF  }
0x96: {  	s17 =	sld [smem:$0x11];
	(tm) =	ssettm $0x1  }
0x97: {  	s18 =	sld [smem:$0x3FFB];
	_ =	sdelay $0x3  }
0x98: {  	_ =	strace s18  }
0x99: {  	s4 =	sld [smem:$0x3FFC];
	_ =	sdelay $0x3  }
0x9a: {  	_ =	strace s4  }
0x9b: {  	s4 =	sld [smem:$0x3FFD];
	_ =	sdelay $0x3  }
0x9c: {  	_ =	strace s4  }
0x9d: {  	_ =	strace $0x8FFFFFFF  }
0x9e: {  	s19 =	sld [smem:$0x3FDB];
	_ =	sdelay $0x1  }
0x9f: {  	s20 =	simm.s32 $_scs_section_size  }
0xa0: {  	s6 =	simm.s32 $_size__tile_overlayer_lowered;
	s7 =	simm.s32 $_tile_overlayer_lowered  }
0xa1: {  	s23 =	simm.s32 $0x1BFF;
	s22 =	sshll.u32 s7, $0x1;
	s4 =	sadd.s32 s20, s19  }
0xa2: {  	s8 =	simm.s32 $0x0;
	s21 =	sshll.u32 s6, $0x1;
	s6 =	sadd.s32 s22, s4  }
0xa3: {  	[timem:s8], [sflag:s23] =	dma.local [hbm:s6], s21  }
0xa4: {  	_ =	swait.ge [sflag:s23], s21  }
0xa5: {  	s5 =	ssub.s32 $0x0, s21;
	[sflag:s23] =	ssyncset.done $0x0  }
0xa6: {  	[sflag:s23] =	ssyncadd.s32 s5;
	_ =	sdelay $0x1  }
0xa7: {  	s24 =	simm.s32 $0x1B8B  }
0xa8: {  	_ =	swait.ge [sflag:s24], $0x1  }
0xa9: {  	[sflag:s24] =	ssyncset.done $0x0  }
0xaa: {  	s25 =	simm.s32 $0x1B8E;
	[sflag:s24] =	ssyncadd.s32 $0xFFFFFFFF  }
0xab: {  	s26 =	simm.s32 $execute0_lowered;
	[smem:$0x3FD2] =	sst s25  }
0xac: {  	s5 =	sshll.u32 s26, $0x1;
	_ =	strace $0x80000046;
	[dreg:$0x1] =	wrdreg $0xFFFFFFFF  }
0xad: {  	s28 =	simm.s32 $_size_execute0_lowered;
	s4 =	sadd.s32 s4, s5;
	[dreg:$0x0] =	wrdreg $0x0  }
0xae: {  	s5 =	sshll.u32 s28, $0x1;
	[dreg:$0x2] =	wrdreg s4  }
0xaf: {  	[dreg:$0x3] =	wrdreg s5  }
0xb0: {  	[dreg:$0x4] =	wrdreg $0xC0  }
0xb1: {  	_ =	task [dreg:s8], $0x5FFFF  }
0xb2: {  	[dreg:$0x1] =	wrdreg $0xFFFFFFFF  }
0xb3: {  	[dreg:$0x0] =	wrdreg $0x60  }
0xb4: {  	[dreg:$0x2] =	wrdreg s16  }
0xb5: {  	[dreg:$0x3] =	wrdreg s17  }
0xb6: {  	[dreg:$0x4] =	wrdreg $0x9  }
0xb7: {  	_ =	task.clear_ibuf [dreg:s8], $0x5FFFF;
	_ =	strace $0x90000046  }
0xb8: {  	s29 =	simm.s32 $0x9;
	_ =	strace $0x80000048  }
0xb9: {  	_ =	swait.ge [sflag:s29], $0x1  }
0xba: {  	[sflag:s29] =	ssyncadd.s32 $0xFFFFFFFF  }
0xbb: {  	_ =	strace $0x90000048  }
0xbc: {  	_ =	sfence  }
0xbd: {  	s30 =	sld [smem:$0x0];
	_ =	sdelay $0x2  }
0xbe: {  	s31 =	sshll.u32 s1, $0xD;
	s1 =	sshrl.u32 s1, $0x2  }
0xbf: {  	s3 =	sand.u32 $0x4000, s31;
	s1 =	sadd.s32 s1, s30  }
0xc0: {  	s0 =	sor.u32 s3, s0;
	s1 =	sshll.u32 s1, $0x11  }
0xc1: {  	s0 =	sor.u32 s1, s0  }
0xc2: {  	s0 =	sadd.s32 $0x8F2B, s0  }
0xc3: {  	[sflag:s0] =	ssyncadd.remote.s32 $0x1  }
0xc4: {  	_ =	sfence.sel $0xFFFF  }
0xc5: {  	[dreg:$0x0] =	wrdreg $0xFFFFFFFF;
	(pc) =	sbr.abs _section_cstart, $3  }
0xc6: {  	[dreg:$0x1] =	wrdreg $0xFFFFFFFF  }
0xc7: {  	_ =	task.clear_ibuf [dreg:s8], $0x2FFFF;
	_ =	strace $0x9FFFFFFF  }
0xc8: {  	(tm) =	ssettm $0x7FFFFFFF  }
0xc9: {  	_ =	shalt  }
tec
execute0_lowered:
.L_overlay_start_1:
0x0: {  	(tag) =	ssettag $0x1  }
0x1: {  	s22 =	rddreg [dreg:$0x0]  }
0x2: {  	s0 =	srdreg.scid;
	s23 =	rddreg [dreg:$0x1]  }
0x3: {  	s1 =	simm.s32 $0x0;
	s2 =	stileid.u32;
	s8 =	simm.s32 $0x2  }
0x4: {  	s9 =	simm.s32 $0x580;
	s28 =	simm.s32 $0x12580;
	s29 =	simm.s32 $0x12980  }
0x5: {  	s30 =	simm.s32 $0x12D80;
	s31 =	simm.s32 $0x13180;
	s5 =	simm.s32 $0x13980  }
0x6: {  	s4 =	simm.s32 $0x13D80;
	s7 =	simm.s32 $0x14180;
	s10 =	simm.s32 $0x14D80  }
0x7: {  	s11 =	simm.s32 $0x15180;
	s12 =	simm.s32 $0x15580;
	s13 =	simm.s32 $0x15980  }
0x8: {  	s14 =	simm.s32 $0x15D80;
	s15 =	simm.s32 $0x16180;
	s3 =	sand.u32 $0x1, s0  }
.Ltmp0:
0x9: {  	s16 =	simm.s32 $0x1;
	s0 =	ssub.s32 $0x2, s3;
	(pc) =	sbr.rel .LBB2_1-.Ltmp0, $4  }
0xa: {  	s18 =	simm.s32 $0x0;
	[smem:$0x7FF] =	sst s1;
	s26 =	sshrl.u32 s0, $0x1  }
0xb: {  	s6 =	sshll.u32 s2, $0x1;
	s1 =	simm.s32 $0x14580;
	s0 =	ssub.s32 s0, s26  }
0xc: {  	s2 =	simm.s32 $0x14980;
	_ =	strace $0x80000047;
	s0 =	smax.u32 s0, $0x1  }
0xd: {  	v0 =	vimm.f32 $0.0e+00;
	v1 =	vlaneseq.u32;
	v2 =	vimm.f32 $1.000000000e+00;
	s26 =	simm.s32 $0x12180;
	[dreg:$0x3] =	wrdreg s0;
	s0 =	simm.s32 $0x13580  }
.LBB2_11:
0xe: {  	s18 =	rddreg [dreg:$0x4]  }
0xf: {  	s17 =	rddreg [dreg:$0x3];
	s18 =	sadd.s32 $0x1, s18  }
0x10: {  	p0 =	sne.s32 s18, s17  }
.Ltmp1:
0x11: {  	_ = 	snop;
	(pc) =	sbr.rel @!p0 .LBB2_12-.Ltmp1, $1  }
0x12: {  	_ =	sdelay $0x3  }
.LBB2_1:
0x13: {  	s17 =	simm.s32 $0x0  }
0x14: {  	s17 =	smul.u32 $0xBA2F, s17;
	_ =	sdelay $0x1  }
0x15: {  	s17 =	sshrl.u32 s17, $0x16  }
0x16: {  	s20 =	smul.u32 $0x58, s17;
	_ =	sdelay $0x1  }
0x17: {  	[dreg:$0x4] =	wrdreg s18;
	s18 =	ssub.s32 $0x0, s20  }
0x18: {  	s17 =	smul.u32 $0xB000, s17;
	s18 =	sand.u32 $0xFFFF, s18  }
0x19: {  	s19 =	simm.s32 $0x1;
	s18 =	sshll.u32 s18, $0x7  }
0x1a: {  	s19 =	smul.u32 $0xBA2F, s19;
	s17 =	sshrl.u32 s17, $0x2;
	s20 =	sand.u32 $0x3C00, s18  }
0x1b: {  	s18 =	sand.u32 $0x380, s18;
	s17 =	sadd.s32 s20, s17  }
0x1c: {  	s19 =	sshrl.u32 s19, $0x16;
	s17 =	sor.u32 s18, s17  }
0x1d: {  	s21 =	smul.u32 $0x58, s19;
	[tilespmem:s17+$0x5F0] =	vst v0  }
0x1e: {  	[tilespmem:s17+$0x580] =	vst v0  }
0x1f: {  	s24 =	smov.u32 s22;
	s22 =	ssub.s32 $0x1, s21;
	[tilespmem:s17+$0x590] =	vst v0  }
0x20: {  	s25 =	smov.u32 s23;
	s23 =	smul.u32 $0xB000, s19;
	s21 =	sand.u32 $0xFFFF, s22;
	[tilespmem:s17+$0x5A0] =	vst v0  }
0x21: {  	s19 =	simm.s32 $0x3;
	s21 =	sshll.u32 s21, $0x7;
	s18 =	simm.s32 $0x2;
	[tilespmem:s17+$0x5B0] =	vst v0  }
0x22: {  	s22 =	sshrl.u32 s23, $0x2;
	s23 =	sand.u32 $0x3C00, s21;
	s20 =	smul.u32 $0xBA2F, s18;
	[tilespmem:s17+$0x5C0] =	vst v0  }
.LBB2_2:
0x23: {  	p0 =	sne.s32 s19, $0x2BF;
	s21 =	sand.u32 $0x380, s21;
	s22 =	sadd.s32 s23, s22;
	[tilespmem:s17+$0x5D0] =	vst v0  }
0x24: {  	s20 =	sshrl.u32 s20, $0x16;
	[tilespmem:s17+$0x5E0] =	vst v0;
	s17 =	sor.u32 s21, s22  }
0x25: {  	s21 =	smul.u32 $0x58, s20;
	[tilespmem:s17+$0x5F0] =	vst v0  }
.Ltmp2:
0x26: {  	[tilespmem:s17+$0x580] =	vst v0;
	(pc) =	sbr.rel @p0 .LBB2_2-.Ltmp2, $4  }
0x27: {  	s21 =	ssub.s32 s18, s21;
	s18 =	smov.u32 s19;
	[tilespmem:s17+$0x590] =	vst v0  }
0x28: {  	s22 =	smul.u32 $0xB000, s20;
	s21 =	sand.u32 $0xFFFF, s21;
	[tilespmem:s17+$0x5A0] =	vst v0  }
0x29: {  	s20 =	smul.u32 $0xBA2F, s19;
	s21 =	sshll.u32 s21, $0x7;
	[tilespmem:s17+$0x5B0] =	vst v0  }
0x2a: {  	s19 =	sadd.s32 $0x1, s19;
	s22 =	sshrl.u32 s22, $0x2;
	s23 =	sand.u32 $0x3C00, s21;
	[tilespmem:s17+$0x5C0] =	vst v0  }
0x2b: {  	s19 =	sand.u32 $0x380, s21;
	s23 =	sadd.s32 s23, s22;
	[tilespmem:s17+$0x5D0] =	vst v0  }
0x2c: {  	s20 =	sshrl.u32 s20, $0x16;
	[tilespmem:s17+$0x5E0] =	vst v0;
	s19 =	sor.u32 s19, s23  }
0x2d: {  	s21 =	smul.u32 $0x58, s20;
	[tilespmem:s19+$0x5F0] =	vst v0  }
0x2e: {  	[tilespmem:s19+$0x580] =	vst v0  }
0x2f: {  	[tilespmem:s19+$0x590] =	vst v0;
	s17 =	ssub.s32 s18, s21  }
0x30: {  	s22 =	smul.u32 $0xB000, s20;
	[tilespmem:s19+$0x5A0] =	vst v0;
	s17 =	sand.u32 $0xFFFF, s17  }
0x31: {  	[tilespmem:s19+$0x5B0] =	vst v0;
	s17 =	sshll.u32 s17, $0x7  }
0x32: {  	[tilespmem:s19+$0x5C0] =	vst v0;
	s18 =	sshrl.u32 s22, $0x2;
	s23 =	sand.u32 $0x3C00, s17  }
0x33: {  	[tilespmem:s19+$0x5D0] =	vst v0;
	s17 =	sand.u32 $0x380, s17;
	s18 =	sadd.s32 s23, s18  }
0x34: {  	[tilespmem:s19+$0x5E0] =	vst v0;
	s17 =	sor.u32 s17, s18  }
0x35: {  	[tilespmem:s17+$0x5F0] =	vst v0  }
0x36: {  	[tilespmem:s17+$0x580] =	vst v0  }
0x37: {  	[tilespmem:s17+$0x590] =	vst v0  }
.Ltmp3:
0x38: {  	[tilespmem:s17+$0x5A0] =	vst v0;
	(pc) =	sbr.rel .LBB2_4-.Ltmp3, $4  }
0x39: {  	[tilespmem:s17+$0x5B0] =	vst v0  }
0x3a: {  	[tilespmem:s17+$0x5C0] =	vst v0  }
0x3b: {  	s22 =	smov.u32 s24;
	s24 =	simm.s32 $0x980;
	[tilespmem:s17+$0x5D0] =	vst v0  }
0x3c: {  	s23 =	smov.u32 s25;
	s25 =	simm.s32 $0xD80;
	[tilespmem:s17+$0x5E0] =	vst v0;
	s17 =	simm.s32 $0x0  }
.LBB2_10:
0x3d: {  	s17 =	sadd.s32 $0x1, s17  }
0x3e: {  	p0 =	sne.s32 s17, $0x3  }
.Ltmp4:
0x3f: {  	_ = 	snop;
	(pc) =	sbr.rel @!p0 .LBB2_11-.Ltmp4, $1  }
0x40: {  	_ =	sdelay $0x3  }
.LBB2_4:
0x41: {  	s18 =	sshll.u32 s17, $0x5  }
0x42: {  	s18 =	sor.u32 s18, s6  }
0x43: {  	s18 =	sor.u32 s3, s18  }
0x44: {  	p0 =	sgt.u32 s18, $0x46  }
.Ltmp5:
0x45: {  	_ = 	snop;
	(pc) =	sbr.rel @p0 .LBB2_10-.Ltmp5, $1  }
0x46: {  	_ =	sdelay $0x3  }
0x47: {  	s19 =	smul.u32 $0xB0, s18;
	_ =	sdelay $0x1  }
0x48: {  	s20 =	sadd.s32 s22, s19;
	s19 =	simm.s32 $0x0  }
0x49: {  	[tilespmem:s19], [sflag:$0x2] =	stream.linear.gather [hbm4b:s20+s19], $0x580, $0x38;
	[tilespmem:$0x16580] =	vst v63  }
0x4a: {  	_ =	swait.ge [sflag:s8], $0x580  }
0x4b: {  	[sflag:s8] =	ssyncset.done $0x0  }
0x4c: {  	[sflag:s8] =	ssyncadd.s32 $0xFFFFFA80  }
0x4d: {  	s21 =	simm.s32 $0x0;
	s20 =	simm.s32 $0x10;
	v3 =	vld [tilespmem:s19+$0x0]  }
.LBB2_6:
0x4e: {  	p0 =	sne.s32 s20, $0x570;
	_ =	sdelay $0x3  }
0x4f: {  	v4 =	vmov s19;
	v5 =	vshrl.u32 v3, $0x3  }
0x50: {  	v4 =	vshll.u32 v4, $0x3;
	v5 =	vmul.u32 $0x2C00, v5  }
0x51: {  	v4 =	vand.u32 $0x3C00, v4;
	v3 =	vshll.u32 v3, $0x7  }
0x52: {  	v6 =	vor.u32 s19, v1;
	s19 =	smov.u32 s20;
	v3 =	vand.u32 $0x380, v3;
	v4 =	vadd.s32 v4, v5  }
0x53: {  	v5 =	vand.u32 $0x7F, v6;
	v3 =	vor.u32 v3, v4  }
0x54: {  	v3 =	vor.u32 v5, v3;
	_ =	sdelay $0x1  }
.Ltmp6:
0x55: {  	(pc) =	sbr.rel @p0 .LBB2_6-.Ltmp6, $3  }
0x56: {  	_ =	sdelay $0x1  }
0x57: {  	s21 =	sadd.s32 $0x10, s21;
	[tilespmem:v3+s9+$0x0] =	vst.idx.msk $0xffff, v2  }
0x58: {  	s20 =	sadd.s32 $0x10, s20;
	v3 =	vld [tilespmem:s21+$0x0]  }
0x59: {  	_ =	sdelay $0x3  }
0x5a: {  	v4 =	vmov s19;
	v5 =	vshrl.u32 v3, $0x3  }
0x5b: {  	v4 =	vshll.u32 v4, $0x3;
	v5 =	vmul.u32 $0x2C00, v5  }
0x5c: {  	v4 =	vand.u32 $0x3C00, v4;
	v3 =	vshll.u32 v3, $0x7  }
0x5d: {  	v6 =	vor.u32 s19, v1;
	v3 =	vand.u32 $0x380, v3;
	v4 =	vadd.s32 v4, v5  }
0x5e: {  	v5 =	vand.u32 $0x7F, v6;
	v3 =	vor.u32 v3, v4  }
0x5f: {  	v3 =	vor.u32 v5, v3;
	_ =	sdelay $0x1  }
0x60: {  	s18 =	smul.u32 $0x2C00, s18;
	_ =	sdelay $0x1  }
0x61: {  	s18 =	sshrl.u32 s18, $0x3  }
0x62: {  	s19 =	sadd.s32 s23, s18;
	s18 =	simm.s32 $0x0;
	[tilespmem:v3+s9+$0x0] =	vst.idx.msk $0xffff, v2  }
0x63: {  	[hbm4b:s19+s18] =	stream.linear.scatter [tilespmem:s9], [sflag:$0x1], $0x400, $0x38;
	[tilespmem:$0x16580] =	vst v63  }
0x64: {  	s20 =	sadd.s32 $0x80, s19  }
0x65: {  	[hbm4b:s20+s18] =	stream.linear.scatter [tilespmem:s24], [sflag:$0x1], $0x400, $0x38;
	[tilespmem:$0x16580] =	vst v63  }
0x66: {  	s21 =	sadd.s32 $0x100, s19  }
0x67: {  	[hbm4b:s21+s18] =	stream.linear.scatter [tilespmem:s25], [sflag:$0x1], $0x400, $0x38;
	[tilespmem:$0x16580] =	vst v63  }
0x68: {  	s20 =	sadd.s32 $0x180, s19;
	s21 =	simm.s32 $0x1180  }
0x69: {  	[hbm4b:s20+s18] =	stream.linear.scatter [tilespmem:s21], [sflag:$0x1], $0x400, $0x38;
	[tilespmem:$0x16580] =	vst v63  }
0x6a: {  	s20 =	sadd.s32 $0x200, s19;
	s21 =	simm.s32 $0x1580  }
0x6b: {  	[hbm4b:s20+s18] =	stream.linear.scatter [tilespmem:s21], [sflag:$0x1], $0x400, $0x38;
	[tilespmem:$0x16580] =	vst v63  }
0x6c: {  	s20 =	sadd.s32 $0x280, s19;
	s21 =	simm.s32 $0x1980  }
0x6d: {  	[hbm4b:s20+s18] =	stream.linear.scatter [tilespmem:s21], [sflag:$0x1], $0x400, $0x38;
	[tilespmem:$0x16580] =	vst v63  }
0x6e: {  	s20 =	sadd.s32 $0x300, s19;
	s21 =	simm.s32 $0x1D80  }
0x6f: {  	[hbm4b:s20+s18] =	stream.linear.scatter [tilespmem:s21], [sflag:$0x1], $0x400, $0x38;
	[tilespmem:$0x16580] =	vst v63  }
0x70: {  	s20 =	sadd.s32 $0x380, s19;
	s21 =	simm.s32 $0x2180  }
0x71: {  	[hbm4b:s20+s18] =	stream.linear.scatter [tilespmem:s21], [sflag:$0x1], $0x400, $0x38;
	[tilespmem:$0x16580] =	vst v63  }
0x72: {  	s20 =	sadd.s32 $0x400, s19;
	s21 =	simm.s32 $0x2580  }
0x73: {  	[hbm4b:s20+s18] =	stream.linear.scatter [tilespmem:s21], [sflag:$0x1], $0x400, $0x38;
	[tilespmem:$0x16580] =	vst v63  }
0x74: {  	s20 =	sadd.s32 $0x480, s19;
	s21 =	simm.s32 $0x2980  }
0x75: {  	[hbm4b:s20+s18] =	stream.linear.scatter [tilespmem:s21], [sflag:$0x1], $0x400, $0x38;
	[tilespmem:$0x16580] =	vst v63  }
0x76: {  	s20 =	sadd.s32 $0x500, s19;
	s21 =	simm.s32 $0x2D80  }
0x77: {  	[hbm4b:s20+s18] =	stream.linear.scatter [tilespmem:s21], [sflag:$0x1], $0x400, $0x38;
	[tilespmem:$0x16580] =	vst v63  }
0x78: {  	s20 =	sadd.s32 $0x18700, s19;
	s21 =	simm.s32 $0x3180  }
0x79: {  	[hbm4b:s20+s18] =	stream.linear.scatter [tilespmem:s21], [sflag:$0x1], $0x400, $0x38;
	[tilespmem:$0x16580] =	vst v63  }
0x7a: {  	s20 =	sadd.s32 $0x18780, s19;
	s21 =	simm.s32 $0x3580  }
0x7b: {  	[hbm4b:s20+s18] =	stream.linear.scatter [tilespmem:s21], [sflag:$0x1], $0x400, $0x38;
	[tilespmem:$0x16580] =	vst v63  }
0x7c: {  	s20 =	sadd.s32 $0x18800, s19;
	s21 =	simm.s32 $0x3980  }
0x7d: {  	[hbm4b:s20+s18] =	stream.linear.scatter [tilespmem:s21], [sflag:$0x1], $0x400, $0x38;
	[tilespmem:$0x16580] =	vst v63  }
0x7e: {  	s20 =	sadd.s32 $0x18880, s19;
	s21 =	simm.s32 $0x3D80  }
0x7f: {  	[hbm4b:s20+s18] =	stream.linear.scatter [tilespmem:s21], [sflag:$0x1], $0x400, $0x38;
	[tilespmem:$0x16580] =	vst v63  }
0x80: {  	s20 =	sadd.s32 $0x18900, s19;
	s21 =	simm.s32 $0x4180  }
0x81: {  	[hbm4b:s20+s18] =	stream.linear.scatter [tilespmem:s21], [sflag:$0x1], $0x400, $0x38;
	[tilespmem:$0x16580] =	vst v63  }
0x82: {  	s20 =	sadd.s32 $0x18980, s19;
	s21 =	simm.s32 $0x4580  }
0x83: {  	[hbm4b:s20+s18] =	stream.linear.scatter [tilespmem:s21], [sflag:$0x1], $0x400, $0x38;
	[tilespmem:$0x16580] =	vst v63  }
0x84: {  	s20 =	sadd.s32 $0x18A00, s19;
	s21 =	simm.s32 $0x4980  }
0x85: {  	[hbm4b:s20+s18] =	stream.linear.scatter [tilespmem:s21], [sflag:$0x1], $0x400, $0x38;
	[tilespmem:$0x16580] =	vst v63  }
0x86: {  	s20 =	sadd.s32 $0x18A80, s19;
	s21 =	simm.s32 $0x4D80  }
0x87: {  	[hbm4b:s20+s18] =	stream.linear.scatter [tilespmem:s21], [sflag:$0x1], $0x400, $0x38;
	[tilespmem:$0x16580] =	vst v63  }
0x88: {  	s20 =	sadd.s32 $0x18B00, s19;
	s21 =	simm.s32 $0x5180  }
0x89: {  	[hbm4b:s20+s18] =	stream.linear.scatter [tilespmem:s21], [sflag:$0x1], $0x400, $0x38;
	[tilespmem:$0x16580] =	vst v63  }
0x8a: {  	s20 =	sadd.s32 $0x18B80, s19;
	s21 =	simm.s32 $0x5580  }
0x8b: {  	[hbm4b:s20+s18] =	stream.linear.scatter [tilespmem:s21], [sflag:$0x1], $0x400, $0x38;
	[tilespmem:$0x16580] =	vst v63  }
0x8c: {  	s20 =	sadd.s32 $0x18C00, s19;
	s21 =	simm.s32 $0x5980  }
0x8d: {  	[hbm4b:s20+s18] =	stream.linear.scatter [tilespmem:s21], [sflag:$0x1], $0x400, $0x38;
	[tilespmem:$0x16580] =	vst v63  }
0x8e: {  	s20 =	sadd.s32 $0x30E00, s19;
	s21 =	simm.s32 $0x5D80  }
0x8f: {  	[hbm4b:s20+s18] =	stream.linear.scatter [tilespmem:s21], [sflag:$0x1], $0x400, $0x38;
	[tilespmem:$0x16580] =	vst v63  }
0x90: {  	s20 =	sadd.s32 $0x30E80, s19;
	s21 =	simm.s32 $0x6180  }
0x91: {  	[hbm4b:s20+s18] =	stream.linear.scatter [tilespmem:s21], [sflag:$0x1], $0x400, $0x38;
	[tilespmem:$0x16580] =	vst v63  }
0x92: {  	s20 =	sadd.s32 $0x30F00, s19;
	s21 =	simm.s32 $0x6580  }
0x93: {  	[hbm4b:s20+s18] =	stream.linear.scatter [tilespmem:s21], [sflag:$0x1], $0x400, $0x38;
	[tilespmem:$0x16580] =	vst v63  }
0x94: {  	s20 =	sadd.s32 $0x30F80, s19;
	s21 =	simm.s32 $0x6980  }
0x95: {  	[hbm4b:s20+s18] =	stream.linear.scatter [tilespmem:s21], [sflag:$0x1], $0x400, $0x38;
	[tilespmem:$0x16580] =	vst v63  }
0x96: {  	s20 =	sadd.s32 $0x31000, s19;
	s21 =	simm.s32 $0x6D80  }
0x97: {  	[hbm4b:s20+s18] =	stream.linear.scatter [tilespmem:s21], [sflag:$0x1], $0x400, $0x38;
	[tilespmem:$0x16580] =	vst v63  }
0x98: {  	s20 =	sadd.s32 $0x31080, s19;
	s21 =	simm.s32 $0x7180  }
0x99: {  	[hbm4b:s20+s18] =	stream.linear.scatter [tilespmem:s21], [sflag:$0x1], $0x400, $0x38;
	[tilespmem:$0x16580] =	vst v63  }
0x9a: {  	s20 =	sadd.s32 $0x31100, s19;
	s21 =	simm.s32 $0x7580  }
0x9b: {  	[hbm4b:s20+s18] =	stream.linear.scatter [tilespmem:s21], [sflag:$0x1], $0x400, $0x38;
	[tilespmem:$0x16580] =	vst v63  }
0x9c: {  	s20 =	sadd.s32 $0x31180, s19;
	s21 =	simm.s32 $0x7980  }
0x9d: {  	[hbm4b:s20+s18] =	stream.linear.scatter [tilespmem:s21], [sflag:$0x1], $0x400, $0x38;
	[tilespmem:$0x16580] =	vst v63  }
0x9e: {  	s20 =	sadd.s32 $0x31200, s19;
	s21 =	simm.s32 $0x7D80  }
0x9f: {  	[hbm4b:s20+s18] =	stream.linear.scatter [tilespmem:s21], [sflag:$0x1], $0x400, $0x38;
	[tilespmem:$0x16580] =	vst v63  }
0xa0: {  	s20 =	sadd.s32 $0x31280, s19;
	s21 =	simm.s32 $0x8180  }
0xa1: {  	[hbm4b:s20+s18] =	stream.linear.scatter [tilespmem:s21], [sflag:$0x1], $0x400, $0x38;
	[tilespmem:$0x16580] =	vst v63  }
0xa2: {  	s20 =	sadd.s32 $0x31300, s19;
	s21 =	simm.s32 $0x8580  }
0xa3: {  	[hbm4b:s20+s18] =	stream.linear.scatter [tilespmem:s21], [sflag:$0x1], $0x400, $0x38;
	[tilespmem:$0x16580] =	vst v63  }
0xa4: {  	s20 =	sadd.s32 $0x49500, s19;
	s21 =	simm.s32 $0x8980  }
0xa5: {  	[hbm4b:s20+s18] =	stream.linear.scatter [tilespmem:s21], [sflag:$0x1], $0x400, $0x38;
	[tilespmem:$0x16580] =	vst v63  }
0xa6: {  	s20 =	sadd.s32 $0x49580, s19;
	s21 =	simm.s32 $0x8D80  }
0xa7: {  	[hbm4b:s20+s18] =	stream.linear.scatter [tilespmem:s21], [sflag:$0x1], $0x400, $0x38;
	[tilespmem:$0x16580] =	vst v63  }
0xa8: {  	s20 =	sadd.s32 $0x49600, s19;
	s21 =	simm.s32 $0x9180  }
0xa9: {  	[hbm4b:s20+s18] =	stream.linear.scatter [tilespmem:s21], [sflag:$0x1], $0x400, $0x38;
	[tilespmem:$0x16580] =	vst v63  }
0xaa: {  	s20 =	sadd.s32 $0x49680, s19;
	s21 =	simm.s32 $0x9580  }
0xab: {  	[hbm4b:s20+s18] =	stream.linear.scatter [tilespmem:s21], [sflag:$0x1], $0x400, $0x38;
	[tilespmem:$0x16580] =	vst v63  }
0xac: {  	s20 =	sadd.s32 $0x49700, s19;
	s21 =	simm.s32 $0x9980  }
0xad: {  	[hbm4b:s20+s18] =	stream.linear.scatter [tilespmem:s21], [sflag:$0x1], $0x400, $0x38;
	[tilespmem:$0x16580] =	vst v63  }
0xae: {  	s20 =	sadd.s32 $0x49780, s19;
	s21 =	simm.s32 $0x9D80  }
0xaf: {  	[hbm4b:s20+s18] =	stream.linear.scatter [tilespmem:s21], [sflag:$0x1], $0x400, $0x38;
	[tilespmem:$0x16580] =	vst v63  }
0xb0: {  	s20 =	sadd.s32 $0x49800, s19;
	s21 =	simm.s32 $0xA180  }
0xb1: {  	[hbm4b:s20+s18] =	stream.linear.scatter [tilespmem:s21], [sflag:$0x1], $0x400, $0x38;
	[tilespmem:$0x16580] =	vst v63  }
0xb2: {  	s20 =	sadd.s32 $0x49880, s19;
	s21 =	simm.s32 $0xA580  }
0xb3: {  	[hbm4b:s20+s18] =	stream.linear.scatter [tilespmem:s21], [sflag:$0x1], $0x400, $0x38;
	[tilespmem:$0x16580] =	vst v63  }
0xb4: {  	s20 =	sadd.s32 $0x49900, s19;
	s21 =	simm.s32 $0xA980  }
0xb5: {  	[hbm4b:s20+s18] =	stream.linear.scatter [tilespmem:s21], [sflag:$0x1], $0x400, $0x38;
	[tilespmem:$0x16580] =	vst v63  }
0xb6: {  	s20 =	sadd.s32 $0x49980, s19;
	s21 =	simm.s32 $0xAD80  }
0xb7: {  	[hbm4b:s20+s18] =	stream.linear.scatter [tilespmem:s21], [sflag:$0x1], $0x400, $0x38;
	[tilespmem:$0x16580] =	vst v63  }
0xb8: {  	s20 =	sadd.s32 $0x49A00, s19;
	s21 =	simm.s32 $0xB180  }
0xb9: {  	[hbm4b:s20+s18] =	stream.linear.scatter [tilespmem:s21], [sflag:$0x1], $0x400, $0x38;
	[tilespmem:$0x16580] =	vst v63  }
0xba: {  	s20 =	sadd.s32 $0x61C00, s19;
	s21 =	simm.s32 $0xB580  }
0xbb: {  	[hbm4b:s20+s18] =	stream.linear.scatter [tilespmem:s21], [sflag:$0x1], $0x400, $0x38;
	[tilespmem:$0x16580] =	vst v63  }
0xbc: {  	s20 =	sadd.s32 $0x61C80, s19;
	s21 =	simm.s32 $0xB980  }
0xbd: {  	[hbm4b:s20+s18] =	stream.linear.scatter [tilespmem:s21], [sflag:$0x1], $0x400, $0x38;
	[tilespmem:$0x16580] =	vst v63  }
0xbe: {  	s20 =	sadd.s32 $0x61D00, s19;
	s21 =	simm.s32 $0xBD80  }
0xbf: {  	[hbm4b:s20+s18] =	stream.linear.scatter [tilespmem:s21], [sflag:$0x1], $0x400, $0x38;
	[tilespmem:$0x16580] =	vst v63  }
0xc0: {  	s20 =	sadd.s32 $0x61D80, s19;
	s21 =	simm.s32 $0xC180  }
0xc1: {  	[hbm4b:s20+s18] =	stream.linear.scatter [tilespmem:s21], [sflag:$0x1], $0x400, $0x38;
	[tilespmem:$0x16580] =	vst v63  }
0xc2: {  	s20 =	sadd.s32 $0x61E00, s19;
	s21 =	simm.s32 $0xC580  }
0xc3: {  	[hbm4b:s20+s18] =	stream.linear.scatter [tilespmem:s21], [sflag:$0x1], $0x400, $0x38;
	[tilespmem:$0x16580] =	vst v63  }
0xc4: {  	s20 =	sadd.s32 $0x61E80, s19;
	s21 =	simm.s32 $0xC980  }
0xc5: {  	[hbm4b:s20+s18] =	stream.linear.scatter [tilespmem:s21], [sflag:$0x1], $0x400, $0x38;
	[tilespmem:$0x16580] =	vst v63  }
0xc6: {  	s20 =	sadd.s32 $0x61F00, s19;
	s21 =	simm.s32 $0xCD80  }
0xc7: {  	[hbm4b:s20+s18] =	stream.linear.scatter [tilespmem:s21], [sflag:$0x1], $0x400, $0x38;
	[tilespmem:$0x16580] =	vst v63  }
0xc8: {  	s20 =	sadd.s32 $0x61F80, s19;
	s21 =	simm.s32 $0xD180  }
0xc9: {  	[hbm4b:s20+s18] =	stream.linear.scatter [tilespmem:s21], [sflag:$0x1], $0x400, $0x38;
	[tilespmem:$0x16580] =	vst v63  }
0xca: {  	s20 =	sadd.s32 $0x62000, s19;
	s21 =	simm.s32 $0xD580  }
0xcb: {  	[hbm4b:s20+s18] =	stream.linear.scatter [tilespmem:s21], [sflag:$0x1], $0x400, $0x38;
	[tilespmem:$0x16580] =	vst v63  }
0xcc: {  	s20 =	sadd.s32 $0x62080, s19;
	s21 =	simm.s32 $0xD980  }
0xcd: {  	[hbm4b:s20+s18] =	stream.linear.scatter [tilespmem:s21], [sflag:$0x1], $0x400, $0x38;
	[tilespmem:$0x16580] =	vst v63  }
0xce: {  	s20 =	sadd.s32 $0x62100, s19;
	s21 =	simm.s32 $0xDD80  }
0xcf: {  	[hbm4b:s20+s18] =	stream.linear.scatter [tilespmem:s21], [sflag:$0x1], $0x400, $0x38;
	[tilespmem:$0x16580] =	vst v63  }
0xd0: {  	s20 =	sadd.s32 $0x7A300, s19;
	s21 =	simm.s32 $0xE180  }
0xd1: {  	[hbm4b:s20+s18] =	stream.linear.scatter [tilespmem:s21], [sflag:$0x1], $0x400, $0x38;
	[tilespmem:$0x16580] =	vst v63  }
0xd2: {  	s20 =	sadd.s32 $0x7A380, s19;
	s21 =	simm.s32 $0xE580  }
0xd3: {  	[hbm4b:s20+s18] =	stream.linear.scatter [tilespmem:s21], [sflag:$0x1], $0x400, $0x38;
	[tilespmem:$0x16580] =	vst v63  }
0xd4: {  	s20 =	sadd.s32 $0x7A400, s19;
	s21 =	simm.s32 $0xE980  }
0xd5: {  	[hbm4b:s20+s18] =	stream.linear.scatter [tilespmem:s21], [sflag:$0x1], $0x400, $0x38;
	[tilespmem:$0x16580] =	vst v63  }
0xd6: {  	s20 =	sadd.s32 $0x7A480, s19;
	s21 =	simm.s32 $0xED80  }
0xd7: {  	[hbm4b:s20+s18] =	stream.linear.scatter [tilespmem:s21], [sflag:$0x1], $0x400, $0x38;
	[tilespmem:$0x16580] =	vst v63  }
0xd8: {  	s20 =	sadd.s32 $0x7A500, s19;
	s21 =	simm.s32 $0xF180  }
0xd9: {  	[hbm4b:s20+s18] =	stream.linear.scatter [tilespmem:s21], [sflag:$0x1], $0x400, $0x38;
	[tilespmem:$0x16580] =	vst v63  }
0xda: {  	s20 =	sadd.s32 $0x7A580, s19;
	s21 =	simm.s32 $0xF580  }
0xdb: {  	[hbm4b:s20+s18] =	stream.linear.scatter [tilespmem:s21], [sflag:$0x1], $0x400, $0x38;
	[tilespmem:$0x16580] =	vst v63  }
0xdc: {  	s20 =	sadd.s32 $0x7A600, s19;
	s21 =	simm.s32 $0xF980  }
0xdd: {  	[hbm4b:s20+s18] =	stream.linear.scatter [tilespmem:s21], [sflag:$0x1], $0x400, $0x38;
	[tilespmem:$0x16580] =	vst v63  }
0xde: {  	s20 =	sadd.s32 $0x7A680, s19;
	s21 =	simm.s32 $0xFD80  }
0xdf: {  	[hbm4b:s20+s18] =	stream.linear.scatter [tilespmem:s21], [sflag:$0x1], $0x400, $0x38;
	[tilespmem:$0x16580] =	vst v63  }
0xe0: {  	s20 =	sadd.s32 $0x7A700, s19;
	s21 =	simm.s32 $0x10180  }
0xe1: {  	[hbm4b:s20+s18] =	stream.linear.scatter [tilespmem:s21], [sflag:$0x1], $0x400, $0x38;
	[tilespmem:$0x16580] =	vst v63  }
0xe2: {  	s20 =	sadd.s32 $0x7A780, s19;
	s21 =	simm.s32 $0x10580  }
0xe3: {  	[hbm4b:s20+s18] =	stream.linear.scatter [tilespmem:s21], [sflag:$0x1], $0x400, $0x38;
	[tilespmem:$0x16580] =	vst v63  }
0xe4: {  	s20 =	sadd.s32 $0x7A800, s19;
	s21 =	simm.s32 $0x10980  }
0xe5: {  	[hbm4b:s20+s18] =	stream.linear.scatter [tilespmem:s21], [sflag:$0x1], $0x400, $0x38;
	[tilespmem:$0x16580] =	vst v63  }
0xe6: {  	s20 =	sadd.s32 $0x92A00, s19;
	s21 =	simm.s32 $0x10D80  }
0xe7: {  	[hbm4b:s20+s18] =	stream.linear.scatter [tilespmem:s21], [sflag:$0x1], $0x400, $0x38;
	[tilespmem:$0x16580] =	vst v63  }
0xe8: {  	s20 =	sadd.s32 $0x92A80, s19;
	s21 =	simm.s32 $0x11180  }
0xe9: {  	[hbm4b:s20+s18] =	stream.linear.scatter [tilespmem:s21], [sflag:$0x1], $0x400, $0x38;
	[tilespmem:$0x16580] =	vst v63  }
0xea: {  	s20 =	sadd.s32 $0x92B00, s19;
	s21 =	simm.s32 $0x11580  }
0xeb: {  	[hbm4b:s20+s18] =	stream.linear.scatter [tilespmem:s21], [sflag:$0x1], $0x400, $0x38;
	[tilespmem:$0x16580] =	vst v63  }
0xec: {  	s20 =	sadd.s32 $0x92B80, s19;
	s21 =	simm.s32 $0x11980  }
0xed: {  	[hbm4b:s20+s18] =	stream.linear.scatter [tilespmem:s21], [sflag:$0x1], $0x400, $0x38;
	[tilespmem:$0x16580] =	vst v63  }
0xee: {  	s20 =	sadd.s32 $0x92C00, s19;
	s21 =	simm.s32 $0x11D80  }
0xef: {  	[hbm4b:s20+s18] =	stream.linear.scatter [tilespmem:s21], [sflag:$0x1], $0x400, $0x38;
	[tilespmem:$0x16580] =	vst v63  }
0xf0: {  	s21 =	sadd.s32 $0x92C80, s19  }
0xf1: {  	[hbm4b:s21+s18] =	stream.linear.scatter [tilespmem:s26], [sflag:$0x1], $0x400, $0x38;
	[tilespmem:$0x16580] =	vst v63  }
0xf2: {  	s21 =	sadd.s32 $0x92D00, s19  }
0xf3: {  	[hbm4b:s21+s18] =	stream.linear.scatter [tilespmem:s28], [sflag:$0x1], $0x400, $0x38;
	[tilespmem:$0x16580] =	vst v63  }
0xf4: {  	s21 =	sadd.s32 $0x92D80, s19  }
0xf5: {  	[hbm4b:s21+s18] =	stream.linear.scatter [tilespmem:s29], [sflag:$0x1], $0x400, $0x38;
	[tilespmem:$0x16580] =	vst v63  }
0xf6: {  	s21 =	sadd.s32 $0x92E00, s19  }
0xf7: {  	[hbm4b:s21+s18] =	stream.linear.scatter [tilespmem:s30], [sflag:$0x1], $0x400, $0x38;
	[tilespmem:$0x16580] =	vst v63  }
0xf8: {  	s21 =	sadd.s32 $0x92E80, s19  }
0xf9: {  	[hbm4b:s21+s18] =	stream.linear.scatter [tilespmem:s31], [sflag:$0x1], $0x400, $0x38;
	[tilespmem:$0x16580] =	vst v63  }
0xfa: {  	s21 =	sadd.s32 $0x92F00, s19  }
0xfb: {  	[hbm4b:s21+s18] =	stream.linear.scatter [tilespmem:s0], [sflag:$0x1], $0x400, $0x38;
	[tilespmem:$0x16580] =	vst v63  }
0xfc: {  	s21 =	sadd.s32 $0xAB100, s19  }
0xfd: {  	[hbm4b:s21+s18] =	stream.linear.scatter [tilespmem:s5], [sflag:$0x1], $0x400, $0x38;
	[tilespmem:$0x16580] =	vst v63  }
0xfe: {  	s21 =	sadd.s32 $0xAB180, s19  }
0xff: {  	[hbm4b:s21+s18] =	stream.linear.scatter [tilespmem:s4], [sflag:$0x1], $0x400, $0x38;
	[tilespmem:$0x16580] =	vst v63  }
0x100: {  	s21 =	sadd.s32 $0xAB200, s19  }
0x101: {  	[hbm4b:s21+s18] =	stream.linear.scatter [tilespmem:s7], [sflag:$0x1], $0x400, $0x38;
	[tilespmem:$0x16580] =	vst v63  }
0x102: {  	s21 =	sadd.s32 $0xAB280, s19  }
0x103: {  	[hbm4b:s21+s18] =	stream.linear.scatter [tilespmem:s1], [sflag:$0x1], $0x400, $0x38;
	[tilespmem:$0x16580] =	vst v63  }
0x104: {  	s21 =	sadd.s32 $0xAB300, s19  }
0x105: {  	[hbm4b:s21+s18] =	stream.linear.scatter [tilespmem:s2], [sflag:$0x1], $0x400, $0x38;
	[tilespmem:$0x16580] =	vst v63  }
0x106: {  	s21 =	sadd.s32 $0xAB380, s19  }
0x107: {  	[hbm4b:s21+s18] =	stream.linear.scatter [tilespmem:s10], [sflag:$0x1], $0x400, $0x38;
	[tilespmem:$0x16580] =	vst v63  }
0x108: {  	s21 =	sadd.s32 $0xAB400, s19  }
0x109: {  	[hbm4b:s21+s18] =	stream.linear.scatter [tilespmem:s11], [sflag:$0x1], $0x400, $0x38;
	[tilespmem:$0x16580] =	vst v63  }
0x10a: {  	s21 =	sadd.s32 $0xAB480, s19  }
0x10b: {  	[hbm4b:s21+s18] =	stream.linear.scatter [tilespmem:s12], [sflag:$0x1], $0x400, $0x38;
	[tilespmem:$0x16580] =	vst v63  }
0x10c: {  	s21 =	sadd.s32 $0xAB500, s19  }
0x10d: {  	[hbm4b:s21+s18] =	stream.linear.scatter [tilespmem:s13], [sflag:$0x1], $0x400, $0x38;
	[tilespmem:$0x16580] =	vst v63  }
0x10e: {  	s21 =	sadd.s32 $0xAB580, s19  }
0x10f: {  	[hbm4b:s21+s18] =	stream.linear.scatter [tilespmem:s14], [sflag:$0x1], $0x400, $0x38;
	[tilespmem:$0x16580] =	vst v63  }
0x110: {  	s19 =	sadd.s32 $0xAB600, s19  }
0x111: {  	[hbm4b:s19+s18] =	stream.linear.scatter [tilespmem:s15], [sflag:$0x1], $0x400, $0x38;
	[tilespmem:$0x16580] =	vst v63  }
0x112: {  	_ =	swait.ge [sflag:s16], $0x400  }
0x113: {  	[sflag:s16] =	ssyncset.done $0x0  }
0x114: {  	[sflag:s16] =	ssyncadd.s32 $0xFFFFFC00  }
0x115: {  	_ =	swait.ge [sflag:s16], $0x400  }
0x116: {  	[sflag:s16] =	ssyncset.done $0x0  }
0x117: {  	[sflag:s16] =	ssyncadd.s32 $0xFFFFFC00  }
0x118: {  	_ =	swait.ge [sflag:s16], $0x400  }
0x119: {  	[sflag:s16] =	ssyncset.done $0x0  }
0x11a: {  	[sflag:s16] =	ssyncadd.s32 $0xFFFFFC00  }
0x11b: {  	_ =	swait.ge [sflag:s16], $0x400  }
0x11c: {  	[sflag:s16] =	ssyncset.done $0x0  }
0x11d: {  	[sflag:s16] =	ssyncadd.s32 $0xFFFFFC00  }
0x11e: {  	_ =	swait.ge [sflag:s16], $0x400  }
0x11f: {  	[sflag:s16] =	ssyncset.done $0x0  }
0x120: {  	[sflag:s16] =	ssyncadd.s32 $0xFFFFFC00  }
0x121: {  	_ =	swait.ge [sflag:s16], $0x400  }
0x122: {  	[sflag:s16] =	ssyncset.done $0x0  }
0x123: {  	[sflag:s16] =	ssyncadd.s32 $0xFFFFFC00  }
0x124: {  	_ =	swait.ge [sflag:s16], $0x400  }
0x125: {  	[sflag:s16] =	ssyncset.done $0x0  }
0x126: {  	[sflag:s16] =	ssyncadd.s32 $0xFFFFFC00  }
0x127: {  	_ =	swait.ge [sflag:s16], $0x400  }
0x128: {  	[sflag:s16] =	ssyncset.done $0x0  }
0x129: {  	[sflag:s16] =	ssyncadd.s32 $0xFFFFFC00  }
0x12a: {  	_ =	swait.ge [sflag:s16], $0x400  }
0x12b: {  	[sflag:s16] =	ssyncset.done $0x0  }
0x12c: {  	[sflag:s16] =	ssyncadd.s32 $0xFFFFFC00  }
0x12d: {  	_ =	swait.ge [sflag:s16], $0x400  }
0x12e: {  	[sflag:s16] =	ssyncset.done $0x0  }
0x12f: {  	[sflag:s16] =	ssyncadd.s32 $0xFFFFFC00  }
0x130: {  	_ =	swait.ge [sflag:s16], $0x400  }
0x131: {  	[sflag:s16] =	ssyncset.done $0x0  }
0x132: {  	[sflag:s16] =	ssyncadd.s32 $0xFFFFFC00  }
0x133: {  	_ =	swait.ge [sflag:s16], $0x400  }
0x134: {  	[sflag:s16] =	ssyncset.done $0x0  }
0x135: {  	[sflag:s16] =	ssyncadd.s32 $0xFFFFFC00  }
0x136: {  	_ =	swait.ge [sflag:s16], $0x400  }
0x137: {  	[sflag:s16] =	ssyncset.done $0x0  }
0x138: {  	[sflag:s16] =	ssyncadd.s32 $0xFFFFFC00  }
0x139: {  	_ =	swait.ge [sflag:s16], $0x400  }
0x13a: {  	[sflag:s16] =	ssyncset.done $0x0  }
0x13b: {  	[sflag:s16] =	ssyncadd.s32 $0xFFFFFC00  }
0x13c: {  	_ =	swait.ge [sflag:s16], $0x400  }
0x13d: {  	[sflag:s16] =	ssyncset.done $0x0  }
0x13e: {  	[sflag:s16] =	ssyncadd.s32 $0xFFFFFC00  }
0x13f: {  	_ =	swait.ge [sflag:s16], $0x400  }
0x140: {  	[sflag:s16] =	ssyncset.done $0x0  }
0x141: {  	[sflag:s16] =	ssyncadd.s32 $0xFFFFFC00  }
0x142: {  	_ =	swait.ge [sflag:s16], $0x400  }
0x143: {  	[sflag:s16] =	ssyncset.done $0x0  }
0x144: {  	[sflag:s16] =	ssyncadd.s32 $0xFFFFFC00  }
0x145: {  	_ =	swait.ge [sflag:s16], $0x400  }
0x146: {  	[sflag:s16] =	ssyncset.done $0x0  }
0x147: {  	[sflag:s16] =	ssyncadd.s32 $0xFFFFFC00  }
0x148: {  	_ =	swait.ge [sflag:s16], $0x400  }
0x149: {  	[sflag:s16] =	ssyncset.done $0x0  }
0x14a: {  	[sflag:s16] =	ssyncadd.s32 $0xFFFFFC00  }
0x14b: {  	_ =	swait.ge [sflag:s16], $0x400  }
0x14c: {  	[sflag:s16] =	ssyncset.done $0x0  }
0x14d: {  	[sflag:s16] =	ssyncadd.s32 $0xFFFFFC00  }
0x14e: {  	_ =	swait.ge [sflag:s16], $0x400  }
0x14f: {  	[sflag:s16] =	ssyncset.done $0x0  }
0x150: {  	[sflag:s16] =	ssyncadd.s32 $0xFFFFFC00  }
0x151: {  	_ =	swait.ge [sflag:s16], $0x400  }
0x152: {  	[sflag:s16] =	ssyncset.done $0x0  }
0x153: {  	[sflag:s16] =	ssyncadd.s32 $0xFFFFFC00  }
0x154: {  	_ =	swait.ge [sflag:s16], $0x400  }
0x155: {  	[sflag:s16] =	ssyncset.done $0x0  }
0x156: {  	[sflag:s16] =	ssyncadd.s32 $0xFFFFFC00  }
0x157: {  	_ =	swait.ge [sflag:s16], $0x400  }
0x158: {  	[sflag:s16] =	ssyncset.done $0x0  }
0x159: {  	[sflag:s16] =	ssyncadd.s32 $0xFFFFFC00  }
0x15a: {  	_ =	swait.ge [sflag:s16], $0x400  }
0x15b: {  	[sflag:s16] =	ssyncset.done $0x0  }
0x15c: {  	[sflag:s16] =	ssyncadd.s32 $0xFFFFFC00  }
0x15d: {  	_ =	swait.ge [sflag:s16], $0x400  }
0x15e: {  	[sflag:s16] =	ssyncset.done $0x0  }
0x15f: {  	[sflag:s16] =	ssyncadd.s32 $0xFFFFFC00  }
0x160: {  	_ =	swait.ge [sflag:s16], $0x400  }
0x161: {  	[sflag:s16] =	ssyncset.done $0x0  }
0x162: {  	[sflag:s16] =	ssyncadd.s32 $0xFFFFFC00  }
0x163: {  	_ =	swait.ge [sflag:s16], $0x400  }
0x164: {  	[sflag:s16] =	ssyncset.done $0x0  }
0x165: {  	[sflag:s16] =	ssyncadd.s32 $0xFFFFFC00  }
0x166: {  	_ =	swait.ge [sflag:s16], $0x400  }
0x167: {  	[sflag:s16] =	ssyncset.done $0x0  }
0x168: {  	[sflag:s16] =	ssyncadd.s32 $0xFFFFFC00  }
0x169: {  	_ =	swait.ge [sflag:s16], $0x400  }
0x16a: {  	[sflag:s16] =	ssyncset.done $0x0  }
0x16b: {  	[sflag:s16] =	ssyncadd.s32 $0xFFFFFC00  }
0x16c: {  	_ =	swait.ge [sflag:s16], $0x400  }
0x16d: {  	[sflag:s16] =	ssyncset.done $0x0  }
0x16e: {  	[sflag:s16] =	ssyncadd.s32 $0xFFFFFC00  }
0x16f: {  	_ =	swait.ge [sflag:s16], $0x400  }
0x170: {  	[sflag:s16] =	ssyncset.done $0x0  }
0x171: {  	[sflag:s16] =	ssyncadd.s32 $0xFFFFFC00  }
0x172: {  	_ =	swait.ge [sflag:s16], $0x400  }
0x173: {  	[sflag:s16] =	ssyncset.done $0x0  }
0x174: {  	[sflag:s16] =	ssyncadd.s32 $0xFFFFFC00  }
0x175: {  	_ =	swait.ge [sflag:s16], $0x400  }
0x176: {  	[sflag:s16] =	ssyncset.done $0x0  }
0x177: {  	[sflag:s16] =	ssyncadd.s32 $0xFFFFFC00  }
0x178: {  	_ =	swait.ge [sflag:s16], $0x400  }
0x179: {  	[sflag:s16] =	ssyncset.done $0x0  }
0x17a: {  	[sflag:s16] =	ssyncadd.s32 $0xFFFFFC00  }
0x17b: {  	_ =	swait.ge [sflag:s16], $0x400  }
0x17c: {  	[sflag:s16] =	ssyncset.done $0x0  }
0x17d: {  	[sflag:s16] =	ssyncadd.s32 $0xFFFFFC00  }
0x17e: {  	_ =	swait.ge [sflag:s16], $0x400  }
0x17f: {  	[sflag:s16] =	ssyncset.done $0x0  }
0x180: {  	[sflag:s16] =	ssyncadd.s32 $0xFFFFFC00  }
0x181: {  	_ =	swait.ge [sflag:s16], $0x400  }
0x182: {  	[sflag:s16] =	ssyncset.done $0x0  }
0x183: {  	[sflag:s16] =	ssyncadd.s32 $0xFFFFFC00  }
0x184: {  	_ =	swait.ge [sflag:s16], $0x400  }
0x185: {  	[sflag:s16] =	ssyncset.done $0x0  }
0x186: {  	[sflag:s16] =	ssyncadd.s32 $0xFFFFFC00  }
0x187: {  	_ =	swait.ge [sflag:s16], $0x400  }
0x188: {  	[sflag:s16] =	ssyncset.done $0x0  }
0x189: {  	[sflag:s16] =	ssyncadd.s32 $0xFFFFFC00  }
0x18a: {  	_ =	swait.ge [sflag:s16], $0x400  }
0x18b: {  	[sflag:s16] =	ssyncset.done $0x0  }
0x18c: {  	[sflag:s16] =	ssyncadd.s32 $0xFFFFFC00  }
0x18d: {  	_ =	swait.ge [sflag:s16], $0x400  }
0x18e: {  	[sflag:s16] =	ssyncset.done $0x0  }
0x18f: {  	[sflag:s16] =	ssyncadd.s32 $0xFFFFFC00  }
0x190: {  	_ =	swait.ge [sflag:s16], $0x400  }
0x191: {  	[sflag:s16] =	ssyncset.done $0x0  }
0x192: {  	[sflag:s16] =	ssyncadd.s32 $0xFFFFFC00  }
0x193: {  	_ =	swait.ge [sflag:s16], $0x400  }
0x194: {  	[sflag:s16] =	ssyncset.done $0x0  }
0x195: {  	[sflag:s16] =	ssyncadd.s32 $0xFFFFFC00  }
0x196: {  	_ =	swait.ge [sflag:s16], $0x400  }
0x197: {  	[sflag:s16] =	ssyncset.done $0x0  }
0x198: {  	[sflag:s16] =	ssyncadd.s32 $0xFFFFFC00  }
0x199: {  	_ =	swait.ge [sflag:s16], $0x400  }
0x19a: {  	[sflag:s16] =	ssyncset.done $0x0  }
0x19b: {  	[sflag:s16] =	ssyncadd.s32 $0xFFFFFC00  }
0x19c: {  	_ =	swait.ge [sflag:s16], $0x400  }
0x19d: {  	[sflag:s16] =	ssyncset.done $0x0  }
0x19e: {  	[sflag:s16] =	ssyncadd.s32 $0xFFFFFC00  }
0x19f: {  	_ =	swait.ge [sflag:s16], $0x400  }
0x1a0: {  	[sflag:s16] =	ssyncset.done $0x0  }
0x1a1: {  	[sflag:s16] =	ssyncadd.s32 $0xFFFFFC00  }
0x1a2: {  	_ =	swait.ge [sflag:s16], $0x400  }
0x1a3: {  	[sflag:s16] =	ssyncset.done $0x0  }
0x1a4: {  	[sflag:s16] =	ssyncadd.s32 $0xFFFFFC00  }
0x1a5: {  	_ =	swait.ge [sflag:s16], $0x400  }
0x1a6: {  	[sflag:s16] =	ssyncset.done $0x0  }
0x1a7: {  	[sflag:s16] =	ssyncadd.s32 $0xFFFFFC00  }
0x1a8: {  	_ =	swait.ge [sflag:s16], $0x400  }
0x1a9: {  	[sflag:s16] =	ssyncset.done $0x0  }
0x1aa: {  	[sflag:s16] =	ssyncadd.s32 $0xFFFFFC00  }
0x1ab: {  	_ =	swait.ge [sflag:s16], $0x400  }
0x1ac: {  	[sflag:s16] =	ssyncset.done $0x0  }
0x1ad: {  	[sflag:s16] =	ssyncadd.s32 $0xFFFFFC00  }
0x1ae: {  	_ =	swait.ge [sflag:s16], $0x400  }
0x1af: {  	[sflag:s16] =	ssyncset.done $0x0  }
0x1b0: {  	[sflag:s16] =	ssyncadd.s32 $0xFFFFFC00  }
0x1b1: {  	_ =	swait.ge [sflag:s16], $0x400  }
0x1b2: {  	[sflag:s16] =	ssyncset.done $0x0  }
0x1b3: {  	[sflag:s16] =	ssyncadd.s32 $0xFFFFFC00  }
0x1b4: {  	_ =	swait.ge [sflag:s16], $0x400  }
0x1b5: {  	[sflag:s16] =	ssyncset.done $0x0  }
0x1b6: {  	[sflag:s16] =	ssyncadd.s32 $0xFFFFFC00  }
0x1b7: {  	_ =	swait.ge [sflag:s16], $0x400  }
0x1b8: {  	[sflag:s16] =	ssyncset.done $0x0  }
0x1b9: {  	[sflag:s16] =	ssyncadd.s32 $0xFFFFFC00  }
0x1ba: {  	_ =	swait.ge [sflag:s16], $0x400  }
0x1bb: {  	[sflag:s16] =	ssyncset.done $0x0  }
0x1bc: {  	[sflag:s16] =	ssyncadd.s32 $0xFFFFFC00  }
0x1bd: {  	_ =	swait.ge [sflag:s16], $0x400  }
0x1be: {  	[sflag:s16] =	ssyncset.done $0x0  }
0x1bf: {  	[sflag:s16] =	ssyncadd.s32 $0xFFFFFC00  }
0x1c0: {  	_ =	swait.ge [sflag:s16], $0x400  }
0x1c1: {  	[sflag:s16] =	ssyncset.done $0x0  }
0x1c2: {  	[sflag:s16] =	ssyncadd.s32 $0xFFFFFC00  }
0x1c3: {  	_ =	swait.ge [sflag:s16], $0x400  }
0x1c4: {  	[sflag:s16] =	ssyncset.done $0x0  }
0x1c5: {  	[sflag:s16] =	ssyncadd.s32 $0xFFFFFC00  }
0x1c6: {  	_ =	swait.ge [sflag:s16], $0x400  }
0x1c7: {  	[sflag:s16] =	ssyncset.done $0x0  }
0x1c8: {  	[sflag:s16] =	ssyncadd.s32 $0xFFFFFC00  }
0x1c9: {  	_ =	swait.ge [sflag:s16], $0x400  }
0x1ca: {  	[sflag:s16] =	ssyncset.done $0x0  }
0x1cb: {  	[sflag:s16] =	ssyncadd.s32 $0xFFFFFC00  }
0x1cc: {  	_ =	swait.ge [sflag:s16], $0x400  }
0x1cd: {  	[sflag:s16] =	ssyncset.done $0x0  }
0x1ce: {  	[sflag:s16] =	ssyncadd.s32 $0xFFFFFC00  }
0x1cf: {  	_ =	swait.ge [sflag:s16], $0x400  }
0x1d0: {  	[sflag:s16] =	ssyncset.done $0x0  }
0x1d1: {  	[sflag:s16] =	ssyncadd.s32 $0xFFFFFC00  }
0x1d2: {  	_ =	swait.ge [sflag:s16], $0x400  }
0x1d3: {  	[sflag:s16] =	ssyncset.done $0x0  }
0x1d4: {  	[sflag:s16] =	ssyncadd.s32 $0xFFFFFC00  }
0x1d5: {  	_ =	swait.ge [sflag:s16], $0x400  }
0x1d6: {  	[sflag:s16] =	ssyncset.done $0x0  }
0x1d7: {  	[sflag:s16] =	ssyncadd.s32 $0xFFFFFC00  }
0x1d8: {  	_ =	swait.ge [sflag:s16], $0x400  }
0x1d9: {  	[sflag:s16] =	ssyncset.done $0x0  }
0x1da: {  	[sflag:s16] =	ssyncadd.s32 $0xFFFFFC00  }
0x1db: {  	_ =	swait.ge [sflag:s16], $0x400  }
0x1dc: {  	[sflag:s16] =	ssyncset.done $0x0  }
0x1dd: {  	[sflag:s16] =	ssyncadd.s32 $0xFFFFFC00  }
0x1de: {  	_ =	swait.ge [sflag:s16], $0x400  }
0x1df: {  	[sflag:s16] =	ssyncset.done $0x0  }
0x1e0: {  	[sflag:s16] =	ssyncadd.s32 $0xFFFFFC00  }
0x1e1: {  	_ =	swait.ge [sflag:s16], $0x400  }
0x1e2: {  	[sflag:s16] =	ssyncset.done $0x0  }
0x1e3: {  	[sflag:s16] =	ssyncadd.s32 $0xFFFFFC00  }
0x1e4: {  	_ =	swait.ge [sflag:s16], $0x400  }
0x1e5: {  	[sflag:s16] =	ssyncset.done $0x0  }
0x1e6: {  	[sflag:s16] =	ssyncadd.s32 $0xFFFFFC00  }
0x1e7: {  	_ =	swait.ge [sflag:s16], $0x400  }
0x1e8: {  	[sflag:s16] =	ssyncset.done $0x0  }
0x1e9: {  	[sflag:s16] =	ssyncadd.s32 $0xFFFFFC00  }
0x1ea: {  	_ =	swait.ge [sflag:s16], $0x400  }
0x1eb: {  	[sflag:s16] =	ssyncset.done $0x0  }
0x1ec: {  	[sflag:s16] =	ssyncadd.s32 $0xFFFFFC00  }
0x1ed: {  	_ =	swait.ge [sflag:s16], $0x400  }
0x1ee: {  	[sflag:s16] =	ssyncset.done $0x0  }
0x1ef: {  	[sflag:s16] =	ssyncadd.s32 $0xFFFFFC00  }
0x1f0: {  	_ =	swait.ge [sflag:s16], $0x400  }
0x1f1: {  	[sflag:s16] =	ssyncset.done $0x0  }
0x1f2: {  	[sflag:s16] =	ssyncadd.s32 $0xFFFFFC00  }
0x1f3: {  	_ =	swait.ge [sflag:s16], $0x400  }
0x1f4: {  	[sflag:s16] =	ssyncset.done $0x0  }
0x1f5: {  	[sflag:s16] =	ssyncadd.s32 $0xFFFFFC00  }
0x1f6: {  	_ =	swait.ge [sflag:s16], $0x400  }
0x1f7: {  	[sflag:s16] =	ssyncset.done $0x0  }
0x1f8: {  	[sflag:s16] =	ssyncadd.s32 $0xFFFFFC00  }
0x1f9: {  	_ =	swait.ge [sflag:s16], $0x400  }
0x1fa: {  	[sflag:s16] =	ssyncset.done $0x0  }
0x1fb: {  	[sflag:s16] =	ssyncadd.s32 $0xFFFFFC00  }
0x1fc: {  	_ =	swait.ge [sflag:s16], $0x400  }
0x1fd: {  	[sflag:s16] =	ssyncset.done $0x0  }
0x1fe: {  	[sflag:s16] =	ssyncadd.s32 $0xFFFFFC00  }
0x1ff: {  	_ =	swait.ge [sflag:s16], $0x400  }
0x200: {  	[sflag:s16] =	ssyncset.done $0x0  }
0x201: {  	[sflag:s16] =	ssyncadd.s32 $0xFFFFFC00  }
0x202: {  	_ =	swait.ge [sflag:s16], $0x400  }
0x203: {  	[sflag:s16] =	ssyncset.done $0x0  }
0x204: {  	[sflag:s16] =	ssyncadd.s32 $0xFFFFFC00  }
0x205: {  	_ =	swait.ge [sflag:s16], $0x400  }
0x206: {  	[sflag:s16] =	ssyncset.done $0x0  }
0x207: {  	[sflag:s16] =	ssyncadd.s32 $0xFFFFFC00  }
0x208: {  	_ =	swait.ge [sflag:s16], $0x400  }
0x209: {  	[sflag:s16] =	ssyncset.done $0x0  }
0x20a: {  	[sflag:s16] =	ssyncadd.s32 $0xFFFFFC00  }
0x20b: {  	_ =	swait.ge [sflag:s16], $0x400  }
0x20c: {  	[sflag:s16] =	ssyncset.done $0x0  }
0x20d: {  	[sflag:s16] =	ssyncadd.s32 $0xFFFFFC00  }
0x20e: {  	_ =	swait.ge [sflag:s16], $0x400  }
0x20f: {  	[sflag:s16] =	ssyncset.done $0x0  }
0x210: {  	[sflag:s16] =	ssyncadd.s32 $0xFFFFFC00  }
0x211: {  	_ =	swait.ge [sflag:s16], $0x400  }
0x212: {  	[sflag:s16] =	ssyncset.done $0x0  }
0x213: {  	[sflag:s16] =	ssyncadd.s32 $0xFFFFFC00  }
0x214: {  	_ =	swait.ge [sflag:s16], $0x400  }
0x215: {  	[sflag:s16] =	ssyncset.done $0x0  }
0x216: {  	[sflag:s16] =	ssyncadd.s32 $0xFFFFFC00  }
0x217: {  	_ =	swait.ge [sflag:s16], $0x400  }
0x218: {  	[sflag:s16] =	ssyncset.done $0x0  }
0x219: {  	[sflag:s16] =	ssyncadd.s32 $0xFFFFFC00  }
0x21a: {  	s20 =	simm.s32 $0x0;
	s19 =	simm.s32 $0x10;
	v3 =	vld [tilespmem:s18+$0x0]  }
.LBB2_8:
0x21b: {  	p0 =	sne.s32 s19, $0x570;
	_ =	sdelay $0x3  }
0x21c: {  	v4 =	vmov s18;
	v5 =	vshrl.u32 v3, $0x3  }
0x21d: {  	v4 =	vshll.u32 v4, $0x3;
	v5 =	vmul.u32 $0x2C00, v5  }
0x21e: {  	v4 =	vand.u32 $0x3C00, v4;
	v3 =	vshll.u32 v3, $0x7  }
0x21f: {  	v6 =	vor.u32 s18, v1;
	s18 =	smov.u32 s19;
	v3 =	vand.u32 $0x380, v3;
	v4 =	vadd.s32 v4, v5  }
0x220: {  	v5 =	vand.u32 $0x7F, v6;
	v3 =	vor.u32 v3, v4  }
0x221: {  	v3 =	vor.u32 v5, v3;
	_ =	sdelay $0x1  }
.Ltmp7:
0x222: {  	(pc) =	sbr.rel @p0 .LBB2_8-.Ltmp7, $3  }
0x223: {  	_ =	sdelay $0x1  }
0x224: {  	s20 =	sadd.s32 $0x10, s20;
	[tilespmem:v3+s9+$0x0] =	vst.idx.msk $0xffff, v0  }
0x225: {  	s19 =	sadd.s32 $0x10, s19;
	v3 =	vld [tilespmem:s20+$0x0]  }
0x226: {  	_ =	sdelay $0x3  }
0x227: {  	v4 =	vmov s18;
	v5 =	vshrl.u32 v3, $0x3  }
0x228: {  	v4 =	vshll.u32 v4, $0x3;
	v5 =	vmul.u32 $0x2C00, v5  }
0x229: {  	v4 =	vand.u32 $0x3C00, v4;
	v3 =	vshll.u32 v3, $0x7  }
0x22a: {  	v6 =	vor.u32 s18, v1;
	v3 =	vand.u32 $0x380, v3;
	v4 =	vadd.s32 v4, v5  }
0x22b: {  	v63 =	vand.u32 $0x7F, v6;
	v3 =	vor.u32 v3, v4  }
0x22c: {  	v3 =	vor.u32 v63, v3  }
.Ltmp8:
0x22d: {  	_ = 	snop;
	(pc) =	sbr.rel .LBB2_10-.Ltmp8, $2  }
0x22e: {  	_ =	sdelay $0x2  }
0x22f: {  	[tilespmem:v3+s9+$0x0] =	vst.idx.msk $0xffff, v0  }
.LBB2_12:
0x230: {  	_ =	sfence.sel $0x180000  }
0x231: {  	[bflag:$0x0] =	sbarrier.arrive $0xFFFF  }
0x232: {  	_ =	strace $0x90000047  }
0x233: {  	s0 =	stileid.u32;
	[bflag:$0x2] =	sbarrier.arrive $0xFFFF  }
0x234: {  	p0 =	sne.s32 s0, $0x0;
	s0 =	rddreg [dreg:$0x2]  }
0x235: {  	s0 =	sadd.s32 @!p0 $0x100000, s0  }
0x236: {  	[sflag:s0] =	ssyncadd.tile.s32 @!p0 $0x1;
	_ =	shalt  }
.Lfunc_end2:
_tile_overlayer_lowered:
.L_overlay_start_2:
0x237: {  	(tag) =	ssettag $0x2  }
0x238: {  	s0 =	rddreg [dreg:$0x0];
	s2 =	stileid.u32  }
0x239: {  	s1 =	rddreg [dreg:$0x1];
	p0 =	sne.s32 s2, $0x0  }
0x23a: {  	s3 =	rddreg [dreg:$0x2];
	[bflag:$0x3] =	sbarrier.arrive $0xFFFF;
	s2 =	simm.s32 @!p0 $0x1C02  }
0x23b: {  	[timem:s3], [sflag:s2] =	dma.local @!p0 [hbm:s0], s1  }
0x23c: {  	s0 =	simm.s32 @!p0 $0x2  }
0x23d: {  	_ =	swait.ge @!p0 [sflag:s0], s1  }
0x23e: {  	s1 =	ssub.s32 @!p0 $0x0, s1;
	[sflag:s0] =	ssyncset.done @!p0 $0x0  }
0x23f: {  	[sflag:s0] =	ssyncadd.s32 @!p0 s1  }
0x240: {  	[bflag:$0x3] =	sbarrier.arrive $0xFFFF  }
0x241: {  	_ =	shalt  }

</sc_bundles>
